<compile_context>
chip_gen: v7x
topology: tpu7x:2x2x1
jax: 0.10.2.dev20260603
libtpu: 0.0.44.dev20260713+nightly
codegen_flags: <defaults>
</compile_context>

<pallas_src>
import functools

import jax
import jax.numpy as jnp
from jax import lax
from jax.experimental import pallas as pl
from jax.experimental.pallas import tpu as pltpu
from jax.experimental.pallas import tpu_sc as plsc

_N = 10000
_E = 160000
_NC = 2
_NS = 16
_DC = 128
_EB = 50
_NB = _E // _NS // _EB
_EBD = 40
_NBD = _E // (_NC * _NS) // _EBD
_K = 5
_NP = 10240
_RPT = _NP // _NS
_BN = 2000


def _sc_mesh():
    return plsc.VectorSubcoreMesh(
        core_axis_name="c", subcore_axis_name="s",
        num_cores=_NC, num_subcores=_NS)


@functools.partial(
    pl.kernel,
    out_type=jax.ShapeDtypeStruct((_NC, _NP, _DC), jnp.float32),
    mesh=_sc_mesh(),
    scratch_types=[
        pltpu.VMEM((_NBD, _EBD), jnp.int32),
        pltpu.VMEM((_EBD, _DC), jnp.float32),
        pltpu.VMEM_SHARED((_NP, _DC), jnp.float32),
        pltpu.SemaphoreType.DMA,
    ],
)
def _deg_kernel(dst_hbm, zeros_hbm, ones_hbm, out_hbm, didx, ones, hist, sem):
    cid = lax.axis_index("c")
    sid = lax.axis_index("s")
    rbase = sid * _RPT
    pltpu.sync_copy(dst_hbm.at[cid].at[sid], didx)
    pltpu.sync_copy(ones_hbm, ones)
    pltpu.sync_copy(zeros_hbm.at[pl.ds(rbase, _RPT)],
                    hist.at[pl.ds(rbase, _RPT)])
    plsc.subcore_barrier()

    def group(g, carry):
        for k in range(_K):
            b = g * _K + k
            pltpu.sync_copy(ones, hist.at[didx.at[b]], add=True)
        return carry

    lax.fori_loop(0, _NBD // _K, group, 0)
    plsc.subcore_barrier()
    pltpu.sync_copy(hist.at[pl.ds(rbase, _RPT)],
                    out_hbm.at[cid].at[pl.ds(rbase, _RPT)])


def _make_agg(nchunks):
    npass = nchunks // _NC
    G = _K
    ngi = _NB // G

    @functools.partial(
        pl.kernel,
        out_type=jax.ShapeDtypeStruct((nchunks, _NP, _DC), jnp.float32),
        mesh=_sc_mesh(),
        scratch_types=[
            pltpu.VMEM((3 * G, _EB), jnp.int32),
            pltpu.VMEM((3 * G, _EB), jnp.int32),
            pltpu.VMEM((G, _EB, _DC), jnp.float32),
            pltpu.VMEM_SHARED((_NP, _DC), jnp.float32),
            pltpu.SemaphoreType.DMA,
            pltpu.SemaphoreType.DMA,
        ],
    )
    def agg(xs_hbm, src_hbm, dst_hbm, zeros_hbm, out_hbm,
            sidx, didx, rows, acc, sem_g, sem_i):
        cid = lax.axis_index("c")
        sid = lax.axis_index("s")
        rbase = sid * _RPT

        def fire_idx(j, slot3):
            pltpu.async_copy(src_hbm.at[sid].at[j],
                             sidx.at[pl.ds(slot3 * G, G)], sem_i)
            pltpu.async_copy(dst_hbm.at[sid].at[j],
                             didx.at[pl.ds(slot3 * G, G)], sem_i)

        def wait_idx():
            pltpu.make_async_copy(src_hbm.at[sid].at[0],
                                  sidx.at[pl.ds(0, G)], sem_i).wait()
            pltpu.make_async_copy(dst_hbm.at[sid].at[0],
                                  didx.at[pl.ds(0, G)], sem_i).wait()

        for p in range(npass):
            chunk = p * _NC + cid
            xs_c = xs_hbm.at[chunk]
            pltpu.sync_copy(zeros_hbm.at[pl.ds(rbase, _RPT)],
                            acc.at[pl.ds(rbase, _RPT)])
            fire_idx(0, 0)
            fire_idx(1, 1)
            fire_idx(2, 2)
            plsc.subcore_barrier()
            wait_idx()

            def prime(r, carry):
                pltpu.async_copy(xs_c.at[sidx.at[r]], rows.at[r], sem_g)
                return carry

            lax.fori_loop(0, G, prime, 0)

            def outer(gi, carry):
                wait_idx()
                base = (gi % 3) * G
                basen = ((gi + 1) % 3) * G

                def inner(r, c2):
                    pltpu.make_async_copy(
                        xs_c.at[sidx.at[base + r]], rows.at[r],
                        sem_g).wait()
                    pltpu.sync_copy(rows.at[r], acc.at[didx.at[base + r]],
                                    add=True)
                    pltpu.async_copy(
                        xs_c.at[sidx.at[basen + r]], rows.at[r], sem_g)
                    return c2

                lax.fori_loop(0, G, inner, 0)
                fire_idx(jnp.minimum(gi + 3, ngi - 1), gi % 3)
                return carry

            lax.fori_loop(0, ngi, outer, 0)

            wait_idx()
            wait_idx()

            def draing(r, carry):
                pltpu.make_async_copy(xs_c.at[sidx.at[r]], rows.at[r],
                                      sem_g).wait()
                return carry

            lax.fori_loop(0, G, draing, 0)
            plsc.subcore_barrier()
            pltpu.sync_copy(acc.at[pl.ds(rbase, _RPT)],
                            out_hbm.at[chunk].at[pl.ds(rbase, _RPT)])

    return agg


_agg2 = _make_agg(2)
_agg4 = _make_agg(4)


def _sdeg(deg_ref):
    d = deg_ref[0, :, 0:1] + deg_ref[1, :, 0:1] + 1.0
    return lax.rsqrt(d)


def _scale_body(deg_ref, x_ref, xs_ref):
    s = _sdeg(deg_ref)
    xs = x_ref[...] * s
    xs_ref[0] = xs[:, :_DC]
    xs_ref[1] = xs[:, _DC:]


def _tc_scale(degp, x):
    return pl.pallas_call(
        _scale_body,
        grid=(_N // _BN,),
        in_specs=[
            pl.BlockSpec((2, _BN, _DC), lambda i: (0, i, 0)),
            pl.BlockSpec((_BN, 256), lambda i: (i, 0)),
        ],
        out_specs=pl.BlockSpec((2, _BN, _DC), lambda i: (0, i, 0)),
        out_shape=jax.ShapeDtypeStruct((2, _N, _DC), jnp.float32),
    )(degp, x)


def _layer1_body(deg_ref, a_ref, xs_ref, w_ref, b_ref, out_ref):
    s = _sdeg(deg_ref)
    z = jnp.concatenate(
        [a_ref[0] + xs_ref[0], a_ref[1] + xs_ref[1]], axis=1) * s
    h = jnp.dot(z, w_ref[...], preferred_element_type=jnp.float32)
    hs = jnp.maximum(h + b_ref[...], 0.0) * s
    for c in range(4):
        out_ref[c] = hs[:, c * _DC:(c + 1) * _DC]


def _tc_layer1(degp, agg1, xs, W1, b1):
    return pl.pallas_call(
        _layer1_body,
        grid=(_N // _BN,),
        in_specs=[
            pl.BlockSpec((2, _BN, _DC), lambda i: (0, i, 0)),
            pl.BlockSpec((2, _BN, _DC), lambda i: (0, i, 0)),
            pl.BlockSpec((2, _BN, _DC), lambda i: (0, i, 0)),
            pl.BlockSpec((256, 512), lambda i: (0, 0)),
            pl.BlockSpec((1, 512), lambda i: (0, 0)),
        ],
        out_specs=pl.BlockSpec((4, _BN, _DC), lambda i: (0, i, 0)),
        out_shape=jax.ShapeDtypeStruct((4, _N, _DC), jnp.float32),
    )(degp, agg1, xs, W1, b1.reshape(1, -1))


def _layer2_body(deg_ref, a_ref, h_ref, w_ref, b_ref, out_ref):
    i = pl.program_id(0)
    s = _sdeg(deg_ref)
    z = jnp.concatenate(
        [a_ref[c] + h_ref[c] for c in range(4)], axis=1) * s
    p = jnp.dot(z, w_ref[...], preferred_element_type=jnp.float32)
    r = jnp.maximum(p + b_ref[...], 0.0)

    @pl.when(i == 0)
    def _():
        out_ref[...] = jnp.zeros_like(out_ref)

    out_ref[...] += jnp.sum(r, axis=0, keepdims=True)

    @pl.when(i == pl.num_programs(0) - 1)
    def _():
        out_ref[...] = out_ref[...] * (1.0 / _N)


def _tc_layer2(degp, agg2, h1s, W2, b2):
    return pl.pallas_call(
        _layer2_body,
        grid=(_N // _BN,),
        in_specs=[
            pl.BlockSpec((2, _BN, _DC), lambda i: (0, i, 0)),
            pl.BlockSpec((4, _BN, _DC), lambda i: (0, i, 0)),
            pl.BlockSpec((4, _BN, _DC), lambda i: (0, i, 0)),
            pl.BlockSpec((512, 1024), lambda i: (0, 0)),
            pl.BlockSpec((1, 1024), lambda i: (0, 0)),
        ],
        out_specs=pl.BlockSpec((1, 1024), lambda i: (0, 0)),
        out_shape=jax.ShapeDtypeStruct((1, 1024), jnp.float32),
    )(degp, agg2, h1s, W2, b2.reshape(1, -1))


def kernel(x, edge_index, W1, b1, W2, b2):
    src = edge_index[0].astype(jnp.int32)
    dst = edge_index[1].astype(jnp.int32)
    src_t = src.reshape(_NS, _NB // _K, _K, _EB)
    dst_t = dst.reshape(_NS, _NB // _K, _K, _EB)
    dst_d = dst.reshape(_NC, _NS, _NBD, _EBD)
    zeros128 = jnp.zeros((_NP, _DC), jnp.float32)
    ones128 = jnp.ones((_EBD, _DC), jnp.float32)

    degp = _deg_kernel(dst_d, zeros128, ones128)
    xs = _tc_scale(degp, x)
    agg1 = _agg2(xs, src_t, dst_t, zeros128)
    h1s = _tc_layer1(degp, agg1, xs, W1, b1)
    agg2 = _agg4(h1s, src_t, dst_t, zeros128)
    out = _tc_layer2(degp, agg2, h1s, W2, b2)
    return out.reshape(-1)

# --- scband reference (transcript-rebuilt; emitter-appended) ---
"""Pipeline reference for scband-tithi-pravesha-gcn-10282151706807 (READ-ONLY COPY).

The authoritative reference and input builder live on the scoring server;
editing this copy changes nothing except your own understanding.
"""

import jax, jax.numpy as jnp
import numpy as np

N_NODES = 10000


def gcn_conv(x, edge_index, W, b):
    num_nodes = x.shape[0]
    src = edge_index[0]
    dst = edge_index[1]
    # add self-loops (PyG GCNConv default)
    loop = jnp.arange(num_nodes, dtype=src.dtype)
    src = jnp.concatenate([src, loop])
    dst = jnp.concatenate([dst, loop])
    # symmetric normalization deg^{-1/2} A deg^{-1/2}
    deg = jnp.zeros((num_nodes,), dtype=x.dtype).at[dst].add(1.0)
    deg_inv_sqrt = jnp.where(deg > 0, deg ** -0.5, 0.0)
    norm = deg_inv_sqrt[src] * deg_inv_sqrt[dst]
    # linear transform then propagate
    h = x @ W
    msgs = h[src] * norm[:, None]
    out = jnp.zeros((num_nodes, h.shape[1]), dtype=x.dtype).at[dst].add(msgs)
    return out + b


def setup_inputs(seed: int = 0) -> dict:
    key = jax.random.key(seed)
    k1, k2, k3, k4, k5, k6 = jax.random.split(key, 6)
    in_f, hid, out_f = 256, 512, 1024
    x = jax.random.normal(k1, (N_NODES, in_f), dtype=jnp.float32)
    edge_index = jax.random.randint(k2, (2, 160000), 0, N_NODES, dtype=jnp.int64)
    # glorot-style init for GCN weights
    W1 = jax.random.normal(k3, (in_f, hid), dtype=jnp.float32) * (2.0 / (in_f + hid)) ** 0.5
    b1 = jnp.zeros((hid,), dtype=jnp.float32)
    W2 = jax.random.normal(k4, (hid, out_f), dtype=jnp.float32) * (2.0 / (hid + out_f)) ** 0.5
    b2 = jnp.zeros((out_f,), dtype=jnp.float32)
    return {"x": x, "edge_index": edge_index, "W1": W1, "b1": b1, "W2": W2, "b2": b2}


def reference(x, edge_index, W1, b1, W2, b2):
    h = jax.nn.relu(gcn_conv(x, edge_index, W1, b1))
    h = jax.nn.relu(gcn_conv(h, edge_index, W2, b2))
    return h.mean(axis=0)

if __name__ == "__main__":
    import jax
    _d = setup_inputs()
    print(jax.jit(kernel)(*tuple(_d.values())))

</pallas_src>

<mosaic_0001>
#map = affine_map<(d0, d1) -> (0, 0, 0, 0)>
#map1 = affine_map<(d0, d1) -> (0, 0)>
#map2 = affine_map<(d0, d1) -> (0, 0, 0)>
module attributes {stable_mosaic.version = 14 : i64} {
  func.func @_deg_kernel(%arg0: i32, %arg1: i32, %arg2: memref<2x16x125x40xi32, #tpu.memory_space<hbm>>, %arg3: memref<10240x128xf32, #tpu.memory_space<hbm>>, %arg4: memref<40x128xf32, #tpu.memory_space<hbm>>, %arg5: memref<2x10240x128xf32, #tpu.memory_space<hbm>>, %arg6: memref<125x40xi32, #tpu.memory_space<vmem>>, %arg7: memref<40x128xf32, #tpu.memory_space<vmem>>, %arg8: memref<10240x128xf32, #tpu.memory_space<vmem_shared>>, %arg9: memref<!tpu.dma_semaphore, #tpu.memory_space<semaphore_mem>>) attributes {dimension_semantics = [#tpu.dimension_semantics<core_parallel>, #tpu.dimension_semantics<subcore_parallel>], iteration_bounds = array<i64: 2, 16>, scalar_prefetch = 0 : i64, scratch_operands = 4 : i64, tpu.core_type = #tpu.core_type<sc_vector_subcore>, window_params = [{transform_indices = #map}, {transform_indices = #map1}, {transform_indices = #map1}, {transform_indices = #map2}]} {
    %mul3A = arith.constant 640 : i32
    %mul3A_0 = arith.muli %arg1, %mul3A : i32
    "tpu.region"() ({
      %run_scoped3A = tpu.sem_alloc : memref<!tpu.dma_semaphore, #tpu.memory_space<semaphore_mem>>
      %dma_start3A = arith.constant 0 : i32
      %dma_start3A_7 = arith.constant 0 : i32
      %dma_start3A_8 = arith.constant 0 : i32
      %dma_start3A_9 = tpu.memref_slice %arg2[%arg0, %dma_start3A, %dma_start3A_7, %dma_start3A_8] : memref<2x16x125x40xi32, #tpu.memory_space<hbm>> -> memref<1x16x125x40xi32, #tpu.memory_space<hbm>>
      %dma_start3A_10 = tpu.memref_squeeze %dma_start3A_9 : memref<1x16x125x40xi32, #tpu.memory_space<hbm>> -> memref<16x125x40xi32, #tpu.memory_space<hbm>>
      %dma_start3A_11 = arith.constant 0 : i32
      %dma_start3A_12 = arith.constant 0 : i32
      %dma_start3A_13 = tpu.memref_slice %dma_start3A_10[%arg1, %dma_start3A_11, %dma_start3A_12] : memref<16x125x40xi32, #tpu.memory_space<hbm>> -> memref<1x125x40xi32, #tpu.memory_space<hbm>>
      %dma_start3A_14 = tpu.memref_squeeze %dma_start3A_13 : memref<1x125x40xi32, #tpu.memory_space<hbm>> -> memref<125x40xi32, #tpu.memory_space<hbm>>
      %dma_start3A_15 = arith.constant 0 : i32
      %dma_start3A_16 = arith.constant 0 : i32
      %dma_start3A_17 = arith.constant 0 : i32
      %dma_start3A_18 = tpu.memref_slice %arg2[%arg0, %dma_start3A_15, %dma_start3A_16, %dma_start3A_17] : memref<2x16x125x40xi32, #tpu.memory_space<hbm>> -> memref<1x16x125x40xi32, #tpu.memory_space<hbm>>
      %dma_start3A_19 = tpu.memref_squeeze %dma_start3A_18 : memref<1x16x125x40xi32, #tpu.memory_space<hbm>> -> memref<16x125x40xi32, #tpu.memory_space<hbm>>
      %dma_start3A_20 = arith.constant 0 : i32
      %dma_start3A_21 = arith.constant 0 : i32
      %dma_start3A_22 = tpu.memref_slice %dma_start3A_19[%arg1, %dma_start3A_20, %dma_start3A_21] : memref<16x125x40xi32, #tpu.memory_space<hbm>> -> memref<1x125x40xi32, #tpu.memory_space<hbm>>
      %dma_start3A_23 = tpu.memref_squeeze %dma_start3A_22 : memref<1x125x40xi32, #tpu.memory_space<hbm>> -> memref<125x40xi32, #tpu.memory_space<hbm>>
      tpu.enqueue_dma source(%dma_start3A_23 : memref<125x40xi32, #tpu.memory_space<hbm>>) target(%arg6 : memref<125x40xi32, #tpu.memory_space<vmem>>) target_semaphore(%run_scoped3A : memref<!tpu.dma_semaphore, #tpu.memory_space<semaphore_mem>>)
      %dma_wait3A = arith.constant 0 : i32
      %dma_wait3A_24 = arith.constant 0 : i32
      %dma_wait3A_25 = arith.constant 0 : i32
      %dma_wait3A_26 = tpu.memref_slice %arg2[%arg0, %dma_wait3A, %dma_wait3A_24, %dma_wait3A_25] : memref<2x16x125x40xi32, #tpu.memory_space<hbm>> -> memref<1x16x125x40xi32, #tpu.memory_space<hbm>>
      %dma_wait3A_27 = tpu.memref_squeeze %dma_wait3A_26 : memref<1x16x125x40xi32, #tpu.memory_space<hbm>> -> memref<16x125x40xi32, #tpu.memory_space<hbm>>
      %dma_wait3A_28 = arith.constant 0 : i32
      %dma_wait3A_29 = arith.constant 0 : i32
      %dma_wait3A_30 = tpu.memref_slice %dma_wait3A_27[%arg1, %dma_wait3A_28, %dma_wait3A_29] : memref<16x125x40xi32, #tpu.memory_space<hbm>> -> memref<1x125x40xi32, #tpu.memory_space<hbm>>
      %dma_wait3A_31 = tpu.memref_squeeze %dma_wait3A_30 : memref<1x125x40xi32, #tpu.memory_space<hbm>> -> memref<125x40xi32, #tpu.memory_space<hbm>>
      %dma_wait3A_32 = arith.constant 0 : i32
      %dma_wait3A_33 = arith.constant 0 : i32
      %dma_wait3A_34 = arith.constant 0 : i32
      %dma_wait3A_35 = tpu.memref_slice %arg2[%arg0, %dma_wait3A_32, %dma_wait3A_33, %dma_wait3A_34] : memref<2x16x125x40xi32, #tpu.memory_space<hbm>> -> memref<1x16x125x40xi32, #tpu.memory_space<hbm>>
      %dma_wait3A_36 = tpu.memref_squeeze %dma_wait3A_35 : memref<1x16x125x40xi32, #tpu.memory_space<hbm>> -> memref<16x125x40xi32, #tpu.memory_space<hbm>>
      %dma_wait3A_37 = arith.constant 0 : i32
      %dma_wait3A_38 = arith.constant 0 : i32
      %dma_wait3A_39 = tpu.memref_slice %dma_wait3A_36[%arg1, %dma_wait3A_37, %dma_wait3A_38] : memref<16x125x40xi32, #tpu.memory_space<hbm>> -> memref<1x125x40xi32, #tpu.memory_space<hbm>>
      %dma_wait3A_40 = tpu.memref_squeeze %dma_wait3A_39 : memref<1x125x40xi32, #tpu.memory_space<hbm>> -> memref<125x40xi32, #tpu.memory_space<hbm>>
      tpu.wait_dma2 semaphore(%run_scoped3A : memref<!tpu.dma_semaphore, #tpu.memory_space<semaphore_mem>>) src(%dma_wait3A_40 : memref<125x40xi32, #tpu.memory_space<hbm>>) dst(%arg6 : memref<125x40xi32, #tpu.memory_space<vmem>>)
      tpu.yield
    }) : () -> ()
    "tpu.region"() ({
      %run_scoped3A = tpu.sem_alloc : memref<!tpu.dma_semaphore, #tpu.memory_space<semaphore_mem>>
      tpu.enqueue_dma source(%arg4 : memref<40x128xf32, #tpu.memory_space<hbm>>) target(%arg7 : memref<40x128xf32, #tpu.memory_space<vmem>>) target_semaphore(%run_scoped3A : memref<!tpu.dma_semaphore, #tpu.memory_space<semaphore_mem>>)
      tpu.wait_dma2 semaphore(%run_scoped3A : memref<!tpu.dma_semaphore, #tpu.memory_space<semaphore_mem>>) src(%arg4 : memref<40x128xf32, #tpu.memory_space<hbm>>) dst(%arg7 : memref<40x128xf32, #tpu.memory_space<vmem>>)
      tpu.yield
    }) : () -> ()
    "tpu.region"() ({
      %run_scoped3A = tpu.sem_alloc : memref<!tpu.dma_semaphore, #tpu.memory_space<semaphore_mem>>
      %dma_start3A = arith.constant 0 : i32
      %dma_start3A_7 = tpu.memref_slice %arg8[%mul3A_0, %dma_start3A] : memref<10240x128xf32, #tpu.memory_space<vmem_shared>> -> memref<640x128xf32, #tpu.memory_space<vmem_shared>>
      %dma_start3A_8 = arith.constant 0 : i32
      %dma_start3A_9 = tpu.memref_slice %arg3[%mul3A_0, %dma_start3A_8] : memref<10240x128xf32, #tpu.memory_space<hbm>> -> memref<640x128xf32, #tpu.memory_space<hbm>>
      tpu.enqueue_dma source(%dma_start3A_9 : memref<640x128xf32, #tpu.memory_space<hbm>>) target(%dma_start3A_7 : memref<640x128xf32, #tpu.memory_space<vmem_shared>>) target_semaphore(%run_scoped3A : memref<!tpu.dma_semaphore, #tpu.memory_space<semaphore_mem>>)
      %dma_wait3A = arith.constant 0 : i32
      %dma_wait3A_10 = tpu.memref_slice %arg8[%mul3A_0, %dma_wait3A] : memref<10240x128xf32, #tpu.memory_space<vmem_shared>> -> memref<640x128xf32, #tpu.memory_space<vmem_shared>>
      %dma_wait3A_11 = arith.constant 0 : i32
      %dma_wait3A_12 = tpu.memref_slice %arg3[%mul3A_0, %dma_wait3A_11] : memref<10240x128xf32, #tpu.memory_space<hbm>> -> memref<640x128xf32, #tpu.memory_space<hbm>>
      tpu.wait_dma2 semaphore(%run_scoped3A : memref<!tpu.dma_semaphore, #tpu.memory_space<semaphore_mem>>) src(%dma_wait3A_12 : memref<640x128xf32, #tpu.memory_space<hbm>>) dst(%dma_wait3A_10 : memref<640x128xf32, #tpu.memory_space<vmem_shared>>)
      tpu.yield
    }) : () -> ()
    %barrier3A = arith.constant 0 : index
    tpu.barrier barrier_id(%barrier3A)
    %scan3A = arith.constant 0 : i32
    %scan3A_1 = arith.constant 0 : i32
    %scan3A_2 = arith.constant 25 : i32
    %scan3A_3 = arith.addi %scan3A_1, %scan3A_2 : i32
    %scan3A_4 = arith.constant 1 : i32
    scf.for %scan3A_7 = %scan3A_1 to %scan3A_3 step %scan3A_4  : i32 {
      %mul3A_8 = arith.constant 5 : i32
      %mul3A_9 = arith.muli %scan3A_7, %mul3A_8 : i32
      %add3A = arith.constant 0 : i32
      %add3A_10 = arith.addi %mul3A_9, %add3A : i32
      "tpu.region"() ({
        %run_scoped3A = tpu.sem_alloc : memref<!tpu.dma_semaphore, #tpu.memory_space<semaphore_mem>>
        %dma_start3A = arith.constant 0 : i32
        %dma_start3A_27 = tpu.memref_slice %arg6[%add3A_10, %dma_start3A] : memref<125x40xi32, #tpu.memory_space<vmem>> -> memref<1x40xi32, #tpu.memory_space<vmem>>
        %dma_start3A_28 = tpu.memref_squeeze %dma_start3A_27 : memref<1x40xi32, #tpu.memory_space<vmem>> -> memref<40xi32, #tpu.memory_space<vmem>>
        %dma_start3A_29 = arith.constant 0 : i32
        %dma_start3A_30 = arith.constant 0 : i32
        %dma_start3A_31 = tpu.memref_slice %arg8[%dma_start3A_29, %dma_start3A_30] : memref<10240x128xf32, #tpu.memory_space<vmem_shared>> -> memref<10240x128xf32, #tpu.memory_space<vmem_shared>>
        tpu.enqueue_indirect_dma source(%arg7 : memref<40x128xf32, #tpu.memory_space<vmem>>) target(%dma_start3A_31 : memref<10240x128xf32, #tpu.memory_space<vmem_shared>>) offsets(%dma_start3A_28 : memref<40xi32, #tpu.memory_space<vmem>>) semaphore(%run_scoped3A : memref<!tpu.dma_semaphore, #tpu.memory_space<semaphore_mem>>) {add = true}
        %dma_wait3A = arith.constant 0 : i32
        %dma_wait3A_32 = tpu.memref_slice %arg6[%add3A_10, %dma_wait3A] : memref<125x40xi32, #tpu.memory_space<vmem>> -> memref<1x40xi32, #tpu.memory_space<vmem>>
        %dma_wait3A_33 = tpu.memref_squeeze %dma_wait3A_32 : memref<1x40xi32, #tpu.memory_space<vmem>> -> memref<40xi32, #tpu.memory_space<vmem>>
        %dma_wait3A_34 = arith.constant 0 : i32
        %dma_wait3A_35 = arith.constant 0 : i32
        %dma_wait3A_36 = tpu.memref_slice %arg8[%dma_wait3A_34, %dma_wait3A_35] : memref<10240x128xf32, #tpu.memory_space<vmem_shared>> -> memref<10240x128xf32, #tpu.memory_space<vmem_shared>>
        tpu.wait_indirect_dma semaphore(%run_scoped3A : memref<!tpu.dma_semaphore, #tpu.memory_space<semaphore_mem>>) src(%arg7 : memref<40x128xf32, #tpu.memory_space<vmem>>) dst(%dma_wait3A_36 : memref<10240x128xf32, #tpu.memory_space<vmem_shared>>)
        tpu.yield
      }) : () -> ()
      %mul3A_11 = arith.constant 5 : i32
      %mul3A_12 = arith.muli %scan3A_7, %mul3A_11 : i32
      %add3A_13 = arith.constant 1 : i32
      %add3A_14 = arith.addi %mul3A_12, %add3A_13 : i32
      "tpu.region"() ({
        %run_scoped3A = tpu.sem_alloc : memref<!tpu.dma_semaphore, #tpu.memory_space<semaphore_mem>>
        %dma_start3A = arith.constant 0 : i32
        %dma_start3A_27 = tpu.memref_slice %arg6[%add3A_14, %dma_start3A] : memref<125x40xi32, #tpu.memory_space<vmem>> -> memref<1x40xi32, #tpu.memory_space<vmem>>
        %dma_start3A_28 = tpu.memref_squeeze %dma_start3A_27 : memref<1x40xi32, #tpu.memory_space<vmem>> -> memref<40xi32, #tpu.memory_space<vmem>>
        %dma_start3A_29 = arith.constant 0 : i32
        %dma_start3A_30 = arith.constant 0 : i32
        %dma_start3A_31 = tpu.memref_slice %arg8[%dma_start3A_29, %dma_start3A_30] : memref<10240x128xf32, #tpu.memory_space<vmem_shared>> -> memref<10240x128xf32, #tpu.memory_space<vmem_shared>>
        tpu.enqueue_indirect_dma source(%arg7 : memref<40x128xf32, #tpu.memory_space<vmem>>) target(%dma_start3A_31 : memref<10240x128xf32, #tpu.memory_space<vmem_shared>>) offsets(%dma_start3A_28 : memref<40xi32, #tpu.memory_space<vmem>>) semaphore(%run_scoped3A : memref<!tpu.dma_semaphore, #tpu.memory_space<semaphore_mem>>) {add = true}
        %dma_wait3A = arith.constant 0 : i32
        %dma_wait3A_32 = tpu.memref_slice %arg6[%add3A_14, %dma_wait3A] : memref<125x40xi32, #tpu.memory_space<vmem>> -> memref<1x40xi32, #tpu.memory_space<vmem>>
        %dma_wait3A_33 = tpu.memref_squeeze %dma_wait3A_32 : memref<1x40xi32, #tpu.memory_space<vmem>> -> memref<40xi32, #tpu.memory_space<vmem>>
        %dma_wait3A_34 = arith.constant 0 : i32
        %dma_wait3A_35 = arith.constant 0 : i32
        %dma_wait3A_36 = tpu.memref_slice %arg8[%dma_wait3A_34, %dma_wait3A_35] : memref<10240x128xf32, #tpu.memory_space<vmem_shared>> -> memref<10240x128xf32, #tpu.memory_space<vmem_shared>>
        tpu.wait_indirect_dma semaphore(%run_scoped3A : memref<!tpu.dma_semaphore, #tpu.memory_space<semaphore_mem>>) src(%arg7 : memref<40x128xf32, #tpu.memory_space<vmem>>) dst(%dma_wait3A_36 : memref<10240x128xf32, #tpu.memory_space<vmem_shared>>)
        tpu.yield
      }) : () -> ()
      %mul3A_15 = arith.constant 5 : i32
      %mul3A_16 = arith.muli %scan3A_7, %mul3A_15 : i32
      %add3A_17 = arith.constant 2 : i32
      %add3A_18 = arith.addi %mul3A_16, %add3A_17 : i32
      "tpu.region"() ({
        %run_scoped3A = tpu.sem_alloc : memref<!tpu.dma_semaphore, #tpu.memory_space<semaphore_mem>>
        %dma_start3A = arith.constant 0 : i32
        %dma_start3A_27 = tpu.memref_slice %arg6[%add3A_18, %dma_start3A] : memref<125x40xi32, #tpu.memory_space<vmem>> -> memref<1x40xi32, #tpu.memory_space<vmem>>
        %dma_start3A_28 = tpu.memref_squeeze %dma_start3A_27 : memref<1x40xi32, #tpu.memory_space<vmem>> -> memref<40xi32, #tpu.memory_space<vmem>>
        %dma_start3A_29 = arith.constant 0 : i32
        %dma_start3A_30 = arith.constant 0 : i32
        %dma_start3A_31 = tpu.memref_slice %arg8[%dma_start3A_29, %dma_start3A_30] : memref<10240x128xf32, #tpu.memory_space<vmem_shared>> -> memref<10240x128xf32, #tpu.memory_space<vmem_shared>>
        tpu.enqueue_indirect_dma source(%arg7 : memref<40x128xf32, #tpu.memory_space<vmem>>) target(%dma_start3A_31 : memref<10240x128xf32, #tpu.memory_space<vmem_shared>>) offsets(%dma_start3A_28 : memref<40xi32, #tpu.memory_space<vmem>>) semaphore(%run_scoped3A : memref<!tpu.dma_semaphore, #tpu.memory_space<semaphore_mem>>) {add = true}
        %dma_wait3A = arith.constant 0 : i32
        %dma_wait3A_32 = tpu.memref_slice %arg6[%add3A_18, %dma_wait3A] : memref<125x40xi32, #tpu.memory_space<vmem>> -> memref<1x40xi32, #tpu.memory_space<vmem>>
        %dma_wait3A_33 = tpu.memref_squeeze %dma_wait3A_32 : memref<1x40xi32, #tpu.memory_space<vmem>> -> memref<40xi32, #tpu.memory_space<vmem>>
        %dma_wait3A_34 = arith.constant 0 : i32
        %dma_wait3A_35 = arith.constant 0 : i32
        %dma_wait3A_36 = tpu.memref_slice %arg8[%dma_wait3A_34, %dma_wait3A_35] : memref<10240x128xf32, #tpu.memory_space<vmem_shared>> -> memref<10240x128xf32, #tpu.memory_space<vmem_shared>>
        tpu.wait_indirect_dma semaphore(%run_scoped3A : memref<!tpu.dma_semaphore, #tpu.memory_space<semaphore_mem>>) src(%arg7 : memref<40x128xf32, #tpu.memory_space<vmem>>) dst(%dma_wait3A_36 : memref<10240x128xf32, #tpu.memory_space<vmem_shared>>)
        tpu.yield
      }) : () -> ()
      %mul3A_19 = arith.constant 5 : i32
      %mul3A_20 = arith.muli %scan3A_7, %mul3A_19 : i32
      %add3A_21 = arith.constant 3 : i32
      %add3A_22 = arith.addi %mul3A_20, %add3A_21 : i32
      "tpu.region"() ({
        %run_scoped3A = tpu.sem_alloc : memref<!tpu.dma_semaphore, #tpu.memory_space<semaphore_mem>>
        %dma_start3A = arith.constant 0 : i32
        %dma_start3A_27 = tpu.memref_slice %arg6[%add3A_22, %dma_start3A] : memref<125x40xi32, #tpu.memory_space<vmem>> -> memref<1x40xi32, #tpu.memory_space<vmem>>
        %dma_start3A_28 = tpu.memref_squeeze %dma_start3A_27 : memref<1x40xi32, #tpu.memory_space<vmem>> -> memref<40xi32, #tpu.memory_space<vmem>>
        %dma_start3A_29 = arith.constant 0 : i32
        %dma_start3A_30 = arith.constant 0 : i32
        %dma_start3A_31 = tpu.memref_slice %arg8[%dma_start3A_29, %dma_start3A_30] : memref<10240x128xf32, #tpu.memory_space<vmem_shared>> -> memref<10240x128xf32, #tpu.memory_space<vmem_shared>>
        tpu.enqueue_indirect_dma source(%arg7 : memref<40x128xf32, #tpu.memory_space<vmem>>) target(%dma_start3A_31 : memref<10240x128xf32, #tpu.memory_space<vmem_shared>>) offsets(%dma_start3A_28 : memref<40xi32, #tpu.memory_space<vmem>>) semaphore(%run_scoped3A : memref<!tpu.dma_semaphore, #tpu.memory_space<semaphore_mem>>) {add = true}
        %dma_wait3A = arith.constant 0 : i32
        %dma_wait3A_32 = tpu.memref_slice %arg6[%add3A_22, %dma_wait3A] : memref<125x40xi32, #tpu.memory_space<vmem>> -> memref<1x40xi32, #tpu.memory_space<vmem>>
        %dma_wait3A_33 = tpu.memref_squeeze %dma_wait3A_32 : memref<1x40xi32, #tpu.memory_space<vmem>> -> memref<40xi32, #tpu.memory_space<vmem>>
        %dma_wait3A_34 = arith.constant 0 : i32
        %dma_wait3A_35 = arith.constant 0 : i32
        %dma_wait3A_36 = tpu.memref_slice %arg8[%dma_wait3A_34, %dma_wait3A_35] : memref<10240x128xf32, #tpu.memory_space<vmem_shared>> -> memref<10240x128xf32, #tpu.memory_space<vmem_shared>>
        tpu.wait_indirect_dma semaphore(%run_scoped3A : memref<!tpu.dma_semaphore, #tpu.memory_space<semaphore_mem>>) src(%arg7 : memref<40x128xf32, #tpu.memory_space<vmem>>) dst(%dma_wait3A_36 : memref<10240x128xf32, #tpu.memory_space<vmem_shared>>)
        tpu.yield
      }) : () -> ()
      %mul3A_23 = arith.constant 5 : i32
      %mul3A_24 = arith.muli %scan3A_7, %mul3A_23 : i32
      %add3A_25 = arith.constant 4 : i32
      %add3A_26 = arith.addi %mul3A_24, %add3A_25 : i32
      "tpu.region"() ({
        %run_scoped3A = tpu.sem_alloc : memref<!tpu.dma_semaphore, #tpu.memory_space<semaphore_mem>>
        %dma_start3A = arith.constant 0 : i32
        %dma_start3A_27 = tpu.memref_slice %arg6[%add3A_26, %dma_start3A] : memref<125x40xi32, #tpu.memory_space<vmem>> -> memref<1x40xi32, #tpu.memory_space<vmem>>
        %dma_start3A_28 = tpu.memref_squeeze %dma_start3A_27 : memref<1x40xi32, #tpu.memory_space<vmem>> -> memref<40xi32, #tpu.memory_space<vmem>>
        %dma_start3A_29 = arith.constant 0 : i32
        %dma_start3A_30 = arith.constant 0 : i32
        %dma_start3A_31 = tpu.memref_slice %arg8[%dma_start3A_29, %dma_start3A_30] : memref<10240x128xf32, #tpu.memory_space<vmem_shared>> -> memref<10240x128xf32, #tpu.memory_space<vmem_shared>>
        tpu.enqueue_indirect_dma source(%arg7 : memref<40x128xf32, #tpu.memory_space<vmem>>) target(%dma_start3A_31 : memref<10240x128xf32, #tpu.memory_space<vmem_shared>>) offsets(%dma_start3A_28 : memref<40xi32, #tpu.memory_space<vmem>>) semaphore(%run_scoped3A : memref<!tpu.dma_semaphore, #tpu.memory_space<semaphore_mem>>) {add = true}
        %dma_wait3A = arith.constant 0 : i32
        %dma_wait3A_32 = tpu.memref_slice %arg6[%add3A_26, %dma_wait3A] : memref<125x40xi32, #tpu.memory_space<vmem>> -> memref<1x40xi32, #tpu.memory_space<vmem>>
        %dma_wait3A_33 = tpu.memref_squeeze %dma_wait3A_32 : memref<1x40xi32, #tpu.memory_space<vmem>> -> memref<40xi32, #tpu.memory_space<vmem>>
        %dma_wait3A_34 = arith.constant 0 : i32
        %dma_wait3A_35 = arith.constant 0 : i32
        %dma_wait3A_36 = tpu.memref_slice %arg8[%dma_wait3A_34, %dma_wait3A_35] : memref<10240x128xf32, #tpu.memory_space<vmem_shared>> -> memref<10240x128xf32, #tpu.memory_space<vmem_shared>>
        tpu.wait_indirect_dma semaphore(%run_scoped3A : memref<!tpu.dma_semaphore, #tpu.memory_space<semaphore_mem>>) src(%arg7 : memref<40x128xf32, #tpu.memory_space<vmem>>) dst(%dma_wait3A_36 : memref<10240x128xf32, #tpu.memory_space<vmem_shared>>)
        tpu.yield
      }) : () -> ()
    }
    %scan3A_5 = arith.constant 25 : i32
    %barrier3A_6 = arith.constant 0 : index
    tpu.barrier barrier_id(%barrier3A_6)
    "tpu.region"() ({
      %run_scoped3A = tpu.sem_alloc : memref<!tpu.dma_semaphore, #tpu.memory_space<semaphore_mem>>
      %dma_start3A = arith.constant 0 : i32
      %dma_start3A_7 = arith.constant 0 : i32
      %dma_start3A_8 = tpu.memref_slice %arg5[%arg0, %dma_start3A, %dma_start3A_7] : memref<2x10240x128xf32, #tpu.memory_space<hbm>> -> memref<1x10240x128xf32, #tpu.memory_space<hbm>>
      %dma_start3A_9 = tpu.memref_squeeze %dma_start3A_8 : memref<1x10240x128xf32, #tpu.memory_space<hbm>> -> memref<10240x128xf32, #tpu.memory_space<hbm>>
      %dma_start3A_10 = arith.constant 0 : i32
      %dma_start3A_11 = tpu.memref_slice %dma_start3A_9[%mul3A_0, %dma_start3A_10] : memref<10240x128xf32, #tpu.memory_space<hbm>> -> memref<640x128xf32, #tpu.memory_space<hbm>>
      %dma_start3A_12 = arith.constant 0 : i32
      %dma_start3A_13 = tpu.memref_slice %arg8[%mul3A_0, %dma_start3A_12] : memref<10240x128xf32, #tpu.memory_space<vmem_shared>> -> memref<640x128xf32, #tpu.memory_space<vmem_shared>>
      tpu.enqueue_dma source(%dma_start3A_13 : memref<640x128xf32, #tpu.memory_space<vmem_shared>>) target(%dma_start3A_11 : memref<640x128xf32, #tpu.memory_space<hbm>>) target_semaphore(%run_scoped3A : memref<!tpu.dma_semaphore, #tpu.memory_space<semaphore_mem>>)
      %dma_wait3A = arith.constant 0 : i32
      %dma_wait3A_14 = arith.constant 0 : i32
      %dma_wait3A_15 = tpu.memref_slice %arg5[%arg0, %dma_wait3A, %dma_wait3A_14] : memref<2x10240x128xf32, #tpu.memory_space<hbm>> -> memref<1x10240x128xf32, #tpu.memory_space<hbm>>
      %dma_wait3A_16 = tpu.memref_squeeze %dma_wait3A_15 : memref<1x10240x128xf32, #tpu.memory_space<hbm>> -> memref<10240x128xf32, #tpu.memory_space<hbm>>
      %dma_wait3A_17 = arith.constant 0 : i32
      %dma_wait3A_18 = tpu.memref_slice %dma_wait3A_16[%mul3A_0, %dma_wait3A_17] : memref<10240x128xf32, #tpu.memory_space<hbm>> -> memref<640x128xf32, #tpu.memory_space<hbm>>
      %dma_wait3A_19 = arith.constant 0 : i32
      %dma_wait3A_20 = tpu.memref_slice %arg8[%mul3A_0, %dma_wait3A_19] : memref<10240x128xf32, #tpu.memory_space<vmem_shared>> -> memref<640x128xf32, #tpu.memory_space<vmem_shared>>
      tpu.wait_dma2 semaphore(%run_scoped3A : memref<!tpu.dma_semaphore, #tpu.memory_space<semaphore_mem>>) src(%dma_wait3A_20 : memref<640x128xf32, #tpu.memory_space<vmem_shared>>) dst(%dma_wait3A_18 : memref<640x128xf32, #tpu.memory_space<hbm>>)
      tpu.yield
    }) : () -> ()
    return
  }
}

#map = affine_map<(d0, d1) -> (0, 0, 0)>
#map1 = affine_map<(d0, d1) -> (0, 0, 0, 0)>
#map2 = affine_map<(d0, d1) -> (0, 0)>
module attributes {stable_mosaic.version = 14 : i64} {
  func.func @agg(%arg0: i32, %arg1: i32, %arg2: memref<4x10000x128xf32, #tpu.memory_space<hbm>>, %arg3: memref<16x40x5x50xi32, #tpu.memory_space<hbm>>, %arg4: memref<16x40x5x50xi32, #tpu.memory_space<hbm>>, %arg5: memref<10240x128xf32, #tpu.memory_space<hbm>>, %arg6: memref<4x10240x128xf32, #tpu.memory_space<hbm>>, %arg7: memref<15x50xi32, #tpu.memory_space<vmem>>, %arg8: memref<15x50xi32, #tpu.memory_space<vmem>>, %arg9: memref<5x50x128xf32, #tpu.memory_space<vmem>>, %arg10: memref<10240x128xf32, #tpu.memory_space<vmem_shared>>, %arg11: memref<!tpu.dma_semaphore, #tpu.memory_space<semaphore_mem>>, %arg12: memref<!tpu.dma_semaphore, #tpu.memory_space<semaphore_mem>>) attributes {dimension_semantics = [#tpu.dimension_semantics<core_parallel>, #tpu.dimension_semantics<subcore_parallel>], iteration_bounds = array<i64: 2, 16>, scalar_prefetch = 0 : i64, scratch_operands = 6 : i64, tpu.core_type = #tpu.core_type<sc_vector_subcore>, window_params = [{transform_indices = #map}, {transform_indices = #map1}, {transform_indices = #map1}, {transform_indices = #map2}, {transform_indices = #map}]} {
    %mul3A = arith.constant 640 : i32
    %mul3A_0 = arith.muli %arg1, %mul3A : i32
    %add3A = arith.constant 0 : i32
    %add3A_1 = arith.addi %add3A, %arg0 : i32
    "tpu.region"() ({
      %run_scoped3A = tpu.sem_alloc : memref<!tpu.dma_semaphore, #tpu.memory_space<semaphore_mem>>
      %dma_start3A_640 = arith.constant 0 : i32
      %dma_start3A_641 = tpu.memref_slice %arg10[%mul3A_0, %dma_start3A_640] : memref<10240x128xf32, #tpu.memory_space<vmem_shared>> -> memref<640x128xf32, #tpu.memory_space<vmem_shared>>
      %dma_start3A_642 = arith.constant 0 : i32
      %dma_start3A_643 = tpu.memref_slice %arg5[%mul3A_0, %dma_start3A_642] : memref<10240x128xf32, #tpu.memory_space<hbm>> -> memref<640x128xf32, #tpu.memory_space<hbm>>
      tpu.enqueue_dma source(%dma_start3A_643 : memref<640x128xf32, #tpu.memory_space<hbm>>) target(%dma_start3A_641 : memref<640x128xf32, #tpu.memory_space<vmem_shared>>) target_semaphore(%run_scoped3A : memref<!tpu.dma_semaphore, #tpu.memory_space<semaphore_mem>>)
      %dma_wait3A_644 = arith.constant 0 : i32
      %dma_wait3A_645 = tpu.memref_slice %arg10[%mul3A_0, %dma_wait3A_644] : memref<10240x128xf32, #tpu.memory_space<vmem_shared>> -> memref<640x128xf32, #tpu.memory_space<vmem_shared>>
      %dma_wait3A_646 = arith.constant 0 : i32
      %dma_wait3A_647 = tpu.memref_slice %arg5[%mul3A_0, %dma_wait3A_646] : memref<10240x128xf32, #tpu.memory_space<hbm>> -> memref<640x128xf32, #tpu.memory_space<hbm>>
      tpu.wait_dma2 semaphore(%run_scoped3A : memref<!tpu.dma_semaphore, #tpu.memory_space<semaphore_mem>>) src(%dma_wait3A_647 : memref<640x128xf32, #tpu.memory_space<hbm>>) dst(%dma_wait3A_645 : memref<640x128xf32, #tpu.memory_space<vmem_shared>>)
      tpu.yield
    }) : () -> ()
    %dma_start3A = arith.constant 0 : i32
    %dma_start3A_2 = arith.constant 0 : i32
    %dma_start3A_3 = arith.constant 0 : i32
    %dma_start3A_4 = tpu.memref_slice %arg7[%dma_start3A_2, %dma_start3A_3] : memref<15x50xi32, #tpu.memory_space<vmem>> -> memref<5x50xi32, #tpu.memory_space<vmem>>
    %dma_start3A_5 = arith.constant 0 : i32
    %dma_start3A_6 = arith.constant 0 : i32
    %dma_start3A_7 = arith.constant 0 : i32
    %dma_start3A_8 = tpu.memref_slice %arg3[%arg1, %dma_start3A_5, %dma_start3A_6, %dma_start3A_7] : memref<16x40x5x50xi32, #tpu.memory_space<hbm>> -> memref<1x40x5x50xi32, #tpu.memory_space<hbm>>
    %dma_start3A_9 = tpu.memref_squeeze %dma_start3A_8 : memref<1x40x5x50xi32, #tpu.memory_space<hbm>> -> memref<40x5x50xi32, #tpu.memory_space<hbm>>
    %dma_start3A_10 = arith.constant 0 : i32
    %dma_start3A_11 = arith.constant 0 : i32
    %dma_start3A_12 = tpu.memref_slice %dma_start3A_9[%dma_start3A, %dma_start3A_10, %dma_start3A_11] : memref<40x5x50xi32, #tpu.memory_space<hbm>> -> memref<1x5x50xi32, #tpu.memory_space<hbm>>
    %dma_start3A_13 = tpu.memref_squeeze %dma_start3A_12 : memref<1x5x50xi32, #tpu.memory_space<hbm>> -> memref<5x50xi32, #tpu.memory_space<hbm>>
    %dma_start3A_14 = arith.constant 0 : i32
    %dma_start3A_15 = arith.constant 0 : i32
    %dma_start3A_16 = tpu.memref_slice %arg7[%dma_start3A_14, %dma_start3A_15] : memref<15x50xi32, #tpu.memory_space<vmem>> -> memref<5x50xi32, #tpu.memory_space<vmem>>
    %dma_start3A_17 = arith.constant 0 : i32
    %dma_start3A_18 = arith.constant 0 : i32
    %dma_start3A_19 = arith.constant 0 : i32
    %dma_start3A_20 = tpu.memref_slice %arg3[%arg1, %dma_start3A_17, %dma_start3A_18, %dma_start3A_19] : memref<16x40x5x50xi32, #tpu.memory_space<hbm>> -> memref<1x40x5x50xi32, #tpu.memory_space<hbm>>
    %dma_start3A_21 = tpu.memref_squeeze %dma_start3A_20 : memref<1x40x5x50xi32, #tpu.memory_space<hbm>> -> memref<40x5x50xi32, #tpu.memory_space<hbm>>
    %dma_start3A_22 = arith.constant 0 : i32
    %dma_start3A_23 = arith.constant 0 : i32
    %dma_start3A_24 = tpu.memref_slice %dma_start3A_21[%dma_start3A, %dma_start3A_22, %dma_start3A_23] : memref<40x5x50xi32, #tpu.memory_space<hbm>> -> memref<1x5x50xi32, #tpu.memory_space<hbm>>
    %dma_start3A_25 = tpu.memref_squeeze %dma_start3A_24 : memref<1x5x50xi32, #tpu.memory_space<hbm>> -> memref<5x50xi32, #tpu.memory_space<hbm>>
    tpu.enqueue_dma source(%dma_start3A_25 : memref<5x50xi32, #tpu.memory_space<hbm>>) target(%dma_start3A_16 : memref<5x50xi32, #tpu.memory_space<vmem>>) target_semaphore(%arg12 : memref<!tpu.dma_semaphore, #tpu.memory_space<semaphore_mem>>)
    %dma_start3A_26 = arith.constant 0 : i32
    %dma_start3A_27 = arith.constant 0 : i32
    %dma_start3A_28 = arith.constant 0 : i32
    %dma_start3A_29 = tpu.memref_slice %arg8[%dma_start3A_27, %dma_start3A_28] : memref<15x50xi32, #tpu.memory_space<vmem>> -> memref<5x50xi32, #tpu.memory_space<vmem>>
    %dma_start3A_30 = arith.constant 0 : i32
    %dma_start3A_31 = arith.constant 0 : i32
    %dma_start3A_32 = arith.constant 0 : i32
    %dma_start3A_33 = tpu.memref_slice %arg4[%arg1, %dma_start3A_30, %dma_start3A_31, %dma_start3A_32] : memref<16x40x5x50xi32, #tpu.memory_space<hbm>> -> memref<1x40x5x50xi32, #tpu.memory_space<hbm>>
    %dma_start3A_34 = tpu.memref_squeeze %dma_start3A_33 : memref<1x40x5x50xi32, #tpu.memory_space<hbm>> -> memref<40x5x50xi32, #tpu.memory_space<hbm>>
    %dma_start3A_35 = arith.constant 0 : i32
    %dma_start3A_36 = arith.constant 0 : i32
    %dma_start3A_37 = tpu.memref_slice %dma_start3A_34[%dma_start3A_26, %dma_start3A_35, %dma_start3A_36] : memref<40x5x50xi32, #tpu.memory_space<hbm>> -> memref<1x5x50xi32, #tpu.memory_space<hbm>>
    %dma_start3A_38 = tpu.memref_squeeze %dma_start3A_37 : memref<1x5x50xi32, #tpu.memory_space<hbm>> -> memref<5x50xi32, #tpu.memory_space<hbm>>
    %dma_start3A_39 = arith.constant 0 : i32
    %dma_start3A_40 = arith.constant 0 : i32
    %dma_start3A_41 = tpu.memref_slice %arg8[%dma_start3A_39, %dma_start3A_40] : memref<15x50xi32, #tpu.memory_space<vmem>> -> memref<5x50xi32, #tpu.memory_space<vmem>>
    %dma_start3A_42 = arith.constant 0 : i32
    %dma_start3A_43 = arith.constant 0 : i32
    %dma_start3A_44 = arith.constant 0 : i32
    %dma_start3A_45 = tpu.memref_slice %arg4[%arg1, %dma_start3A_42, %dma_start3A_43, %dma_start3A_44] : memref<16x40x5x50xi32, #tpu.memory_space<hbm>> -> memref<1x40x5x50xi32, #tpu.memory_space<hbm>>
    %dma_start3A_46 = tpu.memref_squeeze %dma_start3A_45 : memref<1x40x5x50xi32, #tpu.memory_space<hbm>> -> memref<40x5x50xi32, #tpu.memory_space<hbm>>
    %dma_start3A_47 = arith.constant 0 : i32
    %dma_start3A_48 = arith.constant 0 : i32
    %dma_start3A_49 = tpu.memref_slice %dma_start3A_46[%dma_start3A_26, %dma_start3A_47, %dma_start3A_48] : memref<40x5x50xi32, #tpu.memory_space<hbm>> -> memref<1x5x50xi32, #tpu.memory_space<hbm>>
    %dma_start3A_50 = tpu.memref_squeeze %dma_start3A_49 : memref<1x5x50xi32, #tpu.memory_space<hbm>> -> memref<5x50xi32, #tpu.memory_space<hbm>>
    tpu.enqueue_dma source(%dma_start3A_50 : memref<5x50xi32, #tpu.memory_space<hbm>>) target(%dma_start3A_41 : memref<5x50xi32, #tpu.memory_space<vmem>>) target_semaphore(%arg12 : memref<!tpu.dma_semaphore, #tpu.memory_space<semaphore_mem>>)
    %dma_start3A_51 = arith.constant 1 : i32
    %dma_start3A_52 = arith.constant 5 : i32
    %dma_start3A_53 = arith.constant 0 : i32
    %dma_start3A_54 = tpu.memref_slice %arg7[%dma_start3A_52, %dma_start3A_53] : memref<15x50xi32, #tpu.memory_space<vmem>> -> memref<5x50xi32, #tpu.memory_space<vmem>>
    %dma_start3A_55 = arith.constant 0 : i32
    %dma_start3A_56 = arith.constant 0 : i32
    %dma_start3A_57 = arith.constant 0 : i32
    %dma_start3A_58 = tpu.memref_slice %arg3[%arg1, %dma_start3A_55, %dma_start3A_56, %dma_start3A_57] : memref<16x40x5x50xi32, #tpu.memory_space<hbm>> -> memref<1x40x5x50xi32, #tpu.memory_space<hbm>>
    %dma_start3A_59 = tpu.memref_squeeze %dma_start3A_58 : memref<1x40x5x50xi32, #tpu.memory_space<hbm>> -> memref<40x5x50xi32, #tpu.memory_space<hbm>>
    %dma_start3A_60 = arith.constant 0 : i32
    %dma_start3A_61 = arith.constant 0 : i32
    %dma_start3A_62 = tpu.memref_slice %dma_start3A_59[%dma_start3A_51, %dma_start3A_60, %dma_start3A_61] : memref<40x5x50xi32, #tpu.memory_space<hbm>> -> memref<1x5x50xi32, #tpu.memory_space<hbm>>
    %dma_start3A_63 = tpu.memref_squeeze %dma_start3A_62 : memref<1x5x50xi32, #tpu.memory_space<hbm>> -> memref<5x50xi32, #tpu.memory_space<hbm>>
    %dma_start3A_64 = arith.constant 5 : i32
    %dma_start3A_65 = arith.constant 0 : i32
    %dma_start3A_66 = tpu.memref_slice %arg7[%dma_start3A_64, %dma_start3A_65] : memref<15x50xi32, #tpu.memory_space<vmem>> -> memref<5x50xi32, #tpu.memory_space<vmem>>
    %dma_start3A_67 = arith.constant 0 : i32
    %dma_start3A_68 = arith.constant 0 : i32
    %dma_start3A_69 = arith.constant 0 : i32
    %dma_start3A_70 = tpu.memref_slice %arg3[%arg1, %dma_start3A_67, %dma_start3A_68, %dma_start3A_69] : memref<16x40x5x50xi32, #tpu.memory_space<hbm>> -> memref<1x40x5x50xi32, #tpu.memory_space<hbm>>
    %dma_start3A_71 = tpu.memref_squeeze %dma_start3A_70 : memref<1x40x5x50xi32, #tpu.memory_space<hbm>> -> memref<40x5x50xi32, #tpu.memory_space<hbm>>
    %dma_start3A_72 = arith.constant 0 : i32
    %dma_start3A_73 = arith.constant 0 : i32
    %dma_start3A_74 = tpu.memref_slice %dma_start3A_71[%dma_start3A_51, %dma_start3A_72, %dma_start3A_73] : memref<40x5x50xi32, #tpu.memory_space<hbm>> -> memref<1x5x50xi32, #tpu.memory_space<hbm>>
    %dma_start3A_75 = tpu.memref_squeeze %dma_start3A_74 : memref<1x5x50xi32, #tpu.memory_space<hbm>> -> memref<5x50xi32, #tpu.memory_space<hbm>>
    tpu.enqueue_dma source(%dma_start3A_75 : memref<5x50xi32, #tpu.memory_space<hbm>>) target(%dma_start3A_66 : memref<5x50xi32, #tpu.memory_space<vmem>>) target_semaphore(%arg12 : memref<!tpu.dma_semaphore, #tpu.memory_space<semaphore_mem>>)
    %dma_start3A_76 = arith.constant 1 : i32
    %dma_start3A_77 = arith.constant 5 : i32
    %dma_start3A_78 = arith.constant 0 : i32
    %dma_start3A_79 = tpu.memref_slice %arg8[%dma_start3A_77, %dma_start3A_78] : memref<15x50xi32, #tpu.memory_space<vmem>> -> memref<5x50xi32, #tpu.memory_space<vmem>>
    %dma_start3A_80 = arith.constant 0 : i32
    %dma_start3A_81 = arith.constant 0 : i32
    %dma_start3A_82 = arith.constant 0 : i32
    %dma_start3A_83 = tpu.memref_slice %arg4[%arg1, %dma_start3A_80, %dma_start3A_81, %dma_start3A_82] : memref<16x40x5x50xi32, #tpu.memory_space<hbm>> -> memref<1x40x5x50xi32, #tpu.memory_space<hbm>>
    %dma_start3A_84 = tpu.memref_squeeze %dma_start3A_83 : memref<1x40x5x50xi32, #tpu.memory_space<hbm>> -> memref<40x5x50xi32, #tpu.memory_space<hbm>>
    %dma_start3A_85 = arith.constant 0 : i32
    %dma_start3A_86 = arith.constant 0 : i32
    %dma_start3A_87 = tpu.memref_slice %dma_start3A_84[%dma_start3A_76, %dma_start3A_85, %dma_start3A_86] : memref<40x5x50xi32, #tpu.memory_space<hbm>> -> memref<1x5x50xi32, #tpu.memory_space<hbm>>
    %dma_start3A_88 = tpu.memref_squeeze %dma_start3A_87 : memref<1x5x50xi32, #tpu.memory_space<hbm>> -> memref<5x50xi32, #tpu.memory_space<hbm>>
    %dma_start3A_89 = arith.constant 5 : i32
    %dma_start3A_90 = arith.constant 0 : i32
    %dma_start3A_91 = tpu.memref_slice %arg8[%dma_start3A_89, %dma_start3A_90] : memref<15x50xi32, #tpu.memory_space<vmem>> -> memref<5x50xi32, #tpu.memory_space<vmem>>
    %dma_start3A_92 = arith.constant 0 : i32
    %dma_start3A_93 = arith.constant 0 : i32
    %dma_start3A_94 = arith.constant 0 : i32
    %dma_start3A_95 = tpu.memref_slice %arg4[%arg1, %dma_start3A_92, %dma_start3A_93, %dma_start3A_94] : memref<16x40x5x50xi32, #tpu.memory_space<hbm>> -> memref<1x40x5x50xi32, #tpu.memory_space<hbm>>
    %dma_start3A_96 = tpu.memref_squeeze %dma_start3A_95 : memref<1x40x5x50xi32, #tpu.memory_space<hbm>> -> memref<40x5x50xi32, #tpu.memory_space<hbm>>
    %dma_start3A_97 = arith.constant 0 : i32
    %dma_start3A_98 = arith.constant 0 : i32
    %dma_start3A_99 = tpu.memref_slice %dma_start3A_96[%dma_start3A_76, %dma_start3A_97, %dma_start3A_98] : memref<40x5x50xi32, #tpu.memory_space<hbm>> -> memref<1x5x50xi32, #tpu.memory_space<hbm>>
    %dma_start3A_100 = tpu.memref_squeeze %dma_start3A_99 : memref<1x5x50xi32, #tpu.memory_space<hbm>> -> memref<5x50xi32, #tpu.memory_space<hbm>>
    tpu.enqueue_dma source(%dma_start3A_100 : memref<5x50xi32, #tpu.memory_space<hbm>>) target(%dma_start3A_91 : memref<5x50xi32, #tpu.memory_space<vmem>>) target_semaphore(%arg12 : memref<!tpu.dma_semaphore, #tpu.memory_space<semaphore_mem>>)
    %dma_start3A_101 = arith.constant 2 : i32
    %dma_start3A_102 = arith.constant 10 : i32
    %dma_start3A_103 = arith.constant 0 : i32
    %dma_start3A_104 = tpu.memref_slice %arg7[%dma_start3A_102, %dma_start3A_103] : memref<15x50xi32, #tpu.memory_space<vmem>> -> memref<5x50xi32, #tpu.memory_space<vmem>>
    %dma_start3A_105 = arith.constant 0 : i32
    %dma_start3A_106 = arith.constant 0 : i32
    %dma_start3A_107 = arith.constant 0 : i32
    %dma_start3A_108 = tpu.memref_slice %arg3[%arg1, %dma_start3A_105, %dma_start3A_106, %dma_start3A_107] : memref<16x40x5x50xi32, #tpu.memory_space<hbm>> -> memref<1x40x5x50xi32, #tpu.memory_space<hbm>>
    %dma_start3A_109 = tpu.memref_squeeze %dma_start3A_108 : memref<1x40x5x50xi32, #tpu.memory_space<hbm>> -> memref<40x5x50xi32, #tpu.memory_space<hbm>>
    %dma_start3A_110 = arith.constant 0 : i32
    %dma_start3A_111 = arith.constant 0 : i32
    %dma_start3A_112 = tpu.memref_slice %dma_start3A_109[%dma_start3A_101, %dma_start3A_110, %dma_start3A_111] : memref<40x5x50xi32, #tpu.memory_space<hbm>> -> memref<1x5x50xi32, #tpu.memory_space<hbm>>
    %dma_start3A_113 = tpu.memref_squeeze %dma_start3A_112 : memref<1x5x50xi32, #tpu.memory_space<hbm>> -> memref<5x50xi32, #tpu.memory_space<hbm>>
    %dma_start3A_114 = arith.constant 10 : i32
    %dma_start3A_115 = arith.constant 0 : i32
    %dma_start3A_116 = tpu.memref_slice %arg7[%dma_start3A_114, %dma_start3A_115] : memref<15x50xi32, #tpu.memory_space<vmem>> -> memref<5x50xi32, #tpu.memory_space<vmem>>
    %dma_start3A_117 = arith.constant 0 : i32
    %dma_start3A_118 = arith.constant 0 : i32
    %dma_start3A_119 = arith.constant 0 : i32
    %dma_start3A_120 = tpu.memref_slice %arg3[%arg1, %dma_start3A_117, %dma_start3A_118, %dma_start3A_119] : memref<16x40x5x50xi32, #tpu.memory_space<hbm>> -> memref<1x40x5x50xi32, #tpu.memory_space<hbm>>
    %dma_start3A_121 = tpu.memref_squeeze %dma_start3A_120 : memref<1x40x5x50xi32, #tpu.memory_space<hbm>> -> memref<40x5x50xi32, #tpu.memory_space<hbm>>
    %dma_start3A_122 = arith.constant 0 : i32
    %dma_start3A_123 = arith.constant 0 : i32
    %dma_start3A_124 = tpu.memref_slice %dma_start3A_121[%dma_start3A_101, %dma_start3A_122, %dma_start3A_123] : memref<40x5x50xi32, #tpu.memory_space<hbm>> -> memref<1x5x50xi32, #tpu.memory_space<hbm>>
    %dma_start3A_125 = tpu.memref_squeeze %dma_start3A_124 : memref<1x5x50xi32, #tpu.memory_space<hbm>> -> memref<5x50xi32, #tpu.memory_space<hbm>>
    tpu.enqueue_dma source(%dma_start3A_125 : memref<5x50xi32, #tpu.memory_space<hbm>>) target(%dma_start3A_116 : memref<5x50xi32, #tpu.memory_space<vmem>>) target_semaphore(%arg12 : memref<!tpu.dma_semaphore, #tpu.memory_space<semaphore_mem>>)
    %dma_start3A_126 = arith.constant 2 : i32
    %dma_start3A_127 = arith.constant 10 : i32
    %dma_start3A_128 = arith.constant 0 : i32
    %dma_start3A_129 = tpu.memref_slice %arg8[%dma_start3A_127, %dma_start3A_128] : memref<15x50xi32, #tpu.memory_space<vmem>> -> memref<5x50xi32, #tpu.memory_space<vmem>>
    %dma_start3A_130 = arith.constant 0 : i32
    %dma_start3A_131 = arith.constant 0 : i32
    %dma_start3A_132 = arith.constant 0 : i32
    %dma_start3A_133 = tpu.memref_slice %arg4[%arg1, %dma_start3A_130, %dma_start3A_131, %dma_start3A_132] : memref<16x40x5x50xi32, #tpu.memory_space<hbm>> -> memref<1x40x5x50xi32, #tpu.memory_space<hbm>>
    %dma_start3A_134 = tpu.memref_squeeze %dma_start3A_133 : memref<1x40x5x50xi32, #tpu.memory_space<hbm>> -> memref<40x5x50xi32, #tpu.memory_space<hbm>>
    %dma_start3A_135 = arith.constant 0 : i32
    %dma_start3A_136 = arith.constant 0 : i32
    %dma_start3A_137 = tpu.memref_slice %dma_start3A_134[%dma_start3A_126, %dma_start3A_135, %dma_start3A_136] : memref<40x5x50xi32, #tpu.memory_space<hbm>> -> memref<1x5x50xi32, #tpu.memory_space<hbm>>
    %dma_start3A_138 = tpu.memref_squeeze %dma_start3A_137 : memref<1x5x50xi32, #tpu.memory_space<hbm>> -> memref<5x50xi32, #tpu.memory_space<hbm>>
    %dma_start3A_139 = arith.constant 10 : i32
    %dma_start3A_140 = arith.constant 0 : i32
    %dma_start3A_141 = tpu.memref_slice %arg8[%dma_start3A_139, %dma_start3A_140] : memref<15x50xi32, #tpu.memory_space<vmem>> -> memref<5x50xi32, #tpu.memory_space<vmem>>
    %dma_start3A_142 = arith.constant 0 : i32
    %dma_start3A_143 = arith.constant 0 : i32
    %dma_start3A_144 = arith.constant 0 : i32
    %dma_start3A_145 = tpu.memref_slice %arg4[%arg1, %dma_start3A_142, %dma_start3A_143, %dma_start3A_144] : memref<16x40x5x50xi32, #tpu.memory_space<hbm>> -> memref<1x40x5x50xi32, #tpu.memory_space<hbm>>
    %dma_start3A_146 = tpu.memref_squeeze %dma_start3A_145 : memref<1x40x5x50xi32, #tpu.memory_space<hbm>> -> memref<40x5x50xi32, #tpu.memory_space<hbm>>
    %dma_start3A_147 = arith.constant 0 : i32
    %dma_start3A_148 = arith.constant 0 : i32
    %dma_start3A_149 = tpu.memref_slice %dma_start3A_146[%dma_start3A_126, %dma_start3A_147, %dma_start3A_148] : memref<40x5x50xi32, #tpu.memory_space<hbm>> -> memref<1x5x50xi32, #tpu.memory_space<hbm>>
    %dma_start3A_150 = tpu.memref_squeeze %dma_start3A_149 : memref<1x5x50xi32, #tpu.memory_space<hbm>> -> memref<5x50xi32, #tpu.memory_space<hbm>>
    tpu.enqueue_dma source(%dma_start3A_150 : memref<5x50xi32, #tpu.memory_space<hbm>>) target(%dma_start3A_141 : memref<5x50xi32, #tpu.memory_space<vmem>>) target_semaphore(%arg12 : memref<!tpu.dma_semaphore, #tpu.memory_space<semaphore_mem>>)
    %barrier3A = arith.constant 0 : index
    tpu.barrier barrier_id(%barrier3A)
    %dma_wait3A = arith.constant 0 : i32
    %dma_wait3A_151 = arith.constant 0 : i32
    %dma_wait3A_152 = arith.constant 0 : i32
    %dma_wait3A_153 = tpu.memref_slice %arg7[%dma_wait3A_151, %dma_wait3A_152] : memref<15x50xi32, #tpu.memory_space<vmem>> -> memref<5x50xi32, #tpu.memory_space<vmem>>
    %dma_wait3A_154 = arith.constant 0 : i32
    %dma_wait3A_155 = arith.constant 0 : i32
    %dma_wait3A_156 = arith.constant 0 : i32
    %dma_wait3A_157 = tpu.memref_slice %arg3[%arg1, %dma_wait3A_154, %dma_wait3A_155, %dma_wait3A_156] : memref<16x40x5x50xi32, #tpu.memory_space<hbm>> -> memref<1x40x5x50xi32, #tpu.memory_space<hbm>>
    %dma_wait3A_158 = tpu.memref_squeeze %dma_wait3A_157 : memref<1x40x5x50xi32, #tpu.memory_space<hbm>> -> memref<40x5x50xi32, #tpu.memory_space<hbm>>
    %dma_wait3A_159 = arith.constant 0 : i32
    %dma_wait3A_160 = arith.constant 0 : i32
    %dma_wait3A_161 = tpu.memref_slice %dma_wait3A_158[%dma_wait3A, %dma_wait3A_159, %dma_wait3A_160] : memref<40x5x50xi32, #tpu.memory_space<hbm>> -> memref<1x5x50xi32, #tpu.memory_space<hbm>>
    %dma_wait3A_162 = tpu.memref_squeeze %dma_wait3A_161 : memref<1x5x50xi32, #tpu.memory_space<hbm>> -> memref<5x50xi32, #tpu.memory_space<hbm>>
    %dma_wait3A_163 = arith.constant 0 : i32
    %dma_wait3A_164 = arith.constant 0 : i32
    %dma_wait3A_165 = tpu.memref_slice %arg7[%dma_wait3A_163, %dma_wait3A_164] : memref<15x50xi32, #tpu.memory_space<vmem>> -> memref<5x50xi32, #tpu.memory_space<vmem>>
    %dma_wait3A_166 = arith.constant 0 : i32
    %dma_wait3A_167 = arith.constant 0 : i32
    %dma_wait3A_168 = arith.constant 0 : i32
    %dma_wait3A_169 = tpu.memref_slice %arg3[%arg1, %dma_wait3A_166, %dma_wait3A_167, %dma_wait3A_168] : memref<16x40x5x50xi32, #tpu.memory_space<hbm>> -> memref<1x40x5x50xi32, #tpu.memory_space<hbm>>
    %dma_wait3A_170 = tpu.memref_squeeze %dma_wait3A_169 : memref<1x40x5x50xi32, #tpu.memory_space<hbm>> -> memref<40x5x50xi32, #tpu.memory_space<hbm>>
    %dma_wait3A_171 = arith.constant 0 : i32
    %dma_wait3A_172 = arith.constant 0 : i32
    %dma_wait3A_173 = tpu.memref_slice %dma_wait3A_170[%dma_wait3A, %dma_wait3A_171, %dma_wait3A_172] : memref<40x5x50xi32, #tpu.memory_space<hbm>> -> memref<1x5x50xi32, #tpu.memory_space<hbm>>
    %dma_wait3A_174 = tpu.memref_squeeze %dma_wait3A_173 : memref<1x5x50xi32, #tpu.memory_space<hbm>> -> memref<5x50xi32, #tpu.memory_space<hbm>>
    tpu.wait_dma2 semaphore(%arg12 : memref<!tpu.dma_semaphore, #tpu.memory_space<semaphore_mem>>) src(%dma_wait3A_174 : memref<5x50xi32, #tpu.memory_space<hbm>>) dst(%dma_wait3A_165 : memref<5x50xi32, #tpu.memory_space<vmem>>)
    %dma_wait3A_175 = arith.constant 0 : i32
    %dma_wait3A_176 = arith.constant 0 : i32
    %dma_wait3A_177 = arith.constant 0 : i32
    %dma_wait3A_178 = tpu.memref_slice %arg8[%dma_wait3A_176, %dma_wait3A_177] : memref<15x50xi32, #tpu.memory_space<vmem>> -> memref<5x50xi32, #tpu.memory_space<vmem>>
    %dma_wait3A_179 = arith.constant 0 : i32
    %dma_wait3A_180 = arith.constant 0 : i32
    %dma_wait3A_181 = arith.constant 0 : i32
    %dma_wait3A_182 = tpu.memref_slice %arg4[%arg1, %dma_wait3A_179, %dma_wait3A_180, %dma_wait3A_181] : memref<16x40x5x50xi32, #tpu.memory_space<hbm>> -> memref<1x40x5x50xi32, #tpu.memory_space<hbm>>
    %dma_wait3A_183 = tpu.memref_squeeze %dma_wait3A_182 : memref<1x40x5x50xi32, #tpu.memory_space<hbm>> -> memref<40x5x50xi32, #tpu.memory_space<hbm>>
    %dma_wait3A_184 = arith.constant 0 : i32
    %dma_wait3A_185 = arith.constant 0 : i32
    %dma_wait3A_186 = tpu.memref_slice %dma_wait3A_183[%dma_wait3A_175, %dma_wait3A_184, %dma_wait3A_185] : memref<40x5x50xi32, #tpu.memory_space<hbm>> -> memref<1x5x50xi32, #tpu.memory_space<hbm>>
    %dma_wait3A_187 = tpu.memref_squeeze %dma_wait3A_186 : memref<1x5x50xi32, #tpu.memory_space<hbm>> -> memref<5x50xi32, #tpu.memory_space<hbm>>
    %dma_wait3A_188 = arith.constant 0 : i32
    %dma_wait3A_189 = arith.constant 0 : i32
    %dma_wait3A_190 = tpu.memref_slice %arg8[%dma_wait3A_188, %dma_wait3A_189] : memref<15x50xi32, #tpu.memory_space<vmem>> -> memref<5x50xi32, #tpu.memory_space<vmem>>
    %dma_wait3A_191 = arith.constant 0 : i32
    %dma_wait3A_192 = arith.constant 0 : i32
    %dma_wait3A_193 = arith.constant 0 : i32
    %dma_wait3A_194 = tpu.memref_slice %arg4[%arg1, %dma_wait3A_191, %dma_wait3A_192, %dma_wait3A_193] : memref<16x40x5x50xi32, #tpu.memory_space<hbm>> -> memref<1x40x5x50xi32, #tpu.memory_space<hbm>>
    %dma_wait3A_195 = tpu.memref_squeeze %dma_wait3A_194 : memref<1x40x5x50xi32, #tpu.memory_space<hbm>> -> memref<40x5x50xi32, #tpu.memory_space<hbm>>
    %dma_wait3A_196 = arith.constant 0 : i32
    %dma_wait3A_197 = arith.constant 0 : i32
    %dma_wait3A_198 = tpu.memref_slice %dma_wait3A_195[%dma_wait3A_175, %dma_wait3A_196, %dma_wait3A_197] : memref<40x5x50xi32, #tpu.memory_space<hbm>> -> memref<1x5x50xi32, #tpu.memory_space<hbm>>
    %dma_wait3A_199 = tpu.memref_squeeze %dma_wait3A_198 : memref<1x5x50xi32, #tpu.memory_space<hbm>> -> memref<5x50xi32, #tpu.memory_space<hbm>>
    tpu.wait_dma2 semaphore(%arg12 : memref<!tpu.dma_semaphore, #tpu.memory_space<semaphore_mem>>) src(%dma_wait3A_199 : memref<5x50xi32, #tpu.memory_space<hbm>>) dst(%dma_wait3A_190 : memref<5x50xi32, #tpu.memory_space<vmem>>)
    %scan3A = arith.constant 0 : i32
    %scan3A_200 = arith.constant 0 : i32
    %scan3A_201 = arith.constant 5 : i32
    %scan3A_202 = arith.addi %scan3A_200, %scan3A_201 : i32
    %scan3A_203 = arith.constant 1 : i32
    scf.for %scan3A_640 = %scan3A_200 to %scan3A_202 step %scan3A_203  : i32 {
      %dma_start3A_641 = arith.constant 0 : i32
      %dma_start3A_642 = arith.constant 0 : i32
      %dma_start3A_643 = tpu.memref_slice %arg9[%scan3A_640, %dma_start3A_641, %dma_start3A_642] : memref<5x50x128xf32, #tpu.memory_space<vmem>> -> memref<1x50x128xf32, #tpu.memory_space<vmem>>
      %dma_start3A_644 = tpu.memref_squeeze %dma_start3A_643 : memref<1x50x128xf32, #tpu.memory_space<vmem>> -> memref<50x128xf32, #tpu.memory_space<vmem>>
      %dma_start3A_645 = arith.constant 0 : i32
      %dma_start3A_646 = tpu.memref_slice %arg7[%scan3A_640, %dma_start3A_645] : memref<15x50xi32, #tpu.memory_space<vmem>> -> memref<1x50xi32, #tpu.memory_space<vmem>>
      %dma_start3A_647 = tpu.memref_squeeze %dma_start3A_646 : memref<1x50xi32, #tpu.memory_space<vmem>> -> memref<50xi32, #tpu.memory_space<vmem>>
      %dma_start3A_648 = arith.constant 0 : i32
      %dma_start3A_649 = arith.constant 0 : i32
      %dma_start3A_650 = tpu.memref_slice %arg2[%add3A_1, %dma_start3A_648, %dma_start3A_649] : memref<4x10000x128xf32, #tpu.memory_space<hbm>> -> memref<1x10000x128xf32, #tpu.memory_space<hbm>>
      %dma_start3A_651 = tpu.memref_squeeze %dma_start3A_650 : memref<1x10000x128xf32, #tpu.memory_space<hbm>> -> memref<10000x128xf32, #tpu.memory_space<hbm>>
      %dma_start3A_652 = arith.constant 0 : i32
      %dma_start3A_653 = arith.constant 0 : i32
      %dma_start3A_654 = tpu.memref_slice %dma_start3A_651[%dma_start3A_652, %dma_start3A_653] : memref<10000x128xf32, #tpu.memory_space<hbm>> -> memref<10000x128xf32, #tpu.memory_space<hbm>>
      tpu.enqueue_indirect_dma source(%dma_start3A_654 : memref<10000x128xf32, #tpu.memory_space<hbm>>) target(%dma_start3A_644 : memref<50x128xf32, #tpu.memory_space<vmem>>) offsets(%dma_start3A_647 : memref<50xi32, #tpu.memory_space<vmem>>) semaphore(%arg11 : memref<!tpu.dma_semaphore, #tpu.memory_space<semaphore_mem>>)
    }
    %scan3A_204 = arith.constant 5 : i32
    %scan3A_205 = arith.constant 0 : i32
    %scan3A_206 = arith.constant 0 : i32
    %scan3A_207 = arith.constant 40 : i32
    %scan3A_208 = arith.addi %scan3A_206, %scan3A_207 : i32
    %scan3A_209 = arith.constant 1 : i32
    scf.for %scan3A_640 = %scan3A_206 to %scan3A_208 step %scan3A_209  : i32 {
      %dma_wait3A_641 = arith.constant 0 : i32
      %dma_wait3A_642 = arith.constant 0 : i32
      %dma_wait3A_643 = arith.constant 0 : i32
      %dma_wait3A_644 = tpu.memref_slice %arg7[%dma_wait3A_642, %dma_wait3A_643] : memref<15x50xi32, #tpu.memory_space<vmem>> -> memref<5x50xi32, #tpu.memory_space<vmem>>
      %dma_wait3A_645 = arith.constant 0 : i32
      %dma_wait3A_646 = arith.constant 0 : i32
      %dma_wait3A_647 = arith.constant 0 : i32
      %dma_wait3A_648 = tpu.memref_slice %arg3[%arg1, %dma_wait3A_645, %dma_wait3A_646, %dma_wait3A_647] : memref<16x40x5x50xi32, #tpu.memory_space<hbm>> -> memref<1x40x5x50xi32, #tpu.memory_space<hbm>>
      %dma_wait3A_649 = tpu.memref_squeeze %dma_wait3A_648 : memref<1x40x5x50xi32, #tpu.memory_space<hbm>> -> memref<40x5x50xi32, #tpu.memory_space<hbm>>
      %dma_wait3A_650 = arith.constant 0 : i32
      %dma_wait3A_651 = arith.constant 0 : i32
      %dma_wait3A_652 = tpu.memref_slice %dma_wait3A_649[%dma_wait3A_641, %dma_wait3A_650, %dma_wait3A_651] : memref<40x5x50xi32, #tpu.memory_space<hbm>> -> memref<1x5x50xi32, #tpu.memory_space<hbm>>
      %dma_wait3A_653 = tpu.memref_squeeze %dma_wait3A_652 : memref<1x5x50xi32, #tpu.memory_space<hbm>> -> memref<5x50xi32, #tpu.memory_space<hbm>>
      %dma_wait3A_654 = arith.constant 0 : i32
      %dma_wait3A_655 = arith.constant 0 : i32
      %dma_wait3A_656 = tpu.memref_slice %arg7[%dma_wait3A_654, %dma_wait3A_655] : memref<15x50xi32, #tpu.memory_space<vmem>> -> memref<5x50xi32, #tpu.memory_space<vmem>>
      %dma_wait3A_657 = arith.constant 0 : i32
      %dma_wait3A_658 = arith.constant 0 : i32
      %dma_wait3A_659 = arith.constant 0 : i32
      %dma_wait3A_660 = tpu.memref_slice %arg3[%arg1, %dma_wait3A_657, %dma_wait3A_658, %dma_wait3A_659] : memref<16x40x5x50xi32, #tpu.memory_space<hbm>> -> memref<1x40x5x50xi32, #tpu.memory_space<hbm>>
      %dma_wait3A_661 = tpu.memref_squeeze %dma_wait3A_660 : memref<1x40x5x50xi32, #tpu.memory_space<hbm>> -> memref<40x5x50xi32, #tpu.memory_space<hbm>>
      %dma_wait3A_662 = arith.constant 0 : i32
      %dma_wait3A_663 = arith.constant 0 : i32
      %dma_wait3A_664 = tpu.memref_slice %dma_wait3A_661[%dma_wait3A_641, %dma_wait3A_662, %dma_wait3A_663] : memref<40x5x50xi32, #tpu.memory_space<hbm>> -> memref<1x5x50xi32, #tpu.memory_space<hbm>>
      %dma_wait3A_665 = tpu.memref_squeeze %dma_wait3A_664 : memref<1x5x50xi32, #tpu.memory_space<hbm>> -> memref<5x50xi32, #tpu.memory_space<hbm>>
      tpu.wait_dma2 semaphore(%arg12 : memref<!tpu.dma_semaphore, #tpu.memory_space<semaphore_mem>>) src(%dma_wait3A_665 : memref<5x50xi32, #tpu.memory_space<hbm>>) dst(%dma_wait3A_656 : memref<5x50xi32, #tpu.memory_space<vmem>>)
      %dma_wait3A_666 = arith.constant 0 : i32
      %dma_wait3A_667 = arith.constant 0 : i32
      %dma_wait3A_668 = arith.constant 0 : i32
      %dma_wait3A_669 = tpu.memref_slice %arg8[%dma_wait3A_667, %dma_wait3A_668] : memref<15x50xi32, #tpu.memory_space<vmem>> -> memref<5x50xi32, #tpu.memory_space<vmem>>
      %dma_wait3A_670 = arith.constant 0 : i32
      %dma_wait3A_671 = arith.constant 0 : i32
      %dma_wait3A_672 = arith.constant 0 : i32
      %dma_wait3A_673 = tpu.memref_slice %arg4[%arg1, %dma_wait3A_670, %dma_wait3A_671, %dma_wait3A_672] : memref<16x40x5x50xi32, #tpu.memory_space<hbm>> -> memref<1x40x5x50xi32, #tpu.memory_space<hbm>>
      %dma_wait3A_674 = tpu.memref_squeeze %dma_wait3A_673 : memref<1x40x5x50xi32, #tpu.memory_space<hbm>> -> memref<40x5x50xi32, #tpu.memory_space<hbm>>
      %dma_wait3A_675 = arith.constant 0 : i32
      %dma_wait3A_676 = arith.constant 0 : i32
      %dma_wait3A_677 = tpu.memref_slice %dma_wait3A_674[%dma_wait3A_666, %dma_wait3A_675, %dma_wait3A_676] : memref<40x5x50xi32, #tpu.memory_space<hbm>> -> memref<1x5x50xi32, #tpu.memory_space<hbm>>
      %dma_wait3A_678 = tpu.memref_squeeze %dma_wait3A_677 : memref<1x5x50xi32, #tpu.memory_space<hbm>> -> memref<5x50xi32, #tpu.memory_space<hbm>>
      %dma_wait3A_679 = arith.constant 0 : i32
      %dma_wait3A_680 = arith.constant 0 : i32
      %dma_wait3A_681 = tpu.memref_slice %arg8[%dma_wait3A_679, %dma_wait3A_680] : memref<15x50xi32, #tpu.memory_space<vmem>> -> memref<5x50xi32, #tpu.memory_space<vmem>>
      %dma_wait3A_682 = arith.constant 0 : i32
      %dma_wait3A_683 = arith.constant 0 : i32
      %dma_wait3A_684 = arith.constant 0 : i32
      %dma_wait3A_685 = tpu.memref_slice %arg4[%arg1, %dma_wait3A_682, %dma_wait3A_683, %dma_wait3A_684] : memref<16x40x5x50xi32, #tpu.memory_space<hbm>> -> memref<1x40x5x50xi32, #tpu.memory_space<hbm>>
      %dma_wait3A_686 = tpu.memref_squeeze %dma_wait3A_685 : memref<1x40x5x50xi32, #tpu.memory_space<hbm>> -> memref<40x5x50xi32, #tpu.memory_space<hbm>>
      %dma_wait3A_687 = arith.constant 0 : i32
      %dma_wait3A_688 = arith.constant 0 : i32
      %dma_wait3A_689 = tpu.memref_slice %dma_wait3A_686[%dma_wait3A_666, %dma_wait3A_687, %dma_wait3A_688] : memref<40x5x50xi32, #tpu.memory_space<hbm>> -> memref<1x5x50xi32, #tpu.memory_space<hbm>>
      %dma_wait3A_690 = tpu.memref_squeeze %dma_wait3A_689 : memref<1x5x50xi32, #tpu.memory_space<hbm>> -> memref<5x50xi32, #tpu.memory_space<hbm>>
      tpu.wait_dma2 semaphore(%arg12 : memref<!tpu.dma_semaphore, #tpu.memory_space<semaphore_mem>>) src(%dma_wait3A_690 : memref<5x50xi32, #tpu.memory_space<hbm>>) dst(%dma_wait3A_681 : memref<5x50xi32, #tpu.memory_space<vmem>>)
      %jit3A = arith.constant 3 : i32
      %eq3A = arith.constant 0 : i32
      %eq3A_691 = arith.cmpi eq, %jit3A, %eq3A : i32
      %jit3A_692 = arith.constant 1 : i32
      %select_n3A = arith.select %eq3A_691, %jit3A_692, %jit3A : i32
      %rem3A = arith.remsi %scan3A_640, %select_n3A : i32
      %ne3A = arith.constant 0 : i32
      %ne3A_693 = arith.cmpi ne, %rem3A, %ne3A : i32
      %lt3A = arith.constant 0 : i32
      %lt3A_694 = arith.cmpi slt, %rem3A, %lt3A : i32
      %lt3A_695 = arith.constant 0 : i32
      %lt3A_696 = arith.cmpi slt, %select_n3A, %lt3A_695 : i32
      %ne3A_697 = arith.xori %lt3A_694, %lt3A_696 : i1
      %and3A = arith.andi %ne3A_697, %ne3A_693 : i1
      %add3A_698 = arith.addi %rem3A, %select_n3A : i32
      %select_n3A_699 = arith.select %and3A, %add3A_698, %rem3A : i32
      %mul3A_700 = arith.constant 5 : i32
      %mul3A_701 = arith.muli %select_n3A_699, %mul3A_700 : i32
      %add3A_702 = arith.constant 1 : i32
      %add3A_703 = arith.addi %scan3A_640, %add3A_702 : i32
      %jit3A_704 = arith.constant 3 : i32
      %eq3A_705 = arith.constant 0 : i32
      %eq3A_706 = arith.cmpi eq, %jit3A_704, %eq3A_705 : i32
      %jit3A_707 = arith.constant 1 : i32
      %select_n3A_708 = arith.select %eq3A_706, %jit3A_707, %jit3A_704 : i32
      %rem3A_709 = arith.remsi %add3A_703, %select_n3A_708 : i32
      %ne3A_710 = arith.constant 0 : i32
      %ne3A_711 = arith.cmpi ne, %rem3A_709, %ne3A_710 : i32
      %lt3A_712 = arith.constant 0 : i32
      %lt3A_713 = arith.cmpi slt, %rem3A_709, %lt3A_712 : i32
      %lt3A_714 = arith.constant 0 : i32
      %lt3A_715 = arith.cmpi slt, %select_n3A_708, %lt3A_714 : i32
      %ne3A_716 = arith.xori %lt3A_713, %lt3A_715 : i1
      %and3A_717 = arith.andi %ne3A_716, %ne3A_711 : i1
      %add3A_718 = arith.addi %rem3A_709, %select_n3A_708 : i32
      %select_n3A_719 = arith.select %and3A_717, %add3A_718, %rem3A_709 : i32
      %mul3A_720 = arith.constant 5 : i32
      %mul3A_721 = arith.muli %select_n3A_719, %mul3A_720 : i32
      %scan3A_722 = arith.constant 0 : i32
      %scan3A_723 = arith.constant 0 : i32
      %scan3A_724 = arith.constant 5 : i32
      %scan3A_725 = arith.addi %scan3A_723, %scan3A_724 : i32
      %scan3A_726 = arith.constant 1 : i32
      scf.for %scan3A_795 = %scan3A_723 to %scan3A_725 step %scan3A_726  : i32 {
        %add3A_796 = arith.addi %mul3A_701, %scan3A_795 : i32
        %dma_wait3A_797 = arith.constant 0 : i32
        %dma_wait3A_798 = arith.constant 0 : i32
        %dma_wait3A_799 = tpu.memref_slice %arg9[%scan3A_795, %dma_wait3A_797, %dma_wait3A_798] : memref<5x50x128xf32, #tpu.memory_space<vmem>> -> memref<1x50x128xf32, #tpu.memory_space<vmem>>
        %dma_wait3A_800 = tpu.memref_squeeze %dma_wait3A_799 : memref<1x50x128xf32, #tpu.memory_space<vmem>> -> memref<50x128xf32, #tpu.memory_space<vmem>>
        %dma_wait3A_801 = arith.constant 0 : i32
        %dma_wait3A_802 = tpu.memref_slice %arg7[%add3A_796, %dma_wait3A_801] : memref<15x50xi32, #tpu.memory_space<vmem>> -> memref<1x50xi32, #tpu.memory_space<vmem>>
        %dma_wait3A_803 = tpu.memref_squeeze %dma_wait3A_802 : memref<1x50xi32, #tpu.memory_space<vmem>> -> memref<50xi32, #tpu.memory_space<vmem>>
        %dma_wait3A_804 = arith.constant 0 : i32
        %dma_wait3A_805 = arith.constant 0 : i32
        %dma_wait3A_806 = tpu.memref_slice %arg2[%add3A_1, %dma_wait3A_804, %dma_wait3A_805] : memref<4x10000x128xf32, #tpu.memory_space<hbm>> -> memref<1x10000x128xf32, #tpu.memory_space<hbm>>
        %dma_wait3A_807 = tpu.memref_squeeze %dma_wait3A_806 : memref<1x10000x128xf32, #tpu.memory_space<hbm>> -> memref<10000x128xf32, #tpu.memory_space<hbm>>
        %dma_wait3A_808 = arith.constant 0 : i32
        %dma_wait3A_809 = arith.constant 0 : i32
        %dma_wait3A_810 = tpu.memref_slice %dma_wait3A_807[%dma_wait3A_808, %dma_wait3A_809] : memref<10000x128xf32, #tpu.memory_space<hbm>> -> memref<10000x128xf32, #tpu.memory_space<hbm>>
        tpu.wait_indirect_dma semaphore(%arg11 : memref<!tpu.dma_semaphore, #tpu.memory_space<semaphore_mem>>) src(%dma_wait3A_810 : memref<10000x128xf32, #tpu.memory_space<hbm>>) dst(%dma_wait3A_800 : memref<50x128xf32, #tpu.memory_space<vmem>>)
        %add3A_811 = arith.addi %mul3A_701, %scan3A_795 : i32
        "tpu.region"() ({
          %run_scoped3A = tpu.sem_alloc : memref<!tpu.dma_semaphore, #tpu.memory_space<semaphore_mem>>
          %dma_start3A_827 = arith.constant 0 : i32
          %dma_start3A_828 = arith.constant 0 : i32
          %dma_start3A_829 = tpu.memref_slice %arg9[%scan3A_795, %dma_start3A_827, %dma_start3A_828] : memref<5x50x128xf32, #tpu.memory_space<vmem>> -> memref<1x50x128xf32, #tpu.memory_space<vmem>>
          %dma_start3A_830 = tpu.memref_squeeze %dma_start3A_829 : memref<1x50x128xf32, #tpu.memory_space<vmem>> -> memref<50x128xf32, #tpu.memory_space<vmem>>
          %dma_start3A_831 = arith.constant 0 : i32
          %dma_start3A_832 = tpu.memref_slice %arg8[%add3A_811, %dma_start3A_831] : memref<15x50xi32, #tpu.memory_space<vmem>> -> memref<1x50xi32, #tpu.memory_space<vmem>>
          %dma_start3A_833 = tpu.memref_squeeze %dma_start3A_832 : memref<1x50xi32, #tpu.memory_space<vmem>> -> memref<50xi32, #tpu.memory_space<vmem>>
          %dma_start3A_834 = arith.constant 0 : i32
          %dma_start3A_835 = arith.constant 0 : i32
          %dma_start3A_836 = tpu.memref_slice %arg10[%dma_start3A_834, %dma_start3A_835] : memref<10240x128xf32, #tpu.memory_space<vmem_shared>> -> memref<10240x128xf32, #tpu.memory_space<vmem_shared>>
          tpu.enqueue_indirect_dma source(%dma_start3A_830 : memref<50x128xf32, #tpu.memory_space<vmem>>) target(%dma_start3A_836 : memref<10240x128xf32, #tpu.memory_space<vmem_shared>>) offsets(%dma_start3A_833 : memref<50xi32, #tpu.memory_space<vmem>>) semaphore(%run_scoped3A : memref<!tpu.dma_semaphore, #tpu.memory_space<semaphore_mem>>) {add = true}
          %dma_wait3A_837 = arith.constant 0 : i32
          %dma_wait3A_838 = arith.constant 0 : i32
          %dma_wait3A_839 = tpu.memref_slice %arg9[%scan3A_795, %dma_wait3A_837, %dma_wait3A_838] : memref<5x50x128xf32, #tpu.memory_space<vmem>> -> memref<1x50x128xf32, #tpu.memory_space<vmem>>
          %dma_wait3A_840 = tpu.memref_squeeze %dma_wait3A_839 : memref<1x50x128xf32, #tpu.memory_space<vmem>> -> memref<50x128xf32, #tpu.memory_space<vmem>>
          %dma_wait3A_841 = arith.constant 0 : i32
          %dma_wait3A_842 = tpu.memref_slice %arg8[%add3A_811, %dma_wait3A_841] : memref<15x50xi32, #tpu.memory_space<vmem>> -> memref<1x50xi32, #tpu.memory_space<vmem>>
          %dma_wait3A_843 = tpu.memref_squeeze %dma_wait3A_842 : memref<1x50xi32, #tpu.memory_space<vmem>> -> memref<50xi32, #tpu.memory_space<vmem>>
          %dma_wait3A_844 = arith.constant 0 : i32
          %dma_wait3A_845 = arith.constant 0 : i32
          %dma_wait3A_846 = tpu.memref_slice %arg10[%dma_wait3A_844, %dma_wait3A_845] : memref<10240x128xf32, #tpu.memory_space<vmem_shared>> -> memref<10240x128xf32, #tpu.memory_space<vmem_shared>>
          tpu.wait_indirect_dma semaphore(%run_scoped3A : memref<!tpu.dma_semaphore, #tpu.memory_space<semaphore_mem>>) src(%dma_wait3A_840 : memref<50x128xf32, #tpu.memory_space<vmem>>) dst(%dma_wait3A_846 : memref<10240x128xf32, #tpu.memory_space<vmem_shared>>)
          tpu.yield
        }) : () -> ()
        %add3A_812 = arith.addi %mul3A_721, %scan3A_795 : i32
        %dma_start3A_813 = arith.constant 0 : i32
        %dma_start3A_814 = arith.constant 0 : i32
        %dma_start3A_815 = tpu.memref_slice %arg9[%scan3A_795, %dma_start3A_813, %dma_start3A_814] : memref<5x50x128xf32, #tpu.memory_space<vmem>> -> memref<1x50x128xf32, #tpu.memory_space<vmem>>
        %dma_start3A_816 = tpu.memref_squeeze %dma_start3A_815 : memref<1x50x128xf32, #tpu.memory_space<vmem>> -> memref<50x128xf32, #tpu.memory_space<vmem>>
        %dma_start3A_817 = arith.constant 0 : i32
        %dma_start3A_818 = tpu.memref_slice %arg7[%add3A_812, %dma_start3A_817] : memref<15x50xi32, #tpu.memory_space<vmem>> -> memref<1x50xi32, #tpu.memory_space<vmem>>
        %dma_start3A_819 = tpu.memref_squeeze %dma_start3A_818 : memref<1x50xi32, #tpu.memory_space<vmem>> -> memref<50xi32, #tpu.memory_space<vmem>>
        %dma_start3A_820 = arith.constant 0 : i32
        %dma_start3A_821 = arith.constant 0 : i32
        %dma_start3A_822 = tpu.memref_slice %arg2[%add3A_1, %dma_start3A_820, %dma_start3A_821] : memref<4x10000x128xf32, #tpu.memory_space<hbm>> -> memref<1x10000x128xf32, #tpu.memory_space<hbm>>
        %dma_start3A_823 = tpu.memref_squeeze %dma_start3A_822 : memref<1x10000x128xf32, #tpu.memory_space<hbm>> -> memref<10000x128xf32, #tpu.memory_space<hbm>>
        %dma_start3A_824 = arith.constant 0 : i32
        %dma_start3A_825 = arith.constant 0 : i32
        %dma_start3A_826 = tpu.memref_slice %dma_start3A_823[%dma_start3A_824, %dma_start3A_825] : memref<10000x128xf32, #tpu.memory_space<hbm>> -> memref<10000x128xf32, #tpu.memory_space<hbm>>
        tpu.enqueue_indirect_dma source(%dma_start3A_826 : memref<10000x128xf32, #tpu.memory_space<hbm>>) target(%dma_start3A_816 : memref<50x128xf32, #tpu.memory_space<vmem>>) offsets(%dma_start3A_819 : memref<50xi32, #tpu.memory_space<vmem>>) semaphore(%arg11 : memref<!tpu.dma_semaphore, #tpu.memory_space<semaphore_mem>>)
      }
      %scan3A_727 = arith.constant 5 : i32
      %add3A_728 = arith.constant 3 : i32
      %add3A_729 = arith.addi %scan3A_640, %add3A_728 : i32
      %min3A = arith.constant 39 : i32
      %min3A_730 = arith.minsi %add3A_729, %min3A : i32
      %jit3A_731 = arith.constant 3 : i32
      %eq3A_732 = arith.constant 0 : i32
      %eq3A_733 = arith.cmpi eq, %jit3A_731, %eq3A_732 : i32
      %jit3A_734 = arith.constant 1 : i32
      %select_n3A_735 = arith.select %eq3A_733, %jit3A_734, %jit3A_731 : i32
      %rem3A_736 = arith.remsi %scan3A_640, %select_n3A_735 : i32
      %ne3A_737 = arith.constant 0 : i32
      %ne3A_738 = arith.cmpi ne, %rem3A_736, %ne3A_737 : i32
      %lt3A_739 = arith.constant 0 : i32
      %lt3A_740 = arith.cmpi slt, %rem3A_736, %lt3A_739 : i32
      %lt3A_741 = arith.constant 0 : i32
      %lt3A_742 = arith.cmpi slt, %select_n3A_735, %lt3A_741 : i32
      %ne3A_743 = arith.xori %lt3A_740, %lt3A_742 : i1
      %and3A_744 = arith.andi %ne3A_743, %ne3A_738 : i1
      %add3A_745 = arith.addi %rem3A_736, %select_n3A_735 : i32
      %select_n3A_746 = arith.select %and3A_744, %add3A_745, %rem3A_736 : i32
      %mul3A_747 = arith.constant 5 : i32
      %mul3A_748 = arith.muli %select_n3A_746, %mul3A_747 : i32
      %dma_start3A_749 = arith.constant 0 : i32
      %dma_start3A_750 = tpu.memref_slice %arg7[%mul3A_748, %dma_start3A_749] : memref<15x50xi32, #tpu.memory_space<vmem>> -> memref<5x50xi32, #tpu.memory_space<vmem>>
      %dma_start3A_751 = arith.constant 0 : i32
      %dma_start3A_752 = arith.constant 0 : i32
      %dma_start3A_753 = arith.constant 0 : i32
      %dma_start3A_754 = tpu.memref_slice %arg3[%arg1, %dma_start3A_751, %dma_start3A_752, %dma_start3A_753] : memref<16x40x5x50xi32, #tpu.memory_space<hbm>> -> memref<1x40x5x50xi32, #tpu.memory_space<hbm>>
      %dma_start3A_755 = tpu.memref_squeeze %dma_start3A_754 : memref<1x40x5x50xi32, #tpu.memory_space<hbm>> -> memref<40x5x50xi32, #tpu.memory_space<hbm>>
      %dma_start3A_756 = arith.constant 0 : i32
      %dma_start3A_757 = arith.constant 0 : i32
      %dma_start3A_758 = tpu.memref_slice %dma_start3A_755[%min3A_730, %dma_start3A_756, %dma_start3A_757] : memref<40x5x50xi32, #tpu.memory_space<hbm>> -> memref<1x5x50xi32, #tpu.memory_space<hbm>>
      %dma_start3A_759 = tpu.memref_squeeze %dma_start3A_758 : memref<1x5x50xi32, #tpu.memory_space<hbm>> -> memref<5x50xi32, #tpu.memory_space<hbm>>
      %dma_start3A_760 = arith.constant 0 : i32
      %dma_start3A_761 = tpu.memref_slice %arg7[%mul3A_748, %dma_start3A_760] : memref<15x50xi32, #tpu.memory_space<vmem>> -> memref<5x50xi32, #tpu.memory_space<vmem>>
      %dma_start3A_762 = arith.constant 0 : i32
      %dma_start3A_763 = arith.constant 0 : i32
      %dma_start3A_764 = arith.constant 0 : i32
      %dma_start3A_765 = tpu.memref_slice %arg3[%arg1, %dma_start3A_762, %dma_start3A_763, %dma_start3A_764] : memref<16x40x5x50xi32, #tpu.memory_space<hbm>> -> memref<1x40x5x50xi32, #tpu.memory_space<hbm>>
      %dma_start3A_766 = tpu.memref_squeeze %dma_start3A_765 : memref<1x40x5x50xi32, #tpu.memory_space<hbm>> -> memref<40x5x50xi32, #tpu.memory_space<hbm>>
      %dma_start3A_767 = arith.constant 0 : i32
      %dma_start3A_768 = arith.constant 0 : i32
      %dma_start3A_769 = tpu.memref_slice %dma_start3A_766[%min3A_730, %dma_start3A_767, %dma_start3A_768] : memref<40x5x50xi32, #tpu.memory_space<hbm>> -> memref<1x5x50xi32, #tpu.memory_space<hbm>>
      %dma_start3A_770 = tpu.memref_squeeze %dma_start3A_769 : memref<1x5x50xi32, #tpu.memory_space<hbm>> -> memref<5x50xi32, #tpu.memory_space<hbm>>
      tpu.enqueue_dma source(%dma_start3A_770 : memref<5x50xi32, #tpu.memory_space<hbm>>) target(%dma_start3A_761 : memref<5x50xi32, #tpu.memory_space<vmem>>) target_semaphore(%arg12 : memref<!tpu.dma_semaphore, #tpu.memory_space<semaphore_mem>>)
      %mul3A_771 = arith.constant 5 : i32
      %mul3A_772 = arith.muli %select_n3A_746, %mul3A_771 : i32
      %dma_start3A_773 = arith.constant 0 : i32
      %dma_start3A_774 = tpu.memref_slice %arg8[%mul3A_772, %dma_start3A_773] : memref<15x50xi32, #tpu.memory_space<vmem>> -> memref<5x50xi32, #tpu.memory_space<vmem>>
      %dma_start3A_775 = arith.constant 0 : i32
      %dma_start3A_776 = arith.constant 0 : i32
      %dma_start3A_777 = arith.constant 0 : i32
      %dma_start3A_778 = tpu.memref_slice %arg4[%arg1, %dma_start3A_775, %dma_start3A_776, %dma_start3A_777] : memref<16x40x5x50xi32, #tpu.memory_space<hbm>> -> memref<1x40x5x50xi32, #tpu.memory_space<hbm>>
      %dma_start3A_779 = tpu.memref_squeeze %dma_start3A_778 : memref<1x40x5x50xi32, #tpu.memory_space<hbm>> -> memref<40x5x50xi32, #tpu.memory_space<hbm>>
      %dma_start3A_780 = arith.constant 0 : i32
      %dma_start3A_781 = arith.constant 0 : i32
      %dma_start3A_782 = tpu.memref_slice %dma_start3A_779[%min3A_730, %dma_start3A_780, %dma_start3A_781] : memref<40x5x50xi32, #tpu.memory_space<hbm>> -> memref<1x5x50xi32, #tpu.memory_space<hbm>>
      %dma_start3A_783 = tpu.memref_squeeze %dma_start3A_782 : memref<1x5x50xi32, #tpu.memory_space<hbm>> -> memref<5x50xi32, #tpu.memory_space<hbm>>
      %dma_start3A_784 = arith.constant 0 : i32
      %dma_start3A_785 = tpu.memref_slice %arg8[%mul3A_772, %dma_start3A_784] : memref<15x50xi32, #tpu.memory_space<vmem>> -> memref<5x50xi32, #tpu.memory_space<vmem>>
      %dma_start3A_786 = arith.constant 0 : i32
      %dma_start3A_787 = arith.constant 0 : i32
      %dma_start3A_788 = arith.constant 0 : i32
      %dma_start3A_789 = tpu.memref_slice %arg4[%arg1, %dma_start3A_786, %dma_start3A_787, %dma_start3A_788] : memref<16x40x5x50xi32, #tpu.memory_space<hbm>> -> memref<1x40x5x50xi32, #tpu.memory_space<hbm>>
      %dma_start3A_790 = tpu.memref_squeeze %dma_start3A_789 : memref<1x40x5x50xi32, #tpu.memory_space<hbm>> -> memref<40x5x50xi32, #tpu.memory_space<hbm>>
      %dma_start3A_791 = arith.constant 0 : i32
      %dma_start3A_792 = arith.constant 0 : i32
      %dma_start3A_793 = tpu.memref_slice %dma_start3A_790[%min3A_730, %dma_start3A_791, %dma_start3A_792] : memref<40x5x50xi32, #tpu.memory_space<hbm>> -> memref<1x5x50xi32, #tpu.memory_space<hbm>>
      %dma_start3A_794 = tpu.memref_squeeze %dma_start3A_793 : memref<1x5x50xi32, #tpu.memory_space<hbm>> -> memref<5x50xi32, #tpu.memory_space<hbm>>
      tpu.enqueue_dma source(%dma_start3A_794 : memref<5x50xi32, #tpu.memory_space<hbm>>) target(%dma_start3A_785 : memref<5x50xi32, #tpu.memory_space<vmem>>) target_semaphore(%arg12 : memref<!tpu.dma_semaphore, #tpu.memory_space<semaphore_mem>>)
    }
    %scan3A_210 = arith.constant 40 : i32
    %dma_wait3A_211 = arith.constant 0 : i32
    %dma_wait3A_212 = arith.constant 0 : i32
    %dma_wait3A_213 = arith.constant 0 : i32
    %dma_wait3A_214 = tpu.memref_slice %arg7[%dma_wait3A_212, %dma_wait3A_213] : memref<15x50xi32, #tpu.memory_space<vmem>> -> memref<5x50xi32, #tpu.memory_space<vmem>>
    %dma_wait3A_215 = arith.constant 0 : i32
    %dma_wait3A_216 = arith.constant 0 : i32
    %dma_wait3A_217 = arith.constant 0 : i32
    %dma_wait3A_218 = tpu.memref_slice %arg3[%arg1, %dma_wait3A_215, %dma_wait3A_216, %dma_wait3A_217] : memref<16x40x5x50xi32, #tpu.memory_space<hbm>> -> memref<1x40x5x50xi32, #tpu.memory_space<hbm>>
    %dma_wait3A_219 = tpu.memref_squeeze %dma_wait3A_218 : memref<1x40x5x50xi32, #tpu.memory_space<hbm>> -> memref<40x5x50xi32, #tpu.memory_space<hbm>>
    %dma_wait3A_220 = arith.constant 0 : i32
    %dma_wait3A_221 = arith.constant 0 : i32
    %dma_wait3A_222 = tpu.memref_slice %dma_wait3A_219[%dma_wait3A_211, %dma_wait3A_220, %dma_wait3A_221] : memref<40x5x50xi32, #tpu.memory_space<hbm>> -> memref<1x5x50xi32, #tpu.memory_space<hbm>>
    %dma_wait3A_223 = tpu.memref_squeeze %dma_wait3A_222 : memref<1x5x50xi32, #tpu.memory_space<hbm>> -> memref<5x50xi32, #tpu.memory_space<hbm>>
    %dma_wait3A_224 = arith.constant 0 : i32
    %dma_wait3A_225 = arith.constant 0 : i32
    %dma_wait3A_226 = tpu.memref_slice %arg7[%dma_wait3A_224, %dma_wait3A_225] : memref<15x50xi32, #tpu.memory_space<vmem>> -> memref<5x50xi32, #tpu.memory_space<vmem>>
    %dma_wait3A_227 = arith.constant 0 : i32
    %dma_wait3A_228 = arith.constant 0 : i32
    %dma_wait3A_229 = arith.constant 0 : i32
    %dma_wait3A_230 = tpu.memref_slice %arg3[%arg1, %dma_wait3A_227, %dma_wait3A_228, %dma_wait3A_229] : memref<16x40x5x50xi32, #tpu.memory_space<hbm>> -> memref<1x40x5x50xi32, #tpu.memory_space<hbm>>
    %dma_wait3A_231 = tpu.memref_squeeze %dma_wait3A_230 : memref<1x40x5x50xi32, #tpu.memory_space<hbm>> -> memref<40x5x50xi32, #tpu.memory_space<hbm>>
    %dma_wait3A_232 = arith.constant 0 : i32
    %dma_wait3A_233 = arith.constant 0 : i32
    %dma_wait3A_234 = tpu.memref_slice %dma_wait3A_231[%dma_wait3A_211, %dma_wait3A_232, %dma_wait3A_233] : memref<40x5x50xi32, #tpu.memory_space<hbm>> -> memref<1x5x50xi32, #tpu.memory_space<hbm>>
    %dma_wait3A_235 = tpu.memref_squeeze %dma_wait3A_234 : memref<1x5x50xi32, #tpu.memory_space<hbm>> -> memref<5x50xi32, #tpu.memory_space<hbm>>
    tpu.wait_dma2 semaphore(%arg12 : memref<!tpu.dma_semaphore, #tpu.memory_space<semaphore_mem>>) src(%dma_wait3A_235 : memref<5x50xi32, #tpu.memory_space<hbm>>) dst(%dma_wait3A_226 : memref<5x50xi32, #tpu.memory_space<vmem>>)
    %dma_wait3A_236 = arith.constant 0 : i32
    %dma_wait3A_237 = arith.constant 0 : i32
    %dma_wait3A_238 = arith.constant 0 : i32
    %dma_wait3A_239 = tpu.memref_slice %arg8[%dma_wait3A_237, %dma_wait3A_238] : memref<15x50xi32, #tpu.memory_space<vmem>> -> memref<5x50xi32, #tpu.memory_space<vmem>>
    %dma_wait3A_240 = arith.constant 0 : i32
    %dma_wait3A_241 = arith.constant 0 : i32
    %dma_wait3A_242 = arith.constant 0 : i32
    %dma_wait3A_243 = tpu.memref_slice %arg4[%arg1, %dma_wait3A_240, %dma_wait3A_241, %dma_wait3A_242] : memref<16x40x5x50xi32, #tpu.memory_space<hbm>> -> memref<1x40x5x50xi32, #tpu.memory_space<hbm>>
    %dma_wait3A_244 = tpu.memref_squeeze %dma_wait3A_243 : memref<1x40x5x50xi32, #tpu.memory_space<hbm>> -> memref<40x5x50xi32, #tpu.memory_space<hbm>>
    %dma_wait3A_245 = arith.constant 0 : i32
    %dma_wait3A_246 = arith.constant 0 : i32
    %dma_wait3A_247 = tpu.memref_slice %dma_wait3A_244[%dma_wait3A_236, %dma_wait3A_245, %dma_wait3A_246] : memref<40x5x50xi32, #tpu.memory_space<hbm>> -> memref<1x5x50xi32, #tpu.memory_space<hbm>>
    %dma_wait3A_248 = tpu.memref_squeeze %dma_wait3A_247 : memref<1x5x50xi32, #tpu.memory_space<hbm>> -> memref<5x50xi32, #tpu.memory_space<hbm>>
    %dma_wait3A_249 = arith.constant 0 : i32
    %dma_wait3A_250 = arith.constant 0 : i32
    %dma_wait3A_251 = tpu.memref_slice %arg8[%dma_wait3A_249, %dma_wait3A_250] : memref<15x50xi32, #tpu.memory_space<vmem>> -> memref<5x50xi32, #tpu.memory_space<vmem>>
    %dma_wait3A_252 = arith.constant 0 : i32
    %dma_wait3A_253 = arith.constant 0 : i32
    %dma_wait3A_254 = arith.constant 0 : i32
    %dma_wait3A_255 = tpu.memref_slice %arg4[%arg1, %dma_wait3A_252, %dma_wait3A_253, %dma_wait3A_254] : memref<16x40x5x50xi32, #tpu.memory_space<hbm>> -> memref<1x40x5x50xi32, #tpu.memory_space<hbm>>
    %dma_wait3A_256 = tpu.memref_squeeze %dma_wait3A_255 : memref<1x40x5x50xi32, #tpu.memory_space<hbm>> -> memref<40x5x50xi32, #tpu.memory_space<hbm>>
    %dma_wait3A_257 = arith.constant 0 : i32
    %dma_wait3A_258 = arith.constant 0 : i32
    %dma_wait3A_259 = tpu.memref_slice %dma_wait3A_256[%dma_wait3A_236, %dma_wait3A_257, %dma_wait3A_258] : memref<40x5x50xi32, #tpu.memory_space<hbm>> -> memref<1x5x50xi32, #tpu.memory_space<hbm>>
    %dma_wait3A_260 = tpu.memref_squeeze %dma_wait3A_259 : memref<1x5x50xi32, #tpu.memory_space<hbm>> -> memref<5x50xi32, #tpu.memory_space<hbm>>
    tpu.wait_dma2 semaphore(%arg12 : memref<!tpu.dma_semaphore, #tpu.memory_space<semaphore_mem>>) src(%dma_wait3A_260 : memref<5x50xi32, #tpu.memory_space<hbm>>) dst(%dma_wait3A_251 : memref<5x50xi32, #tpu.memory_space<vmem>>)
    %dma_wait3A_261 = arith.constant 0 : i32
    %dma_wait3A_262 = arith.constant 0 : i32
    %dma_wait3A_263 = arith.constant 0 : i32
    %dma_wait3A_264 = tpu.memref_slice %arg7[%dma_wait3A_262, %dma_wait3A_263] : memref<15x50xi32, #tpu.memory_space<vmem>> -> memref<5x50xi32, #tpu.memory_space<vmem>>
    %dma_wait3A_265 = arith.constant 0 : i32
    %dma_wait3A_266 = arith.constant 0 : i32
    %dma_wait3A_267 = arith.constant 0 : i32
    %dma_wait3A_268 = tpu.memref_slice %arg3[%arg1, %dma_wait3A_265, %dma_wait3A_266, %dma_wait3A_267] : memref<16x40x5x50xi32, #tpu.memory_space<hbm>> -> memref<1x40x5x50xi32, #tpu.memory_space<hbm>>
    %dma_wait3A_269 = tpu.memref_squeeze %dma_wait3A_268 : memref<1x40x5x50xi32, #tpu.memory_space<hbm>> -> memref<40x5x50xi32, #tpu.memory_space<hbm>>
    %dma_wait3A_270 = arith.constant 0 : i32
    %dma_wait3A_271 = arith.constant 0 : i32
    %dma_wait3A_272 = tpu.memref_slice %dma_wait3A_269[%dma_wait3A_261, %dma_wait3A_270, %dma_wait3A_271] : memref<40x5x50xi32, #tpu.memory_space<hbm>> -> memref<1x5x50xi32, #tpu.memory_space<hbm>>
    %dma_wait3A_273 = tpu.memref_squeeze %dma_wait3A_272 : memref<1x5x50xi32, #tpu.memory_space<hbm>> -> memref<5x50xi32, #tpu.memory_space<hbm>>
    %dma_wait3A_274 = arith.constant 0 : i32
    %dma_wait3A_275 = arith.constant 0 : i32
    %dma_wait3A_276 = tpu.memref_slice %arg7[%dma_wait3A_274, %dma_wait3A_275] : memref<15x50xi32, #tpu.memory_space<vmem>> -> memref<5x50xi32, #tpu.memory_space<vmem>>
    %dma_wait3A_277 = arith.constant 0 : i32
    %dma_wait3A_278 = arith.constant 0 : i32
    %dma_wait3A_279 = arith.constant 0 : i32
    %dma_wait3A_280 = tpu.memref_slice %arg3[%arg1, %dma_wait3A_277, %dma_wait3A_278, %dma_wait3A_279] : memref<16x40x5x50xi32, #tpu.memory_space<hbm>> -> memref<1x40x5x50xi32, #tpu.memory_space<hbm>>
    %dma_wait3A_281 = tpu.memref_squeeze %dma_wait3A_280 : memref<1x40x5x50xi32, #tpu.memory_space<hbm>> -> memref<40x5x50xi32, #tpu.memory_space<hbm>>
    %dma_wait3A_282 = arith.constant 0 : i32
    %dma_wait3A_283 = arith.constant 0 : i32
    %dma_wait3A_284 = tpu.memref_slice %dma_wait3A_281[%dma_wait3A_261, %dma_wait3A_282, %dma_wait3A_283] : memref<40x5x50xi32, #tpu.memory_space<hbm>> -> memref<1x5x50xi32, #tpu.memory_space<hbm>>
    %dma_wait3A_285 = tpu.memref_squeeze %dma_wait3A_284 : memref<1x5x50xi32, #tpu.memory_space<hbm>> -> memref<5x50xi32, #tpu.memory_space<hbm>>
    tpu.wait_dma2 semaphore(%arg12 : memref<!tpu.dma_semaphore, #tpu.memory_space<semaphore_mem>>) src(%dma_wait3A_285 : memref<5x50xi32, #tpu.memory_space<hbm>>) dst(%dma_wait3A_276 : memref<5x50xi32, #tpu.memory_space<vmem>>)
    %dma_wait3A_286 = arith.constant 0 : i32
    %dma_wait3A_287 = arith.constant 0 : i32
    %dma_wait3A_288 = arith.constant 0 : i32
    %dma_wait3A_289 = tpu.memref_slice %arg8[%dma_wait3A_287, %dma_wait3A_288] : memref<15x50xi32, #tpu.memory_space<vmem>> -> memref<5x50xi32, #tpu.memory_space<vmem>>
    %dma_wait3A_290 = arith.constant 0 : i32
    %dma_wait3A_291 = arith.constant 0 : i32
    %dma_wait3A_292 = arith.constant 0 : i32
    %dma_wait3A_293 = tpu.memref_slice %arg4[%arg1, %dma_wait3A_290, %dma_wait3A_291, %dma_wait3A_292] : memref<16x40x5x50xi32, #tpu.memory_space<hbm>> -> memref<1x40x5x50xi32, #tpu.memory_space<hbm>>
    %dma_wait3A_294 = tpu.memref_squeeze %dma_wait3A_293 : memref<1x40x5x50xi32, #tpu.memory_space<hbm>> -> memref<40x5x50xi32, #tpu.memory_space<hbm>>
    %dma_wait3A_295 = arith.constant 0 : i32
    %dma_wait3A_296 = arith.constant 0 : i32
    %dma_wait3A_297 = tpu.memref_slice %dma_wait3A_294[%dma_wait3A_286, %dma_wait3A_295, %dma_wait3A_296] : memref<40x5x50xi32, #tpu.memory_space<hbm>> -> memref<1x5x50xi32, #tpu.memory_space<hbm>>
    %dma_wait3A_298 = tpu.memref_squeeze %dma_wait3A_297 : memref<1x5x50xi32, #tpu.memory_space<hbm>> -> memref<5x50xi32, #tpu.memory_space<hbm>>
    %dma_wait3A_299 = arith.constant 0 : i32
    %dma_wait3A_300 = arith.constant 0 : i32
    %dma_wait3A_301 = tpu.memref_slice %arg8[%dma_wait3A_299, %dma_wait3A_300] : memref<15x50xi32, #tpu.memory_space<vmem>> -> memref<5x50xi32, #tpu.memory_space<vmem>>
    %dma_wait3A_302 = arith.constant 0 : i32
    %dma_wait3A_303 = arith.constant 0 : i32
    %dma_wait3A_304 = arith.constant 0 : i32
    %dma_wait3A_305 = tpu.memref_slice %arg4[%arg1, %dma_wait3A_302, %dma_wait3A_303, %dma_wait3A_304] : memref<16x40x5x50xi32, #tpu.memory_space<hbm>> -> memref<1x40x5x50xi32, #tpu.memory_space<hbm>>
    %dma_wait3A_306 = tpu.memref_squeeze %dma_wait3A_305 : memref<1x40x5x50xi32, #tpu.memory_space<hbm>> -> memref<40x5x50xi32, #tpu.memory_space<hbm>>
    %dma_wait3A_307 = arith.constant 0 : i32
    %dma_wait3A_308 = arith.constant 0 : i32
    %dma_wait3A_309 = tpu.memref_slice %dma_wait3A_306[%dma_wait3A_286, %dma_wait3A_307, %dma_wait3A_308] : memref<40x5x50xi32, #tpu.memory_space<hbm>> -> memref<1x5x50xi32, #tpu.memory_space<hbm>>
    %dma_wait3A_310 = tpu.memref_squeeze %dma_wait3A_309 : memref<1x5x50xi32, #tpu.memory_space<hbm>> -> memref<5x50xi32, #tpu.memory_space<hbm>>
    tpu.wait_dma2 semaphore(%arg12 : memref<!tpu.dma_semaphore, #tpu.memory_space<semaphore_mem>>) src(%dma_wait3A_310 : memref<5x50xi32, #tpu.memory_space<hbm>>) dst(%dma_wait3A_301 : memref<5x50xi32, #tpu.memory_space<vmem>>)
    %scan3A_311 = arith.constant 0 : i32
    %scan3A_312 = arith.constant 0 : i32
    %scan3A_313 = arith.constant 5 : i32
    %scan3A_314 = arith.addi %scan3A_312, %scan3A_313 : i32
    %scan3A_315 = arith.constant 1 : i32
    scf.for %scan3A_640 = %scan3A_312 to %scan3A_314 step %scan3A_315  : i32 {
      %dma_wait3A_641 = arith.constant 0 : i32
      %dma_wait3A_642 = arith.constant 0 : i32
      %dma_wait3A_643 = tpu.memref_slice %arg9[%scan3A_640, %dma_wait3A_641, %dma_wait3A_642] : memref<5x50x128xf32, #tpu.memory_space<vmem>> -> memref<1x50x128xf32, #tpu.memory_space<vmem>>
      %dma_wait3A_644 = tpu.memref_squeeze %dma_wait3A_643 : memref<1x50x128xf32, #tpu.memory_space<vmem>> -> memref<50x128xf32, #tpu.memory_space<vmem>>
      %dma_wait3A_645 = arith.constant 0 : i32
      %dma_wait3A_646 = tpu.memref_slice %arg7[%scan3A_640, %dma_wait3A_645] : memref<15x50xi32, #tpu.memory_space<vmem>> -> memref<1x50xi32, #tpu.memory_space<vmem>>
      %dma_wait3A_647 = tpu.memref_squeeze %dma_wait3A_646 : memref<1x50xi32, #tpu.memory_space<vmem>> -> memref<50xi32, #tpu.memory_space<vmem>>
      %dma_wait3A_648 = arith.constant 0 : i32
      %dma_wait3A_649 = arith.constant 0 : i32
      %dma_wait3A_650 = tpu.memref_slice %arg2[%add3A_1, %dma_wait3A_648, %dma_wait3A_649] : memref<4x10000x128xf32, #tpu.memory_space<hbm>> -> memref<1x10000x128xf32, #tpu.memory_space<hbm>>
      %dma_wait3A_651 = tpu.memref_squeeze %dma_wait3A_650 : memref<1x10000x128xf32, #tpu.memory_space<hbm>> -> memref<10000x128xf32, #tpu.memory_space<hbm>>
      %dma_wait3A_652 = arith.constant 0 : i32
      %dma_wait3A_653 = arith.constant 0 : i32
      %dma_wait3A_654 = tpu.memref_slice %dma_wait3A_651[%dma_wait3A_652, %dma_wait3A_653] : memref<10000x128xf32, #tpu.memory_space<hbm>> -> memref<10000x128xf32, #tpu.memory_space<hbm>>
      tpu.wait_indirect_dma semaphore(%arg11 : memref<!tpu.dma_semaphore, #tpu.memory_space<semaphore_mem>>) src(%dma_wait3A_654 : memref<10000x128xf32, #tpu.memory_space<hbm>>) dst(%dma_wait3A_644 : memref<50x128xf32, #tpu.memory_space<vmem>>)
    }
    %scan3A_316 = arith.constant 5 : i32
    %barrier3A_317 = arith.constant 0 : index
    tpu.barrier barrier_id(%barrier3A_317)
    "tpu.region"() ({
      %run_scoped3A = tpu.sem_alloc : memref<!tpu.dma_semaphore, #tpu.memory_space<semaphore_mem>>
      %dma_start3A_640 = arith.constant 0 : i32
      %dma_start3A_641 = arith.constant 0 : i32
      %dma_start3A_642 = tpu.memref_slice %arg6[%add3A_1, %dma_start3A_640, %dma_start3A_641] : memref<4x10240x128xf32, #tpu.memory_space<hbm>> -> memref<1x10240x128xf32, #tpu.memory_space<hbm>>
      %dma_start3A_643 = tpu.memref_squeeze %dma_start3A_642 : memref<1x10240x128xf32, #tpu.memory_space<hbm>> -> memref<10240x128xf32, #tpu.memory_space<hbm>>
      %dma_start3A_644 = arith.constant 0 : i32
      %dma_start3A_645 = tpu.memref_slice %dma_start3A_643[%mul3A_0, %dma_start3A_644] : memref<10240x128xf32, #tpu.memory_space<hbm>> -> memref<640x128xf32, #tpu.memory_space<hbm>>
      %dma_start3A_646 = arith.constant 0 : i32
      %dma_start3A_647 = tpu.memref_slice %arg10[%mul3A_0, %dma_start3A_646] : memref<10240x128xf32, #tpu.memory_space<vmem_shared>> -> memref<640x128xf32, #tpu.memory_space<vmem_shared>>
      tpu.enqueue_dma source(%dma_start3A_647 : memref<640x128xf32, #tpu.memory_space<vmem_shared>>) target(%dma_start3A_645 : memref<640x128xf32, #tpu.memory_space<hbm>>) target_semaphore(%run_scoped3A : memref<!tpu.dma_semaphore, #tpu.memory_space<semaphore_mem>>)
      %dma_wait3A_648 = arith.constant 0 : i32
      %dma_wait3A_649 = arith.constant 0 : i32
      %dma_wait3A_650 = tpu.memref_slice %arg6[%add3A_1, %dma_wait3A_648, %dma_wait3A_649] : memref<4x10240x128xf32, #tpu.memory_space<hbm>> -> memref<1x10240x128xf32, #tpu.memory_space<hbm>>
      %dma_wait3A_651 = tpu.memref_squeeze %dma_wait3A_650 : memref<1x10240x128xf32, #tpu.memory_space<hbm>> -> memref<10240x128xf32, #tpu.memory_space<hbm>>
      %dma_wait3A_652 = arith.constant 0 : i32
      %dma_wait3A_653 = tpu.memref_slice %dma_wait3A_651[%mul3A_0, %dma_wait3A_652] : memref<10240x128xf32, #tpu.memory_space<hbm>> -> memref<640x128xf32, #tpu.memory_space<hbm>>
      %dma_wait3A_654 = arith.constant 0 : i32
      %dma_wait3A_655 = tpu.memref_slice %arg10[%mul3A_0, %dma_wait3A_654] : memref<10240x128xf32, #tpu.memory_space<vmem_shared>> -> memref<640x128xf32, #tpu.memory_space<vmem_shared>>
      tpu.wait_dma2 semaphore(%run_scoped3A : memref<!tpu.dma_semaphore, #tpu.memory_space<semaphore_mem>>) src(%dma_wait3A_655 : memref<640x128xf32, #tpu.memory_space<vmem_shared>>) dst(%dma_wait3A_653 : memref<640x128xf32, #tpu.memory_space<hbm>>)
      tpu.yield
    }) : () -> ()
    %add3A_318 = arith.constant 2 : i32
    %add3A_319 = arith.addi %add3A_318, %arg0 : i32
    "tpu.region"() ({
      %run_scoped3A = tpu.sem_alloc : memref<!tpu.dma_semaphore, #tpu.memory_space<semaphore_mem>>
      %dma_start3A_640 = arith.constant 0 : i32
      %dma_start3A_641 = tpu.memref_slice %arg10[%mul3A_0, %dma_start3A_640] : memref<10240x128xf32, #tpu.memory_space<vmem_shared>> -> memref<640x128xf32, #tpu.memory_space<vmem_shared>>
      %dma_start3A_642 = arith.constant 0 : i32
      %dma_start3A_643 = tpu.memref_slice %arg5[%mul3A_0, %dma_start3A_642] : memref<10240x128xf32, #tpu.memory_space<hbm>> -> memref<640x128xf32, #tpu.memory_space<hbm>>
      tpu.enqueue_dma source(%dma_start3A_643 : memref<640x128xf32, #tpu.memory_space<hbm>>) target(%dma_start3A_641 : memref<640x128xf32, #tpu.memory_space<vmem_shared>>) target_semaphore(%run_scoped3A : memref<!tpu.dma_semaphore, #tpu.memory_space<semaphore_mem>>)
      %dma_wait3A_644 = arith.constant 0 : i32
      %dma_wait3A_645 = tpu.memref_slice %arg10[%mul3A_0, %dma_wait3A_644] : memref<10240x128xf32, #tpu.memory_space<vmem_shared>> -> memref<640x128xf32, #tpu.memory_space<vmem_shared>>
      %dma_wait3A_646 = arith.constant 0 : i32
      %dma_wait3A_647 = tpu.memref_slice %arg5[%mul3A_0, %dma_wait3A_646] : memref<10240x128xf32, #tpu.memory_space<hbm>> -> memref<640x128xf32, #tpu.memory_space<hbm>>
      tpu.wait_dma2 semaphore(%run_scoped3A : memref<!tpu.dma_semaphore, #tpu.memory_space<semaphore_mem>>) src(%dma_wait3A_647 : memref<640x128xf32, #tpu.memory_space<hbm>>) dst(%dma_wait3A_645 : memref<640x128xf32, #tpu.memory_space<vmem_shared>>)
      tpu.yield
    }) : () -> ()
    %dma_start3A_320 = arith.constant 0 : i32
    %dma_start3A_321 = arith.constant 0 : i32
    %dma_start3A_322 = arith.constant 0 : i32
    %dma_start3A_323 = tpu.memref_slice %arg7[%dma_start3A_321, %dma_start3A_322] : memref<15x50xi32, #tpu.memory_space<vmem>> -> memref<5x50xi32, #tpu.memory_space<vmem>>
    %dma_start3A_324 = arith.constant 0 : i32
    %dma_start3A_325 = arith.constant 0 : i32
    %dma_start3A_326 = arith.constant 0 : i32
    %dma_start3A_327 = tpu.memref_slice %arg3[%arg1, %dma_start3A_324, %dma_start3A_325, %dma_start3A_326] : memref<16x40x5x50xi32, #tpu.memory_space<hbm>> -> memref<1x40x5x50xi32, #tpu.memory_space<hbm>>
    %dma_start3A_328 = tpu.memref_squeeze %dma_start3A_327 : memref<1x40x5x50xi32, #tpu.memory_space<hbm>> -> memref<40x5x50xi32, #tpu.memory_space<hbm>>
    %dma_start3A_329 = arith.constant 0 : i32
    %dma_start3A_330 = arith.constant 0 : i32
    %dma_start3A_331 = tpu.memref_slice %dma_start3A_328[%dma_start3A_320, %dma_start3A_329, %dma_start3A_330] : memref<40x5x50xi32, #tpu.memory_space<hbm>> -> memref<1x5x50xi32, #tpu.memory_space<hbm>>
    %dma_start3A_332 = tpu.memref_squeeze %dma_start3A_331 : memref<1x5x50xi32, #tpu.memory_space<hbm>> -> memref<5x50xi32, #tpu.memory_space<hbm>>
    %dma_start3A_333 = arith.constant 0 : i32
    %dma_start3A_334 = arith.constant 0 : i32
    %dma_start3A_335 = tpu.memref_slice %arg7[%dma_start3A_333, %dma_start3A_334] : memref<15x50xi32, #tpu.memory_space<vmem>> -> memref<5x50xi32, #tpu.memory_space<vmem>>
    %dma_start3A_336 = arith.constant 0 : i32
    %dma_start3A_337 = arith.constant 0 : i32
    %dma_start3A_338 = arith.constant 0 : i32
    %dma_start3A_339 = tpu.memref_slice %arg3[%arg1, %dma_start3A_336, %dma_start3A_337, %dma_start3A_338] : memref<16x40x5x50xi32, #tpu.memory_space<hbm>> -> memref<1x40x5x50xi32, #tpu.memory_space<hbm>>
    %dma_start3A_340 = tpu.memref_squeeze %dma_start3A_339 : memref<1x40x5x50xi32, #tpu.memory_space<hbm>> -> memref<40x5x50xi32, #tpu.memory_space<hbm>>
    %dma_start3A_341 = arith.constant 0 : i32
    %dma_start3A_342 = arith.constant 0 : i32
    %dma_start3A_343 = tpu.memref_slice %dma_start3A_340[%dma_start3A_320, %dma_start3A_341, %dma_start3A_342] : memref<40x5x50xi32, #tpu.memory_space<hbm>> -> memref<1x5x50xi32, #tpu.memory_space<hbm>>
    %dma_start3A_344 = tpu.memref_squeeze %dma_start3A_343 : memref<1x5x50xi32, #tpu.memory_space<hbm>> -> memref<5x50xi32, #tpu.memory_space<hbm>>
    tpu.enqueue_dma source(%dma_start3A_344 : memref<5x50xi32, #tpu.memory_space<hbm>>) target(%dma_start3A_335 : memref<5x50xi32, #tpu.memory_space<vmem>>) target_semaphore(%arg12 : memref<!tpu.dma_semaphore, #tpu.memory_space<semaphore_mem>>)
    %dma_start3A_345 = arith.constant 0 : i32
    %dma_start3A_346 = arith.constant 0 : i32
    %dma_start3A_347 = arith.constant 0 : i32
    %dma_start3A_348 = tpu.memref_slice %arg8[%dma_start3A_346, %dma_start3A_347] : memref<15x50xi32, #tpu.memory_space<vmem>> -> memref<5x50xi32, #tpu.memory_space<vmem>>
    %dma_start3A_349 = arith.constant 0 : i32
    %dma_start3A_350 = arith.constant 0 : i32
    %dma_start3A_351 = arith.constant 0 : i32
    %dma_start3A_352 = tpu.memref_slice %arg4[%arg1, %dma_start3A_349, %dma_start3A_350, %dma_start3A_351] : memref<16x40x5x50xi32, #tpu.memory_space<hbm>> -> memref<1x40x5x50xi32, #tpu.memory_space<hbm>>
    %dma_start3A_353 = tpu.memref_squeeze %dma_start3A_352 : memref<1x40x5x50xi32, #tpu.memory_space<hbm>> -> memref<40x5x50xi32, #tpu.memory_space<hbm>>
    %dma_start3A_354 = arith.constant 0 : i32
    %dma_start3A_355 = arith.constant 0 : i32
    %dma_start3A_356 = tpu.memref_slice %dma_start3A_353[%dma_start3A_345, %dma_start3A_354, %dma_start3A_355] : memref<40x5x50xi32, #tpu.memory_space<hbm>> -> memref<1x5x50xi32, #tpu.memory_space<hbm>>
    %dma_start3A_357 = tpu.memref_squeeze %dma_start3A_356 : memref<1x5x50xi32, #tpu.memory_space<hbm>> -> memref<5x50xi32, #tpu.memory_space<hbm>>
    %dma_start3A_358 = arith.constant 0 : i32
    %dma_start3A_359 = arith.constant 0 : i32
    %dma_start3A_360 = tpu.memref_slice %arg8[%dma_start3A_358, %dma_start3A_359] : memref<15x50xi32, #tpu.memory_space<vmem>> -> memref<5x50xi32, #tpu.memory_space<vmem>>
    %dma_start3A_361 = arith.constant 0 : i32
    %dma_start3A_362 = arith.constant 0 : i32
    %dma_start3A_363 = arith.constant 0 : i32
    %dma_start3A_364 = tpu.memref_slice %arg4[%arg1, %dma_start3A_361, %dma_start3A_362, %dma_start3A_363] : memref<16x40x5x50xi32, #tpu.memory_space<hbm>> -> memref<1x40x5x50xi32, #tpu.memory_space<hbm>>
    %dma_start3A_365 = tpu.memref_squeeze %dma_start3A_364 : memref<1x40x5x50xi32, #tpu.memory_space<hbm>> -> memref<40x5x50xi32, #tpu.memory_space<hbm>>
    %dma_start3A_366 = arith.constant 0 : i32
    %dma_start3A_367 = arith.constant 0 : i32
    %dma_start3A_368 = tpu.memref_slice %dma_start3A_365[%dma_start3A_345, %dma_start3A_366, %dma_start3A_367] : memref<40x5x50xi32, #tpu.memory_space<hbm>> -> memref<1x5x50xi32, #tpu.memory_space<hbm>>
    %dma_start3A_369 = tpu.memref_squeeze %dma_start3A_368 : memref<1x5x50xi32, #tpu.memory_space<hbm>> -> memref<5x50xi32, #tpu.memory_space<hbm>>
    tpu.enqueue_dma source(%dma_start3A_369 : memref<5x50xi32, #tpu.memory_space<hbm>>) target(%dma_start3A_360 : memref<5x50xi32, #tpu.memory_space<vmem>>) target_semaphore(%arg12 : memref<!tpu.dma_semaphore, #tpu.memory_space<semaphore_mem>>)
    %dma_start3A_370 = arith.constant 1 : i32
    %dma_start3A_371 = arith.constant 5 : i32
    %dma_start3A_372 = arith.constant 0 : i32
    %dma_start3A_373 = tpu.memref_slice %arg7[%dma_start3A_371, %dma_start3A_372] : memref<15x50xi32, #tpu.memory_space<vmem>> -> memref<5x50xi32, #tpu.memory_space<vmem>>
    %dma_start3A_374 = arith.constant 0 : i32
    %dma_start3A_375 = arith.constant 0 : i32
    %dma_start3A_376 = arith.constant 0 : i32
    %dma_start3A_377 = tpu.memref_slice %arg3[%arg1, %dma_start3A_374, %dma_start3A_375, %dma_start3A_376] : memref<16x40x5x50xi32, #tpu.memory_space<hbm>> -> memref<1x40x5x50xi32, #tpu.memory_space<hbm>>
    %dma_start3A_378 = tpu.memref_squeeze %dma_start3A_377 : memref<1x40x5x50xi32, #tpu.memory_space<hbm>> -> memref<40x5x50xi32, #tpu.memory_space<hbm>>
    %dma_start3A_379 = arith.constant 0 : i32
    %dma_start3A_380 = arith.constant 0 : i32
    %dma_start3A_381 = tpu.memref_slice %dma_start3A_378[%dma_start3A_370, %dma_start3A_379, %dma_start3A_380] : memref<40x5x50xi32, #tpu.memory_space<hbm>> -> memref<1x5x50xi32, #tpu.memory_space<hbm>>
    %dma_start3A_382 = tpu.memref_squeeze %dma_start3A_381 : memref<1x5x50xi32, #tpu.memory_space<hbm>> -> memref<5x50xi32, #tpu.memory_space<hbm>>
    %dma_start3A_383 = arith.constant 5 : i32
    %dma_start3A_384 = arith.constant 0 : i32
    %dma_start3A_385 = tpu.memref_slice %arg7[%dma_start3A_383, %dma_start3A_384] : memref<15x50xi32, #tpu.memory_space<vmem>> -> memref<5x50xi32, #tpu.memory_space<vmem>>
    %dma_start3A_386 = arith.constant 0 : i32
    %dma_start3A_387 = arith.constant 0 : i32
    %dma_start3A_388 = arith.constant 0 : i32
    %dma_start3A_389 = tpu.memref_slice %arg3[%arg1, %dma_start3A_386, %dma_start3A_387, %dma_start3A_388] : memref<16x40x5x50xi32, #tpu.memory_space<hbm>> -> memref<1x40x5x50xi32, #tpu.memory_space<hbm>>
    %dma_start3A_390 = tpu.memref_squeeze %dma_start3A_389 : memref<1x40x5x50xi32, #tpu.memory_space<hbm>> -> memref<40x5x50xi32, #tpu.memory_space<hbm>>
    %dma_start3A_391 = arith.constant 0 : i32
    %dma_start3A_392 = arith.constant 0 : i32
    %dma_start3A_393 = tpu.memref_slice %dma_start3A_390[%dma_start3A_370, %dma_start3A_391, %dma_start3A_392] : memref<40x5x50xi32, #tpu.memory_space<hbm>> -> memref<1x5x50xi32, #tpu.memory_space<hbm>>
    %dma_start3A_394 = tpu.memref_squeeze %dma_start3A_393 : memref<1x5x50xi32, #tpu.memory_space<hbm>> -> memref<5x50xi32, #tpu.memory_space<hbm>>
    tpu.enqueue_dma source(%dma_start3A_394 : memref<5x50xi32, #tpu.memory_space<hbm>>) target(%dma_start3A_385 : memref<5x50xi32, #tpu.memory_space<vmem>>) target_semaphore(%arg12 : memref<!tpu.dma_semaphore, #tpu.memory_space<semaphore_mem>>)
    %dma_start3A_395 = arith.constant 1 : i32
    %dma_start3A_396 = arith.constant 5 : i32
    %dma_start3A_397 = arith.constant 0 : i32
    %dma_start3A_398 = tpu.memref_slice %arg8[%dma_start3A_396, %dma_start3A_397] : memref<15x50xi32, #tpu.memory_space<vmem>> -> memref<5x50xi32, #tpu.memory_space<vmem>>
    %dma_start3A_399 = arith.constant 0 : i32
    %dma_start3A_400 = arith.constant 0 : i32
    %dma_start3A_401 = arith.constant 0 : i32
    %dma_start3A_402 = tpu.memref_slice %arg4[%arg1, %dma_start3A_399, %dma_start3A_400, %dma_start3A_401] : memref<16x40x5x50xi32, #tpu.memory_space<hbm>> -> memref<1x40x5x50xi32, #tpu.memory_space<hbm>>
    %dma_start3A_403 = tpu.memref_squeeze %dma_start3A_402 : memref<1x40x5x50xi32, #tpu.memory_space<hbm>> -> memref<40x5x50xi32, #tpu.memory_space<hbm>>
    %dma_start3A_404 = arith.constant 0 : i32
    %dma_start3A_405 = arith.constant 0 : i32
    %dma_start3A_406 = tpu.memref_slice %dma_start3A_403[%dma_start3A_395, %dma_start3A_404, %dma_start3A_405] : memref<40x5x50xi32, #tpu.memory_space<hbm>> -> memref<1x5x50xi32, #tpu.memory_space<hbm>>
    %dma_start3A_407 = tpu.memref_squeeze %dma_start3A_406 : memref<1x5x50xi32, #tpu.memory_space<hbm>> -> memref<5x50xi32, #tpu.memory_space<hbm>>
    %dma_start3A_408 = arith.constant 5 : i32
    %dma_start3A_409 = arith.constant 0 : i32
    %dma_start3A_410 = tpu.memref_slice %arg8[%dma_start3A_408, %dma_start3A_409] : memref<15x50xi32, #tpu.memory_space<vmem>> -> memref<5x50xi32, #tpu.memory_space<vmem>>
    %dma_start3A_411 = arith.constant 0 : i32
    %dma_start3A_412 = arith.constant 0 : i32
    %dma_start3A_413 = arith.constant 0 : i32
    %dma_start3A_414 = tpu.memref_slice %arg4[%arg1, %dma_start3A_411, %dma_start3A_412, %dma_start3A_413] : memref<16x40x5x50xi32, #tpu.memory_space<hbm>> -> memref<1x40x5x50xi32, #tpu.memory_space<hbm>>
    %dma_start3A_415 = tpu.memref_squeeze %dma_start3A_414 : memref<1x40x5x50xi32, #tpu.memory_space<hbm>> -> memref<40x5x50xi32, #tpu.memory_space<hbm>>
    %dma_start3A_416 = arith.constant 0 : i32
    %dma_start3A_417 = arith.constant 0 : i32
    %dma_start3A_418 = tpu.memref_slice %dma_start3A_415[%dma_start3A_395, %dma_start3A_416, %dma_start3A_417] : memref<40x5x50xi32, #tpu.memory_space<hbm>> -> memref<1x5x50xi32, #tpu.memory_space<hbm>>
    %dma_start3A_419 = tpu.memref_squeeze %dma_start3A_418 : memref<1x5x50xi32, #tpu.memory_space<hbm>> -> memref<5x50xi32, #tpu.memory_space<hbm>>
    tpu.enqueue_dma source(%dma_start3A_419 : memref<5x50xi32, #tpu.memory_space<hbm>>) target(%dma_start3A_410 : memref<5x50xi32, #tpu.memory_space<vmem>>) target_semaphore(%arg12 : memref<!tpu.dma_semaphore, #tpu.memory_space<semaphore_mem>>)
    %dma_start3A_420 = arith.constant 2 : i32
    %dma_start3A_421 = arith.constant 10 : i32
    %dma_start3A_422 = arith.constant 0 : i32
    %dma_start3A_423 = tpu.memref_slice %arg7[%dma_start3A_421, %dma_start3A_422] : memref<15x50xi32, #tpu.memory_space<vmem>> -> memref<5x50xi32, #tpu.memory_space<vmem>>
    %dma_start3A_424 = arith.constant 0 : i32
    %dma_start3A_425 = arith.constant 0 : i32
    %dma_start3A_426 = arith.constant 0 : i32
    %dma_start3A_427 = tpu.memref_slice %arg3[%arg1, %dma_start3A_424, %dma_start3A_425, %dma_start3A_426] : memref<16x40x5x50xi32, #tpu.memory_space<hbm>> -> memref<1x40x5x50xi32, #tpu.memory_space<hbm>>
    %dma_start3A_428 = tpu.memref_squeeze %dma_start3A_427 : memref<1x40x5x50xi32, #tpu.memory_space<hbm>> -> memref<40x5x50xi32, #tpu.memory_space<hbm>>
    %dma_start3A_429 = arith.constant 0 : i32
    %dma_start3A_430 = arith.constant 0 : i32
    %dma_start3A_431 = tpu.memref_slice %dma_start3A_428[%dma_start3A_420, %dma_start3A_429, %dma_start3A_430] : memref<40x5x50xi32, #tpu.memory_space<hbm>> -> memref<1x5x50xi32, #tpu.memory_space<hbm>>
    %dma_start3A_432 = tpu.memref_squeeze %dma_start3A_431 : memref<1x5x50xi32, #tpu.memory_space<hbm>> -> memref<5x50xi32, #tpu.memory_space<hbm>>
    %dma_start3A_433 = arith.constant 10 : i32
    %dma_start3A_434 = arith.constant 0 : i32
    %dma_start3A_435 = tpu.memref_slice %arg7[%dma_start3A_433, %dma_start3A_434] : memref<15x50xi32, #tpu.memory_space<vmem>> -> memref<5x50xi32, #tpu.memory_space<vmem>>
    %dma_start3A_436 = arith.constant 0 : i32
    %dma_start3A_437 = arith.constant 0 : i32
    %dma_start3A_438 = arith.constant 0 : i32
    %dma_start3A_439 = tpu.memref_slice %arg3[%arg1, %dma_start3A_436, %dma_start3A_437, %dma_start3A_438] : memref<16x40x5x50xi32, #tpu.memory_space<hbm>> -> memref<1x40x5x50xi32, #tpu.memory_space<hbm>>
    %dma_start3A_440 = tpu.memref_squeeze %dma_start3A_439 : memref<1x40x5x50xi32, #tpu.memory_space<hbm>> -> memref<40x5x50xi32, #tpu.memory_space<hbm>>
    %dma_start3A_441 = arith.constant 0 : i32
    %dma_start3A_442 = arith.constant 0 : i32
    %dma_start3A_443 = tpu.memref_slice %dma_start3A_440[%dma_start3A_420, %dma_start3A_441, %dma_start3A_442] : memref<40x5x50xi32, #tpu.memory_space<hbm>> -> memref<1x5x50xi32, #tpu.memory_space<hbm>>
    %dma_start3A_444 = tpu.memref_squeeze %dma_start3A_443 : memref<1x5x50xi32, #tpu.memory_space<hbm>> -> memref<5x50xi32, #tpu.memory_space<hbm>>
    tpu.enqueue_dma source(%dma_start3A_444 : memref<5x50xi32, #tpu.memory_space<hbm>>) target(%dma_start3A_435 : memref<5x50xi32, #tpu.memory_space<vmem>>) target_semaphore(%arg12 : memref<!tpu.dma_semaphore, #tpu.memory_space<semaphore_mem>>)
    %dma_start3A_445 = arith.constant 2 : i32
    %dma_start3A_446 = arith.constant 10 : i32
    %dma_start3A_447 = arith.constant 0 : i32
    %dma_start3A_448 = tpu.memref_slice %arg8[%dma_start3A_446, %dma_start3A_447] : memref<15x50xi32, #tpu.memory_space<vmem>> -> memref<5x50xi32, #tpu.memory_space<vmem>>
    %dma_start3A_449 = arith.constant 0 : i32
    %dma_start3A_450 = arith.constant 0 : i32
    %dma_start3A_451 = arith.constant 0 : i32
    %dma_start3A_452 = tpu.memref_slice %arg4[%arg1, %dma_start3A_449, %dma_start3A_450, %dma_start3A_451] : memref<16x40x5x50xi32, #tpu.memory_space<hbm>> -> memref<1x40x5x50xi32, #tpu.memory_space<hbm>>
    %dma_start3A_453 = tpu.memref_squeeze %dma_start3A_452 : memref<1x40x5x50xi32, #tpu.memory_space<hbm>> -> memref<40x5x50xi32, #tpu.memory_space<hbm>>
    %dma_start3A_454 = arith.constant 0 : i32
    %dma_start3A_455 = arith.constant 0 : i32
    %dma_start3A_456 = tpu.memref_slice %dma_start3A_453[%dma_start3A_445, %dma_start3A_454, %dma_start3A_455] : memref<40x5x50xi32, #tpu.memory_space<hbm>> -> memref<1x5x50xi32, #tpu.memory_space<hbm>>
    %dma_start3A_457 = tpu.memref_squeeze %dma_start3A_456 : memref<1x5x50xi32, #tpu.memory_space<hbm>> -> memref<5x50xi32, #tpu.memory_space<hbm>>
    %dma_start3A_458 = arith.constant 10 : i32
    %dma_start3A_459 = arith.constant 0 : i32
    %dma_start3A_460 = tpu.memref_slice %arg8[%dma_start3A_458, %dma_start3A_459] : memref<15x50xi32, #tpu.memory_space<vmem>> -> memref<5x50xi32, #tpu.memory_space<vmem>>
    %dma_start3A_461 = arith.constant 0 : i32
    %dma_start3A_462 = arith.constant 0 : i32
    %dma_start3A_463 = arith.constant 0 : i32
    %dma_start3A_464 = tpu.memref_slice %arg4[%arg1, %dma_start3A_461, %dma_start3A_462, %dma_start3A_463] : memref<16x40x5x50xi32, #tpu.memory_space<hbm>> -> memref<1x40x5x50xi32, #tpu.memory_space<hbm>>
    %dma_start3A_465 = tpu.memref_squeeze %dma_start3A_464 : memref<1x40x5x50xi32, #tpu.memory_space<hbm>> -> memref<40x5x50xi32, #tpu.memory_space<hbm>>
    %dma_start3A_466 = arith.constant 0 : i32
    %dma_start3A_467 = arith.constant 0 : i32
    %dma_start3A_468 = tpu.memref_slice %dma_start3A_465[%dma_start3A_445, %dma_start3A_466, %dma_start3A_467] : memref<40x5x50xi32, #tpu.memory_space<hbm>> -> memref<1x5x50xi32, #tpu.memory_space<hbm>>
    %dma_start3A_469 = tpu.memref_squeeze %dma_start3A_468 : memref<1x5x50xi32, #tpu.memory_space<hbm>> -> memref<5x50xi32, #tpu.memory_space<hbm>>
    tpu.enqueue_dma source(%dma_start3A_469 : memref<5x50xi32, #tpu.memory_space<hbm>>) target(%dma_start3A_460 : memref<5x50xi32, #tpu.memory_space<vmem>>) target_semaphore(%arg12 : memref<!tpu.dma_semaphore, #tpu.memory_space<semaphore_mem>>)
    %barrier3A_470 = arith.constant 0 : index
    tpu.barrier barrier_id(%barrier3A_470)
    %dma_wait3A_471 = arith.constant 0 : i32
    %dma_wait3A_472 = arith.constant 0 : i32
    %dma_wait3A_473 = arith.constant 0 : i32
    %dma_wait3A_474 = tpu.memref_slice %arg7[%dma_wait3A_472, %dma_wait3A_473] : memref<15x50xi32, #tpu.memory_space<vmem>> -> memref<5x50xi32, #tpu.memory_space<vmem>>
    %dma_wait3A_475 = arith.constant 0 : i32
    %dma_wait3A_476 = arith.constant 0 : i32
    %dma_wait3A_477 = arith.constant 0 : i32
    %dma_wait3A_478 = tpu.memref_slice %arg3[%arg1, %dma_wait3A_475, %dma_wait3A_476, %dma_wait3A_477] : memref<16x40x5x50xi32, #tpu.memory_space<hbm>> -> memref<1x40x5x50xi32, #tpu.memory_space<hbm>>
    %dma_wait3A_479 = tpu.memref_squeeze %dma_wait3A_478 : memref<1x40x5x50xi32, #tpu.memory_space<hbm>> -> memref<40x5x50xi32, #tpu.memory_space<hbm>>
    %dma_wait3A_480 = arith.constant 0 : i32
    %dma_wait3A_481 = arith.constant 0 : i32
    %dma_wait3A_482 = tpu.memref_slice %dma_wait3A_479[%dma_wait3A_471, %dma_wait3A_480, %dma_wait3A_481] : memref<40x5x50xi32, #tpu.memory_space<hbm>> -> memref<1x5x50xi32, #tpu.memory_space<hbm>>
    %dma_wait3A_483 = tpu.memref_squeeze %dma_wait3A_482 : memref<1x5x50xi32, #tpu.memory_space<hbm>> -> memref<5x50xi32, #tpu.memory_space<hbm>>
    %dma_wait3A_484 = arith.constant 0 : i32
    %dma_wait3A_485 = arith.constant 0 : i32
    %dma_wait3A_486 = tpu.memref_slice %arg7[%dma_wait3A_484, %dma_wait3A_485] : memref<15x50xi32, #tpu.memory_space<vmem>> -> memref<5x50xi32, #tpu.memory_space<vmem>>
    %dma_wait3A_487 = arith.constant 0 : i32
    %dma_wait3A_488 = arith.constant 0 : i32
    %dma_wait3A_489 = arith.constant 0 : i32
    %dma_wait3A_490 = tpu.memref_slice %arg3[%arg1, %dma_wait3A_487, %dma_wait3A_488, %dma_wait3A_489] : memref<16x40x5x50xi32, #tpu.memory_space<hbm>> -> memref<1x40x5x50xi32, #tpu.memory_space<hbm>>
    %dma_wait3A_491 = tpu.memref_squeeze %dma_wait3A_490 : memref<1x40x5x50xi32, #tpu.memory_space<hbm>> -> memref<40x5x50xi32, #tpu.memory_space<hbm>>
    %dma_wait3A_492 = arith.constant 0 : i32
    %dma_wait3A_493 = arith.constant 0 : i32
    %dma_wait3A_494 = tpu.memref_slice %dma_wait3A_491[%dma_wait3A_471, %dma_wait3A_492, %dma_wait3A_493] : memref<40x5x50xi32, #tpu.memory_space<hbm>> -> memref<1x5x50xi32, #tpu.memory_space<hbm>>
    %dma_wait3A_495 = tpu.memref_squeeze %dma_wait3A_494 : memref<1x5x50xi32, #tpu.memory_space<hbm>> -> memref<5x50xi32, #tpu.memory_space<hbm>>
    tpu.wait_dma2 semaphore(%arg12 : memref<!tpu.dma_semaphore, #tpu.memory_space<semaphore_mem>>) src(%dma_wait3A_495 : memref<5x50xi32, #tpu.memory_space<hbm>>) dst(%dma_wait3A_486 : memref<5x50xi32, #tpu.memory_space<vmem>>)
    %dma_wait3A_496 = arith.constant 0 : i32
    %dma_wait3A_497 = arith.constant 0 : i32
    %dma_wait3A_498 = arith.constant 0 : i32
    %dma_wait3A_499 = tpu.memref_slice %arg8[%dma_wait3A_497, %dma_wait3A_498] : memref<15x50xi32, #tpu.memory_space<vmem>> -> memref<5x50xi32, #tpu.memory_space<vmem>>
    %dma_wait3A_500 = arith.constant 0 : i32
    %dma_wait3A_501 = arith.constant 0 : i32
    %dma_wait3A_502 = arith.constant 0 : i32
    %dma_wait3A_503 = tpu.memref_slice %arg4[%arg1, %dma_wait3A_500, %dma_wait3A_501, %dma_wait3A_502] : memref<16x40x5x50xi32, #tpu.memory_space<hbm>> -> memref<1x40x5x50xi32, #tpu.memory_space<hbm>>
    %dma_wait3A_504 = tpu.memref_squeeze %dma_wait3A_503 : memref<1x40x5x50xi32, #tpu.memory_space<hbm>> -> memref<40x5x50xi32, #tpu.memory_space<hbm>>
    %dma_wait3A_505 = arith.constant 0 : i32
    %dma_wait3A_506 = arith.constant 0 : i32
    %dma_wait3A_507 = tpu.memref_slice %dma_wait3A_504[%dma_wait3A_496, %dma_wait3A_505, %dma_wait3A_506] : memref<40x5x50xi32, #tpu.memory_space<hbm>> -> memref<1x5x50xi32, #tpu.memory_space<hbm>>
    %dma_wait3A_508 = tpu.memref_squeeze %dma_wait3A_507 : memref<1x5x50xi32, #tpu.memory_space<hbm>> -> memref<5x50xi32, #tpu.memory_space<hbm>>
    %dma_wait3A_509 = arith.constant 0 : i32
    %dma_wait3A_510 = arith.constant 0 : i32
    %dma_wait3A_511 = tpu.memref_slice %arg8[%dma_wait3A_509, %dma_wait3A_510] : memref<15x50xi32, #tpu.memory_space<vmem>> -> memref<5x50xi32, #tpu.memory_space<vmem>>
    %dma_wait3A_512 = arith.constant 0 : i32
    %dma_wait3A_513 = arith.constant 0 : i32
    %dma_wait3A_514 = arith.constant 0 : i32
    %dma_wait3A_515 = tpu.memref_slice %arg4[%arg1, %dma_wait3A_512, %dma_wait3A_513, %dma_wait3A_514] : memref<16x40x5x50xi32, #tpu.memory_space<hbm>> -> memref<1x40x5x50xi32, #tpu.memory_space<hbm>>
    %dma_wait3A_516 = tpu.memref_squeeze %dma_wait3A_515 : memref<1x40x5x50xi32, #tpu.memory_space<hbm>> -> memref<40x5x50xi32, #tpu.memory_space<hbm>>
    %dma_wait3A_517 = arith.constant 0 : i32
    %dma_wait3A_518 = arith.constant 0 : i32
    %dma_wait3A_519 = tpu.memref_slice %dma_wait3A_516[%dma_wait3A_496, %dma_wait3A_517, %dma_wait3A_518] : memref<40x5x50xi32, #tpu.memory_space<hbm>> -> memref<1x5x50xi32, #tpu.memory_space<hbm>>
    %dma_wait3A_520 = tpu.memref_squeeze %dma_wait3A_519 : memref<1x5x50xi32, #tpu.memory_space<hbm>> -> memref<5x50xi32, #tpu.memory_space<hbm>>
    tpu.wait_dma2 semaphore(%arg12 : memref<!tpu.dma_semaphore, #tpu.memory_space<semaphore_mem>>) src(%dma_wait3A_520 : memref<5x50xi32, #tpu.memory_space<hbm>>) dst(%dma_wait3A_511 : memref<5x50xi32, #tpu.memory_space<vmem>>)
    %scan3A_521 = arith.constant 0 : i32
    %scan3A_522 = arith.constant 0 : i32
    %scan3A_523 = arith.constant 5 : i32
    %scan3A_524 = arith.addi %scan3A_522, %scan3A_523 : i32
    %scan3A_525 = arith.constant 1 : i32
    scf.for %scan3A_640 = %scan3A_522 to %scan3A_524 step %scan3A_525  : i32 {
      %dma_start3A_641 = arith.constant 0 : i32
      %dma_start3A_642 = arith.constant 0 : i32
      %dma_start3A_643 = tpu.memref_slice %arg9[%scan3A_640, %dma_start3A_641, %dma_start3A_642] : memref<5x50x128xf32, #tpu.memory_space<vmem>> -> memref<1x50x128xf32, #tpu.memory_space<vmem>>
      %dma_start3A_644 = tpu.memref_squeeze %dma_start3A_643 : memref<1x50x128xf32, #tpu.memory_space<vmem>> -> memref<50x128xf32, #tpu.memory_space<vmem>>
      %dma_start3A_645 = arith.constant 0 : i32
      %dma_start3A_646 = tpu.memref_slice %arg7[%scan3A_640, %dma_start3A_645] : memref<15x50xi32, #tpu.memory_space<vmem>> -> memref<1x50xi32, #tpu.memory_space<vmem>>
      %dma_start3A_647 = tpu.memref_squeeze %dma_start3A_646 : memref<1x50xi32, #tpu.memory_space<vmem>> -> memref<50xi32, #tpu.memory_space<vmem>>
      %dma_start3A_648 = arith.constant 0 : i32
      %dma_start3A_649 = arith.constant 0 : i32
      %dma_start3A_650 = tpu.memref_slice %arg2[%add3A_319, %dma_start3A_648, %dma_start3A_649] : memref<4x10000x128xf32, #tpu.memory_space<hbm>> -> memref<1x10000x128xf32, #tpu.memory_space<hbm>>
      %dma_start3A_651 = tpu.memref_squeeze %dma_start3A_650 : memref<1x10000x128xf32, #tpu.memory_space<hbm>> -> memref<10000x128xf32, #tpu.memory_space<hbm>>
      %dma_start3A_652 = arith.constant 0 : i32
      %dma_start3A_653 = arith.constant 0 : i32
      %dma_start3A_654 = tpu.memref_slice %dma_start3A_651[%dma_start3A_652, %dma_start3A_653] : memref<10000x128xf32, #tpu.memory_space<hbm>> -> memref<10000x128xf32, #tpu.memory_space<hbm>>
      tpu.enqueue_indirect_dma source(%dma_start3A_654 : memref<10000x128xf32, #tpu.memory_space<hbm>>) target(%dma_start3A_644 : memref<50x128xf32, #tpu.memory_space<vmem>>) offsets(%dma_start3A_647 : memref<50xi32, #tpu.memory_space<vmem>>) semaphore(%arg11 : memref<!tpu.dma_semaphore, #tpu.memory_space<semaphore_mem>>)
    }
    %scan3A_526 = arith.constant 5 : i32
    %scan3A_527 = arith.constant 0 : i32
    %scan3A_528 = arith.constant 0 : i32
    %scan3A_529 = arith.constant 40 : i32
    %scan3A_530 = arith.addi %scan3A_528, %scan3A_529 : i32
    %scan3A_531 = arith.constant 1 : i32
    scf.for %scan3A_640 = %scan3A_528 to %scan3A_530 step %scan3A_531  : i32 {
      %dma_wait3A_641 = arith.constant 0 : i32
      %dma_wait3A_642 = arith.constant 0 : i32
      %dma_wait3A_643 = arith.constant 0 : i32
      %dma_wait3A_644 = tpu.memref_slice %arg7[%dma_wait3A_642, %dma_wait3A_643] : memref<15x50xi32, #tpu.memory_space<vmem>> -> memref<5x50xi32, #tpu.memory_space<vmem>>
      %dma_wait3A_645 = arith.constant 0 : i32
      %dma_wait3A_646 = arith.constant 0 : i32
      %dma_wait3A_647 = arith.constant 0 : i32
      %dma_wait3A_648 = tpu.memref_slice %arg3[%arg1, %dma_wait3A_645, %dma_wait3A_646, %dma_wait3A_647] : memref<16x40x5x50xi32, #tpu.memory_space<hbm>> -> memref<1x40x5x50xi32, #tpu.memory_space<hbm>>
      %dma_wait3A_649 = tpu.memref_squeeze %dma_wait3A_648 : memref<1x40x5x50xi32, #tpu.memory_space<hbm>> -> memref<40x5x50xi32, #tpu.memory_space<hbm>>
      %dma_wait3A_650 = arith.constant 0 : i32
      %dma_wait3A_651 = arith.constant 0 : i32
      %dma_wait3A_652 = tpu.memref_slice %dma_wait3A_649[%dma_wait3A_641, %dma_wait3A_650, %dma_wait3A_651] : memref<40x5x50xi32, #tpu.memory_space<hbm>> -> memref<1x5x50xi32, #tpu.memory_space<hbm>>
      %dma_wait3A_653 = tpu.memref_squeeze %dma_wait3A_652 : memref<1x5x50xi32, #tpu.memory_space<hbm>> -> memref<5x50xi32, #tpu.memory_space<hbm>>
      %dma_wait3A_654 = arith.constant 0 : i32
      %dma_wait3A_655 = arith.constant 0 : i32
      %dma_wait3A_656 = tpu.memref_slice %arg7[%dma_wait3A_654, %dma_wait3A_655] : memref<15x50xi32, #tpu.memory_space<vmem>> -> memref<5x50xi32, #tpu.memory_space<vmem>>
      %dma_wait3A_657 = arith.constant 0 : i32
      %dma_wait3A_658 = arith.constant 0 : i32
      %dma_wait3A_659 = arith.constant 0 : i32
      %dma_wait3A_660 = tpu.memref_slice %arg3[%arg1, %dma_wait3A_657, %dma_wait3A_658, %dma_wait3A_659] : memref<16x40x5x50xi32, #tpu.memory_space<hbm>> -> memref<1x40x5x50xi32, #tpu.memory_space<hbm>>
      %dma_wait3A_661 = tpu.memref_squeeze %dma_wait3A_660 : memref<1x40x5x50xi32, #tpu.memory_space<hbm>> -> memref<40x5x50xi32, #tpu.memory_space<hbm>>
      %dma_wait3A_662 = arith.constant 0 : i32
      %dma_wait3A_663 = arith.constant 0 : i32
      %dma_wait3A_664 = tpu.memref_slice %dma_wait3A_661[%dma_wait3A_641, %dma_wait3A_662, %dma_wait3A_663] : memref<40x5x50xi32, #tpu.memory_space<hbm>> -> memref<1x5x50xi32, #tpu.memory_space<hbm>>
      %dma_wait3A_665 = tpu.memref_squeeze %dma_wait3A_664 : memref<1x5x50xi32, #tpu.memory_space<hbm>> -> memref<5x50xi32, #tpu.memory_space<hbm>>
      tpu.wait_dma2 semaphore(%arg12 : memref<!tpu.dma_semaphore, #tpu.memory_space<semaphore_mem>>) src(%dma_wait3A_665 : memref<5x50xi32, #tpu.memory_space<hbm>>) dst(%dma_wait3A_656 : memref<5x50xi32, #tpu.memory_space<vmem>>)
      %dma_wait3A_666 = arith.constant 0 : i32
      %dma_wait3A_667 = arith.constant 0 : i32
      %dma_wait3A_668 = arith.constant 0 : i32
      %dma_wait3A_669 = tpu.memref_slice %arg8[%dma_wait3A_667, %dma_wait3A_668] : memref<15x50xi32, #tpu.memory_space<vmem>> -> memref<5x50xi32, #tpu.memory_space<vmem>>
      %dma_wait3A_670 = arith.constant 0 : i32
      %dma_wait3A_671 = arith.constant 0 : i32
      %dma_wait3A_672 = arith.constant 0 : i32
      %dma_wait3A_673 = tpu.memref_slice %arg4[%arg1, %dma_wait3A_670, %dma_wait3A_671, %dma_wait3A_672] : memref<16x40x5x50xi32, #tpu.memory_space<hbm>> -> memref<1x40x5x50xi32, #tpu.memory_space<hbm>>
      %dma_wait3A_674 = tpu.memref_squeeze %dma_wait3A_673 : memref<1x40x5x50xi32, #tpu.memory_space<hbm>> -> memref<40x5x50xi32, #tpu.memory_space<hbm>>
      %dma_wait3A_675 = arith.constant 0 : i32
      %dma_wait3A_676 = arith.constant 0 : i32
      %dma_wait3A_677 = tpu.memref_slice %dma_wait3A_674[%dma_wait3A_666, %dma_wait3A_675, %dma_wait3A_676] : memref<40x5x50xi32, #tpu.memory_space<hbm>> -> memref<1x5x50xi32, #tpu.memory_space<hbm>>
      %dma_wait3A_678 = tpu.memref_squeeze %dma_wait3A_677 : memref<1x5x50xi32, #tpu.memory_space<hbm>> -> memref<5x50xi32, #tpu.memory_space<hbm>>
      %dma_wait3A_679 = arith.constant 0 : i32
      %dma_wait3A_680 = arith.constant 0 : i32
      %dma_wait3A_681 = tpu.memref_slice %arg8[%dma_wait3A_679, %dma_wait3A_680] : memref<15x50xi32, #tpu.memory_space<vmem>> -> memref<5x50xi32, #tpu.memory_space<vmem>>
      %dma_wait3A_682 = arith.constant 0 : i32
      %dma_wait3A_683 = arith.constant 0 : i32
      %dma_wait3A_684 = arith.constant 0 : i32
      %dma_wait3A_685 = tpu.memref_slice %arg4[%arg1, %dma_wait3A_682, %dma_wait3A_683, %dma_wait3A_684] : memref<16x40x5x50xi32, #tpu.memory_space<hbm>> -> memref<1x40x5x50xi32, #tpu.memory_space<hbm>>
      %dma_wait3A_686 = tpu.memref_squeeze %dma_wait3A_685 : memref<1x40x5x50xi32, #tpu.memory_space<hbm>> -> memref<40x5x50xi32, #tpu.memory_space<hbm>>
      %dma_wait3A_687 = arith.constant 0 : i32
      %dma_wait3A_688 = arith.constant 0 : i32
      %dma_wait3A_689 = tpu.memref_slice %dma_wait3A_686[%dma_wait3A_666, %dma_wait3A_687, %dma_wait3A_688] : memref<40x5x50xi32, #tpu.memory_space<hbm>> -> memref<1x5x50xi32, #tpu.memory_space<hbm>>
      %dma_wait3A_690 = tpu.memref_squeeze %dma_wait3A_689 : memref<1x5x50xi32, #tpu.memory_space<hbm>> -> memref<5x50xi32, #tpu.memory_space<hbm>>
      tpu.wait_dma2 semaphore(%arg12 : memref<!tpu.dma_semaphore, #tpu.memory_space<semaphore_mem>>) src(%dma_wait3A_690 : memref<5x50xi32, #tpu.memory_space<hbm>>) dst(%dma_wait3A_681 : memref<5x50xi32, #tpu.memory_space<vmem>>)
      %jit3A = arith.constant 3 : i32
      %eq3A = arith.constant 0 : i32
      %eq3A_691 = arith.cmpi eq, %jit3A, %eq3A : i32
      %jit3A_692 = arith.constant 1 : i32
      %select_n3A = arith.select %eq3A_691, %jit3A_692, %jit3A : i32
      %rem3A = arith.remsi %scan3A_640, %select_n3A : i32
      %ne3A = arith.constant 0 : i32
      %ne3A_693 = arith.cmpi ne, %rem3A, %ne3A : i32
      %lt3A = arith.constant 0 : i32
      %lt3A_694 = arith.cmpi slt, %rem3A, %lt3A : i32
      %lt3A_695 = arith.constant 0 : i32
      %lt3A_696 = arith.cmpi slt, %select_n3A, %lt3A_695 : i32
      %ne3A_697 = arith.xori %lt3A_694, %lt3A_696 : i1
      %and3A = arith.andi %ne3A_697, %ne3A_693 : i1
      %add3A_698 = arith.addi %rem3A, %select_n3A : i32
      %select_n3A_699 = arith.select %and3A, %add3A_698, %rem3A : i32
      %mul3A_700 = arith.constant 5 : i32
      %mul3A_701 = arith.muli %select_n3A_699, %mul3A_700 : i32
      %add3A_702 = arith.constant 1 : i32
      %add3A_703 = arith.addi %scan3A_640, %add3A_702 : i32
      %jit3A_704 = arith.constant 3 : i32
      %eq3A_705 = arith.constant 0 : i32
      %eq3A_706 = arith.cmpi eq, %jit3A_704, %eq3A_705 : i32
      %jit3A_707 = arith.constant 1 : i32
      %select_n3A_708 = arith.select %eq3A_706, %jit3A_707, %jit3A_704 : i32
      %rem3A_709 = arith.remsi %add3A_703, %select_n3A_708 : i32
      %ne3A_710 = arith.constant 0 : i32
      %ne3A_711 = arith.cmpi ne, %rem3A_709, %ne3A_710 : i32
      %lt3A_712 = arith.constant 0 : i32
      %lt3A_713 = arith.cmpi slt, %rem3A_709, %lt3A_712 : i32
      %lt3A_714 = arith.constant 0 : i32
      %lt3A_715 = arith.cmpi slt, %select_n3A_708, %lt3A_714 : i32
      %ne3A_716 = arith.xori %lt3A_713, %lt3A_715 : i1
      %and3A_717 = arith.andi %ne3A_716, %ne3A_711 : i1
      %add3A_718 = arith.addi %rem3A_709, %select_n3A_708 : i32
      %select_n3A_719 = arith.select %and3A_717, %add3A_718, %rem3A_709 : i32
      %mul3A_720 = arith.constant 5 : i32
      %mul3A_721 = arith.muli %select_n3A_719, %mul3A_720 : i32
      %scan3A_722 = arith.constant 0 : i32
      %scan3A_723 = arith.constant 0 : i32
      %scan3A_724 = arith.constant 5 : i32
      %scan3A_725 = arith.addi %scan3A_723, %scan3A_724 : i32
      %scan3A_726 = arith.constant 1 : i32
      scf.for %scan3A_795 = %scan3A_723 to %scan3A_725 step %scan3A_726  : i32 {
        %add3A_796 = arith.addi %mul3A_701, %scan3A_795 : i32
        %dma_wait3A_797 = arith.constant 0 : i32
        %dma_wait3A_798 = arith.constant 0 : i32
        %dma_wait3A_799 = tpu.memref_slice %arg9[%scan3A_795, %dma_wait3A_797, %dma_wait3A_798] : memref<5x50x128xf32, #tpu.memory_space<vmem>> -> memref<1x50x128xf32, #tpu.memory_space<vmem>>
        %dma_wait3A_800 = tpu.memref_squeeze %dma_wait3A_799 : memref<1x50x128xf32, #tpu.memory_space<vmem>> -> memref<50x128xf32, #tpu.memory_space<vmem>>
        %dma_wait3A_801 = arith.constant 0 : i32
        %dma_wait3A_802 = tpu.memref_slice %arg7[%add3A_796, %dma_wait3A_801] : memref<15x50xi32, #tpu.memory_space<vmem>> -> memref<1x50xi32, #tpu.memory_space<vmem>>
        %dma_wait3A_803 = tpu.memref_squeeze %dma_wait3A_802 : memref<1x50xi32, #tpu.memory_space<vmem>> -> memref<50xi32, #tpu.memory_space<vmem>>
        %dma_wait3A_804 = arith.constant 0 : i32
        %dma_wait3A_805 = arith.constant 0 : i32
        %dma_wait3A_806 = tpu.memref_slice %arg2[%add3A_319, %dma_wait3A_804, %dma_wait3A_805] : memref<4x10000x128xf32, #tpu.memory_space<hbm>> -> memref<1x10000x128xf32, #tpu.memory_space<hbm>>
        %dma_wait3A_807 = tpu.memref_squeeze %dma_wait3A_806 : memref<1x10000x128xf32, #tpu.memory_space<hbm>> -> memref<10000x128xf32, #tpu.memory_space<hbm>>
        %dma_wait3A_808 = arith.constant 0 : i32
        %dma_wait3A_809 = arith.constant 0 : i32
        %dma_wait3A_810 = tpu.memref_slice %dma_wait3A_807[%dma_wait3A_808, %dma_wait3A_809] : memref<10000x128xf32, #tpu.memory_space<hbm>> -> memref<10000x128xf32, #tpu.memory_space<hbm>>
        tpu.wait_indirect_dma semaphore(%arg11 : memref<!tpu.dma_semaphore, #tpu.memory_space<semaphore_mem>>) src(%dma_wait3A_810 : memref<10000x128xf32, #tpu.memory_space<hbm>>) dst(%dma_wait3A_800 : memref<50x128xf32, #tpu.memory_space<vmem>>)
        %add3A_811 = arith.addi %mul3A_701, %scan3A_795 : i32
        "tpu.region"() ({
          %run_scoped3A = tpu.sem_alloc : memref<!tpu.dma_semaphore, #tpu.memory_space<semaphore_mem>>
          %dma_start3A_827 = arith.constant 0 : i32
          %dma_start3A_828 = arith.constant 0 : i32
          %dma_start3A_829 = tpu.memref_slice %arg9[%scan3A_795, %dma_start3A_827, %dma_start3A_828] : memref<5x50x128xf32, #tpu.memory_space<vmem>> -> memref<1x50x128xf32, #tpu.memory_space<vmem>>
          %dma_start3A_830 = tpu.memref_squeeze %dma_start3A_829 : memref<1x50x128xf32, #tpu.memory_space<vmem>> -> memref<50x128xf32, #tpu.memory_space<vmem>>
          %dma_start3A_831 = arith.constant 0 : i32
          %dma_start3A_832 = tpu.memref_slice %arg8[%add3A_811, %dma_start3A_831] : memref<15x50xi32, #tpu.memory_space<vmem>> -> memref<1x50xi32, #tpu.memory_space<vmem>>
          %dma_start3A_833 = tpu.memref_squeeze %dma_start3A_832 : memref<1x50xi32, #tpu.memory_space<vmem>> -> memref<50xi32, #tpu.memory_space<vmem>>
          %dma_start3A_834 = arith.constant 0 : i32
          %dma_start3A_835 = arith.constant 0 : i32
          %dma_start3A_836 = tpu.memref_slice %arg10[%dma_start3A_834, %dma_start3A_835] : memref<10240x128xf32, #tpu.memory_space<vmem_shared>> -> memref<10240x128xf32, #tpu.memory_space<vmem_shared>>
          tpu.enqueue_indirect_dma source(%dma_start3A_830 : memref<50x128xf32, #tpu.memory_space<vmem>>) target(%dma_start3A_836 : memref<10240x128xf32, #tpu.memory_space<vmem_shared>>) offsets(%dma_start3A_833 : memref<50xi32, #tpu.memory_space<vmem>>) semaphore(%run_scoped3A : memref<!tpu.dma_semaphore, #tpu.memory_space<semaphore_mem>>) {add = true}
          %dma_wait3A_837 = arith.constant 0 : i32
          %dma_wait3A_838 = arith.constant 0 : i32
          %dma_wait3A_839 = tpu.memref_slice %arg9[%scan3A_795, %dma_wait3A_837, %dma_wait3A_838] : memref<5x50x128xf32, #tpu.memory_space<vmem>> -> memref<1x50x128xf32, #tpu.memory_space<vmem>>
          %dma_wait3A_840 = tpu.memref_squeeze %dma_wait3A_839 : memref<1x50x128xf32, #tpu.memory_space<vmem>> -> memref<50x128xf32, #tpu.memory_space<vmem>>
          %dma_wait3A_841 = arith.constant 0 : i32
          %dma_wait3A_842 = tpu.memref_slice %arg8[%add3A_811, %dma_wait3A_841] : memref<15x50xi32, #tpu.memory_space<vmem>> -> memref<1x50xi32, #tpu.memory_space<vmem>>
          %dma_wait3A_843 = tpu.memref_squeeze %dma_wait3A_842 : memref<1x50xi32, #tpu.memory_space<vmem>> -> memref<50xi32, #tpu.memory_space<vmem>>
          %dma_wait3A_844 = arith.constant 0 : i32
          %dma_wait3A_845 = arith.constant 0 : i32
          %dma_wait3A_846 = tpu.memref_slice %arg10[%dma_wait3A_844, %dma_wait3A_845] : memref<10240x128xf32, #tpu.memory_space<vmem_shared>> -> memref<10240x128xf32, #tpu.memory_space<vmem_shared>>
          tpu.wait_indirect_dma semaphore(%run_scoped3A : memref<!tpu.dma_semaphore, #tpu.memory_space<semaphore_mem>>) src(%dma_wait3A_840 : memref<50x128xf32, #tpu.memory_space<vmem>>) dst(%dma_wait3A_846 : memref<10240x128xf32, #tpu.memory_space<vmem_shared>>)
          tpu.yield
        }) : () -> ()
        %add3A_812 = arith.addi %mul3A_721, %scan3A_795 : i32
        %dma_start3A_813 = arith.constant 0 : i32
        %dma_start3A_814 = arith.constant 0 : i32
        %dma_start3A_815 = tpu.memref_slice %arg9[%scan3A_795, %dma_start3A_813, %dma_start3A_814] : memref<5x50x128xf32, #tpu.memory_space<vmem>> -> memref<1x50x128xf32, #tpu.memory_space<vmem>>
        %dma_start3A_816 = tpu.memref_squeeze %dma_start3A_815 : memref<1x50x128xf32, #tpu.memory_space<vmem>> -> memref<50x128xf32, #tpu.memory_space<vmem>>
        %dma_start3A_817 = arith.constant 0 : i32
        %dma_start3A_818 = tpu.memref_slice %arg7[%add3A_812, %dma_start3A_817] : memref<15x50xi32, #tpu.memory_space<vmem>> -> memref<1x50xi32, #tpu.memory_space<vmem>>
        %dma_start3A_819 = tpu.memref_squeeze %dma_start3A_818 : memref<1x50xi32, #tpu.memory_space<vmem>> -> memref<50xi32, #tpu.memory_space<vmem>>
        %dma_start3A_820 = arith.constant 0 : i32
        %dma_start3A_821 = arith.constant 0 : i32
        %dma_start3A_822 = tpu.memref_slice %arg2[%add3A_319, %dma_start3A_820, %dma_start3A_821] : memref<4x10000x128xf32, #tpu.memory_space<hbm>> -> memref<1x10000x128xf32, #tpu.memory_space<hbm>>
        %dma_start3A_823 = tpu.memref_squeeze %dma_start3A_822 : memref<1x10000x128xf32, #tpu.memory_space<hbm>> -> memref<10000x128xf32, #tpu.memory_space<hbm>>
        %dma_start3A_824 = arith.constant 0 : i32
        %dma_start3A_825 = arith.constant 0 : i32
        %dma_start3A_826 = tpu.memref_slice %dma_start3A_823[%dma_start3A_824, %dma_start3A_825] : memref<10000x128xf32, #tpu.memory_space<hbm>> -> memref<10000x128xf32, #tpu.memory_space<hbm>>
        tpu.enqueue_indirect_dma source(%dma_start3A_826 : memref<10000x128xf32, #tpu.memory_space<hbm>>) target(%dma_start3A_816 : memref<50x128xf32, #tpu.memory_space<vmem>>) offsets(%dma_start3A_819 : memref<50xi32, #tpu.memory_space<vmem>>) semaphore(%arg11 : memref<!tpu.dma_semaphore, #tpu.memory_space<semaphore_mem>>)
      }
      %scan3A_727 = arith.constant 5 : i32
      %add3A_728 = arith.constant 3 : i32
      %add3A_729 = arith.addi %scan3A_640, %add3A_728 : i32
      %min3A = arith.constant 39 : i32
      %min3A_730 = arith.minsi %add3A_729, %min3A : i32
      %jit3A_731 = arith.constant 3 : i32
      %eq3A_732 = arith.constant 0 : i32
      %eq3A_733 = arith.cmpi eq, %jit3A_731, %eq3A_732 : i32
      %jit3A_734 = arith.constant 1 : i32
      %select_n3A_735 = arith.select %eq3A_733, %jit3A_734, %jit3A_731 : i32
      %rem3A_736 = arith.remsi %scan3A_640, %select_n3A_735 : i32
      %ne3A_737 = arith.constant 0 : i32
      %ne3A_738 = arith.cmpi ne, %rem3A_736, %ne3A_737 : i32
      %lt3A_739 = arith.constant 0 : i32
      %lt3A_740 = arith.cmpi slt, %rem3A_736, %lt3A_739 : i32
      %lt3A_741 = arith.constant 0 : i32
      %lt3A_742 = arith.cmpi slt, %select_n3A_735, %lt3A_741 : i32
      %ne3A_743 = arith.xori %lt3A_740, %lt3A_742 : i1
      %and3A_744 = arith.andi %ne3A_743, %ne3A_738 : i1
      %add3A_745 = arith.addi %rem3A_736, %select_n3A_735 : i32
      %select_n3A_746 = arith.select %and3A_744, %add3A_745, %rem3A_736 : i32
      %mul3A_747 = arith.constant 5 : i32
      %mul3A_748 = arith.muli %select_n3A_746, %mul3A_747 : i32
      %dma_start3A_749 = arith.constant 0 : i32
      %dma_start3A_750 = tpu.memref_slice %arg7[%mul3A_748, %dma_start3A_749] : memref<15x50xi32, #tpu.memory_space<vmem>> -> memref<5x50xi32, #tpu.memory_space<vmem>>
      %dma_start3A_751 = arith.constant 0 : i32
      %dma_start3A_752 = arith.constant 0 : i32
      %dma_start3A_753 = arith.constant 0 : i32
      %dma_start3A_754 = tpu.memref_slice %arg3[%arg1, %dma_start3A_751, %dma_start3A_752, %dma_start3A_753] : memref<16x40x5x50xi32, #tpu.memory_space<hbm>> -> memref<1x40x5x50xi32, #tpu.memory_space<hbm>>
      %dma_start3A_755 = tpu.memref_squeeze %dma_start3A_754 : memref<1x40x5x50xi32, #tpu.memory_space<hbm>> -> memref<40x5x50xi32, #tpu.memory_space<hbm>>
      %dma_start3A_756 = arith.constant 0 : i32
      %dma_start3A_757 = arith.constant 0 : i32
      %dma_start3A_758 = tpu.memref_slice %dma_start3A_755[%min3A_730, %dma_start3A_756, %dma_start3A_757] : memref<40x5x50xi32, #tpu.memory_space<hbm>> -> memref<1x5x50xi32, #tpu.memory_space<hbm>>
      %dma_start3A_759 = tpu.memref_squeeze %dma_start3A_758 : memref<1x5x50xi32, #tpu.memory_space<hbm>> -> memref<5x50xi32, #tpu.memory_space<hbm>>
      %dma_start3A_760 = arith.constant 0 : i32
      %dma_start3A_761 = tpu.memref_slice %arg7[%mul3A_748, %dma_start3A_760] : memref<15x50xi32, #tpu.memory_space<vmem>> -> memref<5x50xi32, #tpu.memory_space<vmem>>
      %dma_start3A_762 = arith.constant 0 : i32
      %dma_start3A_763 = arith.constant 0 : i32
      %dma_start3A_764 = arith.constant 0 : i32
      %dma_start3A_765 = tpu.memref_slice %arg3[%arg1, %dma_start3A_762, %dma_start3A_763, %dma_start3A_764] : memref<16x40x5x50xi32, #tpu.memory_space<hbm>> -> memref<1x40x5x50xi32, #tpu.memory_space<hbm>>
      %dma_start3A_766 = tpu.memref_squeeze %dma_start3A_765 : memref<1x40x5x50xi32, #tpu.memory_space<hbm>> -> memref<40x5x50xi32, #tpu.memory_space<hbm>>
      %dma_start3A_767 = arith.constant 0 : i32
      %dma_start3A_768 = arith.constant 0 : i32
      %dma_start3A_769 = tpu.memref_slice %dma_start3A_766[%min3A_730, %dma_start3A_767, %dma_start3A_768] : memref<40x5x50xi32, #tpu.memory_space<hbm>> -> memref<1x5x50xi32, #tpu.memory_space<hbm>>
      %dma_start3A_770 = tpu.memref_squeeze %dma_start3A_769 : memref<1x5x50xi32, #tpu.memory_space<hbm>> -> memref<5x50xi32, #tpu.memory_space<hbm>>
      tpu.enqueue_dma source(%dma_start3A_770 : memref<5x50xi32, #tpu.memory_space<hbm>>) target(%dma_start3A_761 : memref<5x50xi32, #tpu.memory_space<vmem>>) target_semaphore(%arg12 : memref<!tpu.dma_semaphore, #tpu.memory_space<semaphore_mem>>)
      %mul3A_771 = arith.constant 5 : i32
      %mul3A_772 = arith.muli %select_n3A_746, %mul3A_771 : i32
      %dma_start3A_773 = arith.constant 0 : i32
      %dma_start3A_774 = tpu.memref_slice %arg8[%mul3A_772, %dma_start3A_773] : memref<15x50xi32, #tpu.memory_space<vmem>> -> memref<5x50xi32, #tpu.memory_space<vmem>>
      %dma_start3A_775 = arith.constant 0 : i32
      %dma_start3A_776 = arith.constant 0 : i32
      %dma_start3A_777 = arith.constant 0 : i32
      %dma_start3A_778 = tpu.memref_slice %arg4[%arg1, %dma_start3A_775, %dma_start3A_776, %dma_start3A_777] : memref<16x40x5x50xi32, #tpu.memory_space<hbm>> -> memref<1x40x5x50xi32, #tpu.memory_space<hbm>>
      %dma_start3A_779 = tpu.memref_squeeze %dma_start3A_778 : memref<1x40x5x50xi32, #tpu.memory_space<hbm>> -> memref<40x5x50xi32, #tpu.memory_space<hbm>>
      %dma_start3A_780 = arith.constant 0 : i32
      %dma_start3A_781 = arith.constant 0 : i32
      %dma_start3A_782 = tpu.memref_slice %dma_start3A_779[%min3A_730, %dma_start3A_780, %dma_start3A_781] : memref<40x5x50xi32, #tpu.memory_space<hbm>> -> memref<1x5x50xi32, #tpu.memory_space<hbm>>
      %dma_start3A_783 = tpu.memref_squeeze %dma_start3A_782 : memref<1x5x50xi32, #tpu.memory_space<hbm>> -> memref<5x50xi32, #tpu.memory_space<hbm>>
      %dma_start3A_784 = arith.constant 0 : i32
      %dma_start3A_785 = tpu.memref_slice %arg8[%mul3A_772, %dma_start3A_784] : memref<15x50xi32, #tpu.memory_space<vmem>> -> memref<5x50xi32, #tpu.memory_space<vmem>>
      %dma_start3A_786 = arith.constant 0 : i32
      %dma_start3A_787 = arith.constant 0 : i32
      %dma_start3A_788 = arith.constant 0 : i32
      %dma_start3A_789 = tpu.memref_slice %arg4[%arg1, %dma_start3A_786, %dma_start3A_787, %dma_start3A_788] : memref<16x40x5x50xi32, #tpu.memory_space<hbm>> -> memref<1x40x5x50xi32, #tpu.memory_space<hbm>>
      %dma_start3A_790 = tpu.memref_squeeze %dma_start3A_789 : memref<1x40x5x50xi32, #tpu.memory_space<hbm>> -> memref<40x5x50xi32, #tpu.memory_space<hbm>>
      %dma_start3A_791 = arith.constant 0 : i32
      %dma_start3A_792 = arith.constant 0 : i32
      %dma_start3A_793 = tpu.memref_slice %dma_start3A_790[%min3A_730, %dma_start3A_791, %dma_start3A_792] : memref<40x5x50xi32, #tpu.memory_space<hbm>> -> memref<1x5x50xi32, #tpu.memory_space<hbm>>
      %dma_start3A_794 = tpu.memref_squeeze %dma_start3A_793 : memref<1x5x50xi32, #tpu.memory_space<hbm>> -> memref<5x50xi32, #tpu.memory_space<hbm>>
      tpu.enqueue_dma source(%dma_start3A_794 : memref<5x50xi32, #tpu.memory_space<hbm>>) target(%dma_start3A_785 : memref<5x50xi32, #tpu.memory_space<vmem>>) target_semaphore(%arg12 : memref<!tpu.dma_semaphore, #tpu.memory_space<semaphore_mem>>)
    }
    %scan3A_532 = arith.constant 40 : i32
    %dma_wait3A_533 = arith.constant 0 : i32
    %dma_wait3A_534 = arith.constant 0 : i32
    %dma_wait3A_535 = arith.constant 0 : i32
    %dma_wait3A_536 = tpu.memref_slice %arg7[%dma_wait3A_534, %dma_wait3A_535] : memref<15x50xi32, #tpu.memory_space<vmem>> -> memref<5x50xi32, #tpu.memory_space<vmem>>
    %dma_wait3A_537 = arith.constant 0 : i32
    %dma_wait3A_538 = arith.constant 0 : i32
    %dma_wait3A_539 = arith.constant 0 : i32
    %dma_wait3A_540 = tpu.memref_slice %arg3[%arg1, %dma_wait3A_537, %dma_wait3A_538, %dma_wait3A_539] : memref<16x40x5x50xi32, #tpu.memory_space<hbm>> -> memref<1x40x5x50xi32, #tpu.memory_space<hbm>>
    %dma_wait3A_541 = tpu.memref_squeeze %dma_wait3A_540 : memref<1x40x5x50xi32, #tpu.memory_space<hbm>> -> memref<40x5x50xi32, #tpu.memory_space<hbm>>
    %dma_wait3A_542 = arith.constant 0 : i32
    %dma_wait3A_543 = arith.constant 0 : i32
    %dma_wait3A_544 = tpu.memref_slice %dma_wait3A_541[%dma_wait3A_533, %dma_wait3A_542, %dma_wait3A_543] : memref<40x5x50xi32, #tpu.memory_space<hbm>> -> memref<1x5x50xi32, #tpu.memory_space<hbm>>
    %dma_wait3A_545 = tpu.memref_squeeze %dma_wait3A_544 : memref<1x5x50xi32, #tpu.memory_space<hbm>> -> memref<5x50xi32, #tpu.memory_space<hbm>>
    %dma_wait3A_546 = arith.constant 0 : i32
    %dma_wait3A_547 = arith.constant 0 : i32
    %dma_wait3A_548 = tpu.memref_slice %arg7[%dma_wait3A_546, %dma_wait3A_547] : memref<15x50xi32, #tpu.memory_space<vmem>> -> memref<5x50xi32, #tpu.memory_space<vmem>>
    %dma_wait3A_549 = arith.constant 0 : i32
    %dma_wait3A_550 = arith.constant 0 : i32
    %dma_wait3A_551 = arith.constant 0 : i32
    %dma_wait3A_552 = tpu.memref_slice %arg3[%arg1, %dma_wait3A_549, %dma_wait3A_550, %dma_wait3A_551] : memref<16x40x5x50xi32, #tpu.memory_space<hbm>> -> memref<1x40x5x50xi32, #tpu.memory_space<hbm>>
    %dma_wait3A_553 = tpu.memref_squeeze %dma_wait3A_552 : memref<1x40x5x50xi32, #tpu.memory_space<hbm>> -> memref<40x5x50xi32, #tpu.memory_space<hbm>>
    %dma_wait3A_554 = arith.constant 0 : i32
    %dma_wait3A_555 = arith.constant 0 : i32
    %dma_wait3A_556 = tpu.memref_slice %dma_wait3A_553[%dma_wait3A_533, %dma_wait3A_554, %dma_wait3A_555] : memref<40x5x50xi32, #tpu.memory_space<hbm>> -> memref<1x5x50xi32, #tpu.memory_space<hbm>>
    %dma_wait3A_557 = tpu.memref_squeeze %dma_wait3A_556 : memref<1x5x50xi32, #tpu.memory_space<hbm>> -> memref<5x50xi32, #tpu.memory_space<hbm>>
    tpu.wait_dma2 semaphore(%arg12 : memref<!tpu.dma_semaphore, #tpu.memory_space<semaphore_mem>>) src(%dma_wait3A_557 : memref<5x50xi32, #tpu.memory_space<hbm>>) dst(%dma_wait3A_548 : memref<5x50xi32, #tpu.memory_space<vmem>>)
    %dma_wait3A_558 = arith.constant 0 : i32
    %dma_wait3A_559 = arith.constant 0 : i32
    %dma_wait3A_560 = arith.constant 0 : i32
    %dma_wait3A_561 = tpu.memref_slice %arg8[%dma_wait3A_559, %dma_wait3A_560] : memref<15x50xi32, #tpu.memory_space<vmem>> -> memref<5x50xi32, #tpu.memory_space<vmem>>
    %dma_wait3A_562 = arith.constant 0 : i32
    %dma_wait3A_563 = arith.constant 0 : i32
    %dma_wait3A_564 = arith.constant 0 : i32
    %dma_wait3A_565 = tpu.memref_slice %arg4[%arg1, %dma_wait3A_562, %dma_wait3A_563, %dma_wait3A_564] : memref<16x40x5x50xi32, #tpu.memory_space<hbm>> -> memref<1x40x5x50xi32, #tpu.memory_space<hbm>>
    %dma_wait3A_566 = tpu.memref_squeeze %dma_wait3A_565 : memref<1x40x5x50xi32, #tpu.memory_space<hbm>> -> memref<40x5x50xi32, #tpu.memory_space<hbm>>
    %dma_wait3A_567 = arith.constant 0 : i32
    %dma_wait3A_568 = arith.constant 0 : i32
    %dma_wait3A_569 = tpu.memref_slice %dma_wait3A_566[%dma_wait3A_558, %dma_wait3A_567, %dma_wait3A_568] : memref<40x5x50xi32, #tpu.memory_space<hbm>> -> memref<1x5x50xi32, #tpu.memory_space<hbm>>
    %dma_wait3A_570 = tpu.memref_squeeze %dma_wait3A_569 : memref<1x5x50xi32, #tpu.memory_space<hbm>> -> memref<5x50xi32, #tpu.memory_space<hbm>>
    %dma_wait3A_571 = arith.constant 0 : i32
    %dma_wait3A_572 = arith.constant 0 : i32
    %dma_wait3A_573 = tpu.memref_slice %arg8[%dma_wait3A_571, %dma_wait3A_572] : memref<15x50xi32, #tpu.memory_space<vmem>> -> memref<5x50xi32, #tpu.memory_space<vmem>>
    %dma_wait3A_574 = arith.constant 0 : i32
    %dma_wait3A_575 = arith.constant 0 : i32
    %dma_wait3A_576 = arith.constant 0 : i32
    %dma_wait3A_577 = tpu.memref_slice %arg4[%arg1, %dma_wait3A_574, %dma_wait3A_575, %dma_wait3A_576] : memref<16x40x5x50xi32, #tpu.memory_space<hbm>> -> memref<1x40x5x50xi32, #tpu.memory_space<hbm>>
    %dma_wait3A_578 = tpu.memref_squeeze %dma_wait3A_577 : memref<1x40x5x50xi32, #tpu.memory_space<hbm>> -> memref<40x5x50xi32, #tpu.memory_space<hbm>>
    %dma_wait3A_579 = arith.constant 0 : i32
    %dma_wait3A_580 = arith.constant 0 : i32
    %dma_wait3A_581 = tpu.memref_slice %dma_wait3A_578[%dma_wait3A_558, %dma_wait3A_579, %dma_wait3A_580] : memref<40x5x50xi32, #tpu.memory_space<hbm>> -> memref<1x5x50xi32, #tpu.memory_space<hbm>>
    %dma_wait3A_582 = tpu.memref_squeeze %dma_wait3A_581 : memref<1x5x50xi32, #tpu.memory_space<hbm>> -> memref<5x50xi32, #tpu.memory_space<hbm>>
    tpu.wait_dma2 semaphore(%arg12 : memref<!tpu.dma_semaphore, #tpu.memory_space<semaphore_mem>>) src(%dma_wait3A_582 : memref<5x50xi32, #tpu.memory_space<hbm>>) dst(%dma_wait3A_573 : memref<5x50xi32, #tpu.memory_space<vmem>>)
    %dma_wait3A_583 = arith.constant 0 : i32
    %dma_wait3A_584 = arith.constant 0 : i32
    %dma_wait3A_585 = arith.constant 0 : i32
    %dma_wait3A_586 = tpu.memref_slice %arg7[%dma_wait3A_584, %dma_wait3A_585] : memref<15x50xi32, #tpu.memory_space<vmem>> -> memref<5x50xi32, #tpu.memory_space<vmem>>
    %dma_wait3A_587 = arith.constant 0 : i32
    %dma_wait3A_588 = arith.constant 0 : i32
    %dma_wait3A_589 = arith.constant 0 : i32
    %dma_wait3A_590 = tpu.memref_slice %arg3[%arg1, %dma_wait3A_587, %dma_wait3A_588, %dma_wait3A_589] : memref<16x40x5x50xi32, #tpu.memory_space<hbm>> -> memref<1x40x5x50xi32, #tpu.memory_space<hbm>>
    %dma_wait3A_591 = tpu.memref_squeeze %dma_wait3A_590 : memref<1x40x5x50xi32, #tpu.memory_space<hbm>> -> memref<40x5x50xi32, #tpu.memory_space<hbm>>
    %dma_wait3A_592 = arith.constant 0 : i32
    %dma_wait3A_593 = arith.constant 0 : i32
    %dma_wait3A_594 = tpu.memref_slice %dma_wait3A_591[%dma_wait3A_583, %dma_wait3A_592, %dma_wait3A_593] : memref<40x5x50xi32, #tpu.memory_space<hbm>> -> memref<1x5x50xi32, #tpu.memory_space<hbm>>
    %dma_wait3A_595 = tpu.memref_squeeze %dma_wait3A_594 : memref<1x5x50xi32, #tpu.memory_space<hbm>> -> memref<5x50xi32, #tpu.memory_space<hbm>>
    %dma_wait3A_596 = arith.constant 0 : i32
    %dma_wait3A_597 = arith.constant 0 : i32
    %dma_wait3A_598 = tpu.memref_slice %arg7[%dma_wait3A_596, %dma_wait3A_597] : memref<15x50xi32, #tpu.memory_space<vmem>> -> memref<5x50xi32, #tpu.memory_space<vmem>>
    %dma_wait3A_599 = arith.constant 0 : i32
    %dma_wait3A_600 = arith.constant 0 : i32
    %dma_wait3A_601 = arith.constant 0 : i32
    %dma_wait3A_602 = tpu.memref_slice %arg3[%arg1, %dma_wait3A_599, %dma_wait3A_600, %dma_wait3A_601] : memref<16x40x5x50xi32, #tpu.memory_space<hbm>> -> memref<1x40x5x50xi32, #tpu.memory_space<hbm>>
    %dma_wait3A_603 = tpu.memref_squeeze %dma_wait3A_602 : memref<1x40x5x50xi32, #tpu.memory_space<hbm>> -> memref<40x5x50xi32, #tpu.memory_space<hbm>>
    %dma_wait3A_604 = arith.constant 0 : i32
    %dma_wait3A_605 = arith.constant 0 : i32
    %dma_wait3A_606 = tpu.memref_slice %dma_wait3A_603[%dma_wait3A_583, %dma_wait3A_604, %dma_wait3A_605] : memref<40x5x50xi32, #tpu.memory_space<hbm>> -> memref<1x5x50xi32, #tpu.memory_space<hbm>>
    %dma_wait3A_607 = tpu.memref_squeeze %dma_wait3A_606 : memref<1x5x50xi32, #tpu.memory_space<hbm>> -> memref<5x50xi32, #tpu.memory_space<hbm>>
    tpu.wait_dma2 semaphore(%arg12 : memref<!tpu.dma_semaphore, #tpu.memory_space<semaphore_mem>>) src(%dma_wait3A_607 : memref<5x50xi32, #tpu.memory_space<hbm>>) dst(%dma_wait3A_598 : memref<5x50xi32, #tpu.memory_space<vmem>>)
    %dma_wait3A_608 = arith.constant 0 : i32
    %dma_wait3A_609 = arith.constant 0 : i32
    %dma_wait3A_610 = arith.constant 0 : i32
    %dma_wait3A_611 = tpu.memref_slice %arg8[%dma_wait3A_609, %dma_wait3A_610] : memref<15x50xi32, #tpu.memory_space<vmem>> -> memref<5x50xi32, #tpu.memory_space<vmem>>
    %dma_wait3A_612 = arith.constant 0 : i32
    %dma_wait3A_613 = arith.constant 0 : i32
    %dma_wait3A_614 = arith.constant 0 : i32
    %dma_wait3A_615 = tpu.memref_slice %arg4[%arg1, %dma_wait3A_612, %dma_wait3A_613, %dma_wait3A_614] : memref<16x40x5x50xi32, #tpu.memory_space<hbm>> -> memref<1x40x5x50xi32, #tpu.memory_space<hbm>>
    %dma_wait3A_616 = tpu.memref_squeeze %dma_wait3A_615 : memref<1x40x5x50xi32, #tpu.memory_space<hbm>> -> memref<40x5x50xi32, #tpu.memory_space<hbm>>
    %dma_wait3A_617 = arith.constant 0 : i32
    %dma_wait3A_618 = arith.constant 0 : i32
    %dma_wait3A_619 = tpu.memref_slice %dma_wait3A_616[%dma_wait3A_608, %dma_wait3A_617, %dma_wait3A_618] : memref<40x5x50xi32, #tpu.memory_space<hbm>> -> memref<1x5x50xi32, #tpu.memory_space<hbm>>
    %dma_wait3A_620 = tpu.memref_squeeze %dma_wait3A_619 : memref<1x5x50xi32, #tpu.memory_space<hbm>> -> memref<5x50xi32, #tpu.memory_space<hbm>>
    %dma_wait3A_621 = arith.constant 0 : i32
    %dma_wait3A_622 = arith.constant 0 : i32
    %dma_wait3A_623 = tpu.memref_slice %arg8[%dma_wait3A_621, %dma_wait3A_622] : memref<15x50xi32, #tpu.memory_space<vmem>> -> memref<5x50xi32, #tpu.memory_space<vmem>>
    %dma_wait3A_624 = arith.constant 0 : i32
    %dma_wait3A_625 = arith.constant 0 : i32
    %dma_wait3A_626 = arith.constant 0 : i32
    %dma_wait3A_627 = tpu.memref_slice %arg4[%arg1, %dma_wait3A_624, %dma_wait3A_625, %dma_wait3A_626] : memref<16x40x5x50xi32, #tpu.memory_space<hbm>> -> memref<1x40x5x50xi32, #tpu.memory_space<hbm>>
    %dma_wait3A_628 = tpu.memref_squeeze %dma_wait3A_627 : memref<1x40x5x50xi32, #tpu.memory_space<hbm>> -> memref<40x5x50xi32, #tpu.memory_space<hbm>>
    %dma_wait3A_629 = arith.constant 0 : i32
    %dma_wait3A_630 = arith.constant 0 : i32
    %dma_wait3A_631 = tpu.memref_slice %dma_wait3A_628[%dma_wait3A_608, %dma_wait3A_629, %dma_wait3A_630] : memref<40x5x50xi32, #tpu.memory_space<hbm>> -> memref<1x5x50xi32, #tpu.memory_space<hbm>>
    %dma_wait3A_632 = tpu.memref_squeeze %dma_wait3A_631 : memref<1x5x50xi32, #tpu.memory_space<hbm>> -> memref<5x50xi32, #tpu.memory_space<hbm>>
    tpu.wait_dma2 semaphore(%arg12 : memref<!tpu.dma_semaphore, #tpu.memory_space<semaphore_mem>>) src(%dma_wait3A_632 : memref<5x50xi32, #tpu.memory_space<hbm>>) dst(%dma_wait3A_623 : memref<5x50xi32, #tpu.memory_space<vmem>>)
    %scan3A_633 = arith.constant 0 : i32
    %scan3A_634 = arith.constant 0 : i32
    %scan3A_635 = arith.constant 5 : i32
    %scan3A_636 = arith.addi %scan3A_634, %scan3A_635 : i32
    %scan3A_637 = arith.constant 1 : i32
    scf.for %scan3A_640 = %scan3A_634 to %scan3A_636 step %scan3A_637  : i32 {
      %dma_wait3A_641 = arith.constant 0 : i32
      %dma_wait3A_642 = arith.constant 0 : i32
      %dma_wait3A_643 = tpu.memref_slice %arg9[%scan3A_640, %dma_wait3A_641, %dma_wait3A_642] : memref<5x50x128xf32, #tpu.memory_space<vmem>> -> memref<1x50x128xf32, #tpu.memory_space<vmem>>
      %dma_wait3A_644 = tpu.memref_squeeze %dma_wait3A_643 : memref<1x50x128xf32, #tpu.memory_space<vmem>> -> memref<50x128xf32, #tpu.memory_space<vmem>>
      %dma_wait3A_645 = arith.constant 0 : i32
      %dma_wait3A_646 = tpu.memref_slice %arg7[%scan3A_640, %dma_wait3A_645] : memref<15x50xi32, #tpu.memory_space<vmem>> -> memref<1x50xi32, #tpu.memory_space<vmem>>
      %dma_wait3A_647 = tpu.memref_squeeze %dma_wait3A_646 : memref<1x50xi32, #tpu.memory_space<vmem>> -> memref<50xi32, #tpu.memory_space<vmem>>
      %dma_wait3A_648 = arith.constant 0 : i32
      %dma_wait3A_649 = arith.constant 0 : i32
      %dma_wait3A_650 = tpu.memref_slice %arg2[%add3A_319, %dma_wait3A_648, %dma_wait3A_649] : memref<4x10000x128xf32, #tpu.memory_space<hbm>> -> memref<1x10000x128xf32, #tpu.memory_space<hbm>>
      %dma_wait3A_651 = tpu.memref_squeeze %dma_wait3A_650 : memref<1x10000x128xf32, #tpu.memory_space<hbm>> -> memref<10000x128xf32, #tpu.memory_space<hbm>>
      %dma_wait3A_652 = arith.constant 0 : i32
      %dma_wait3A_653 = arith.constant 0 : i32
      %dma_wait3A_654 = tpu.memref_slice %dma_wait3A_651[%dma_wait3A_652, %dma_wait3A_653] : memref<10000x128xf32, #tpu.memory_space<hbm>> -> memref<10000x128xf32, #tpu.memory_space<hbm>>
      tpu.wait_indirect_dma semaphore(%arg11 : memref<!tpu.dma_semaphore, #tpu.memory_space<semaphore_mem>>) src(%dma_wait3A_654 : memref<10000x128xf32, #tpu.memory_space<hbm>>) dst(%dma_wait3A_644 : memref<50x128xf32, #tpu.memory_space<vmem>>)
    }
    %scan3A_638 = arith.constant 5 : i32
    %barrier3A_639 = arith.constant 0 : index
    tpu.barrier barrier_id(%barrier3A_639)
    "tpu.region"() ({
      %run_scoped3A = tpu.sem_alloc : memref<!tpu.dma_semaphore, #tpu.memory_space<semaphore_mem>>
      %dma_start3A_640 = arith.constant 0 : i32
      %dma_start3A_641 = arith.constant 0 : i32
      %dma_start3A_642 = tpu.memref_slice %arg6[%add3A_319, %dma_start3A_640, %dma_start3A_641] : memref<4x10240x128xf32, #tpu.memory_space<hbm>> -> memref<1x10240x128xf32, #tpu.memory_space<hbm>>
      %dma_start3A_643 = tpu.memref_squeeze %dma_start3A_642 : memref<1x10240x128xf32, #tpu.memory_space<hbm>> -> memref<10240x128xf32, #tpu.memory_space<hbm>>
      %dma_start3A_644 = arith.constant 0 : i32
      %dma_start3A_645 = tpu.memref_slice %dma_start3A_643[%mul3A_0, %dma_start3A_644] : memref<10240x128xf32, #tpu.memory_space<hbm>> -> memref<640x128xf32, #tpu.memory_space<hbm>>
      %dma_start3A_646 = arith.constant 0 : i32
      %dma_start3A_647 = tpu.memref_slice %arg10[%mul3A_0, %dma_start3A_646] : memref<10240x128xf32, #tpu.memory_space<vmem_shared>> -> memref<640x128xf32, #tpu.memory_space<vmem_shared>>
      tpu.enqueue_dma source(%dma_start3A_647 : memref<640x128xf32, #tpu.memory_space<vmem_shared>>) target(%dma_start3A_645 : memref<640x128xf32, #tpu.memory_space<hbm>>) target_semaphore(%run_scoped3A : memref<!tpu.dma_semaphore, #tpu.memory_space<semaphore_mem>>)
      %dma_wait3A_648 = arith.constant 0 : i32
      %dma_wait3A_649 = arith.constant 0 : i32
      %dma_wait3A_650 = tpu.memref_slice %arg6[%add3A_319, %dma_wait3A_648, %dma_wait3A_649] : memref<4x10240x128xf32, #tpu.memory_space<hbm>> -> memref<1x10240x128xf32, #tpu.memory_space<hbm>>
      %dma_wait3A_651 = tpu.memref_squeeze %dma_wait3A_650 : memref<1x10240x128xf32, #tpu.memory_space<hbm>> -> memref<10240x128xf32, #tpu.memory_space<hbm>>
      %dma_wait3A_652 = arith.constant 0 : i32
      %dma_wait3A_653 = tpu.memref_slice %dma_wait3A_651[%mul3A_0, %dma_wait3A_652] : memref<10240x128xf32, #tpu.memory_space<hbm>> -> memref<640x128xf32, #tpu.memory_space<hbm>>
      %dma_wait3A_654 = arith.constant 0 : i32
      %dma_wait3A_655 = tpu.memref_slice %arg10[%mul3A_0, %dma_wait3A_654] : memref<10240x128xf32, #tpu.memory_space<vmem_shared>> -> memref<640x128xf32, #tpu.memory_space<vmem_shared>>
      tpu.wait_dma2 semaphore(%run_scoped3A : memref<!tpu.dma_semaphore, #tpu.memory_space<semaphore_mem>>) src(%dma_wait3A_655 : memref<640x128xf32, #tpu.memory_space<vmem_shared>>) dst(%dma_wait3A_653 : memref<640x128xf32, #tpu.memory_space<hbm>>)
      tpu.yield
    }) : () -> ()
    return
  }
}

#map = affine_map<(d0, d1) -> (0, 0, 0)>
#map1 = affine_map<(d0, d1) -> (0, 0, 0, 0)>
#map2 = affine_map<(d0, d1) -> (0, 0)>
module attributes {stable_mosaic.version = 14 : i64} {
  func.func @agg(%arg0: i32, %arg1: i32, %arg2: memref<2x10000x128xf32, #tpu.memory_space<hbm>>, %arg3: memref<16x40x5x50xi32, #tpu.memory_space<hbm>>, %arg4: memref<16x40x5x50xi32, #tpu.memory_space<hbm>>, %arg5: memref<10240x128xf32, #tpu.memory_space<hbm>>, %arg6: memref<2x10240x128xf32, #tpu.memory_space<hbm>>, %arg7: memref<15x50xi32, #tpu.memory_space<vmem>>, %arg8: memref<15x50xi32, #tpu.memory_space<vmem>>, %arg9: memref<5x50x128xf32, #tpu.memory_space<vmem>>, %arg10: memref<10240x128xf32, #tpu.memory_space<vmem_shared>>, %arg11: memref<!tpu.dma_semaphore, #tpu.memory_space<semaphore_mem>>, %arg12: memref<!tpu.dma_semaphore, #tpu.memory_space<semaphore_mem>>) attributes {dimension_semantics = [#tpu.dimension_semantics<core_parallel>, #tpu.dimension_semantics<subcore_parallel>], iteration_bounds = array<i64: 2, 16>, scalar_prefetch = 0 : i64, scratch_operands = 6 : i64, tpu.core_type = #tpu.core_type<sc_vector_subcore>, window_params = [{transform_indices = #map}, {transform_indices = #map1}, {transform_indices = #map1}, {transform_indices = #map2}, {transform_indices = #map}]} {
    %mul3A = arith.constant 640 : i32
    %mul3A_0 = arith.muli %arg1, %mul3A : i32
    %add3A = arith.constant 0 : i32
    %add3A_1 = arith.addi %add3A, %arg0 : i32
    "tpu.region"() ({
      %run_scoped3A = tpu.sem_alloc : memref<!tpu.dma_semaphore, #tpu.memory_space<semaphore_mem>>
      %dma_start3A_318 = arith.constant 0 : i32
      %dma_start3A_319 = tpu.memref_slice %arg10[%mul3A_0, %dma_start3A_318] : memref<10240x128xf32, #tpu.memory_space<vmem_shared>> -> memref<640x128xf32, #tpu.memory_space<vmem_shared>>
      %dma_start3A_320 = arith.constant 0 : i32
      %dma_start3A_321 = tpu.memref_slice %arg5[%mul3A_0, %dma_start3A_320] : memref<10240x128xf32, #tpu.memory_space<hbm>> -> memref<640x128xf32, #tpu.memory_space<hbm>>
      tpu.enqueue_dma source(%dma_start3A_321 : memref<640x128xf32, #tpu.memory_space<hbm>>) target(%dma_start3A_319 : memref<640x128xf32, #tpu.memory_space<vmem_shared>>) target_semaphore(%run_scoped3A : memref<!tpu.dma_semaphore, #tpu.memory_space<semaphore_mem>>)
      %dma_wait3A_322 = arith.constant 0 : i32
      %dma_wait3A_323 = tpu.memref_slice %arg10[%mul3A_0, %dma_wait3A_322] : memref<10240x128xf32, #tpu.memory_space<vmem_shared>> -> memref<640x128xf32, #tpu.memory_space<vmem_shared>>
      %dma_wait3A_324 = arith.constant 0 : i32
      %dma_wait3A_325 = tpu.memref_slice %arg5[%mul3A_0, %dma_wait3A_324] : memref<10240x128xf32, #tpu.memory_space<hbm>> -> memref<640x128xf32, #tpu.memory_space<hbm>>
      tpu.wait_dma2 semaphore(%run_scoped3A : memref<!tpu.dma_semaphore, #tpu.memory_space<semaphore_mem>>) src(%dma_wait3A_325 : memref<640x128xf32, #tpu.memory_space<hbm>>) dst(%dma_wait3A_323 : memref<640x128xf32, #tpu.memory_space<vmem_shared>>)
      tpu.yield
    }) : () -> ()
    %dma_start3A = arith.constant 0 : i32
    %dma_start3A_2 = arith.constant 0 : i32
    %dma_start3A_3 = arith.constant 0 : i32
    %dma_start3A_4 = tpu.memref_slice %arg7[%dma_start3A_2, %dma_start3A_3] : memref<15x50xi32, #tpu.memory_space<vmem>> -> memref<5x50xi32, #tpu.memory_space<vmem>>
    %dma_start3A_5 = arith.constant 0 : i32
    %dma_start3A_6 = arith.constant 0 : i32
    %dma_start3A_7 = arith.constant 0 : i32
    %dma_start3A_8 = tpu.memref_slice %arg3[%arg1, %dma_start3A_5, %dma_start3A_6, %dma_start3A_7] : memref<16x40x5x50xi32, #tpu.memory_space<hbm>> -> memref<1x40x5x50xi32, #tpu.memory_space<hbm>>
    %dma_start3A_9 = tpu.memref_squeeze %dma_start3A_8 : memref<1x40x5x50xi32, #tpu.memory_space<hbm>> -> memref<40x5x50xi32, #tpu.memory_space<hbm>>
    %dma_start3A_10 = arith.constant 0 : i32
    %dma_start3A_11 = arith.constant 0 : i32
    %dma_start3A_12 = tpu.memref_slice %dma_start3A_9[%dma_start3A, %dma_start3A_10, %dma_start3A_11] : memref<40x5x50xi32, #tpu.memory_space<hbm>> -> memref<1x5x50xi32, #tpu.memory_space<hbm>>
    %dma_start3A_13 = tpu.memref_squeeze %dma_start3A_12 : memref<1x5x50xi32, #tpu.memory_space<hbm>> -> memref<5x50xi32, #tpu.memory_space<hbm>>
    %dma_start3A_14 = arith.constant 0 : i32
    %dma_start3A_15 = arith.constant 0 : i32
    %dma_start3A_16 = tpu.memref_slice %arg7[%dma_start3A_14, %dma_start3A_15] : memref<15x50xi32, #tpu.memory_space<vmem>> -> memref<5x50xi32, #tpu.memory_space<vmem>>
    %dma_start3A_17 = arith.constant 0 : i32
    %dma_start3A_18 = arith.constant 0 : i32
    %dma_start3A_19 = arith.constant 0 : i32
    %dma_start3A_20 = tpu.memref_slice %arg3[%arg1, %dma_start3A_17, %dma_start3A_18, %dma_start3A_19] : memref<16x40x5x50xi32, #tpu.memory_space<hbm>> -> memref<1x40x5x50xi32, #tpu.memory_space<hbm>>
    %dma_start3A_21 = tpu.memref_squeeze %dma_start3A_20 : memref<1x40x5x50xi32, #tpu.memory_space<hbm>> -> memref<40x5x50xi32, #tpu.memory_space<hbm>>
    %dma_start3A_22 = arith.constant 0 : i32
    %dma_start3A_23 = arith.constant 0 : i32
    %dma_start3A_24 = tpu.memref_slice %dma_start3A_21[%dma_start3A, %dma_start3A_22, %dma_start3A_23] : memref<40x5x50xi32, #tpu.memory_space<hbm>> -> memref<1x5x50xi32, #tpu.memory_space<hbm>>
    %dma_start3A_25 = tpu.memref_squeeze %dma_start3A_24 : memref<1x5x50xi32, #tpu.memory_space<hbm>> -> memref<5x50xi32, #tpu.memory_space<hbm>>
    tpu.enqueue_dma source(%dma_start3A_25 : memref<5x50xi32, #tpu.memory_space<hbm>>) target(%dma_start3A_16 : memref<5x50xi32, #tpu.memory_space<vmem>>) target_semaphore(%arg12 : memref<!tpu.dma_semaphore, #tpu.memory_space<semaphore_mem>>)
    %dma_start3A_26 = arith.constant 0 : i32
    %dma_start3A_27 = arith.constant 0 : i32
    %dma_start3A_28 = arith.constant 0 : i32
    %dma_start3A_29 = tpu.memref_slice %arg8[%dma_start3A_27, %dma_start3A_28] : memref<15x50xi32, #tpu.memory_space<vmem>> -> memref<5x50xi32, #tpu.memory_space<vmem>>
    %dma_start3A_30 = arith.constant 0 : i32
    %dma_start3A_31 = arith.constant 0 : i32
    %dma_start3A_32 = arith.constant 0 : i32
    %dma_start3A_33 = tpu.memref_slice %arg4[%arg1, %dma_start3A_30, %dma_start3A_31, %dma_start3A_32] : memref<16x40x5x50xi32, #tpu.memory_space<hbm>> -> memref<1x40x5x50xi32, #tpu.memory_space<hbm>>
    %dma_start3A_34 = tpu.memref_squeeze %dma_start3A_33 : memref<1x40x5x50xi32, #tpu.memory_space<hbm>> -> memref<40x5x50xi32, #tpu.memory_space<hbm>>
    %dma_start3A_35 = arith.constant 0 : i32
    %dma_start3A_36 = arith.constant 0 : i32
    %dma_start3A_37 = tpu.memref_slice %dma_start3A_34[%dma_start3A_26, %dma_start3A_35, %dma_start3A_36] : memref<40x5x50xi32, #tpu.memory_space<hbm>> -> memref<1x5x50xi32, #tpu.memory_space<hbm>>
    %dma_start3A_38 = tpu.memref_squeeze %dma_start3A_37 : memref<1x5x50xi32, #tpu.memory_space<hbm>> -> memref<5x50xi32, #tpu.memory_space<hbm>>
    %dma_start3A_39 = arith.constant 0 : i32
    %dma_start3A_40 = arith.constant 0 : i32
    %dma_start3A_41 = tpu.memref_slice %arg8[%dma_start3A_39, %dma_start3A_40] : memref<15x50xi32, #tpu.memory_space<vmem>> -> memref<5x50xi32, #tpu.memory_space<vmem>>
    %dma_start3A_42 = arith.constant 0 : i32
    %dma_start3A_43 = arith.constant 0 : i32
    %dma_start3A_44 = arith.constant 0 : i32
    %dma_start3A_45 = tpu.memref_slice %arg4[%arg1, %dma_start3A_42, %dma_start3A_43, %dma_start3A_44] : memref<16x40x5x50xi32, #tpu.memory_space<hbm>> -> memref<1x40x5x50xi32, #tpu.memory_space<hbm>>
    %dma_start3A_46 = tpu.memref_squeeze %dma_start3A_45 : memref<1x40x5x50xi32, #tpu.memory_space<hbm>> -> memref<40x5x50xi32, #tpu.memory_space<hbm>>
    %dma_start3A_47 = arith.constant 0 : i32
    %dma_start3A_48 = arith.constant 0 : i32
    %dma_start3A_49 = tpu.memref_slice %dma_start3A_46[%dma_start3A_26, %dma_start3A_47, %dma_start3A_48] : memref<40x5x50xi32, #tpu.memory_space<hbm>> -> memref<1x5x50xi32, #tpu.memory_space<hbm>>
    %dma_start3A_50 = tpu.memref_squeeze %dma_start3A_49 : memref<1x5x50xi32, #tpu.memory_space<hbm>> -> memref<5x50xi32, #tpu.memory_space<hbm>>
    tpu.enqueue_dma source(%dma_start3A_50 : memref<5x50xi32, #tpu.memory_space<hbm>>) target(%dma_start3A_41 : memref<5x50xi32, #tpu.memory_space<vmem>>) target_semaphore(%arg12 : memref<!tpu.dma_semaphore, #tpu.memory_space<semaphore_mem>>)
    %dma_start3A_51 = arith.constant 1 : i32
    %dma_start3A_52 = arith.constant 5 : i32
    %dma_start3A_53 = arith.constant 0 : i32
    %dma_start3A_54 = tpu.memref_slice %arg7[%dma_start3A_52, %dma_start3A_53] : memref<15x50xi32, #tpu.memory_space<vmem>> -> memref<5x50xi32, #tpu.memory_space<vmem>>
    %dma_start3A_55 = arith.constant 0 : i32
    %dma_start3A_56 = arith.constant 0 : i32
    %dma_start3A_57 = arith.constant 0 : i32
    %dma_start3A_58 = tpu.memref_slice %arg3[%arg1, %dma_start3A_55, %dma_start3A_56, %dma_start3A_57] : memref<16x40x5x50xi32, #tpu.memory_space<hbm>> -> memref<1x40x5x50xi32, #tpu.memory_space<hbm>>
    %dma_start3A_59 = tpu.memref_squeeze %dma_start3A_58 : memref<1x40x5x50xi32, #tpu.memory_space<hbm>> -> memref<40x5x50xi32, #tpu.memory_space<hbm>>
    %dma_start3A_60 = arith.constant 0 : i32
    %dma_start3A_61 = arith.constant 0 : i32
    %dma_start3A_62 = tpu.memref_slice %dma_start3A_59[%dma_start3A_51, %dma_start3A_60, %dma_start3A_61] : memref<40x5x50xi32, #tpu.memory_space<hbm>> -> memref<1x5x50xi32, #tpu.memory_space<hbm>>
    %dma_start3A_63 = tpu.memref_squeeze %dma_start3A_62 : memref<1x5x50xi32, #tpu.memory_space<hbm>> -> memref<5x50xi32, #tpu.memory_space<hbm>>
    %dma_start3A_64 = arith.constant 5 : i32
    %dma_start3A_65 = arith.constant 0 : i32
    %dma_start3A_66 = tpu.memref_slice %arg7[%dma_start3A_64, %dma_start3A_65] : memref<15x50xi32, #tpu.memory_space<vmem>> -> memref<5x50xi32, #tpu.memory_space<vmem>>
    %dma_start3A_67 = arith.constant 0 : i32
    %dma_start3A_68 = arith.constant 0 : i32
    %dma_start3A_69 = arith.constant 0 : i32
    %dma_start3A_70 = tpu.memref_slice %arg3[%arg1, %dma_start3A_67, %dma_start3A_68, %dma_start3A_69] : memref<16x40x5x50xi32, #tpu.memory_space<hbm>> -> memref<1x40x5x50xi32, #tpu.memory_space<hbm>>
    %dma_start3A_71 = tpu.memref_squeeze %dma_start3A_70 : memref<1x40x5x50xi32, #tpu.memory_space<hbm>> -> memref<40x5x50xi32, #tpu.memory_space<hbm>>
    %dma_start3A_72 = arith.constant 0 : i32
    %dma_start3A_73 = arith.constant 0 : i32
    %dma_start3A_74 = tpu.memref_slice %dma_start3A_71[%dma_start3A_51, %dma_start3A_72, %dma_start3A_73] : memref<40x5x50xi32, #tpu.memory_space<hbm>> -> memref<1x5x50xi32, #tpu.memory_space<hbm>>
    %dma_start3A_75 = tpu.memref_squeeze %dma_start3A_74 : memref<1x5x50xi32, #tpu.memory_space<hbm>> -> memref<5x50xi32, #tpu.memory_space<hbm>>
    tpu.enqueue_dma source(%dma_start3A_75 : memref<5x50xi32, #tpu.memory_space<hbm>>) target(%dma_start3A_66 : memref<5x50xi32, #tpu.memory_space<vmem>>) target_semaphore(%arg12 : memref<!tpu.dma_semaphore, #tpu.memory_space<semaphore_mem>>)
    %dma_start3A_76 = arith.constant 1 : i32
    %dma_start3A_77 = arith.constant 5 : i32
    %dma_start3A_78 = arith.constant 0 : i32
    %dma_start3A_79 = tpu.memref_slice %arg8[%dma_start3A_77, %dma_start3A_78] : memref<15x50xi32, #tpu.memory_space<vmem>> -> memref<5x50xi32, #tpu.memory_space<vmem>>
    %dma_start3A_80 = arith.constant 0 : i32
    %dma_start3A_81 = arith.constant 0 : i32
    %dma_start3A_82 = arith.constant 0 : i32
    %dma_start3A_83 = tpu.memref_slice %arg4[%arg1, %dma_start3A_80, %dma_start3A_81, %dma_start3A_82] : memref<16x40x5x50xi32, #tpu.memory_space<hbm>> -> memref<1x40x5x50xi32, #tpu.memory_space<hbm>>
    %dma_start3A_84 = tpu.memref_squeeze %dma_start3A_83 : memref<1x40x5x50xi32, #tpu.memory_space<hbm>> -> memref<40x5x50xi32, #tpu.memory_space<hbm>>
    %dma_start3A_85 = arith.constant 0 : i32
    %dma_start3A_86 = arith.constant 0 : i32
    %dma_start3A_87 = tpu.memref_slice %dma_start3A_84[%dma_start3A_76, %dma_start3A_85, %dma_start3A_86] : memref<40x5x50xi32, #tpu.memory_space<hbm>> -> memref<1x5x50xi32, #tpu.memory_space<hbm>>
    %dma_start3A_88 = tpu.memref_squeeze %dma_start3A_87 : memref<1x5x50xi32, #tpu.memory_space<hbm>> -> memref<5x50xi32, #tpu.memory_space<hbm>>
    %dma_start3A_89 = arith.constant 5 : i32
    %dma_start3A_90 = arith.constant 0 : i32
    %dma_start3A_91 = tpu.memref_slice %arg8[%dma_start3A_89, %dma_start3A_90] : memref<15x50xi32, #tpu.memory_space<vmem>> -> memref<5x50xi32, #tpu.memory_space<vmem>>
    %dma_start3A_92 = arith.constant 0 : i32
    %dma_start3A_93 = arith.constant 0 : i32
    %dma_start3A_94 = arith.constant 0 : i32
    %dma_start3A_95 = tpu.memref_slice %arg4[%arg1, %dma_start3A_92, %dma_start3A_93, %dma_start3A_94] : memref<16x40x5x50xi32, #tpu.memory_space<hbm>> -> memref<1x40x5x50xi32, #tpu.memory_space<hbm>>
    %dma_start3A_96 = tpu.memref_squeeze %dma_start3A_95 : memref<1x40x5x50xi32, #tpu.memory_space<hbm>> -> memref<40x5x50xi32, #tpu.memory_space<hbm>>
    %dma_start3A_97 = arith.constant 0 : i32
    %dma_start3A_98 = arith.constant 0 : i32
    %dma_start3A_99 = tpu.memref_slice %dma_start3A_96[%dma_start3A_76, %dma_start3A_97, %dma_start3A_98] : memref<40x5x50xi32, #tpu.memory_space<hbm>> -> memref<1x5x50xi32, #tpu.memory_space<hbm>>
    %dma_start3A_100 = tpu.memref_squeeze %dma_start3A_99 : memref<1x5x50xi32, #tpu.memory_space<hbm>> -> memref<5x50xi32, #tpu.memory_space<hbm>>
    tpu.enqueue_dma source(%dma_start3A_100 : memref<5x50xi32, #tpu.memory_space<hbm>>) target(%dma_start3A_91 : memref<5x50xi32, #tpu.memory_space<vmem>>) target_semaphore(%arg12 : memref<!tpu.dma_semaphore, #tpu.memory_space<semaphore_mem>>)
    %dma_start3A_101 = arith.constant 2 : i32
    %dma_start3A_102 = arith.constant 10 : i32
    %dma_start3A_103 = arith.constant 0 : i32
    %dma_start3A_104 = tpu.memref_slice %arg7[%dma_start3A_102, %dma_start3A_103] : memref<15x50xi32, #tpu.memory_space<vmem>> -> memref<5x50xi32, #tpu.memory_space<vmem>>
    %dma_start3A_105 = arith.constant 0 : i32
    %dma_start3A_106 = arith.constant 0 : i32
    %dma_start3A_107 = arith.constant 0 : i32
    %dma_start3A_108 = tpu.memref_slice %arg3[%arg1, %dma_start3A_105, %dma_start3A_106, %dma_start3A_107] : memref<16x40x5x50xi32, #tpu.memory_space<hbm>> -> memref<1x40x5x50xi32, #tpu.memory_space<hbm>>
    %dma_start3A_109 = tpu.memref_squeeze %dma_start3A_108 : memref<1x40x5x50xi32, #tpu.memory_space<hbm>> -> memref<40x5x50xi32, #tpu.memory_space<hbm>>
    %dma_start3A_110 = arith.constant 0 : i32
    %dma_start3A_111 = arith.constant 0 : i32
    %dma_start3A_112 = tpu.memref_slice %dma_start3A_109[%dma_start3A_101, %dma_start3A_110, %dma_start3A_111] : memref<40x5x50xi32, #tpu.memory_space<hbm>> -> memref<1x5x50xi32, #tpu.memory_space<hbm>>
    %dma_start3A_113 = tpu.memref_squeeze %dma_start3A_112 : memref<1x5x50xi32, #tpu.memory_space<hbm>> -> memref<5x50xi32, #tpu.memory_space<hbm>>
    %dma_start3A_114 = arith.constant 10 : i32
    %dma_start3A_115 = arith.constant 0 : i32
    %dma_start3A_116 = tpu.memref_slice %arg7[%dma_start3A_114, %dma_start3A_115] : memref<15x50xi32, #tpu.memory_space<vmem>> -> memref<5x50xi32, #tpu.memory_space<vmem>>
    %dma_start3A_117 = arith.constant 0 : i32
    %dma_start3A_118 = arith.constant 0 : i32
    %dma_start3A_119 = arith.constant 0 : i32
    %dma_start3A_120 = tpu.memref_slice %arg3[%arg1, %dma_start3A_117, %dma_start3A_118, %dma_start3A_119] : memref<16x40x5x50xi32, #tpu.memory_space<hbm>> -> memref<1x40x5x50xi32, #tpu.memory_space<hbm>>
    %dma_start3A_121 = tpu.memref_squeeze %dma_start3A_120 : memref<1x40x5x50xi32, #tpu.memory_space<hbm>> -> memref<40x5x50xi32, #tpu.memory_space<hbm>>
    %dma_start3A_122 = arith.constant 0 : i32
    %dma_start3A_123 = arith.constant 0 : i32
    %dma_start3A_124 = tpu.memref_slice %dma_start3A_121[%dma_start3A_101, %dma_start3A_122, %dma_start3A_123] : memref<40x5x50xi32, #tpu.memory_space<hbm>> -> memref<1x5x50xi32, #tpu.memory_space<hbm>>
    %dma_start3A_125 = tpu.memref_squeeze %dma_start3A_124 : memref<1x5x50xi32, #tpu.memory_space<hbm>> -> memref<5x50xi32, #tpu.memory_space<hbm>>
    tpu.enqueue_dma source(%dma_start3A_125 : memref<5x50xi32, #tpu.memory_space<hbm>>) target(%dma_start3A_116 : memref<5x50xi32, #tpu.memory_space<vmem>>) target_semaphore(%arg12 : memref<!tpu.dma_semaphore, #tpu.memory_space<semaphore_mem>>)
    %dma_start3A_126 = arith.constant 2 : i32
    %dma_start3A_127 = arith.constant 10 : i32
    %dma_start3A_128 = arith.constant 0 : i32
    %dma_start3A_129 = tpu.memref_slice %arg8[%dma_start3A_127, %dma_start3A_128] : memref<15x50xi32, #tpu.memory_space<vmem>> -> memref<5x50xi32, #tpu.memory_space<vmem>>
    %dma_start3A_130 = arith.constant 0 : i32
    %dma_start3A_131 = arith.constant 0 : i32
    %dma_start3A_132 = arith.constant 0 : i32
    %dma_start3A_133 = tpu.memref_slice %arg4[%arg1, %dma_start3A_130, %dma_start3A_131, %dma_start3A_132] : memref<16x40x5x50xi32, #tpu.memory_space<hbm>> -> memref<1x40x5x50xi32, #tpu.memory_space<hbm>>
    %dma_start3A_134 = tpu.memref_squeeze %dma_start3A_133 : memref<1x40x5x50xi32, #tpu.memory_space<hbm>> -> memref<40x5x50xi32, #tpu.memory_space<hbm>>
    %dma_start3A_135 = arith.constant 0 : i32
    %dma_start3A_136 = arith.constant 0 : i32
    %dma_start3A_137 = tpu.memref_slice %dma_start3A_134[%dma_start3A_126, %dma_start3A_135, %dma_start3A_136] : memref<40x5x50xi32, #tpu.memory_space<hbm>> -> memref<1x5x50xi32, #tpu.memory_space<hbm>>
    %dma_start3A_138 = tpu.memref_squeeze %dma_start3A_137 : memref<1x5x50xi32, #tpu.memory_space<hbm>> -> memref<5x50xi32, #tpu.memory_space<hbm>>
    %dma_start3A_139 = arith.constant 10 : i32
    %dma_start3A_140 = arith.constant 0 : i32
    %dma_start3A_141 = tpu.memref_slice %arg8[%dma_start3A_139, %dma_start3A_140] : memref<15x50xi32, #tpu.memory_space<vmem>> -> memref<5x50xi32, #tpu.memory_space<vmem>>
    %dma_start3A_142 = arith.constant 0 : i32
    %dma_start3A_143 = arith.constant 0 : i32
    %dma_start3A_144 = arith.constant 0 : i32
    %dma_start3A_145 = tpu.memref_slice %arg4[%arg1, %dma_start3A_142, %dma_start3A_143, %dma_start3A_144] : memref<16x40x5x50xi32, #tpu.memory_space<hbm>> -> memref<1x40x5x50xi32, #tpu.memory_space<hbm>>
    %dma_start3A_146 = tpu.memref_squeeze %dma_start3A_145 : memref<1x40x5x50xi32, #tpu.memory_space<hbm>> -> memref<40x5x50xi32, #tpu.memory_space<hbm>>
    %dma_start3A_147 = arith.constant 0 : i32
    %dma_start3A_148 = arith.constant 0 : i32
    %dma_start3A_149 = tpu.memref_slice %dma_start3A_146[%dma_start3A_126, %dma_start3A_147, %dma_start3A_148] : memref<40x5x50xi32, #tpu.memory_space<hbm>> -> memref<1x5x50xi32, #tpu.memory_space<hbm>>
    %dma_start3A_150 = tpu.memref_squeeze %dma_start3A_149 : memref<1x5x50xi32, #tpu.memory_space<hbm>> -> memref<5x50xi32, #tpu.memory_space<hbm>>
    tpu.enqueue_dma source(%dma_start3A_150 : memref<5x50xi32, #tpu.memory_space<hbm>>) target(%dma_start3A_141 : memref<5x50xi32, #tpu.memory_space<vmem>>) target_semaphore(%arg12 : memref<!tpu.dma_semaphore, #tpu.memory_space<semaphore_mem>>)
    %barrier3A = arith.constant 0 : index
    tpu.barrier barrier_id(%barrier3A)
    %dma_wait3A = arith.constant 0 : i32
    %dma_wait3A_151 = arith.constant 0 : i32
    %dma_wait3A_152 = arith.constant 0 : i32
    %dma_wait3A_153 = tpu.memref_slice %arg7[%dma_wait3A_151, %dma_wait3A_152] : memref<15x50xi32, #tpu.memory_space<vmem>> -> memref<5x50xi32, #tpu.memory_space<vmem>>
    %dma_wait3A_154 = arith.constant 0 : i32
    %dma_wait3A_155 = arith.constant 0 : i32
    %dma_wait3A_156 = arith.constant 0 : i32
    %dma_wait3A_157 = tpu.memref_slice %arg3[%arg1, %dma_wait3A_154, %dma_wait3A_155, %dma_wait3A_156] : memref<16x40x5x50xi32, #tpu.memory_space<hbm>> -> memref<1x40x5x50xi32, #tpu.memory_space<hbm>>
    %dma_wait3A_158 = tpu.memref_squeeze %dma_wait3A_157 : memref<1x40x5x50xi32, #tpu.memory_space<hbm>> -> memref<40x5x50xi32, #tpu.memory_space<hbm>>
    %dma_wait3A_159 = arith.constant 0 : i32
    %dma_wait3A_160 = arith.constant 0 : i32
    %dma_wait3A_161 = tpu.memref_slice %dma_wait3A_158[%dma_wait3A, %dma_wait3A_159, %dma_wait3A_160] : memref<40x5x50xi32, #tpu.memory_space<hbm>> -> memref<1x5x50xi32, #tpu.memory_space<hbm>>
    %dma_wait3A_162 = tpu.memref_squeeze %dma_wait3A_161 : memref<1x5x50xi32, #tpu.memory_space<hbm>> -> memref<5x50xi32, #tpu.memory_space<hbm>>
    %dma_wait3A_163 = arith.constant 0 : i32
    %dma_wait3A_164 = arith.constant 0 : i32
    %dma_wait3A_165 = tpu.memref_slice %arg7[%dma_wait3A_163, %dma_wait3A_164] : memref<15x50xi32, #tpu.memory_space<vmem>> -> memref<5x50xi32, #tpu.memory_space<vmem>>
    %dma_wait3A_166 = arith.constant 0 : i32
    %dma_wait3A_167 = arith.constant 0 : i32
    %dma_wait3A_168 = arith.constant 0 : i32
    %dma_wait3A_169 = tpu.memref_slice %arg3[%arg1, %dma_wait3A_166, %dma_wait3A_167, %dma_wait3A_168] : memref<16x40x5x50xi32, #tpu.memory_space<hbm>> -> memref<1x40x5x50xi32, #tpu.memory_space<hbm>>
    %dma_wait3A_170 = tpu.memref_squeeze %dma_wait3A_169 : memref<1x40x5x50xi32, #tpu.memory_space<hbm>> -> memref<40x5x50xi32, #tpu.memory_space<hbm>>
    %dma_wait3A_171 = arith.constant 0 : i32
    %dma_wait3A_172 = arith.constant 0 : i32
    %dma_wait3A_173 = tpu.memref_slice %dma_wait3A_170[%dma_wait3A, %dma_wait3A_171, %dma_wait3A_172] : memref<40x5x50xi32, #tpu.memory_space<hbm>> -> memref<1x5x50xi32, #tpu.memory_space<hbm>>
    %dma_wait3A_174 = tpu.memref_squeeze %dma_wait3A_173 : memref<1x5x50xi32, #tpu.memory_space<hbm>> -> memref<5x50xi32, #tpu.memory_space<hbm>>
    tpu.wait_dma2 semaphore(%arg12 : memref<!tpu.dma_semaphore, #tpu.memory_space<semaphore_mem>>) src(%dma_wait3A_174 : memref<5x50xi32, #tpu.memory_space<hbm>>) dst(%dma_wait3A_165 : memref<5x50xi32, #tpu.memory_space<vmem>>)
    %dma_wait3A_175 = arith.constant 0 : i32
    %dma_wait3A_176 = arith.constant 0 : i32
    %dma_wait3A_177 = arith.constant 0 : i32
    %dma_wait3A_178 = tpu.memref_slice %arg8[%dma_wait3A_176, %dma_wait3A_177] : memref<15x50xi32, #tpu.memory_space<vmem>> -> memref<5x50xi32, #tpu.memory_space<vmem>>
    %dma_wait3A_179 = arith.constant 0 : i32
    %dma_wait3A_180 = arith.constant 0 : i32
    %dma_wait3A_181 = arith.constant 0 : i32
    %dma_wait3A_182 = tpu.memref_slice %arg4[%arg1, %dma_wait3A_179, %dma_wait3A_180, %dma_wait3A_181] : memref<16x40x5x50xi32, #tpu.memory_space<hbm>> -> memref<1x40x5x50xi32, #tpu.memory_space<hbm>>
    %dma_wait3A_183 = tpu.memref_squeeze %dma_wait3A_182 : memref<1x40x5x50xi32, #tpu.memory_space<hbm>> -> memref<40x5x50xi32, #tpu.memory_space<hbm>>
    %dma_wait3A_184 = arith.constant 0 : i32
    %dma_wait3A_185 = arith.constant 0 : i32
    %dma_wait3A_186 = tpu.memref_slice %dma_wait3A_183[%dma_wait3A_175, %dma_wait3A_184, %dma_wait3A_185] : memref<40x5x50xi32, #tpu.memory_space<hbm>> -> memref<1x5x50xi32, #tpu.memory_space<hbm>>
    %dma_wait3A_187 = tpu.memref_squeeze %dma_wait3A_186 : memref<1x5x50xi32, #tpu.memory_space<hbm>> -> memref<5x50xi32, #tpu.memory_space<hbm>>
    %dma_wait3A_188 = arith.constant 0 : i32
    %dma_wait3A_189 = arith.constant 0 : i32
    %dma_wait3A_190 = tpu.memref_slice %arg8[%dma_wait3A_188, %dma_wait3A_189] : memref<15x50xi32, #tpu.memory_space<vmem>> -> memref<5x50xi32, #tpu.memory_space<vmem>>
    %dma_wait3A_191 = arith.constant 0 : i32
    %dma_wait3A_192 = arith.constant 0 : i32
    %dma_wait3A_193 = arith.constant 0 : i32
    %dma_wait3A_194 = tpu.memref_slice %arg4[%arg1, %dma_wait3A_191, %dma_wait3A_192, %dma_wait3A_193] : memref<16x40x5x50xi32, #tpu.memory_space<hbm>> -> memref<1x40x5x50xi32, #tpu.memory_space<hbm>>
    %dma_wait3A_195 = tpu.memref_squeeze %dma_wait3A_194 : memref<1x40x5x50xi32, #tpu.memory_space<hbm>> -> memref<40x5x50xi32, #tpu.memory_space<hbm>>
    %dma_wait3A_196 = arith.constant 0 : i32
    %dma_wait3A_197 = arith.constant 0 : i32
    %dma_wait3A_198 = tpu.memref_slice %dma_wait3A_195[%dma_wait3A_175, %dma_wait3A_196, %dma_wait3A_197] : memref<40x5x50xi32, #tpu.memory_space<hbm>> -> memref<1x5x50xi32, #tpu.memory_space<hbm>>
    %dma_wait3A_199 = tpu.memref_squeeze %dma_wait3A_198 : memref<1x5x50xi32, #tpu.memory_space<hbm>> -> memref<5x50xi32, #tpu.memory_space<hbm>>
    tpu.wait_dma2 semaphore(%arg12 : memref<!tpu.dma_semaphore, #tpu.memory_space<semaphore_mem>>) src(%dma_wait3A_199 : memref<5x50xi32, #tpu.memory_space<hbm>>) dst(%dma_wait3A_190 : memref<5x50xi32, #tpu.memory_space<vmem>>)
    %scan3A = arith.constant 0 : i32
    %scan3A_200 = arith.constant 0 : i32
    %scan3A_201 = arith.constant 5 : i32
    %scan3A_202 = arith.addi %scan3A_200, %scan3A_201 : i32
    %scan3A_203 = arith.constant 1 : i32
    scf.for %scan3A_318 = %scan3A_200 to %scan3A_202 step %scan3A_203  : i32 {
      %dma_start3A_319 = arith.constant 0 : i32
      %dma_start3A_320 = arith.constant 0 : i32
      %dma_start3A_321 = tpu.memref_slice %arg9[%scan3A_318, %dma_start3A_319, %dma_start3A_320] : memref<5x50x128xf32, #tpu.memory_space<vmem>> -> memref<1x50x128xf32, #tpu.memory_space<vmem>>
      %dma_start3A_322 = tpu.memref_squeeze %dma_start3A_321 : memref<1x50x128xf32, #tpu.memory_space<vmem>> -> memref<50x128xf32, #tpu.memory_space<vmem>>
      %dma_start3A_323 = arith.constant 0 : i32
      %dma_start3A_324 = tpu.memref_slice %arg7[%scan3A_318, %dma_start3A_323] : memref<15x50xi32, #tpu.memory_space<vmem>> -> memref<1x50xi32, #tpu.memory_space<vmem>>
      %dma_start3A_325 = tpu.memref_squeeze %dma_start3A_324 : memref<1x50xi32, #tpu.memory_space<vmem>> -> memref<50xi32, #tpu.memory_space<vmem>>
      %dma_start3A_326 = arith.constant 0 : i32
      %dma_start3A_327 = arith.constant 0 : i32
      %dma_start3A_328 = tpu.memref_slice %arg2[%add3A_1, %dma_start3A_326, %dma_start3A_327] : memref<2x10000x128xf32, #tpu.memory_space<hbm>> -> memref<1x10000x128xf32, #tpu.memory_space<hbm>>
      %dma_start3A_329 = tpu.memref_squeeze %dma_start3A_328 : memref<1x10000x128xf32, #tpu.memory_space<hbm>> -> memref<10000x128xf32, #tpu.memory_space<hbm>>
      %dma_start3A_330 = arith.constant 0 : i32
      %dma_start3A_331 = arith.constant 0 : i32
      %dma_start3A_332 = tpu.memref_slice %dma_start3A_329[%dma_start3A_330, %dma_start3A_331] : memref<10000x128xf32, #tpu.memory_space<hbm>> -> memref<10000x128xf32, #tpu.memory_space<hbm>>
      tpu.enqueue_indirect_dma source(%dma_start3A_332 : memref<10000x128xf32, #tpu.memory_space<hbm>>) target(%dma_start3A_322 : memref<50x128xf32, #tpu.memory_space<vmem>>) offsets(%dma_start3A_325 : memref<50xi32, #tpu.memory_space<vmem>>) semaphore(%arg11 : memref<!tpu.dma_semaphore, #tpu.memory_space<semaphore_mem>>)
    }
    %scan3A_204 = arith.constant 5 : i32
    %scan3A_205 = arith.constant 0 : i32
    %scan3A_206 = arith.constant 0 : i32
    %scan3A_207 = arith.constant 40 : i32
    %scan3A_208 = arith.addi %scan3A_206, %scan3A_207 : i32
    %scan3A_209 = arith.constant 1 : i32
    scf.for %scan3A_318 = %scan3A_206 to %scan3A_208 step %scan3A_209  : i32 {
      %dma_wait3A_319 = arith.constant 0 : i32
      %dma_wait3A_320 = arith.constant 0 : i32
      %dma_wait3A_321 = arith.constant 0 : i32
      %dma_wait3A_322 = tpu.memref_slice %arg7[%dma_wait3A_320, %dma_wait3A_321] : memref<15x50xi32, #tpu.memory_space<vmem>> -> memref<5x50xi32, #tpu.memory_space<vmem>>
      %dma_wait3A_323 = arith.constant 0 : i32
      %dma_wait3A_324 = arith.constant 0 : i32
      %dma_wait3A_325 = arith.constant 0 : i32
      %dma_wait3A_326 = tpu.memref_slice %arg3[%arg1, %dma_wait3A_323, %dma_wait3A_324, %dma_wait3A_325] : memref<16x40x5x50xi32, #tpu.memory_space<hbm>> -> memref<1x40x5x50xi32, #tpu.memory_space<hbm>>
      %dma_wait3A_327 = tpu.memref_squeeze %dma_wait3A_326 : memref<1x40x5x50xi32, #tpu.memory_space<hbm>> -> memref<40x5x50xi32, #tpu.memory_space<hbm>>
      %dma_wait3A_328 = arith.constant 0 : i32
      %dma_wait3A_329 = arith.constant 0 : i32
      %dma_wait3A_330 = tpu.memref_slice %dma_wait3A_327[%dma_wait3A_319, %dma_wait3A_328, %dma_wait3A_329] : memref<40x5x50xi32, #tpu.memory_space<hbm>> -> memref<1x5x50xi32, #tpu.memory_space<hbm>>
      %dma_wait3A_331 = tpu.memref_squeeze %dma_wait3A_330 : memref<1x5x50xi32, #tpu.memory_space<hbm>> -> memref<5x50xi32, #tpu.memory_space<hbm>>
      %dma_wait3A_332 = arith.constant 0 : i32
      %dma_wait3A_333 = arith.constant 0 : i32
      %dma_wait3A_334 = tpu.memref_slice %arg7[%dma_wait3A_332, %dma_wait3A_333] : memref<15x50xi32, #tpu.memory_space<vmem>> -> memref<5x50xi32, #tpu.memory_space<vmem>>
      %dma_wait3A_335 = arith.constant 0 : i32
      %dma_wait3A_336 = arith.constant 0 : i32
      %dma_wait3A_337 = arith.constant 0 : i32
      %dma_wait3A_338 = tpu.memref_slice %arg3[%arg1, %dma_wait3A_335, %dma_wait3A_336, %dma_wait3A_337] : memref<16x40x5x50xi32, #tpu.memory_space<hbm>> -> memref<1x40x5x50xi32, #tpu.memory_space<hbm>>
      %dma_wait3A_339 = tpu.memref_squeeze %dma_wait3A_338 : memref<1x40x5x50xi32, #tpu.memory_space<hbm>> -> memref<40x5x50xi32, #tpu.memory_space<hbm>>
      %dma_wait3A_340 = arith.constant 0 : i32
      %dma_wait3A_341 = arith.constant 0 : i32
      %dma_wait3A_342 = tpu.memref_slice %dma_wait3A_339[%dma_wait3A_319, %dma_wait3A_340, %dma_wait3A_341] : memref<40x5x50xi32, #tpu.memory_space<hbm>> -> memref<1x5x50xi32, #tpu.memory_space<hbm>>
      %dma_wait3A_343 = tpu.memref_squeeze %dma_wait3A_342 : memref<1x5x50xi32, #tpu.memory_space<hbm>> -> memref<5x50xi32, #tpu.memory_space<hbm>>
      tpu.wait_dma2 semaphore(%arg12 : memref<!tpu.dma_semaphore, #tpu.memory_space<semaphore_mem>>) src(%dma_wait3A_343 : memref<5x50xi32, #tpu.memory_space<hbm>>) dst(%dma_wait3A_334 : memref<5x50xi32, #tpu.memory_space<vmem>>)
      %dma_wait3A_344 = arith.constant 0 : i32
      %dma_wait3A_345 = arith.constant 0 : i32
      %dma_wait3A_346 = arith.constant 0 : i32
      %dma_wait3A_347 = tpu.memref_slice %arg8[%dma_wait3A_345, %dma_wait3A_346] : memref<15x50xi32, #tpu.memory_space<vmem>> -> memref<5x50xi32, #tpu.memory_space<vmem>>
      %dma_wait3A_348 = arith.constant 0 : i32
      %dma_wait3A_349 = arith.constant 0 : i32
      %dma_wait3A_350 = arith.constant 0 : i32
      %dma_wait3A_351 = tpu.memref_slice %arg4[%arg1, %dma_wait3A_348, %dma_wait3A_349, %dma_wait3A_350] : memref<16x40x5x50xi32, #tpu.memory_space<hbm>> -> memref<1x40x5x50xi32, #tpu.memory_space<hbm>>
      %dma_wait3A_352 = tpu.memref_squeeze %dma_wait3A_351 : memref<1x40x5x50xi32, #tpu.memory_space<hbm>> -> memref<40x5x50xi32, #tpu.memory_space<hbm>>
      %dma_wait3A_353 = arith.constant 0 : i32
      %dma_wait3A_354 = arith.constant 0 : i32
      %dma_wait3A_355 = tpu.memref_slice %dma_wait3A_352[%dma_wait3A_344, %dma_wait3A_353, %dma_wait3A_354] : memref<40x5x50xi32, #tpu.memory_space<hbm>> -> memref<1x5x50xi32, #tpu.memory_space<hbm>>
      %dma_wait3A_356 = tpu.memref_squeeze %dma_wait3A_355 : memref<1x5x50xi32, #tpu.memory_space<hbm>> -> memref<5x50xi32, #tpu.memory_space<hbm>>
      %dma_wait3A_357 = arith.constant 0 : i32
      %dma_wait3A_358 = arith.constant 0 : i32
      %dma_wait3A_359 = tpu.memref_slice %arg8[%dma_wait3A_357, %dma_wait3A_358] : memref<15x50xi32, #tpu.memory_space<vmem>> -> memref<5x50xi32, #tpu.memory_space<vmem>>
      %dma_wait3A_360 = arith.constant 0 : i32
      %dma_wait3A_361 = arith.constant 0 : i32
      %dma_wait3A_362 = arith.constant 0 : i32
      %dma_wait3A_363 = tpu.memref_slice %arg4[%arg1, %dma_wait3A_360, %dma_wait3A_361, %dma_wait3A_362] : memref<16x40x5x50xi32, #tpu.memory_space<hbm>> -> memref<1x40x5x50xi32, #tpu.memory_space<hbm>>
      %dma_wait3A_364 = tpu.memref_squeeze %dma_wait3A_363 : memref<1x40x5x50xi32, #tpu.memory_space<hbm>> -> memref<40x5x50xi32, #tpu.memory_space<hbm>>
      %dma_wait3A_365 = arith.constant 0 : i32
      %dma_wait3A_366 = arith.constant 0 : i32
      %dma_wait3A_367 = tpu.memref_slice %dma_wait3A_364[%dma_wait3A_344, %dma_wait3A_365, %dma_wait3A_366] : memref<40x5x50xi32, #tpu.memory_space<hbm>> -> memref<1x5x50xi32, #tpu.memory_space<hbm>>
      %dma_wait3A_368 = tpu.memref_squeeze %dma_wait3A_367 : memref<1x5x50xi32, #tpu.memory_space<hbm>> -> memref<5x50xi32, #tpu.memory_space<hbm>>
      tpu.wait_dma2 semaphore(%arg12 : memref<!tpu.dma_semaphore, #tpu.memory_space<semaphore_mem>>) src(%dma_wait3A_368 : memref<5x50xi32, #tpu.memory_space<hbm>>) dst(%dma_wait3A_359 : memref<5x50xi32, #tpu.memory_space<vmem>>)
      %jit3A = arith.constant 3 : i32
      %eq3A = arith.constant 0 : i32
      %eq3A_369 = arith.cmpi eq, %jit3A, %eq3A : i32
      %jit3A_370 = arith.constant 1 : i32
      %select_n3A = arith.select %eq3A_369, %jit3A_370, %jit3A : i32
      %rem3A = arith.remsi %scan3A_318, %select_n3A : i32
      %ne3A = arith.constant 0 : i32
      %ne3A_371 = arith.cmpi ne, %rem3A, %ne3A : i32
      %lt3A = arith.constant 0 : i32
      %lt3A_372 = arith.cmpi slt, %rem3A, %lt3A : i32
      %lt3A_373 = arith.constant 0 : i32
      %lt3A_374 = arith.cmpi slt, %select_n3A, %lt3A_373 : i32
      %ne3A_375 = arith.xori %lt3A_372, %lt3A_374 : i1
      %and3A = arith.andi %ne3A_375, %ne3A_371 : i1
      %add3A_376 = arith.addi %rem3A, %select_n3A : i32
      %select_n3A_377 = arith.select %and3A, %add3A_376, %rem3A : i32
      %mul3A_378 = arith.constant 5 : i32
      %mul3A_379 = arith.muli %select_n3A_377, %mul3A_378 : i32
      %add3A_380 = arith.constant 1 : i32
      %add3A_381 = arith.addi %scan3A_318, %add3A_380 : i32
      %jit3A_382 = arith.constant 3 : i32
      %eq3A_383 = arith.constant 0 : i32
      %eq3A_384 = arith.cmpi eq, %jit3A_382, %eq3A_383 : i32
      %jit3A_385 = arith.constant 1 : i32
      %select_n3A_386 = arith.select %eq3A_384, %jit3A_385, %jit3A_382 : i32
      %rem3A_387 = arith.remsi %add3A_381, %select_n3A_386 : i32
      %ne3A_388 = arith.constant 0 : i32
      %ne3A_389 = arith.cmpi ne, %rem3A_387, %ne3A_388 : i32
      %lt3A_390 = arith.constant 0 : i32
      %lt3A_391 = arith.cmpi slt, %rem3A_387, %lt3A_390 : i32
      %lt3A_392 = arith.constant 0 : i32
      %lt3A_393 = arith.cmpi slt, %select_n3A_386, %lt3A_392 : i32
      %ne3A_394 = arith.xori %lt3A_391, %lt3A_393 : i1
      %and3A_395 = arith.andi %ne3A_394, %ne3A_389 : i1
      %add3A_396 = arith.addi %rem3A_387, %select_n3A_386 : i32
      %select_n3A_397 = arith.select %and3A_395, %add3A_396, %rem3A_387 : i32
      %mul3A_398 = arith.constant 5 : i32
      %mul3A_399 = arith.muli %select_n3A_397, %mul3A_398 : i32
      %scan3A_400 = arith.constant 0 : i32
      %scan3A_401 = arith.constant 0 : i32
      %scan3A_402 = arith.constant 5 : i32
      %scan3A_403 = arith.addi %scan3A_401, %scan3A_402 : i32
      %scan3A_404 = arith.constant 1 : i32
      scf.for %scan3A_473 = %scan3A_401 to %scan3A_403 step %scan3A_404  : i32 {
        %add3A_474 = arith.addi %mul3A_379, %scan3A_473 : i32
        %dma_wait3A_475 = arith.constant 0 : i32
        %dma_wait3A_476 = arith.constant 0 : i32
        %dma_wait3A_477 = tpu.memref_slice %arg9[%scan3A_473, %dma_wait3A_475, %dma_wait3A_476] : memref<5x50x128xf32, #tpu.memory_space<vmem>> -> memref<1x50x128xf32, #tpu.memory_space<vmem>>
        %dma_wait3A_478 = tpu.memref_squeeze %dma_wait3A_477 : memref<1x50x128xf32, #tpu.memory_space<vmem>> -> memref<50x128xf32, #tpu.memory_space<vmem>>
        %dma_wait3A_479 = arith.constant 0 : i32
        %dma_wait3A_480 = tpu.memref_slice %arg7[%add3A_474, %dma_wait3A_479] : memref<15x50xi32, #tpu.memory_space<vmem>> -> memref<1x50xi32, #tpu.memory_space<vmem>>
        %dma_wait3A_481 = tpu.memref_squeeze %dma_wait3A_480 : memref<1x50xi32, #tpu.memory_space<vmem>> -> memref<50xi32, #tpu.memory_space<vmem>>
        %dma_wait3A_482 = arith.constant 0 : i32
        %dma_wait3A_483 = arith.constant 0 : i32
        %dma_wait3A_484 = tpu.memref_slice %arg2[%add3A_1, %dma_wait3A_482, %dma_wait3A_483] : memref<2x10000x128xf32, #tpu.memory_space<hbm>> -> memref<1x10000x128xf32, #tpu.memory_space<hbm>>
        %dma_wait3A_485 = tpu.memref_squeeze %dma_wait3A_484 : memref<1x10000x128xf32, #tpu.memory_space<hbm>> -> memref<10000x128xf32, #tpu.memory_space<hbm>>
        %dma_wait3A_486 = arith.constant 0 : i32
        %dma_wait3A_487 = arith.constant 0 : i32
        %dma_wait3A_488 = tpu.memref_slice %dma_wait3A_485[%dma_wait3A_486, %dma_wait3A_487] : memref<10000x128xf32, #tpu.memory_space<hbm>> -> memref<10000x128xf32, #tpu.memory_space<hbm>>
        tpu.wait_indirect_dma semaphore(%arg11 : memref<!tpu.dma_semaphore, #tpu.memory_space<semaphore_mem>>) src(%dma_wait3A_488 : memref<10000x128xf32, #tpu.memory_space<hbm>>) dst(%dma_wait3A_478 : memref<50x128xf32, #tpu.memory_space<vmem>>)
        %add3A_489 = arith.addi %mul3A_379, %scan3A_473 : i32
        "tpu.region"() ({
          %run_scoped3A = tpu.sem_alloc : memref<!tpu.dma_semaphore, #tpu.memory_space<semaphore_mem>>
          %dma_start3A_505 = arith.constant 0 : i32
          %dma_start3A_506 = arith.constant 0 : i32
          %dma_start3A_507 = tpu.memref_slice %arg9[%scan3A_473, %dma_start3A_505, %dma_start3A_506] : memref<5x50x128xf32, #tpu.memory_space<vmem>> -> memref<1x50x128xf32, #tpu.memory_space<vmem>>
          %dma_start3A_508 = tpu.memref_squeeze %dma_start3A_507 : memref<1x50x128xf32, #tpu.memory_space<vmem>> -> memref<50x128xf32, #tpu.memory_space<vmem>>
          %dma_start3A_509 = arith.constant 0 : i32
          %dma_start3A_510 = tpu.memref_slice %arg8[%add3A_489, %dma_start3A_509] : memref<15x50xi32, #tpu.memory_space<vmem>> -> memref<1x50xi32, #tpu.memory_space<vmem>>
          %dma_start3A_511 = tpu.memref_squeeze %dma_start3A_510 : memref<1x50xi32, #tpu.memory_space<vmem>> -> memref<50xi32, #tpu.memory_space<vmem>>
          %dma_start3A_512 = arith.constant 0 : i32
          %dma_start3A_513 = arith.constant 0 : i32
          %dma_start3A_514 = tpu.memref_slice %arg10[%dma_start3A_512, %dma_start3A_513] : memref<10240x128xf32, #tpu.memory_space<vmem_shared>> -> memref<10240x128xf32, #tpu.memory_space<vmem_shared>>
          tpu.enqueue_indirect_dma source(%dma_start3A_508 : memref<50x128xf32, #tpu.memory_space<vmem>>) target(%dma_start3A_514 : memref<10240x128xf32, #tpu.memory_space<vmem_shared>>) offsets(%dma_start3A_511 : memref<50xi32, #tpu.memory_space<vmem>>) semaphore(%run_scoped3A : memref<!tpu.dma_semaphore, #tpu.memory_space<semaphore_mem>>) {add = true}
          %dma_wait3A_515 = arith.constant 0 : i32
          %dma_wait3A_516 = arith.constant 0 : i32
          %dma_wait3A_517 = tpu.memref_slice %arg9[%scan3A_473, %dma_wait3A_515, %dma_wait3A_516] : memref<5x50x128xf32, #tpu.memory_space<vmem>> -> memref<1x50x128xf32, #tpu.memory_space<vmem>>
          %dma_wait3A_518 = tpu.memref_squeeze %dma_wait3A_517 : memref<1x50x128xf32, #tpu.memory_space<vmem>> -> memref<50x128xf32, #tpu.memory_space<vmem>>
          %dma_wait3A_519 = arith.constant 0 : i32
          %dma_wait3A_520 = tpu.memref_slice %arg8[%add3A_489, %dma_wait3A_519] : memref<15x50xi32, #tpu.memory_space<vmem>> -> memref<1x50xi32, #tpu.memory_space<vmem>>
          %dma_wait3A_521 = tpu.memref_squeeze %dma_wait3A_520 : memref<1x50xi32, #tpu.memory_space<vmem>> -> memref<50xi32, #tpu.memory_space<vmem>>
          %dma_wait3A_522 = arith.constant 0 : i32
          %dma_wait3A_523 = arith.constant 0 : i32
          %dma_wait3A_524 = tpu.memref_slice %arg10[%dma_wait3A_522, %dma_wait3A_523] : memref<10240x128xf32, #tpu.memory_space<vmem_shared>> -> memref<10240x128xf32, #tpu.memory_space<vmem_shared>>
          tpu.wait_indirect_dma semaphore(%run_scoped3A : memref<!tpu.dma_semaphore, #tpu.memory_space<semaphore_mem>>) src(%dma_wait3A_518 : memref<50x128xf32, #tpu.memory_space<vmem>>) dst(%dma_wait3A_524 : memref<10240x128xf32, #tpu.memory_space<vmem_shared>>)
          tpu.yield
        }) : () -> ()
        %add3A_490 = arith.addi %mul3A_399, %scan3A_473 : i32
        %dma_start3A_491 = arith.constant 0 : i32
        %dma_start3A_492 = arith.constant 0 : i32
        %dma_start3A_493 = tpu.memref_slice %arg9[%scan3A_473, %dma_start3A_491, %dma_start3A_492] : memref<5x50x128xf32, #tpu.memory_space<vmem>> -> memref<1x50x128xf32, #tpu.memory_space<vmem>>
        %dma_start3A_494 = tpu.memref_squeeze %dma_start3A_493 : memref<1x50x128xf32, #tpu.memory_space<vmem>> -> memref<50x128xf32, #tpu.memory_space<vmem>>
        %dma_start3A_495 = arith.constant 0 : i32
        %dma_start3A_496 = tpu.memref_slice %arg7[%add3A_490, %dma_start3A_495] : memref<15x50xi32, #tpu.memory_space<vmem>> -> memref<1x50xi32, #tpu.memory_space<vmem>>
        %dma_start3A_497 = tpu.memref_squeeze %dma_start3A_496 : memref<1x50xi32, #tpu.memory_space<vmem>> -> memref<50xi32, #tpu.memory_space<vmem>>
        %dma_start3A_498 = arith.constant 0 : i32
        %dma_start3A_499 = arith.constant 0 : i32
        %dma_start3A_500 = tpu.memref_slice %arg2[%add3A_1, %dma_start3A_498, %dma_start3A_499] : memref<2x10000x128xf32, #tpu.memory_space<hbm>> -> memref<1x10000x128xf32, #tpu.memory_space<hbm>>
        %dma_start3A_501 = tpu.memref_squeeze %dma_start3A_500 : memref<1x10000x128xf32, #tpu.memory_space<hbm>> -> memref<10000x128xf32, #tpu.memory_space<hbm>>
        %dma_start3A_502 = arith.constant 0 : i32
        %dma_start3A_503 = arith.constant 0 : i32
        %dma_start3A_504 = tpu.memref_slice %dma_start3A_501[%dma_start3A_502, %dma_start3A_503] : memref<10000x128xf32, #tpu.memory_space<hbm>> -> memref<10000x128xf32, #tpu.memory_space<hbm>>
        tpu.enqueue_indirect_dma source(%dma_start3A_504 : memref<10000x128xf32, #tpu.memory_space<hbm>>) target(%dma_start3A_494 : memref<50x128xf32, #tpu.memory_space<vmem>>) offsets(%dma_start3A_497 : memref<50xi32, #tpu.memory_space<vmem>>) semaphore(%arg11 : memref<!tpu.dma_semaphore, #tpu.memory_space<semaphore_mem>>)
      }
      %scan3A_405 = arith.constant 5 : i32
      %add3A_406 = arith.constant 3 : i32
      %add3A_407 = arith.addi %scan3A_318, %add3A_406 : i32
      %min3A = arith.constant 39 : i32
      %min3A_408 = arith.minsi %add3A_407, %min3A : i32
      %jit3A_409 = arith.constant 3 : i32
      %eq3A_410 = arith.constant 0 : i32
      %eq3A_411 = arith.cmpi eq, %jit3A_409, %eq3A_410 : i32
      %jit3A_412 = arith.constant 1 : i32
      %select_n3A_413 = arith.select %eq3A_411, %jit3A_412, %jit3A_409 : i32
      %rem3A_414 = arith.remsi %scan3A_318, %select_n3A_413 : i32
      %ne3A_415 = arith.constant 0 : i32
      %ne3A_416 = arith.cmpi ne, %rem3A_414, %ne3A_415 : i32
      %lt3A_417 = arith.constant 0 : i32
      %lt3A_418 = arith.cmpi slt, %rem3A_414, %lt3A_417 : i32
      %lt3A_419 = arith.constant 0 : i32
      %lt3A_420 = arith.cmpi slt, %select_n3A_413, %lt3A_419 : i32
      %ne3A_421 = arith.xori %lt3A_418, %lt3A_420 : i1
      %and3A_422 = arith.andi %ne3A_421, %ne3A_416 : i1
      %add3A_423 = arith.addi %rem3A_414, %select_n3A_413 : i32
      %select_n3A_424 = arith.select %and3A_422, %add3A_423, %rem3A_414 : i32
      %mul3A_425 = arith.constant 5 : i32
      %mul3A_426 = arith.muli %select_n3A_424, %mul3A_425 : i32
      %dma_start3A_427 = arith.constant 0 : i32
      %dma_start3A_428 = tpu.memref_slice %arg7[%mul3A_426, %dma_start3A_427] : memref<15x50xi32, #tpu.memory_space<vmem>> -> memref<5x50xi32, #tpu.memory_space<vmem>>
      %dma_start3A_429 = arith.constant 0 : i32
      %dma_start3A_430 = arith.constant 0 : i32
      %dma_start3A_431 = arith.constant 0 : i32
      %dma_start3A_432 = tpu.memref_slice %arg3[%arg1, %dma_start3A_429, %dma_start3A_430, %dma_start3A_431] : memref<16x40x5x50xi32, #tpu.memory_space<hbm>> -> memref<1x40x5x50xi32, #tpu.memory_space<hbm>>
      %dma_start3A_433 = tpu.memref_squeeze %dma_start3A_432 : memref<1x40x5x50xi32, #tpu.memory_space<hbm>> -> memref<40x5x50xi32, #tpu.memory_space<hbm>>
      %dma_start3A_434 = arith.constant 0 : i32
      %dma_start3A_435 = arith.constant 0 : i32
      %dma_start3A_436 = tpu.memref_slice %dma_start3A_433[%min3A_408, %dma_start3A_434, %dma_start3A_435] : memref<40x5x50xi32, #tpu.memory_space<hbm>> -> memref<1x5x50xi32, #tpu.memory_space<hbm>>
      %dma_start3A_437 = tpu.memref_squeeze %dma_start3A_436 : memref<1x5x50xi32, #tpu.memory_space<hbm>> -> memref<5x50xi32, #tpu.memory_space<hbm>>
      %dma_start3A_438 = arith.constant 0 : i32
      %dma_start3A_439 = tpu.memref_slice %arg7[%mul3A_426, %dma_start3A_438] : memref<15x50xi32, #tpu.memory_space<vmem>> -> memref<5x50xi32, #tpu.memory_space<vmem>>
      %dma_start3A_440 = arith.constant 0 : i32
      %dma_start3A_441 = arith.constant 0 : i32
      %dma_start3A_442 = arith.constant 0 : i32
      %dma_start3A_443 = tpu.memref_slice %arg3[%arg1, %dma_start3A_440, %dma_start3A_441, %dma_start3A_442] : memref<16x40x5x50xi32, #tpu.memory_space<hbm>> -> memref<1x40x5x50xi32, #tpu.memory_space<hbm>>
      %dma_start3A_444 = tpu.memref_squeeze %dma_start3A_443 : memref<1x40x5x50xi32, #tpu.memory_space<hbm>> -> memref<40x5x50xi32, #tpu.memory_space<hbm>>
      %dma_start3A_445 = arith.constant 0 : i32
      %dma_start3A_446 = arith.constant 0 : i32
      %dma_start3A_447 = tpu.memref_slice %dma_start3A_444[%min3A_408, %dma_start3A_445, %dma_start3A_446] : memref<40x5x50xi32, #tpu.memory_space<hbm>> -> memref<1x5x50xi32, #tpu.memory_space<hbm>>
      %dma_start3A_448 = tpu.memref_squeeze %dma_start3A_447 : memref<1x5x50xi32, #tpu.memory_space<hbm>> -> memref<5x50xi32, #tpu.memory_space<hbm>>
      tpu.enqueue_dma source(%dma_start3A_448 : memref<5x50xi32, #tpu.memory_space<hbm>>) target(%dma_start3A_439 : memref<5x50xi32, #tpu.memory_space<vmem>>) target_semaphore(%arg12 : memref<!tpu.dma_semaphore, #tpu.memory_space<semaphore_mem>>)
      %mul3A_449 = arith.constant 5 : i32
      %mul3A_450 = arith.muli %select_n3A_424, %mul3A_449 : i32
      %dma_start3A_451 = arith.constant 0 : i32
      %dma_start3A_452 = tpu.memref_slice %arg8[%mul3A_450, %dma_start3A_451] : memref<15x50xi32, #tpu.memory_space<vmem>> -> memref<5x50xi32, #tpu.memory_space<vmem>>
      %dma_start3A_453 = arith.constant 0 : i32
      %dma_start3A_454 = arith.constant 0 : i32
      %dma_start3A_455 = arith.constant 0 : i32
      %dma_start3A_456 = tpu.memref_slice %arg4[%arg1, %dma_start3A_453, %dma_start3A_454, %dma_start3A_455] : memref<16x40x5x50xi32, #tpu.memory_space<hbm>> -> memref<1x40x5x50xi32, #tpu.memory_space<hbm>>
      %dma_start3A_457 = tpu.memref_squeeze %dma_start3A_456 : memref<1x40x5x50xi32, #tpu.memory_space<hbm>> -> memref<40x5x50xi32, #tpu.memory_space<hbm>>
      %dma_start3A_458 = arith.constant 0 : i32
      %dma_start3A_459 = arith.constant 0 : i32
      %dma_start3A_460 = tpu.memref_slice %dma_start3A_457[%min3A_408, %dma_start3A_458, %dma_start3A_459] : memref<40x5x50xi32, #tpu.memory_space<hbm>> -> memref<1x5x50xi32, #tpu.memory_space<hbm>>
      %dma_start3A_461 = tpu.memref_squeeze %dma_start3A_460 : memref<1x5x50xi32, #tpu.memory_space<hbm>> -> memref<5x50xi32, #tpu.memory_space<hbm>>
      %dma_start3A_462 = arith.constant 0 : i32
      %dma_start3A_463 = tpu.memref_slice %arg8[%mul3A_450, %dma_start3A_462] : memref<15x50xi32, #tpu.memory_space<vmem>> -> memref<5x50xi32, #tpu.memory_space<vmem>>
      %dma_start3A_464 = arith.constant 0 : i32
      %dma_start3A_465 = arith.constant 0 : i32
      %dma_start3A_466 = arith.constant 0 : i32
      %dma_start3A_467 = tpu.memref_slice %arg4[%arg1, %dma_start3A_464, %dma_start3A_465, %dma_start3A_466] : memref<16x40x5x50xi32, #tpu.memory_space<hbm>> -> memref<1x40x5x50xi32, #tpu.memory_space<hbm>>
      %dma_start3A_468 = tpu.memref_squeeze %dma_start3A_467 : memref<1x40x5x50xi32, #tpu.memory_space<hbm>> -> memref<40x5x50xi32, #tpu.memory_space<hbm>>
      %dma_start3A_469 = arith.constant 0 : i32
      %dma_start3A_470 = arith.constant 0 : i32
      %dma_start3A_471 = tpu.memref_slice %dma_start3A_468[%min3A_408, %dma_start3A_469, %dma_start3A_470] : memref<40x5x50xi32, #tpu.memory_space<hbm>> -> memref<1x5x50xi32, #tpu.memory_space<hbm>>
      %dma_start3A_472 = tpu.memref_squeeze %dma_start3A_471 : memref<1x5x50xi32, #tpu.memory_space<hbm>> -> memref<5x50xi32, #tpu.memory_space<hbm>>
      tpu.enqueue_dma source(%dma_start3A_472 : memref<5x50xi32, #tpu.memory_space<hbm>>) target(%dma_start3A_463 : memref<5x50xi32, #tpu.memory_space<vmem>>) target_semaphore(%arg12 : memref<!tpu.dma_semaphore, #tpu.memory_space<semaphore_mem>>)
    }
    %scan3A_210 = arith.constant 40 : i32
    %dma_wait3A_211 = arith.constant 0 : i32
    %dma_wait3A_212 = arith.constant 0 : i32
    %dma_wait3A_213 = arith.constant 0 : i32
    %dma_wait3A_214 = tpu.memref_slice %arg7[%dma_wait3A_212, %dma_wait3A_213] : memref<15x50xi32, #tpu.memory_space<vmem>> -> memref<5x50xi32, #tpu.memory_space<vmem>>
    %dma_wait3A_215 = arith.constant 0 : i32
    %dma_wait3A_216 = arith.constant 0 : i32
    %dma_wait3A_217 = arith.constant 0 : i32
    %dma_wait3A_218 = tpu.memref_slice %arg3[%arg1, %dma_wait3A_215, %dma_wait3A_216, %dma_wait3A_217] : memref<16x40x5x50xi32, #tpu.memory_space<hbm>> -> memref<1x40x5x50xi32, #tpu.memory_space<hbm>>
    %dma_wait3A_219 = tpu.memref_squeeze %dma_wait3A_218 : memref<1x40x5x50xi32, #tpu.memory_space<hbm>> -> memref<40x5x50xi32, #tpu.memory_space<hbm>>
    %dma_wait3A_220 = arith.constant 0 : i32
    %dma_wait3A_221 = arith.constant 0 : i32
    %dma_wait3A_222 = tpu.memref_slice %dma_wait3A_219[%dma_wait3A_211, %dma_wait3A_220, %dma_wait3A_221] : memref<40x5x50xi32, #tpu.memory_space<hbm>> -> memref<1x5x50xi32, #tpu.memory_space<hbm>>
    %dma_wait3A_223 = tpu.memref_squeeze %dma_wait3A_222 : memref<1x5x50xi32, #tpu.memory_space<hbm>> -> memref<5x50xi32, #tpu.memory_space<hbm>>
    %dma_wait3A_224 = arith.constant 0 : i32
    %dma_wait3A_225 = arith.constant 0 : i32
    %dma_wait3A_226 = tpu.memref_slice %arg7[%dma_wait3A_224, %dma_wait3A_225] : memref<15x50xi32, #tpu.memory_space<vmem>> -> memref<5x50xi32, #tpu.memory_space<vmem>>
    %dma_wait3A_227 = arith.constant 0 : i32
    %dma_wait3A_228 = arith.constant 0 : i32
    %dma_wait3A_229 = arith.constant 0 : i32
    %dma_wait3A_230 = tpu.memref_slice %arg3[%arg1, %dma_wait3A_227, %dma_wait3A_228, %dma_wait3A_229] : memref<16x40x5x50xi32, #tpu.memory_space<hbm>> -> memref<1x40x5x50xi32, #tpu.memory_space<hbm>>
    %dma_wait3A_231 = tpu.memref_squeeze %dma_wait3A_230 : memref<1x40x5x50xi32, #tpu.memory_space<hbm>> -> memref<40x5x50xi32, #tpu.memory_space<hbm>>
    %dma_wait3A_232 = arith.constant 0 : i32
    %dma_wait3A_233 = arith.constant 0 : i32
    %dma_wait3A_234 = tpu.memref_slice %dma_wait3A_231[%dma_wait3A_211, %dma_wait3A_232, %dma_wait3A_233] : memref<40x5x50xi32, #tpu.memory_space<hbm>> -> memref<1x5x50xi32, #tpu.memory_space<hbm>>
    %dma_wait3A_235 = tpu.memref_squeeze %dma_wait3A_234 : memref<1x5x50xi32, #tpu.memory_space<hbm>> -> memref<5x50xi32, #tpu.memory_space<hbm>>
    tpu.wait_dma2 semaphore(%arg12 : memref<!tpu.dma_semaphore, #tpu.memory_space<semaphore_mem>>) src(%dma_wait3A_235 : memref<5x50xi32, #tpu.memory_space<hbm>>) dst(%dma_wait3A_226 : memref<5x50xi32, #tpu.memory_space<vmem>>)
    %dma_wait3A_236 = arith.constant 0 : i32
    %dma_wait3A_237 = arith.constant 0 : i32
    %dma_wait3A_238 = arith.constant 0 : i32
    %dma_wait3A_239 = tpu.memref_slice %arg8[%dma_wait3A_237, %dma_wait3A_238] : memref<15x50xi32, #tpu.memory_space<vmem>> -> memref<5x50xi32, #tpu.memory_space<vmem>>
    %dma_wait3A_240 = arith.constant 0 : i32
    %dma_wait3A_241 = arith.constant 0 : i32
    %dma_wait3A_242 = arith.constant 0 : i32
    %dma_wait3A_243 = tpu.memref_slice %arg4[%arg1, %dma_wait3A_240, %dma_wait3A_241, %dma_wait3A_242] : memref<16x40x5x50xi32, #tpu.memory_space<hbm>> -> memref<1x40x5x50xi32, #tpu.memory_space<hbm>>
    %dma_wait3A_244 = tpu.memref_squeeze %dma_wait3A_243 : memref<1x40x5x50xi32, #tpu.memory_space<hbm>> -> memref<40x5x50xi32, #tpu.memory_space<hbm>>
    %dma_wait3A_245 = arith.constant 0 : i32
    %dma_wait3A_246 = arith.constant 0 : i32
    %dma_wait3A_247 = tpu.memref_slice %dma_wait3A_244[%dma_wait3A_236, %dma_wait3A_245, %dma_wait3A_246] : memref<40x5x50xi32, #tpu.memory_space<hbm>> -> memref<1x5x50xi32, #tpu.memory_space<hbm>>
    %dma_wait3A_248 = tpu.memref_squeeze %dma_wait3A_247 : memref<1x5x50xi32, #tpu.memory_space<hbm>> -> memref<5x50xi32, #tpu.memory_space<hbm>>
    %dma_wait3A_249 = arith.constant 0 : i32
    %dma_wait3A_250 = arith.constant 0 : i32
    %dma_wait3A_251 = tpu.memref_slice %arg8[%dma_wait3A_249, %dma_wait3A_250] : memref<15x50xi32, #tpu.memory_space<vmem>> -> memref<5x50xi32, #tpu.memory_space<vmem>>
    %dma_wait3A_252 = arith.constant 0 : i32
    %dma_wait3A_253 = arith.constant 0 : i32
    %dma_wait3A_254 = arith.constant 0 : i32
    %dma_wait3A_255 = tpu.memref_slice %arg4[%arg1, %dma_wait3A_252, %dma_wait3A_253, %dma_wait3A_254] : memref<16x40x5x50xi32, #tpu.memory_space<hbm>> -> memref<1x40x5x50xi32, #tpu.memory_space<hbm>>
    %dma_wait3A_256 = tpu.memref_squeeze %dma_wait3A_255 : memref<1x40x5x50xi32, #tpu.memory_space<hbm>> -> memref<40x5x50xi32, #tpu.memory_space<hbm>>
    %dma_wait3A_257 = arith.constant 0 : i32
    %dma_wait3A_258 = arith.constant 0 : i32
    %dma_wait3A_259 = tpu.memref_slice %dma_wait3A_256[%dma_wait3A_236, %dma_wait3A_257, %dma_wait3A_258] : memref<40x5x50xi32, #tpu.memory_space<hbm>> -> memref<1x5x50xi32, #tpu.memory_space<hbm>>
    %dma_wait3A_260 = tpu.memref_squeeze %dma_wait3A_259 : memref<1x5x50xi32, #tpu.memory_space<hbm>> -> memref<5x50xi32, #tpu.memory_space<hbm>>
    tpu.wait_dma2 semaphore(%arg12 : memref<!tpu.dma_semaphore, #tpu.memory_space<semaphore_mem>>) src(%dma_wait3A_260 : memref<5x50xi32, #tpu.memory_space<hbm>>) dst(%dma_wait3A_251 : memref<5x50xi32, #tpu.memory_space<vmem>>)
    %dma_wait3A_261 = arith.constant 0 : i32
    %dma_wait3A_262 = arith.constant 0 : i32
    %dma_wait3A_263 = arith.constant 0 : i32
    %dma_wait3A_264 = tpu.memref_slice %arg7[%dma_wait3A_262, %dma_wait3A_263] : memref<15x50xi32, #tpu.memory_space<vmem>> -> memref<5x50xi32, #tpu.memory_space<vmem>>
    %dma_wait3A_265 = arith.constant 0 : i32
    %dma_wait3A_266 = arith.constant 0 : i32
    %dma_wait3A_267 = arith.constant 0 : i32
    %dma_wait3A_268 = tpu.memref_slice %arg3[%arg1, %dma_wait3A_265, %dma_wait3A_266, %dma_wait3A_267] : memref<16x40x5x50xi32, #tpu.memory_space<hbm>> -> memref<1x40x5x50xi32, #tpu.memory_space<hbm>>
    %dma_wait3A_269 = tpu.memref_squeeze %dma_wait3A_268 : memref<1x40x5x50xi32, #tpu.memory_space<hbm>> -> memref<40x5x50xi32, #tpu.memory_space<hbm>>
    %dma_wait3A_270 = arith.constant 0 : i32
    %dma_wait3A_271 = arith.constant 0 : i32
    %dma_wait3A_272 = tpu.memref_slice %dma_wait3A_269[%dma_wait3A_261, %dma_wait3A_270, %dma_wait3A_271] : memref<40x5x50xi32, #tpu.memory_space<hbm>> -> memref<1x5x50xi32, #tpu.memory_space<hbm>>
    %dma_wait3A_273 = tpu.memref_squeeze %dma_wait3A_272 : memref<1x5x50xi32, #tpu.memory_space<hbm>> -> memref<5x50xi32, #tpu.memory_space<hbm>>
    %dma_wait3A_274 = arith.constant 0 : i32
    %dma_wait3A_275 = arith.constant 0 : i32
    %dma_wait3A_276 = tpu.memref_slice %arg7[%dma_wait3A_274, %dma_wait3A_275] : memref<15x50xi32, #tpu.memory_space<vmem>> -> memref<5x50xi32, #tpu.memory_space<vmem>>
    %dma_wait3A_277 = arith.constant 0 : i32
    %dma_wait3A_278 = arith.constant 0 : i32
    %dma_wait3A_279 = arith.constant 0 : i32
    %dma_wait3A_280 = tpu.memref_slice %arg3[%arg1, %dma_wait3A_277, %dma_wait3A_278, %dma_wait3A_279] : memref<16x40x5x50xi32, #tpu.memory_space<hbm>> -> memref<1x40x5x50xi32, #tpu.memory_space<hbm>>
    %dma_wait3A_281 = tpu.memref_squeeze %dma_wait3A_280 : memref<1x40x5x50xi32, #tpu.memory_space<hbm>> -> memref<40x5x50xi32, #tpu.memory_space<hbm>>
    %dma_wait3A_282 = arith.constant 0 : i32
    %dma_wait3A_283 = arith.constant 0 : i32
    %dma_wait3A_284 = tpu.memref_slice %dma_wait3A_281[%dma_wait3A_261, %dma_wait3A_282, %dma_wait3A_283] : memref<40x5x50xi32, #tpu.memory_space<hbm>> -> memref<1x5x50xi32, #tpu.memory_space<hbm>>
    %dma_wait3A_285 = tpu.memref_squeeze %dma_wait3A_284 : memref<1x5x50xi32, #tpu.memory_space<hbm>> -> memref<5x50xi32, #tpu.memory_space<hbm>>
    tpu.wait_dma2 semaphore(%arg12 : memref<!tpu.dma_semaphore, #tpu.memory_space<semaphore_mem>>) src(%dma_wait3A_285 : memref<5x50xi32, #tpu.memory_space<hbm>>) dst(%dma_wait3A_276 : memref<5x50xi32, #tpu.memory_space<vmem>>)
    %dma_wait3A_286 = arith.constant 0 : i32
    %dma_wait3A_287 = arith.constant 0 : i32
    %dma_wait3A_288 = arith.constant 0 : i32
    %dma_wait3A_289 = tpu.memref_slice %arg8[%dma_wait3A_287, %dma_wait3A_288] : memref<15x50xi32, #tpu.memory_space<vmem>> -> memref<5x50xi32, #tpu.memory_space<vmem>>
    %dma_wait3A_290 = arith.constant 0 : i32
    %dma_wait3A_291 = arith.constant 0 : i32
    %dma_wait3A_292 = arith.constant 0 : i32
    %dma_wait3A_293 = tpu.memref_slice %arg4[%arg1, %dma_wait3A_290, %dma_wait3A_291, %dma_wait3A_292] : memref<16x40x5x50xi32, #tpu.memory_space<hbm>> -> memref<1x40x5x50xi32, #tpu.memory_space<hbm>>
    %dma_wait3A_294 = tpu.memref_squeeze %dma_wait3A_293 : memref<1x40x5x50xi32, #tpu.memory_space<hbm>> -> memref<40x5x50xi32, #tpu.memory_space<hbm>>
    %dma_wait3A_295 = arith.constant 0 : i32
    %dma_wait3A_296 = arith.constant 0 : i32
    %dma_wait3A_297 = tpu.memref_slice %dma_wait3A_294[%dma_wait3A_286, %dma_wait3A_295, %dma_wait3A_296] : memref<40x5x50xi32, #tpu.memory_space<hbm>> -> memref<1x5x50xi32, #tpu.memory_space<hbm>>
    %dma_wait3A_298 = tpu.memref_squeeze %dma_wait3A_297 : memref<1x5x50xi32, #tpu.memory_space<hbm>> -> memref<5x50xi32, #tpu.memory_space<hbm>>
    %dma_wait3A_299 = arith.constant 0 : i32
    %dma_wait3A_300 = arith.constant 0 : i32
    %dma_wait3A_301 = tpu.memref_slice %arg8[%dma_wait3A_299, %dma_wait3A_300] : memref<15x50xi32, #tpu.memory_space<vmem>> -> memref<5x50xi32, #tpu.memory_space<vmem>>
    %dma_wait3A_302 = arith.constant 0 : i32
    %dma_wait3A_303 = arith.constant 0 : i32
    %dma_wait3A_304 = arith.constant 0 : i32
    %dma_wait3A_305 = tpu.memref_slice %arg4[%arg1, %dma_wait3A_302, %dma_wait3A_303, %dma_wait3A_304] : memref<16x40x5x50xi32, #tpu.memory_space<hbm>> -> memref<1x40x5x50xi32, #tpu.memory_space<hbm>>
    %dma_wait3A_306 = tpu.memref_squeeze %dma_wait3A_305 : memref<1x40x5x50xi32, #tpu.memory_space<hbm>> -> memref<40x5x50xi32, #tpu.memory_space<hbm>>
    %dma_wait3A_307 = arith.constant 0 : i32
    %dma_wait3A_308 = arith.constant 0 : i32
    %dma_wait3A_309 = tpu.memref_slice %dma_wait3A_306[%dma_wait3A_286, %dma_wait3A_307, %dma_wait3A_308] : memref<40x5x50xi32, #tpu.memory_space<hbm>> -> memref<1x5x50xi32, #tpu.memory_space<hbm>>
    %dma_wait3A_310 = tpu.memref_squeeze %dma_wait3A_309 : memref<1x5x50xi32, #tpu.memory_space<hbm>> -> memref<5x50xi32, #tpu.memory_space<hbm>>
    tpu.wait_dma2 semaphore(%arg12 : memref<!tpu.dma_semaphore, #tpu.memory_space<semaphore_mem>>) src(%dma_wait3A_310 : memref<5x50xi32, #tpu.memory_space<hbm>>) dst(%dma_wait3A_301 : memref<5x50xi32, #tpu.memory_space<vmem>>)
    %scan3A_311 = arith.constant 0 : i32
    %scan3A_312 = arith.constant 0 : i32
    %scan3A_313 = arith.constant 5 : i32
    %scan3A_314 = arith.addi %scan3A_312, %scan3A_313 : i32
    %scan3A_315 = arith.constant 1 : i32
    scf.for %scan3A_318 = %scan3A_312 to %scan3A_314 step %scan3A_315  : i32 {
      %dma_wait3A_319 = arith.constant 0 : i32
      %dma_wait3A_320 = arith.constant 0 : i32
      %dma_wait3A_321 = tpu.memref_slice %arg9[%scan3A_318, %dma_wait3A_319, %dma_wait3A_320] : memref<5x50x128xf32, #tpu.memory_space<vmem>> -> memref<1x50x128xf32, #tpu.memory_space<vmem>>
      %dma_wait3A_322 = tpu.memref_squeeze %dma_wait3A_321 : memref<1x50x128xf32, #tpu.memory_space<vmem>> -> memref<50x128xf32, #tpu.memory_space<vmem>>
      %dma_wait3A_323 = arith.constant 0 : i32
      %dma_wait3A_324 = tpu.memref_slice %arg7[%scan3A_318, %dma_wait3A_323] : memref<15x50xi32, #tpu.memory_space<vmem>> -> memref<1x50xi32, #tpu.memory_space<vmem>>
      %dma_wait3A_325 = tpu.memref_squeeze %dma_wait3A_324 : memref<1x50xi32, #tpu.memory_space<vmem>> -> memref<50xi32, #tpu.memory_space<vmem>>
      %dma_wait3A_326 = arith.constant 0 : i32
      %dma_wait3A_327 = arith.constant 0 : i32
      %dma_wait3A_328 = tpu.memref_slice %arg2[%add3A_1, %dma_wait3A_326, %dma_wait3A_327] : memref<2x10000x128xf32, #tpu.memory_space<hbm>> -> memref<1x10000x128xf32, #tpu.memory_space<hbm>>
      %dma_wait3A_329 = tpu.memref_squeeze %dma_wait3A_328 : memref<1x10000x128xf32, #tpu.memory_space<hbm>> -> memref<10000x128xf32, #tpu.memory_space<hbm>>
      %dma_wait3A_330 = arith.constant 0 : i32
      %dma_wait3A_331 = arith.constant 0 : i32
      %dma_wait3A_332 = tpu.memref_slice %dma_wait3A_329[%dma_wait3A_330, %dma_wait3A_331] : memref<10000x128xf32, #tpu.memory_space<hbm>> -> memref<10000x128xf32, #tpu.memory_space<hbm>>
      tpu.wait_indirect_dma semaphore(%arg11 : memref<!tpu.dma_semaphore, #tpu.memory_space<semaphore_mem>>) src(%dma_wait3A_332 : memref<10000x128xf32, #tpu.memory_space<hbm>>) dst(%dma_wait3A_322 : memref<50x128xf32, #tpu.memory_space<vmem>>)
    }
    %scan3A_316 = arith.constant 5 : i32
    %barrier3A_317 = arith.constant 0 : index
    tpu.barrier barrier_id(%barrier3A_317)
    "tpu.region"() ({
      %run_scoped3A = tpu.sem_alloc : memref<!tpu.dma_semaphore, #tpu.memory_space<semaphore_mem>>
      %dma_start3A_318 = arith.constant 0 : i32
      %dma_start3A_319 = arith.constant 0 : i32
      %dma_start3A_320 = tpu.memref_slice %arg6[%add3A_1, %dma_start3A_318, %dma_start3A_319] : memref<2x10240x128xf32, #tpu.memory_space<hbm>> -> memref<1x10240x128xf32, #tpu.memory_space<hbm>>
      %dma_start3A_321 = tpu.memref_squeeze %dma_start3A_320 : memref<1x10240x128xf32, #tpu.memory_space<hbm>> -> memref<10240x128xf32, #tpu.memory_space<hbm>>
      %dma_start3A_322 = arith.constant 0 : i32
      %dma_start3A_323 = tpu.memref_slice %dma_start3A_321[%mul3A_0, %dma_start3A_322] : memref<10240x128xf32, #tpu.memory_space<hbm>> -> memref<640x128xf32, #tpu.memory_space<hbm>>
      %dma_start3A_324 = arith.constant 0 : i32
      %dma_start3A_325 = tpu.memref_slice %arg10[%mul3A_0, %dma_start3A_324] : memref<10240x128xf32, #tpu.memory_space<vmem_shared>> -> memref<640x128xf32, #tpu.memory_space<vmem_shared>>
      tpu.enqueue_dma source(%dma_start3A_325 : memref<640x128xf32, #tpu.memory_space<vmem_shared>>) target(%dma_start3A_323 : memref<640x128xf32, #tpu.memory_space<hbm>>) target_semaphore(%run_scoped3A : memref<!tpu.dma_semaphore, #tpu.memory_space<semaphore_mem>>)
      %dma_wait3A_326 = arith.constant 0 : i32
      %dma_wait3A_327 = arith.constant 0 : i32
      %dma_wait3A_328 = tpu.memref_slice %arg6[%add3A_1, %dma_wait3A_326, %dma_wait3A_327] : memref<2x10240x128xf32, #tpu.memory_space<hbm>> -> memref<1x10240x128xf32, #tpu.memory_space<hbm>>
      %dma_wait3A_329 = tpu.memref_squeeze %dma_wait3A_328 : memref<1x10240x128xf32, #tpu.memory_space<hbm>> -> memref<10240x128xf32, #tpu.memory_space<hbm>>
      %dma_wait3A_330 = arith.constant 0 : i32
      %dma_wait3A_331 = tpu.memref_slice %dma_wait3A_329[%mul3A_0, %dma_wait3A_330] : memref<10240x128xf32, #tpu.memory_space<hbm>> -> memref<640x128xf32, #tpu.memory_space<hbm>>
      %dma_wait3A_332 = arith.constant 0 : i32
      %dma_wait3A_333 = tpu.memref_slice %arg10[%mul3A_0, %dma_wait3A_332] : memref<10240x128xf32, #tpu.memory_space<vmem_shared>> -> memref<640x128xf32, #tpu.memory_space<vmem_shared>>
      tpu.wait_dma2 semaphore(%run_scoped3A : memref<!tpu.dma_semaphore, #tpu.memory_space<semaphore_mem>>) src(%dma_wait3A_333 : memref<640x128xf32, #tpu.memory_space<vmem_shared>>) dst(%dma_wait3A_331 : memref<640x128xf32, #tpu.memory_space<hbm>>)
      tpu.yield
    }) : () -> ()
    return
  }
}

module attributes {stable_mosaic.version = 14 : i64} {
  func.func @_scale_body(%arg0: i32, %arg1: memref<2x2000x128xf32, #tpu.memory_space<vmem>>, %arg2: memref<2000x256xf32, #tpu.memory_space<vmem>>, %arg3: memref<2x2000x128xf32, #tpu.memory_space<vmem>>) attributes {dimension_semantics = [#tpu.dimension_semantics<arbitrary>], iteration_bounds = array<i64: 5>, scalar_prefetch = 0 : i64, scratch_operands = 0 : i64, tpu.core_type = #tpu.core_type<tc>, window_params = [{transform_indices = @transform_0, window_bounds = array<i64: 2, 2000, 128>}, {transform_indices = @transform_1, window_bounds = array<i64: 2000, 256>}, {transform_indices = @transform_2, window_bounds = array<i64: 2, 2000, 128>}]} {
    %get3A = arith.constant 0 : index
    %get3A_0 = arith.constant 0 : index
    %get3A_1 = arith.constant 0 : index
    %get3A_2 = vector.load %arg1[%get3A, %get3A_0, %get3A_1] : memref<2x2000x128xf32, #tpu.memory_space<vmem>>, vector<1x2000x1xf32>
    %get3A_3 = vector.shape_cast %get3A_2 : vector<1x2000x1xf32> to vector<2000x1xf32>
    %get3A_4 = arith.constant 1 : index
    %get3A_5 = arith.constant 0 : index
    %get3A_6 = arith.constant 0 : index
    %get3A_7 = vector.load %arg1[%get3A_4, %get3A_5, %get3A_6] : memref<2x2000x128xf32, #tpu.memory_space<vmem>>, vector<1x2000x1xf32>
    %get3A_8 = vector.shape_cast %get3A_7 : vector<1x2000x1xf32> to vector<2000x1xf32>
    %add3A = arith.addf %get3A_3, %get3A_8 : vector<2000x1xf32>
    %add3A_9 = arith.constant 1.000000e+00 : f32
    %add3A_10 = vector.broadcast %add3A_9 : f32 to vector<2000x1xf32>
    %add3A_11 = arith.addf %add3A, %add3A_10 : vector<2000x1xf32>
    %rsqrt3A = math.rsqrt %add3A_11 : vector<2000x1xf32>
    %get3A_12 = arith.constant 0 : index
    %get3A_13 = arith.constant 0 : index
    %get3A_14 = vector.load %arg2[%get3A_12, %get3A_13] : memref<2000x256xf32, #tpu.memory_space<vmem>>, vector<2000x256xf32>
    %mul3A = vector.broadcast %rsqrt3A : vector<2000x1xf32> to vector<2000x256xf32>
    %mul3A_15 = arith.mulf %get3A_14, %mul3A : vector<2000x256xf32>
    %slice3A = vector.extract_strided_slice %mul3A_15 {offsets = [0, 0], sizes = [2000, 128], strides = [1, 1]} : vector<2000x256xf32> to vector<2000x128xf32>
    %swap3A = arith.constant 0 : index
    %swap3A_16 = arith.constant 0 : index
    %swap3A_17 = arith.constant 0 : index
    %swap3A_18 = vector.load %arg3[%swap3A, %swap3A_16, %swap3A_17] : memref<2x2000x128xf32, #tpu.memory_space<vmem>>, vector<1x2000x128xf32>
    %swap3A_19 = vector.shape_cast %swap3A_18 : vector<1x2000x128xf32> to vector<2000x128xf32>
    %swap3A_20 = vector.shape_cast %slice3A : vector<2000x128xf32> to vector<1x2000x128xf32>
    tpu.vector_store %arg3[%swap3A, %swap3A_16, %swap3A_17], %swap3A_20 {strides = array<i32>} : memref<2x2000x128xf32, #tpu.memory_space<vmem>>, vector<1x2000x128xf32>,
    %slice3A_21 = vector.extract_strided_slice %mul3A_15 {offsets = [0, 128], sizes = [2000, 128], strides = [1, 1]} : vector<2000x256xf32> to vector<2000x128xf32>
    %swap3A_22 = arith.constant 1 : index
    %swap3A_23 = arith.constant 0 : index
    %swap3A_24 = arith.constant 0 : index
    %swap3A_25 = vector.load %arg3[%swap3A_22, %swap3A_23, %swap3A_24] : memref<2x2000x128xf32, #tpu.memory_space<vmem>>, vector<1x2000x128xf32>
    %swap3A_26 = vector.shape_cast %swap3A_25 : vector<1x2000x128xf32> to vector<2000x128xf32>
    %swap3A_27 = vector.shape_cast %slice3A_21 : vector<2000x128xf32> to vector<1x2000x128xf32>
    tpu.vector_store %arg3[%swap3A_22, %swap3A_23, %swap3A_24], %swap3A_27 {strides = array<i32>} : memref<2x2000x128xf32, #tpu.memory_space<vmem>>, vector<1x2000x128xf32>,
    return
  }
  func.func @transform_0(%arg0: i32) -> (i32, i32, i32) {
    %c0_i32 = arith.constant 0 : i32
    %c0_i32_0 = arith.constant 0 : i32
    %c0_i32_1 = arith.constant 0 : i32
    return %c0_i32, %arg0, %c0_i32_0 : i32, i32, i32
  }
  func.func @transform_1(%arg0: i32) -> (i32, i32) {
    %c0_i32 = arith.constant 0 : i32
    %c0_i32_0 = arith.constant 0 : i32
    return %arg0, %c0_i32 : i32, i32
  }
  func.func @transform_2(%arg0: i32) -> (i32, i32, i32) {
    %c0_i32 = arith.constant 0 : i32
    %c0_i32_0 = arith.constant 0 : i32
    %c0_i32_1 = arith.constant 0 : i32
    return %c0_i32, %arg0, %c0_i32_0 : i32, i32, i32
  }
}

module attributes {stable_mosaic.version = 14 : i64} {
  func.func @_layer1_body(%arg0: i32, %arg1: memref<2x2000x128xf32, #tpu.memory_space<vmem>>, %arg2: memref<2x2000x128xf32, #tpu.memory_space<vmem>>, %arg3: memref<2x2000x128xf32, #tpu.memory_space<vmem>>, %arg4: memref<256x512xf32, #tpu.memory_space<vmem>>, %arg5: memref<1x512xf32, #tpu.memory_space<vmem>>, %arg6: memref<4x2000x128xf32, #tpu.memory_space<vmem>>) attributes {dimension_semantics = [#tpu.dimension_semantics<arbitrary>], iteration_bounds = array<i64: 5>, scalar_prefetch = 0 : i64, scratch_operands = 0 : i64, tpu.core_type = #tpu.core_type<tc>, window_params = [{transform_indices = @transform_0, window_bounds = array<i64: 2, 2000, 128>}, {transform_indices = @transform_1, window_bounds = array<i64: 2, 2000, 128>}, {transform_indices = @transform_2, window_bounds = array<i64: 2, 2000, 128>}, {pipeline_mode = #tpu.pipeline_mode<synchronous>, transform_indices = @transform_3, window_bounds = array<i64: 256, 512>}, {pipeline_mode = #tpu.pipeline_mode<synchronous>, transform_indices = @transform_4, window_bounds = array<i64: 1, 512>}, {transform_indices = @transform_5, window_bounds = array<i64: 4, 2000, 128>}]} {
    %get3A = arith.constant 0 : index
    %get3A_0 = arith.constant 0 : index
    %get3A_1 = arith.constant 0 : index
    %get3A_2 = vector.load %arg1[%get3A, %get3A_0, %get3A_1] : memref<2x2000x128xf32, #tpu.memory_space<vmem>>, vector<1x2000x1xf32>
    %get3A_3 = vector.shape_cast %get3A_2 : vector<1x2000x1xf32> to vector<2000x1xf32>
    %get3A_4 = arith.constant 1 : index
    %get3A_5 = arith.constant 0 : index
    %get3A_6 = arith.constant 0 : index
    %get3A_7 = vector.load %arg1[%get3A_4, %get3A_5, %get3A_6] : memref<2x2000x128xf32, #tpu.memory_space<vmem>>, vector<1x2000x1xf32>
    %get3A_8 = vector.shape_cast %get3A_7 : vector<1x2000x1xf32> to vector<2000x1xf32>
    %add3A = arith.addf %get3A_3, %get3A_8 : vector<2000x1xf32>
    %add3A_9 = arith.constant 1.000000e+00 : f32
    %add3A_10 = vector.broadcast %add3A_9 : f32 to vector<2000x1xf32>
    %add3A_11 = arith.addf %add3A, %add3A_10 : vector<2000x1xf32>
    %rsqrt3A = math.rsqrt %add3A_11 : vector<2000x1xf32>
    %get3A_12 = arith.constant 0 : index
    %get3A_13 = arith.constant 0 : index
    %get3A_14 = arith.constant 0 : index
    %get3A_15 = vector.load %arg2[%get3A_12, %get3A_13, %get3A_14] : memref<2x2000x128xf32, #tpu.memory_space<vmem>>, vector<1x2000x128xf32>
    %get3A_16 = vector.shape_cast %get3A_15 : vector<1x2000x128xf32> to vector<2000x128xf32>
    %get3A_17 = arith.constant 0 : index
    %get3A_18 = arith.constant 0 : index
    %get3A_19 = arith.constant 0 : index
    %get3A_20 = vector.load %arg3[%get3A_17, %get3A_18, %get3A_19] : memref<2x2000x128xf32, #tpu.memory_space<vmem>>, vector<1x2000x128xf32>
    %get3A_21 = vector.shape_cast %get3A_20 : vector<1x2000x128xf32> to vector<2000x128xf32>
    %add3A_22 = arith.addf %get3A_16, %get3A_21 : vector<2000x128xf32>
    %get3A_23 = arith.constant 1 : index
    %get3A_24 = arith.constant 0 : index
    %get3A_25 = arith.constant 0 : index
    %get3A_26 = vector.load %arg2[%get3A_23, %get3A_24, %get3A_25] : memref<2x2000x128xf32, #tpu.memory_space<vmem>>, vector<1x2000x128xf32>
    %get3A_27 = vector.shape_cast %get3A_26 : vector<1x2000x128xf32> to vector<2000x128xf32>
    %get3A_28 = arith.constant 1 : index
    %get3A_29 = arith.constant 0 : index
    %get3A_30 = arith.constant 0 : index
    %get3A_31 = vector.load %arg3[%get3A_28, %get3A_29, %get3A_30] : memref<2x2000x128xf32, #tpu.memory_space<vmem>>, vector<1x2000x128xf32>
    %get3A_32 = vector.shape_cast %get3A_31 : vector<1x2000x128xf32> to vector<2000x128xf32>
    %add3A_33 = arith.addf %get3A_27, %get3A_32 : vector<2000x128xf32>
    %concatenate3A = tpu.concatenate %add3A_22, %add3A_33 in 1 : vector<2000x128xf32>, vector<2000x128xf32> -> vector<2000x256xf32>
    %mul3A = vector.broadcast %rsqrt3A : vector<2000x1xf32> to vector<2000x256xf32>
    %mul3A_34 = arith.mulf %concatenate3A, %mul3A : vector<2000x256xf32>
    %get3A_35 = arith.constant 0 : index
    %get3A_36 = arith.constant 0 : index
    %get3A_37 = vector.load %arg4[%get3A_35, %get3A_36] : memref<256x512xf32, #tpu.memory_space<vmem>>, vector<256x512xf32>
    %dot_general3A = arith.constant dense<0.000000e+00> : vector<2000x512xf32>
    %dot_general3A_38 = tpu.matmul %mul3A_34, %get3A_37, %dot_general3A {dimension_numbers = #tpu.dot_dimension_numbers<[1], [0], [0], [1], [0, 0, 1, 1], [], []>, transpose_lhs_hint = false} : vector<2000x256xf32>, vector<256x512xf32>, vector<2000x512xf32> -> vector<2000x512xf32>
    %get3A_39 = arith.constant 0 : index
    %get3A_40 = arith.constant 0 : index
    %get3A_41 = vector.load %arg5[%get3A_39, %get3A_40] : memref<1x512xf32, #tpu.memory_space<vmem>>, vector<1x512xf32>
    %add3A_42 = vector.broadcast %get3A_41 : vector<1x512xf32> to vector<2000x512xf32>
    %add3A_43 = arith.addf %dot_general3A_38, %add3A_42 : vector<2000x512xf32>
    %max3A = arith.constant 0.000000e+00 : f32
    %max3A_44 = vector.broadcast %max3A : f32 to vector<2000x512xf32>
    %max3A_45 = arith.maximumf %add3A_43, %max3A_44 : vector<2000x512xf32>
    %mul3A_46 = vector.broadcast %rsqrt3A : vector<2000x1xf32> to vector<2000x512xf32>
    %mul3A_47 = arith.mulf %max3A_45, %mul3A_46 : vector<2000x512xf32>
    %slice3A = vector.extract_strided_slice %mul3A_47 {offsets = [0, 0], sizes = [2000, 128], strides = [1, 1]} : vector<2000x512xf32> to vector<2000x128xf32>
    %swap3A = arith.constant 0 : index
    %swap3A_48 = arith.constant 0 : index
    %swap3A_49 = arith.constant 0 : index
    %swap3A_50 = vector.load %arg6[%swap3A, %swap3A_48, %swap3A_49] : memref<4x2000x128xf32, #tpu.memory_space<vmem>>, vector<1x2000x128xf32>
    %swap3A_51 = vector.shape_cast %swap3A_50 : vector<1x2000x128xf32> to vector<2000x128xf32>
    %swap3A_52 = vector.shape_cast %slice3A : vector<2000x128xf32> to vector<1x2000x128xf32>
    tpu.vector_store %arg6[%swap3A, %swap3A_48, %swap3A_49], %swap3A_52 {strides = array<i32>} : memref<4x2000x128xf32, #tpu.memory_space<vmem>>, vector<1x2000x128xf32>,
    %slice3A_53 = vector.extract_strided_slice %mul3A_47 {offsets = [0, 128], sizes = [2000, 128], strides = [1, 1]} : vector<2000x512xf32> to vector<2000x128xf32>
    %swap3A_54 = arith.constant 1 : index
    %swap3A_55 = arith.constant 0 : index
    %swap3A_56 = arith.constant 0 : index
    %swap3A_57 = vector.load %arg6[%swap3A_54, %swap3A_55, %swap3A_56] : memref<4x2000x128xf32, #tpu.memory_space<vmem>>, vector<1x2000x128xf32>
    %swap3A_58 = vector.shape_cast %swap3A_57 : vector<1x2000x128xf32> to vector<2000x128xf32>
    %swap3A_59 = vector.shape_cast %slice3A_53 : vector<2000x128xf32> to vector<1x2000x128xf32>
    tpu.vector_store %arg6[%swap3A_54, %swap3A_55, %swap3A_56], %swap3A_59 {strides = array<i32>} : memref<4x2000x128xf32, #tpu.memory_space<vmem>>, vector<1x2000x128xf32>,
    %slice3A_60 = vector.extract_strided_slice %mul3A_47 {offsets = [0, 256], sizes = [2000, 128], strides = [1, 1]} : vector<2000x512xf32> to vector<2000x128xf32>
    %swap3A_61 = arith.constant 2 : index
    %swap3A_62 = arith.constant 0 : index
    %swap3A_63 = arith.constant 0 : index
    %swap3A_64 = vector.load %arg6[%swap3A_61, %swap3A_62, %swap3A_63] : memref<4x2000x128xf32, #tpu.memory_space<vmem>>, vector<1x2000x128xf32>
    %swap3A_65 = vector.shape_cast %swap3A_64 : vector<1x2000x128xf32> to vector<2000x128xf32>
    %swap3A_66 = vector.shape_cast %slice3A_60 : vector<2000x128xf32> to vector<1x2000x128xf32>
    tpu.vector_store %arg6[%swap3A_61, %swap3A_62, %swap3A_63], %swap3A_66 {strides = array<i32>} : memref<4x2000x128xf32, #tpu.memory_space<vmem>>, vector<1x2000x128xf32>,
    %slice3A_67 = vector.extract_strided_slice %mul3A_47 {offsets = [0, 384], sizes = [2000, 128], strides = [1, 1]} : vector<2000x512xf32> to vector<2000x128xf32>
    %swap3A_68 = arith.constant 3 : index
    %swap3A_69 = arith.constant 0 : index
    %swap3A_70 = arith.constant 0 : index
    %swap3A_71 = vector.load %arg6[%swap3A_68, %swap3A_69, %swap3A_70] : memref<4x2000x128xf32, #tpu.memory_space<vmem>>, vector<1x2000x128xf32>
    %swap3A_72 = vector.shape_cast %swap3A_71 : vector<1x2000x128xf32> to vector<2000x128xf32>
    %swap3A_73 = vector.shape_cast %slice3A_67 : vector<2000x128xf32> to vector<1x2000x128xf32>
    tpu.vector_store %arg6[%swap3A_68, %swap3A_69, %swap3A_70], %swap3A_73 {strides = array<i32>} : memref<4x2000x128xf32, #tpu.memory_space<vmem>>, vector<1x2000x128xf32>,
    return
  }
  func.func @transform_0(%arg0: i32) -> (i32, i32, i32) {
    %c0_i32 = arith.constant 0 : i32
    %c0_i32_0 = arith.constant 0 : i32
    %c0_i32_1 = arith.constant 0 : i32
    return %c0_i32, %arg0, %c0_i32_0 : i32, i32, i32
  }
  func.func @transform_1(%arg0: i32) -> (i32, i32, i32) {
    %c0_i32 = arith.constant 0 : i32
    %c0_i32_0 = arith.constant 0 : i32
    %c0_i32_1 = arith.constant 0 : i32
    return %c0_i32, %arg0, %c0_i32_0 : i32, i32, i32
  }
  func.func @transform_2(%arg0: i32) -> (i32, i32, i32) {
    %c0_i32 = arith.constant 0 : i32
    %c0_i32_0 = arith.constant 0 : i32
    %c0_i32_1 = arith.constant 0 : i32
    return %c0_i32, %arg0, %c0_i32_0 : i32, i32, i32
  }
  func.func @transform_3(%arg0: i32) -> (i32, i32) {
    %c0_i32 = arith.constant 0 : i32
    %c0_i32_0 = arith.constant 0 : i32
    %c0_i32_1 = arith.constant 0 : i32
    return %c0_i32, %c0_i32_0 : i32, i32
  }
  func.func @transform_4(%arg0: i32) -> (i32, i32) {
    %c0_i32 = arith.constant 0 : i32
    %c0_i32_0 = arith.constant 0 : i32
    %c0_i32_1 = arith.constant 0 : i32
    return %c0_i32, %c0_i32_0 : i32, i32
  }
  func.func @transform_5(%arg0: i32) -> (i32, i32, i32) {
    %c0_i32 = arith.constant 0 : i32
    %c0_i32_0 = arith.constant 0 : i32
    %c0_i32_1 = arith.constant 0 : i32
    return %c0_i32, %arg0, %c0_i32_0 : i32, i32, i32
  }
}

module attributes {stable_mosaic.version = 14 : i64} {
  func.func @_layer2_body(%arg0: i32, %arg1: memref<2x2000x128xf32, #tpu.memory_space<vmem>>, %arg2: memref<4x2000x128xf32, #tpu.memory_space<vmem>>, %arg3: memref<4x2000x128xf32, #tpu.memory_space<vmem>>, %arg4: memref<512x1024xf32, #tpu.memory_space<vmem>>, %arg5: memref<1x1024xf32, #tpu.memory_space<vmem>>, %arg6: memref<1x1024xf32, #tpu.memory_space<vmem>>) attributes {dimension_semantics = [#tpu.dimension_semantics<arbitrary>], iteration_bounds = array<i64: 5>, scalar_prefetch = 0 : i64, scratch_operands = 0 : i64, tpu.core_type = #tpu.core_type<tc>, window_params = [{transform_indices = @transform_0, window_bounds = array<i64: 2, 2000, 128>}, {transform_indices = @transform_1, window_bounds = array<i64: 4, 2000, 128>}, {transform_indices = @transform_2, window_bounds = array<i64: 4, 2000, 128>}, {pipeline_mode = #tpu.pipeline_mode<synchronous>, transform_indices = @transform_3, window_bounds = array<i64: 512, 1024>}, {pipeline_mode = #tpu.pipeline_mode<synchronous>, transform_indices = @transform_4, window_bounds = array<i64: 1, 1024>}, {pipeline_mode = #tpu.pipeline_mode<synchronous>, transform_indices = @transform_5, window_bounds = array<i64: 1, 1024>}]} {
    %get3A = arith.constant 0 : index
    %get3A_0 = arith.constant 0 : index
    %get3A_1 = arith.constant 0 : index
    %get3A_2 = vector.load %arg1[%get3A, %get3A_0, %get3A_1] : memref<2x2000x128xf32, #tpu.memory_space<vmem>>, vector<1x2000x1xf32>
    %get3A_3 = vector.shape_cast %get3A_2 : vector<1x2000x1xf32> to vector<2000x1xf32>
    %get3A_4 = arith.constant 1 : index
    %get3A_5 = arith.constant 0 : index
    %get3A_6 = arith.constant 0 : index
    %get3A_7 = vector.load %arg1[%get3A_4, %get3A_5, %get3A_6] : memref<2x2000x128xf32, #tpu.memory_space<vmem>>, vector<1x2000x1xf32>
    %get3A_8 = vector.shape_cast %get3A_7 : vector<1x2000x1xf32> to vector<2000x1xf32>
    %add3A = arith.addf %get3A_3, %get3A_8 : vector<2000x1xf32>
    %add3A_9 = arith.constant 1.000000e+00 : f32
    %add3A_10 = vector.broadcast %add3A_9 : f32 to vector<2000x1xf32>
    %add3A_11 = arith.addf %add3A, %add3A_10 : vector<2000x1xf32>
    %rsqrt3A = math.rsqrt %add3A_11 : vector<2000x1xf32>
    %get3A_12 = arith.constant 0 : index
    %get3A_13 = arith.constant 0 : index
    %get3A_14 = arith.constant 0 : index
    %get3A_15 = vector.load %arg2[%get3A_12, %get3A_13, %get3A_14] : memref<4x2000x128xf32, #tpu.memory_space<vmem>>, vector<1x2000x128xf32>
    %get3A_16 = vector.shape_cast %get3A_15 : vector<1x2000x128xf32> to vector<2000x128xf32>
    %get3A_17 = arith.constant 0 : index
    %get3A_18 = arith.constant 0 : index
    %get3A_19 = arith.constant 0 : index
    %get3A_20 = vector.load %arg3[%get3A_17, %get3A_18, %get3A_19] : memref<4x2000x128xf32, #tpu.memory_space<vmem>>, vector<1x2000x128xf32>
    %get3A_21 = vector.shape_cast %get3A_20 : vector<1x2000x128xf32> to vector<2000x128xf32>
    %add3A_22 = arith.addf %get3A_16, %get3A_21 : vector<2000x128xf32>
    %get3A_23 = arith.constant 1 : index
    %get3A_24 = arith.constant 0 : index
    %get3A_25 = arith.constant 0 : index
    %get3A_26 = vector.load %arg2[%get3A_23, %get3A_24, %get3A_25] : memref<4x2000x128xf32, #tpu.memory_space<vmem>>, vector<1x2000x128xf32>
    %get3A_27 = vector.shape_cast %get3A_26 : vector<1x2000x128xf32> to vector<2000x128xf32>
    %get3A_28 = arith.constant 1 : index
    %get3A_29 = arith.constant 0 : index
    %get3A_30 = arith.constant 0 : index
    %get3A_31 = vector.load %arg3[%get3A_28, %get3A_29, %get3A_30] : memref<4x2000x128xf32, #tpu.memory_space<vmem>>, vector<1x2000x128xf32>
    %get3A_32 = vector.shape_cast %get3A_31 : vector<1x2000x128xf32> to vector<2000x128xf32>
    %add3A_33 = arith.addf %get3A_27, %get3A_32 : vector<2000x128xf32>
    %get3A_34 = arith.constant 2 : index
    %get3A_35 = arith.constant 0 : index
    %get3A_36 = arith.constant 0 : index
    %get3A_37 = vector.load %arg2[%get3A_34, %get3A_35, %get3A_36] : memref<4x2000x128xf32, #tpu.memory_space<vmem>>, vector<1x2000x128xf32>
    %get3A_38 = vector.shape_cast %get3A_37 : vector<1x2000x128xf32> to vector<2000x128xf32>
    %get3A_39 = arith.constant 2 : index
    %get3A_40 = arith.constant 0 : index
    %get3A_41 = arith.constant 0 : index
    %get3A_42 = vector.load %arg3[%get3A_39, %get3A_40, %get3A_41] : memref<4x2000x128xf32, #tpu.memory_space<vmem>>, vector<1x2000x128xf32>
    %get3A_43 = vector.shape_cast %get3A_42 : vector<1x2000x128xf32> to vector<2000x128xf32>
    %add3A_44 = arith.addf %get3A_38, %get3A_43 : vector<2000x128xf32>
    %get3A_45 = arith.constant 3 : index
    %get3A_46 = arith.constant 0 : index
    %get3A_47 = arith.constant 0 : index
    %get3A_48 = vector.load %arg2[%get3A_45, %get3A_46, %get3A_47] : memref<4x2000x128xf32, #tpu.memory_space<vmem>>, vector<1x2000x128xf32>
    %get3A_49 = vector.shape_cast %get3A_48 : vector<1x2000x128xf32> to vector<2000x128xf32>
    %get3A_50 = arith.constant 3 : index
    %get3A_51 = arith.constant 0 : index
    %get3A_52 = arith.constant 0 : index
    %get3A_53 = vector.load %arg3[%get3A_50, %get3A_51, %get3A_52] : memref<4x2000x128xf32, #tpu.memory_space<vmem>>, vector<1x2000x128xf32>
    %get3A_54 = vector.shape_cast %get3A_53 : vector<1x2000x128xf32> to vector<2000x128xf32>
    %add3A_55 = arith.addf %get3A_49, %get3A_54 : vector<2000x128xf32>
    %concatenate3A = tpu.concatenate %add3A_22, %add3A_33, %add3A_44, %add3A_55 in 1 : vector<2000x128xf32>, vector<2000x128xf32>, vector<2000x128xf32>, vector<2000x128xf32> -> vector<2000x512xf32>
    %mul3A = vector.broadcast %rsqrt3A : vector<2000x1xf32> to vector<2000x512xf32>
    %mul3A_56 = arith.mulf %concatenate3A, %mul3A : vector<2000x512xf32>
    %get3A_57 = arith.constant 0 : index
    %get3A_58 = arith.constant 0 : index
    %get3A_59 = vector.load %arg4[%get3A_57, %get3A_58] : memref<512x1024xf32, #tpu.memory_space<vmem>>, vector<512x1024xf32>
    %dot_general3A = arith.constant dense<0.000000e+00> : vector<2000x1024xf32>
    %dot_general3A_60 = tpu.matmul %mul3A_56, %get3A_59, %dot_general3A {dimension_numbers = #tpu.dot_dimension_numbers<[1], [0], [0], [1], [0, 0, 1, 1], [], []>, transpose_lhs_hint = false} : vector<2000x512xf32>, vector<512x1024xf32>, vector<2000x1024xf32> -> vector<2000x1024xf32>
    %get3A_61 = arith.constant 0 : index
    %get3A_62 = arith.constant 0 : index
    %get3A_63 = vector.load %arg5[%get3A_61, %get3A_62] : memref<1x1024xf32, #tpu.memory_space<vmem>>, vector<1x1024xf32>
    %add3A_64 = vector.broadcast %get3A_63 : vector<1x1024xf32> to vector<2000x1024xf32>
    %add3A_65 = arith.addf %dot_general3A_60, %add3A_64 : vector<2000x1024xf32>
    %max3A = arith.constant 0.000000e+00 : f32
    %max3A_66 = vector.broadcast %max3A : f32 to vector<2000x1024xf32>
    %max3A_67 = arith.maximumf %add3A_65, %max3A_66 : vector<2000x1024xf32>
    %eq3A = arith.constant 0 : i32
    %eq3A_68 = arith.cmpi eq, %arg0, %eq3A : i32
    %convert_element_type3A = arith.extui %eq3A_68 : i1 to i32
    %cond3A = arith.constant 0 : i32
    %cond3A_69 = arith.cmpi ne, %convert_element_type3A, %cond3A : i32
    scf.if %cond3A_69 {
      %broadcast_in_dim3A_82 = arith.constant 0.000000e+00 : f32
      %broadcast_in_dim3A_83 = vector.broadcast %broadcast_in_dim3A_82 : f32 to vector<1x1024xf32>
      %swap3A_84 = arith.constant 0 : index
      %swap3A_85 = arith.constant 0 : index
      %swap3A_86 = vector.load %arg6[%swap3A_84, %swap3A_85] : memref<1x1024xf32, #tpu.memory_space<vmem>>, vector<1x1024xf32>
      tpu.vector_store %arg6[%swap3A_84, %swap3A_85], %broadcast_in_dim3A_83 {strides = array<i32>} : memref<1x1024xf32, #tpu.memory_space<vmem>>, vector<1x1024xf32>,
    } else {
    }
    %get3A_70 = arith.constant 0 : index
    %get3A_71 = arith.constant 0 : index
    %get3A_72 = vector.load %arg6[%get3A_70, %get3A_71] : memref<1x1024xf32, #tpu.memory_space<vmem>>, vector<1x1024xf32>
    %reduce_sum3A = arith.constant dense<0.000000e+00> : vector<1024xf32>
    %reduce_sum3A_73 = vector.multi_reduction <add>, %max3A_67, %reduce_sum3A [0] : vector<2000x1024xf32> to vector<1024xf32>
    %broadcast_in_dim3A = vector.shape_cast %reduce_sum3A_73 : vector<1024xf32> to vector<1x1024xf32>
    %add3A_74 = arith.addf %get3A_72, %broadcast_in_dim3A : vector<1x1024xf32>
    %swap3A = arith.constant 0 : index
    %swap3A_75 = arith.constant 0 : index
    %swap3A_76 = vector.load %arg6[%swap3A, %swap3A_75] : memref<1x1024xf32, #tpu.memory_space<vmem>>, vector<1x1024xf32>
    tpu.vector_store %arg6[%swap3A, %swap3A_75], %add3A_74 {strides = array<i32>} : memref<1x1024xf32, #tpu.memory_space<vmem>>, vector<1x1024xf32>,
    %eq3A_77 = arith.constant 4 : i32
    %eq3A_78 = arith.cmpi eq, %arg0, %eq3A_77 : i32
    %convert_element_type3A_79 = arith.extui %eq3A_78 : i1 to i32
    %cond3A_80 = arith.constant 0 : i32
    %cond3A_81 = arith.cmpi ne, %convert_element_type3A_79, %cond3A_80 : i32
    scf.if %cond3A_81 {
      %get3A_82 = arith.constant 0 : index
      %get3A_83 = arith.constant 0 : index
      %get3A_84 = vector.load %arg6[%get3A_82, %get3A_83] : memref<1x1024xf32, #tpu.memory_space<vmem>>, vector<1x1024xf32>
      %mul3A_85 = arith.constant 9.99999974E-5 : f32
      %mul3A_86 = vector.broadcast %mul3A_85 : f32 to vector<1x1024xf32>
      %mul3A_87 = arith.mulf %get3A_84, %mul3A_86 : vector<1x1024xf32>
      %swap3A_88 = arith.constant 0 : index
      %swap3A_89 = arith.constant 0 : index
      %swap3A_90 = vector.load %arg6[%swap3A_88, %swap3A_89] : memref<1x1024xf32, #tpu.memory_space<vmem>>, vector<1x1024xf32>
      tpu.vector_store %arg6[%swap3A_88, %swap3A_89], %mul3A_87 {strides = array<i32>} : memref<1x1024xf32, #tpu.memory_space<vmem>>, vector<1x1024xf32>,
    } else {
    }
    return
  }
  func.func @transform_0(%arg0: i32) -> (i32, i32, i32) {
    %c0_i32 = arith.constant 0 : i32
    %c0_i32_0 = arith.constant 0 : i32
    %c0_i32_1 = arith.constant 0 : i32
    return %c0_i32, %arg0, %c0_i32_0 : i32, i32, i32
  }
  func.func @transform_1(%arg0: i32) -> (i32, i32, i32) {
    %c0_i32 = arith.constant 0 : i32
    %c0_i32_0 = arith.constant 0 : i32
    %c0_i32_1 = arith.constant 0 : i32
    return %c0_i32, %arg0, %c0_i32_0 : i32, i32, i32
  }
  func.func @transform_2(%arg0: i32) -> (i32, i32, i32) {
    %c0_i32 = arith.constant 0 : i32
    %c0_i32_0 = arith.constant 0 : i32
    %c0_i32_1 = arith.constant 0 : i32
    return %c0_i32, %arg0, %c0_i32_0 : i32, i32, i32
  }
  func.func @transform_3(%arg0: i32) -> (i32, i32) {
    %c0_i32 = arith.constant 0 : i32
    %c0_i32_0 = arith.constant 0 : i32
    %c0_i32_1 = arith.constant 0 : i32
    return %c0_i32, %c0_i32_0 : i32, i32
  }
  func.func @transform_4(%arg0: i32) -> (i32, i32) {
    %c0_i32 = arith.constant 0 : i32
    %c0_i32_0 = arith.constant 0 : i32
    %c0_i32_1 = arith.constant 0 : i32
    return %c0_i32, %c0_i32_0 : i32, i32
  }
  func.func @transform_5(%arg0: i32) -> (i32, i32) {
    %c0_i32 = arith.constant 0 : i32
    %c0_i32_0 = arith.constant 0 : i32
    %c0_i32_1 = arith.constant 0 : i32
    return %c0_i32, %c0_i32_0 : i32, i32
  }
}

</mosaic_0001>

<sc_bundles>
// kernel: kernel.11.cloned.1.call-start
scs
__scs_entry_jumppad:
0x0: {  	(pc) =	sbr.rel $0x88, $3  }
0x1: {  	(tag) =	ssettag $0x0;
	lr =	simm.s32 $0x1  }
0x2: {  	[smem:$0x3F9B] =	sst lr;
	_ =	strace $0xD0000000  }
0x3: {  	_ = 	snop  }
0x4: {  	_ = 	snop  }
0x5: {  	_ = 	snop  }
0x6: {  	_ = 	snop  }
0x7: {  	_ = 	snop  }
__scs_overlays_trampoline_lowered:
0x8: {  	[smem:$0x3FAA] =	sst s0  }
0x9: {  	[smem:$0x3FAB] =	sst s1  }
0xa: {  	[smem:$0x3FAC] =	sst s2  }
0xb: {  	[smem:$0x3FAD] =	sst s3  }
0xc: {  	[smem:$0x3FAE] =	sst s4  }
0xd: {  	[smem:$0x3FAF] =	sst s5  }
0xe: {  	[smem:$0x3FB0] =	sst s6  }
0xf: {  	[smem:$0x3FB1] =	sst s7  }
0x10: {  	[smem:$0x3FB2] =	sst s8  }
0x11: {  	[smem:$0x3FB3] =	sst s9;
	s0 =	simm.s32 @!p0 $0x0  }
0x12: {  	s1 =	sld [smem:$0x3F99];
	s0 =	simm.s32 @p0 $0x1  }
0x13: {  	[smem:$0x3FB4] =	sst s0;
	s0 =	simm.s32 @!p1 $0x0  }
0x14: {  	s2 =	sld [smem:$0x3F98];
	s0 =	simm.s32 @p1 $0x1  }
0x15: {  	[smem:$0x3FB5] =	sst s0;
	s0 =	simm.s32 @!p2 $0x0  }
0x16: {  	s3 =	sld [smem:$0x3FDB];
	s0 =	simm.s32 @p2 $0x1  }
0x17: {  	s4 =	simm.s32 $0x1BF5;
	[smem:$0x3FB7] =	sst s0  }
0x18: {  	s0 =	sld [smem:$0x3F9A];
	_ =	swait.ge [sflag:s4], $0x0  }
0x19: {  	s7 =	sld [smem:$0x3F9B]  }
0x1a: {  	s8 =	sadd.s32 $0xFFFFE003, lr  }
0x1b: {  	s9 =	sadd.s32 $0xFFFFFEF7, lr;
	s5 =	simm.s32 $0xFFFFFFFF;
	p2 =	slt.u32 s8, $0xFFFFF086  }
0x1c: {  	p1 =	slt.u32 s9, $0xF7A;
	s5 =	simm.s32 @!p2 $0x0  }
0x1d: {  	s5 =	simm.s32 @p1 $0x1;
	p0 =	seq.s32 s7, s2  }
0x1e: {  	s7 =	smul.u32 @!p0 $0xF7A, s2;
	p2 =	seq.s32 @!p0 s5, $0x0  }
0x1f: {  	s9 =	smul.u32 $0xF7A, s1;
	s8 =	simm.s32 @!p0 $0x1BF5;
	p2 =	por !p2, p0  }
0x20: {  	[sflag:s8] =	ssyncset.s32 @!p0 $0xFFFFF086;
	s6 =	sadd.s32 @!p0 s3, s7;
	s7 =	simm.s32 @!p0 $0x108  }
0x21: {  	s3 =	sadd.s32 s3, s9;
	s6 =	sadd.s32 @!p0 $0x88, s6;
	s7 =	simm.s32 @p2 $0x1082  }
0x22: {  	[simem:s7], [sflag:s8] =	dma.local @!p0 [hbm:s6], $0xF7A  }
0x23: {  	s9 =	sor.u32 $0xD0000000, s2;
	s6 =	simm.s32 $0x108;
	_ =	swait.ge @!p0 [sflag:s8], $0x0  }
0x24: {  	s3 =	sadd.s32 $0x88, s3;
	s6 =	simm.s32 @!p1 $0x1082;
	[sflag:s4] =	ssyncset.s32 $0xFFFFF086  }
0x25: {  	[simem:s6], [sflag:s4] =	dma.local [hbm:s3], $0xF7A  }
0x26: {  	[smem:$0x3F9B] =	sst s1;
	(tag) =	ssettag s2;
	_ =	strace s9  }
0x27: {  	s1 =	sld [smem:$0x3FAB]  }
0x28: {  	s2 =	sld [smem:$0x3FAC]  }
0x29: {  	s4 =	sld [smem:$0x3FAE]  }
0x2a: {  	p0 =	seq.s32 s5, $0x0;
	s5 =	sld [smem:$0x3FAF]  }
0x2b: {  	s6 =	sld [smem:$0x3FB0]  }
0x2c: {  	s7 =	sld [smem:$0x3FB1]  }
0x2d: {  	s3 =	simm.s32 $0x108;
	s8 =	sld [smem:$0x3FB2]  }
0x2e: {  	s3 =	simm.s32 @!p0 $0x1082;
	s9 =	sld [smem:$0x3FB3]  }
0x2f: {  	lr =	sadd.s32 s0, s3;
	s0 =	sld [smem:$0x3FAA]  }
0x30: {  	s3 =	sld [smem:$0x3FAD]  }
0x31: {  	[smem:$0x3FB6] =	sst s10  }
0x32: {  	s10 =	sld [smem:$0x3FB4];
	_ =	sdelay $0x3  }
0x33: {  	p0 =	seq.s32 s10, $0x1;
	s10 =	sld [smem:$0x3FB6];
	_ =	sdelay $0x3  }
0x34: {  	[smem:$0x3FB6] =	sst s10  }
0x35: {  	s10 =	sld [smem:$0x3FB5];
	_ =	sdelay $0x3  }
0x36: {  	p1 =	seq.s32 s10, $0x1;
	s10 =	sld [smem:$0x3FB6];
	_ =	sdelay $0x3  }
0x37: {  	[smem:$0x3FB6] =	sst s10  }
0x38: {  	s10 =	sld [smem:$0x3FB7]  }
0x39: {  	_ = 	snop;
	(pc) =	sbr.ind lr, $3  }
0x3a: {  	_ = 	snop  }
0x3b: {  	_ = 	snop  }
0x3c: {  	p2 =	seq.s32 s10, $0x1;
	s10 =	sld [smem:$0x3FB6]  }
0x3d: {  	_ =	shalt  }
0x3e: {  	_ =	shalt  }
0x3f: {  	_ =	shalt  }
0x40: {  	_ =	shalt  }
0x41: {  	_ =	shalt  }
0x42: {  	_ =	shalt  }
0x43: {  	_ =	shalt  }
0x44: {  	_ =	shalt  }
0x45: {  	_ =	shalt  }
0x46: {  	_ =	shalt  }
0x47: {  	_ =	shalt  }
0x48: {  	_ =	shalt  }
0x49: {  	_ =	shalt  }
0x4a: {  	_ =	shalt  }
0x4b: {  	_ =	shalt  }
0x4c: {  	_ =	shalt  }
0x4d: {  	_ =	shalt  }
0x4e: {  	_ =	shalt  }
0x4f: {  	_ =	shalt  }
0x50: {  	_ =	shalt  }
0x51: {  	_ =	shalt  }
0x52: {  	_ =	shalt  }
0x53: {  	_ =	shalt  }
0x54: {  	_ =	shalt  }
0x55: {  	_ =	shalt  }
0x56: {  	_ =	shalt  }
0x57: {  	_ =	shalt  }
0x58: {  	_ =	shalt  }
0x59: {  	_ =	shalt  }
0x5a: {  	_ =	shalt  }
0x5b: {  	_ =	shalt  }
0x5c: {  	_ =	shalt  }
0x5d: {  	_ =	shalt  }
0x5e: {  	_ =	shalt  }
0x5f: {  	_ =	shalt  }
0x60: {  	_ =	shalt  }
0x61: {  	_ =	shalt  }
0x62: {  	_ =	shalt  }
0x63: {  	_ =	shalt  }
0x64: {  	_ =	shalt  }
0x65: {  	_ =	shalt  }
0x66: {  	_ =	shalt  }
0x67: {  	_ =	shalt  }
0x68: {  	_ =	shalt  }
0x69: {  	_ =	shalt  }
0x6a: {  	_ =	shalt  }
0x6b: {  	_ =	shalt  }
0x6c: {  	_ =	shalt  }
0x6d: {  	_ =	shalt  }
0x6e: {  	_ =	shalt  }
0x6f: {  	_ =	shalt  }
0x70: {  	_ =	shalt  }
0x71: {  	_ =	shalt  }
0x72: {  	_ =	shalt  }
0x73: {  	_ =	shalt  }
0x74: {  	_ =	shalt  }
0x75: {  	_ =	shalt  }
0x76: {  	_ =	shalt  }
0x77: {  	_ =	shalt  }
0x78: {  	_ =	shalt  }
0x79: {  	_ =	shalt  }
0x7a: {  	_ =	shalt  }
0x7b: {  	_ =	shalt  }
0x7c: {  	_ =	shalt  }
0x7d: {  	_ =	shalt  }
0x7e: {  	_ =	shalt  }
0x7f: {  	_ =	shalt  }
0x80: {  	_ =	shalt  }
0x81: {  	_ =	shalt  }
0x82: {  	_ =	shalt  }
0x83: {  	_ =	shalt  }
0x84: {  	_ =	shalt  }
0x85: {  	_ =	shalt  }
0x86: {  	_ =	shalt  }
0x87: {  	_ =	shalt  }
.Lfunc_end0:
.L_simem_size_0:
called_computation.1_lowered:
.L_overlay_start_0:
0x88: {  	s2 =	sld [smem:$0x3FD9]  }
0x89: {  	s3 =	sld [smem:$0x3FFE];
	_ =	sdelay $0x1  }
0x8a: {  	s1 =	srdreg.scid  }
0x8b: {  	s0 =	sand.u32 $0x1, s1  }
0x8c: {  	s16 =	sshll.u32 s0, $0xA;
	s2 =	sadd.s32 s3, s2  }
0x8d: {  	s2 =	sadd.s32 s2, s16  }
0x8e: {  	[smem:$0x3FC2] =	sst s2  }
0x8f: {  	_ = 	snop  }
0x90: {  	(tm) =	ssettm $0x1  }
0x91: {  	s17 =	sld [smem:$0x3FFB];
	_ =	sdelay $0x3  }
0x92: {  	_ =	strace s17  }
0x93: {  	s2 =	sld [smem:$0x3FFC];
	_ =	sdelay $0x3  }
0x94: {  	_ =	strace s2  }
0x95: {  	s2 =	sld [smem:$0x3FFD];
	_ =	sdelay $0x3  }
0x96: {  	_ =	strace s2  }
0x97: {  	_ =	strace $0x8FFFFFFF  }
0x98: {  	s18 =	sld [smem:$0x3FDB];
	_ =	sdelay $0x1  }
0x99: {  	s19 =	simm.s32 $_scs_section_size  }
0x9a: {  	s4 =	simm.s32 $_size__tile_overlayer_lowered;
	s5 =	simm.s32 $_tile_overlayer_lowered  }
0x9b: {  	s22 =	simm.s32 $0x1BFF;
	s21 =	sshll.u32 s5, $0x1;
	s2 =	sadd.s32 s19, s18  }
0x9c: {  	s6 =	simm.s32 $0x0;
	s20 =	sshll.u32 s4, $0x1;
	s4 =	sadd.s32 s21, s2  }
0x9d: {  	[timem:s6], [sflag:s22] =	dma.local [hbm:s4], s20  }
0x9e: {  	_ =	swait.ge [sflag:s22], s20  }
0x9f: {  	s3 =	ssub.s32 $0x0, s20;
	[sflag:s22] =	ssyncset.done $0x0  }
0xa0: {  	[sflag:s22] =	ssyncadd.s32 s3;
	_ =	sdelay $0x1  }
0xa1: {  	s23 =	simm.s32 $0x1B8B  }
0xa2: {  	_ =	swait.ge [sflag:s23], $0x1  }
0xa3: {  	[sflag:s23] =	ssyncset.done $0x0  }
0xa4: {  	s25 =	simm.s32 $0x1B8E;
	s24 =	sld [smem:$0x3FFE];
	[sflag:s23] =	ssyncadd.s32 $0xFFFFFFFF  }
0xa5: {  	s26 =	simm.s32 $execute0_lowered;
	[smem:$0x3FD2] =	sst s25  }
0xa6: {  	s4 =	sshll.u32 s26, $0x1;
	_ =	strace $0x80000049;
	[dreg:$0x1] =	wrdreg $0xFFFFFFFF  }
0xa7: {  	s28 =	simm.s32 $_size_execute0_lowered;
	s2 =	sadd.s32 s2, s4;
	[dreg:$0x0] =	wrdreg $0x0  }
0xa8: {  	s4 =	sshll.u32 s28, $0x1;
	[dreg:$0x2] =	wrdreg s2  }
0xa9: {  	[dreg:$0x3] =	wrdreg s4  }
0xaa: {  	[dreg:$0x4] =	wrdreg $0xC0  }
0xab: {  	_ =	task [dreg:s6], $0x5FFFF  }
0xac: {  	[dreg:$0x1] =	wrdreg $0xFFFFFFFF  }
0xad: {  	[dreg:$0x0] =	wrdreg $0x60  }
0xae: {  	[dreg:$0x2] =	wrdreg s24  }
0xaf: {  	[dreg:$0x3] =	wrdreg $0x9C000  }
0xb0: {  	[dreg:$0x4] =	wrdreg $0x9  }
0xb1: {  	_ =	task.clear_ibuf [dreg:s6], $0x5FFFF;
	_ =	strace $0x90000049  }
0xb2: {  	s29 =	simm.s32 $0x9;
	_ =	strace $0x8000004B  }
0xb3: {  	_ =	swait.ge [sflag:s29], $0x1  }
0xb4: {  	[sflag:s29] =	ssyncadd.s32 $0xFFFFFFFF  }
0xb5: {  	_ =	strace $0x9000004B  }
0xb6: {  	_ =	sfence  }
0xb7: {  	s30 =	sld [smem:$0x0];
	_ =	sdelay $0x2  }
0xb8: {  	s31 =	sshll.u32 s1, $0xD;
	s1 =	sshrl.u32 s1, $0x2  }
0xb9: {  	s3 =	sand.u32 $0x4000, s31;
	s1 =	sadd.s32 s1, s30  }
0xba: {  	s0 =	sor.u32 s3, s0;
	s1 =	sshll.u32 s1, $0x11  }
0xbb: {  	s0 =	sor.u32 s1, s0  }
0xbc: {  	s0 =	sadd.s32 $0x8F2B, s0  }
0xbd: {  	[sflag:s0] =	ssyncadd.remote.s32 $0x1  }
0xbe: {  	_ =	sfence.sel $0xFFFF  }
0xbf: {  	[dreg:$0x0] =	wrdreg $0xFFFFFFFF;
	(pc) =	sbr.abs _section_cstart, $3  }
0xc0: {  	[dreg:$0x1] =	wrdreg $0xFFFFFFFF  }
0xc1: {  	_ =	task.clear_ibuf [dreg:s6], $0x2FFFF;
	_ =	strace $0x9FFFFFFF  }
0xc2: {  	(tm) =	ssettm $0x7FFFFFFF  }
0xc3: {  	_ =	shalt  }
tec
execute0_lowered:
.L_overlay_start_1:
0x0: {  	(tag) =	ssettag $0x1  }
0x1: {  	s0 =	rddreg [dreg:$0x0];
	s1 =	srdreg.scid  }
0x2: {  	s2 =	rddreg [dreg:$0x1];
	s9 =	stileid.u32  }
0x3: {  	s3 =	simm.s32 $0x0;
	s11 =	simm.s32 $0x3;
	s21 =	simm.s32 $0x2  }
0x4: {  	s22 =	simm.s32 $0x32;
	s23 =	simm.s32 $0x1000;
	s5 =	smul.u32 $0x1400, s9  }
0x5: {  	s29 =	simm.s32 $0x4800;
	s31 =	simm.s32 $0x6400;
	s12 =	smul.u32 $0x2800, s9  }
0x6: {  	s14 =	simm.s32 $0x0;
	s1 =	sand.u32 $0x1, s1;
	s25 =	smul.u32 $0x50000, s9  }
0x7: {  	[smem:$0x7FF] =	sst s3;
	s30 =	sshll.u32 s9, $0x6;
	s4 =	smul.u32 $0x27100, s1  }
0x8: {  	_ =	strace $0x8000004A;
	s24 =	smul.u32 $0x28000, s1;
	s1 =	ssub.s32 $0x2, s1  }
0x9: {  	s7 =	sadd.s32 s5, s0;
	s6 =	sadd.s32 s12, s0;
	s26 =	sshrl.u32 s1, $0x1  }
0xa: {  	s28 =	sshrl.u32 s25, $0x2;
	s5 =	sor.u32 $0x1C03, s30;
	s8 =	sadd.s32 s4, s0  }
0xb: {  	s0 =	sadd.s32 s24, s0;
	s1 =	ssub.s32 s1, s26;
	s10 =	sadd.s32 s28, s2  }
0xc: {  	s4 =	sadd.s32 $0x12C00, s6;
	s6 =	sadd.s32 $0x9EC00, s7;
	s7 =	sadd.s32 $0x8AC00, s7  }
0xd: {  	s26 =	simm.s32 $0x2C00;
	s8 =	sadd.s32 $0xB2C00, s8;
	s0 =	sadd.s32 $0x100E00, s0  }
0xe: {  	s9 =	smax.u32 s1, $0x1;
	s10 =	sshrl.u32 s10, $0x3;
	s13 =	sadd.s32 $0x80, s6  }
0xf: {  	s15 =	sadd.s32 $0x80, s7;
	s17 =	sadd.s32 $0x100, s6;
	s19 =	sadd.s32 $0x100, s7  }
0x10: {  	s1 =	simm.s32 $0x8000;
	s24 =	sadd.s32 s12, s0;
	s12 =	simm.s32 $0x1  }
.LBB2_1:
0x11: {  	[spmem:s10], [sflag:s5] =	dma.local [hbm:s4], $0x2800  }
0x12: {  	_ =	swait.ge [sflag:s11], $0x2800  }
0x13: {  	[sflag:s11] =	ssyncset.done $0x0  }
0x14: {  	[sflag:s11] =	ssyncadd.s32 $0xFFFFD800  }
0x15: {  	[tilespmem:s3], [sflag:$0x2] =	stream.linear.gather [hbm4b:s6+s3], $0x280, $0x38;
	[tilespmem:$0x1DC00] =	vst v63  }
0x16: {  	s0 =	simm.s32 $0x800  }
0x17: {  	[tilespmem:s0], [sflag:$0x2] =	stream.linear.gather [hbm4b:s7+s3], $0x280, $0x38;
	[tilespmem:$0x1DC00] =	vst v63  }
0x18: {  	s20 =	simm.s32 $0x280  }
0x19: {  	[tilespmem:s20], [sflag:$0x2] =	stream.linear.gather [hbm4b:s13+s3], $0x280, $0x38;
	[tilespmem:$0x1DC00] =	vst v63  }
0x1a: {  	s25 =	simm.s32 $0xA80  }
0x1b: {  	[tilespmem:s25], [sflag:$0x2] =	stream.linear.gather [hbm4b:s15+s3], $0x280, $0x38;
	[tilespmem:$0x1DC00] =	vst v63  }
0x1c: {  	s30 =	simm.s32 $0x500  }
0x1d: {  	[tilespmem:s30], [sflag:$0x2] =	stream.linear.gather [hbm4b:s17+s3], $0x280, $0x38;
	[tilespmem:$0x1DC00] =	vst v63  }
0x1e: {  	s16 =	simm.s32 $0xD00  }
0x1f: {  	[tilespmem:s16], [sflag:$0x2] =	stream.linear.gather [hbm4b:s19+s3], $0x280, $0x38;
	[tilespmem:$0x1DC00] =	vst v63  }
0x20: {  	[bflag:$0x0] =	sbarrier.arrive $0xFFFF  }
0x21: {  	_ =	swait.ge [sflag:s21], $0x280  }
0x22: {  	[sflag:s21] =	ssyncset.done $0x0  }
0x23: {  	[sflag:s21] =	ssyncadd.s32 $0xFFFFFD80  }
0x24: {  	_ =	swait.ge [sflag:s21], $0x280  }
0x25: {  	[sflag:s21] =	ssyncset.done $0x0  }
0x26: {  	[sflag:s21] =	ssyncadd.s32 $0xFFFFFD80  }
0x27: {  	[tilespmem:s23], [sflag:$0x1] =	stream.indirect.gather [hbm4b:s8+s22], $0x80, s3, s22, $0xb8;
	[tilespmem:$0x1DC00] =	vst v63  }
0x28: {  	s18 =	simm.s32 $0x80  }
0x29: {  	[tilespmem:s26], [sflag:$0x1] =	stream.indirect.gather [hbm4b:s8+s22], $0x80, s18, s22, $0xb8;
	[tilespmem:$0x1DC00] =	vst v63  }
0x2a: {  	s20 =	simm.s32 $0x100;
	s16 =	smul.u32 $0xAB, s12  }
0x2b: {  	[tilespmem:s29], [sflag:$0x1] =	stream.indirect.gather [hbm4b:s8+s22], $0x80, s20, s22, $0xb8;
	[tilespmem:$0x1DC00] =	vst v63  }
0x2c: {  	s25 =	simm.s32 $0x180;
	s18 =	sadd.s32 $0xFFFFFF55, s16  }
0x2d: {  	[tilespmem:s31], [sflag:$0x1] =	stream.indirect.gather [hbm4b:s8+s22], $0x80, s25, s22, $0xb8;
	[tilespmem:$0x1DC00] =	vst v63  }
0x2e: {  	s30 =	simm.s32 $0x200;
	s18 =	sshrl.u32 s18, $0x9  }
0x2f: {  	[tilespmem:s1], [sflag:$0x1] =	stream.indirect.gather [hbm4b:s8+s22], $0x80, s30, s22, $0xb8;
	[tilespmem:$0x1DC00] =	vst v63  }
0x30: {  	s18 =	sand.u32 $0x7F, s18;
	_ =	swait.ge [sflag:s21], $0x280  }
0x31: {  	s18 =	smul.u32 $0x3, s18;
	[sflag:s21] =	ssyncset.done $0x0  }
0x32: {  	s16 =	sshrl.u32 s16, $0x9;
	[sflag:s21] =	ssyncadd.s32 $0xFFFFFD80  }
0x33: {  	s16 =	sand.u32 $0x7F, s16;
	s18 =	ssub.s32 $0x0, s18;
	_ =	swait.ge [sflag:s21], $0x280  }
0x34: {  	s20 =	smul.u32 $0x3, s16;
	s16 =	sand.u32 $0xFF, s18;
	[sflag:s21] =	ssyncset.done $0x0  }
0x35: {  	s18 =	smul.u32 $0xA00, s16;
	[sflag:s21] =	ssyncadd.s32 $0xFFFFFD80  }
0x36: {  	_ =	swait.ge [sflag:s12], $0x1900  }
0x37: {  	s20 =	ssub.s32 $0x1, s20;
	s18 =	sshrl.u32 s18, $0x2;
	[sflag:s12] =	ssyncset.done $0x0  }
0x38: {  	s20 =	smul.u32 $0x5, s20;
	s25 =	sor.u32 $0x800, s18;
	[sflag:s12] =	ssyncadd.s32 $0xFFFFE700  }
0x39: {  	[spmem:s2] =	stream.indirect.scatter.add.f32 [tilespmem:s23], [sflag:$0x3], $0x80, s25, s22, $0xb8;
	[tilespmem:$0x1DC00] =	vst v63  }
0x3a: {  	_ =	swait.ge [sflag:s11], $0x1900  }
0x3b: {  	s20 =	sand.u32 $0xFF, s20;
	[sflag:s11] =	ssyncset.done $0x0  }
0x3c: {  	s20 =	sshll.u32 s20, $0x7;
	[sflag:s11] =	ssyncadd.s32 $0xFFFFE700  }
0x3d: {  	[tilespmem:s23], [sflag:$0x1] =	stream.indirect.gather [hbm4b:s8+s22], $0x80, s20, s22, $0xb8;
	[tilespmem:$0x1DC00] =	vst v63  }
0x3e: {  	_ =	swait.ge [sflag:s12], $0x1900  }
0x3f: {  	[sflag:s12] =	ssyncset.done $0x0  }
0x40: {  	s0 =	sadd.s32 $0x880, s18;
	[sflag:s12] =	ssyncadd.s32 $0xFFFFE700  }
0x41: {  	[spmem:s2] =	stream.indirect.scatter.add.f32 [tilespmem:s26], [sflag:$0x3], $0x80, s0, s22, $0xb8;
	[tilespmem:$0x1DC00] =	vst v63  }
0x42: {  	_ =	swait.ge [sflag:s11], $0x1900  }
0x43: {  	[sflag:s11] =	ssyncset.done $0x0  }
0x44: {  	s30 =	sadd.s32 $0x80, s20;
	[sflag:s11] =	ssyncadd.s32 $0xFFFFE700  }
0x45: {  	[tilespmem:s26], [sflag:$0x1] =	stream.indirect.gather [hbm4b:s8+s22], $0x80, s30, s22, $0xb8;
	[tilespmem:$0x1DC00] =	vst v63  }
0x46: {  	_ =	swait.ge [sflag:s12], $0x1900  }
0x47: {  	[sflag:s12] =	ssyncset.done $0x0  }
0x48: {  	s0 =	sadd.s32 $0x900, s18;
	[sflag:s12] =	ssyncadd.s32 $0xFFFFE700  }
0x49: {  	[spmem:s2] =	stream.indirect.scatter.add.f32 [tilespmem:s29], [sflag:$0x3], $0x80, s0, s22, $0xb8;
	[tilespmem:$0x1DC00] =	vst v63  }
0x4a: {  	_ =	swait.ge [sflag:s11], $0x1900  }
0x4b: {  	[sflag:s11] =	ssyncset.done $0x0  }
0x4c: {  	s30 =	sadd.s32 $0x100, s20;
	[sflag:s11] =	ssyncadd.s32 $0xFFFFE700  }
0x4d: {  	[tilespmem:s29], [sflag:$0x1] =	stream.indirect.gather [hbm4b:s8+s22], $0x80, s30, s22, $0xb8;
	[tilespmem:$0x1DC00] =	vst v63  }
0x4e: {  	_ =	swait.ge [sflag:s12], $0x1900  }
0x4f: {  	[sflag:s12] =	ssyncset.done $0x0  }
0x50: {  	s0 =	sadd.s32 $0x980, s18;
	[sflag:s12] =	ssyncadd.s32 $0xFFFFE700  }
0x51: {  	[spmem:s2] =	stream.indirect.scatter.add.f32 [tilespmem:s31], [sflag:$0x3], $0x80, s0, s22, $0xb8;
	[tilespmem:$0x1DC00] =	vst v63  }
0x52: {  	_ =	swait.ge [sflag:s11], $0x1900  }
0x53: {  	[sflag:s11] =	ssyncset.done $0x0  }
0x54: {  	s30 =	sadd.s32 $0x180, s20;
	[sflag:s11] =	ssyncadd.s32 $0xFFFFE700  }
0x55: {  	[tilespmem:s31], [sflag:$0x1] =	stream.indirect.gather [hbm4b:s8+s22], $0x80, s30, s22, $0xb8;
	[tilespmem:$0x1DC00] =	vst v63  }
0x56: {  	_ =	swait.ge [sflag:s12], $0x1900  }
0x57: {  	[sflag:s12] =	ssyncset.done $0x0  }
0x58: {  	s18 =	sadd.s32 $0xA00, s18;
	[sflag:s12] =	ssyncadd.s32 $0xFFFFE700  }
0x59: {  	[spmem:s2] =	stream.indirect.scatter.add.f32 [tilespmem:s1], [sflag:$0x3], $0x80, s18, s22, $0xb8;
	[tilespmem:$0x1DC00] =	vst v63  }
0x5a: {  	p0 =	por $0x1, $0x1;
	s18 =	simm.s32 $0x0  }
0x5b: {  	_ =	swait.ge [sflag:s11], $0x1900;
	s18 =	simm.s32 @!p0 $0x24  }
0x5c: {  	[sflag:s11] =	ssyncset.done $0x0;
	s18 =	sshll.u32 s18, $0x7  }
0x5d: {  	s20 =	sadd.s32 $0x200, s20;
	[sflag:s11] =	ssyncadd.s32 $0xFFFFE700;
	s18 =	sadd.s32 $0x180, s18  }
0x5e: {  	[tilespmem:s1], [sflag:$0x1] =	stream.indirect.gather [hbm4b:s8+s22], $0x80, s20, s22, $0xb8;
	[tilespmem:$0x1DC00] =	vst v63  }
0x5f: {  	s28 =	smul.u32 $0x280, s16;
	s25 =	simm.s32 $0x2;
	s20 =	sadd.s32 s6, s18  }
.LBB2_2:
0x60: {  	s16 =	smul.u32 $0xAB, s25  }
0x61: {  	s30 =	sor.u32 $0x800, s28;
	s18 =	sadd.s32 s7, s18;
	s0 =	smov.u32 s25  }
0x62: {  	[tilespmem:s28], [sflag:$0x2] =	stream.linear.gather [hbm4b:s20+s3], $0x280, $0x38;
	[tilespmem:$0x1DC00] =	vst v63  }
0x63: {  	s20 =	sadd.s32 $0xFFFFFF55, s16;
	s28 =	sshrl.u32 s16, $0x9;
	s16 =	sadd.s32 $0x1, s25  }
0x64: {  	[tilespmem:s30], [sflag:$0x2] =	stream.linear.gather [hbm4b:s18+s3], $0x280, $0x38;
	[tilespmem:$0x1DC00] =	vst v63  }
0x65: {  	s18 =	sshrl.u32 s20, $0x9;
	s20 =	sand.u32 $0x7F, s28;
	_ =	swait.ge [sflag:s21], $0x280  }
0x66: {  	s18 =	sand.u32 $0x7F, s18;
	s20 =	smul.u32 $0x3, s20;
	[sflag:s21] =	ssyncset.done $0x0  }
0x67: {  	p0 =	sne.s32 s25, $0x28;
	s18 =	smul.u32 $0x3, s18;
	[sflag:s21] =	ssyncadd.s32 $0xFFFFFD80  }
0x68: {  	s28 =	sadd.s32 $0xFFFFFFFF, s0;
	s0 =	ssub.s32 s0, s20;
	_ =	swait.ge [sflag:s21], $0x280  }
0x69: {  	s18 =	ssub.s32 s28, s18;
	s0 =	smul.u32 $0x5, s0;
	[sflag:s21] =	ssyncset.done $0x0  }
0x6a: {  	p1 =	slt.s32 s28, $0x24;
	s25 =	sand.u32 $0xFF, s18;
	[sflag:s21] =	ssyncadd.s32 $0xFFFFFD80  }
0x6b: {  	s28 =	simm.s32 @!p1 $0x24;
	s18 =	smul.u32 $0xA00, s25;
	_ =	swait.ge [sflag:s12], $0x1900  }
0x6c: {  	s20 =	sshll.u32 s28, $0x7  }
0x6d: {  	s28 =	sshrl.u32 s18, $0x2;
	s18 =	sadd.s32 $0x180, s20;
	[sflag:s12] =	ssyncset.done $0x0  }
0x6e: {  	s30 =	sor.u32 $0x800, s28;
	s20 =	sadd.s32 s6, s18;
	[sflag:s12] =	ssyncadd.s32 $0xFFFFE700  }
0x6f: {  	[spmem:s2] =	stream.indirect.scatter.add.f32 [tilespmem:s23], [sflag:$0x3], $0x80, s30, s22, $0xb8;
	[tilespmem:$0x1DC00] =	vst v63  }
0x70: {  	_ =	swait.ge [sflag:s11], $0x1900  }
0x71: {  	s0 =	sand.u32 $0xFF, s0;
	[sflag:s11] =	ssyncset.done $0x0  }
0x72: {  	s30 =	sshll.u32 s0, $0x7;
	[sflag:s11] =	ssyncadd.s32 $0xFFFFE700  }
0x73: {  	[tilespmem:s23], [sflag:$0x1] =	stream.indirect.gather [hbm4b:s8+s22], $0x80, s30, s22, $0xb8;
	[tilespmem:$0x1DC00] =	vst v63  }
0x74: {  	_ =	swait.ge [sflag:s12], $0x1900  }
0x75: {  	[sflag:s12] =	ssyncset.done $0x0  }
0x76: {  	s0 =	sadd.s32 $0x880, s28;
	[sflag:s12] =	ssyncadd.s32 $0xFFFFE700  }
0x77: {  	[spmem:s2] =	stream.indirect.scatter.add.f32 [tilespmem:s26], [sflag:$0x3], $0x80, s0, s22, $0xb8;
	[tilespmem:$0x1DC00] =	vst v63  }
0x78: {  	_ =	swait.ge [sflag:s11], $0x1900  }
0x79: {  	[sflag:s11] =	ssyncset.done $0x0  }
0x7a: {  	s0 =	sadd.s32 $0x80, s30;
	[sflag:s11] =	ssyncadd.s32 $0xFFFFE700  }
0x7b: {  	[tilespmem:s26], [sflag:$0x1] =	stream.indirect.gather [hbm4b:s8+s22], $0x80, s0, s22, $0xb8;
	[tilespmem:$0x1DC00] =	vst v63  }
0x7c: {  	_ =	swait.ge [sflag:s12], $0x1900  }
0x7d: {  	[sflag:s12] =	ssyncset.done $0x0  }
0x7e: {  	s0 =	sadd.s32 $0x900, s28;
	[sflag:s12] =	ssyncadd.s32 $0xFFFFE700  }
0x7f: {  	[spmem:s2] =	stream.indirect.scatter.add.f32 [tilespmem:s29], [sflag:$0x3], $0x80, s0, s22, $0xb8;
	[tilespmem:$0x1DC00] =	vst v63  }
0x80: {  	_ =	swait.ge [sflag:s11], $0x1900  }
0x81: {  	[sflag:s11] =	ssyncset.done $0x0  }
0x82: {  	s0 =	sadd.s32 $0x100, s30;
	[sflag:s11] =	ssyncadd.s32 $0xFFFFE700  }
0x83: {  	[tilespmem:s29], [sflag:$0x1] =	stream.indirect.gather [hbm4b:s8+s22], $0x80, s0, s22, $0xb8;
	[tilespmem:$0x1DC00] =	vst v63  }
0x84: {  	_ =	swait.ge [sflag:s12], $0x1900  }
0x85: {  	[sflag:s12] =	ssyncset.done $0x0  }
0x86: {  	s0 =	sadd.s32 $0x980, s28;
	[sflag:s12] =	ssyncadd.s32 $0xFFFFE700  }
0x87: {  	[spmem:s2] =	stream.indirect.scatter.add.f32 [tilespmem:s31], [sflag:$0x3], $0x80, s0, s22, $0xb8;
	[tilespmem:$0x1DC00] =	vst v63  }
0x88: {  	_ =	swait.ge [sflag:s11], $0x1900  }
0x89: {  	[sflag:s11] =	ssyncset.done $0x0  }
0x8a: {  	s0 =	sadd.s32 $0x180, s30;
	[sflag:s11] =	ssyncadd.s32 $0xFFFFE700  }
0x8b: {  	[tilespmem:s31], [sflag:$0x1] =	stream.indirect.gather [hbm4b:s8+s22], $0x80, s0, s22, $0xb8;
	[tilespmem:$0x1DC00] =	vst v63  }
0x8c: {  	_ =	swait.ge [sflag:s12], $0x1900  }
0x8d: {  	[sflag:s12] =	ssyncset.done $0x0  }
0x8e: {  	s0 =	sadd.s32 $0xA00, s28;
	[sflag:s12] =	ssyncadd.s32 $0xFFFFE700  }
0x8f: {  	[spmem:s2] =	stream.indirect.scatter.add.f32 [tilespmem:s1], [sflag:$0x3], $0x80, s0, s22, $0xb8;
	[tilespmem:$0x1DC00] =	vst v63  }
.Ltmp0:
0x90: {  	_ = 	snop;
	(pc) =	sbr.rel @p0 .LBB2_2-.Ltmp0, $4  }
0x91: {  	_ =	swait.ge [sflag:s11], $0x1900  }
0x92: {  	s28 =	smul.u32 $0x280, s25;
	[sflag:s11] =	ssyncset.done $0x0  }
0x93: {  	s25 =	smov.u32 s16;
	s0 =	sadd.s32 $0x200, s30;
	[sflag:s11] =	ssyncadd.s32 $0xFFFFE700  }
0x94: {  	[tilespmem:s1], [sflag:$0x1] =	stream.indirect.gather [hbm4b:s8+s22], $0x80, s0, s22, $0xb8;
	[tilespmem:$0x1DC00] =	vst v63  }
0x95: {  	[tilespmem:s28], [sflag:$0x2] =	stream.linear.gather [hbm4b:s20+s3], $0x280, $0x38;
	[tilespmem:$0x1DC00] =	vst v63  }
0x96: {  	s0 =	sor.u32 $0x800, s28;
	s16 =	sadd.s32 s7, s18  }
0x97: {  	[tilespmem:s0], [sflag:$0x2] =	stream.linear.gather [hbm4b:s16+s3], $0x280, $0x38;
	[tilespmem:$0x1DC00] =	vst v63  }
0x98: {  	_ =	swait.ge [sflag:s21], $0x280  }
0x99: {  	[sflag:s21] =	ssyncset.done $0x0  }
0x9a: {  	[sflag:s21] =	ssyncadd.s32 $0xFFFFFD80  }
0x9b: {  	_ =	swait.ge [sflag:s21], $0x280  }
0x9c: {  	[sflag:s21] =	ssyncset.done $0x0  }
0x9d: {  	[sflag:s21] =	ssyncadd.s32 $0xFFFFFD80  }
0x9e: {  	_ =	swait.ge [sflag:s21], $0x280  }
0x9f: {  	[sflag:s21] =	ssyncset.done $0x0  }
0xa0: {  	[sflag:s21] =	ssyncadd.s32 $0xFFFFFD80  }
0xa1: {  	_ =	swait.ge [sflag:s21], $0x280  }
0xa2: {  	[sflag:s21] =	ssyncset.done $0x0  }
0xa3: {  	[sflag:s21] =	ssyncadd.s32 $0xFFFFFD80  }
0xa4: {  	_ =	swait.ge [sflag:s12], $0x1900  }
0xa5: {  	[sflag:s12] =	ssyncset.done $0x0  }
0xa6: {  	[sflag:s12] =	ssyncadd.s32 $0xFFFFE700  }
0xa7: {  	_ =	swait.ge [sflag:s12], $0x1900  }
0xa8: {  	[sflag:s12] =	ssyncset.done $0x0  }
0xa9: {  	[sflag:s12] =	ssyncadd.s32 $0xFFFFE700  }
0xaa: {  	_ =	swait.ge [sflag:s12], $0x1900  }
0xab: {  	[sflag:s12] =	ssyncset.done $0x0  }
0xac: {  	[sflag:s12] =	ssyncadd.s32 $0xFFFFE700  }
0xad: {  	_ =	swait.ge [sflag:s12], $0x1900  }
0xae: {  	[sflag:s12] =	ssyncset.done $0x0  }
0xaf: {  	[sflag:s12] =	ssyncadd.s32 $0xFFFFE700  }
0xb0: {  	_ =	swait.ge [sflag:s12], $0x1900  }
0xb1: {  	s14 =	sadd.s32 $0x1, s14;
	[sflag:s12] =	ssyncset.done $0x0  }
0xb2: {  	p0 =	sne.s32 s14, s9;
	[sflag:s12] =	ssyncadd.s32 $0xFFFFE700  }
.Ltmp1:
0xb3: {  	[bflag:$0x0] =	sbarrier.arrive $0xFFFF;
	(pc) =	sbr.rel @p0 .LBB2_1-.Ltmp1, $4  }
0xb4: {  	[hbm:s24], [sflag:s5] =	dma.local [spmem:s10], $0x2800  }
0xb5: {  	_ =	swait.ge [sflag:s11], $0x2800  }
0xb6: {  	[sflag:s11] =	ssyncset.done $0x0  }
0xb7: {  	[sflag:s11] =	ssyncadd.s32 $0xFFFFD800  }
0xb8: {  	_ =	sfence.sel $0x180000  }
0xb9: {  	[bflag:$0x0] =	sbarrier.arrive $0xFFFF  }
0xba: {  	_ =	strace $0x9000004A  }
0xbb: {  	s0 =	stileid.u32;
	[bflag:$0x2] =	sbarrier.arrive $0xFFFF  }
0xbc: {  	p0 =	sne.s32 s0, $0x0;
	s0 =	rddreg [dreg:$0x2]  }
0xbd: {  	s0 =	sadd.s32 @!p0 $0x100000, s0  }
0xbe: {  	[sflag:s0] =	ssyncadd.tile.s32 @!p0 $0x1;
	_ =	shalt  }
.Lfunc_end2:
_tile_overlayer_lowered:
.L_overlay_start_2:
0xbf: {  	(tag) =	ssettag $0x2  }
0xc0: {  	s0 =	rddreg [dreg:$0x0];
	s2 =	stileid.u32  }
0xc1: {  	s1 =	rddreg [dreg:$0x1];
	p0 =	sne.s32 s2, $0x0  }
0xc2: {  	s3 =	rddreg [dreg:$0x2];
	[bflag:$0x3] =	sbarrier.arrive $0xFFFF;
	s2 =	simm.s32 @!p0 $0x1C03  }
0xc3: {  	[timem:s3], [sflag:s2] =	dma.local @!p0 [hbm:s0], s1  }
0xc4: {  	s0 =	simm.s32 @!p0 $0x3  }
0xc5: {  	_ =	swait.ge @!p0 [sflag:s0], s1  }
0xc6: {  	s1 =	ssub.s32 @!p0 $0x0, s1;
	[sflag:s0] =	ssyncset.done @!p0 $0x0  }
0xc7: {  	[sflag:s0] =	ssyncadd.s32 @!p0 s1  }
0xc8: {  	[bflag:$0x3] =	sbarrier.arrive $0xFFFF  }
0xc9: {  	_ =	shalt  }

// kernel: kernel.14.cloned.1.call-start
scs
__scs_entry_jumppad:
0x0: {  	(pc) =	sbr.rel $0x88, $3  }
0x1: {  	(tag) =	ssettag $0x0;
	lr =	simm.s32 $0x1  }
0x2: {  	[smem:$0x3F9B] =	sst lr;
	_ =	strace $0xD0000000  }
0x3: {  	_ = 	snop  }
0x4: {  	_ = 	snop  }
0x5: {  	_ = 	snop  }
0x6: {  	_ = 	snop  }
0x7: {  	_ = 	snop  }
__scs_overlays_trampoline_lowered:
0x8: {  	[smem:$0x3FAA] =	sst s0  }
0x9: {  	[smem:$0x3FAB] =	sst s1  }
0xa: {  	[smem:$0x3FAC] =	sst s2  }
0xb: {  	[smem:$0x3FAD] =	sst s3  }
0xc: {  	[smem:$0x3FAE] =	sst s4  }
0xd: {  	[smem:$0x3FAF] =	sst s5  }
0xe: {  	[smem:$0x3FB0] =	sst s6  }
0xf: {  	[smem:$0x3FB1] =	sst s7  }
0x10: {  	[smem:$0x3FB2] =	sst s8  }
0x11: {  	[smem:$0x3FB3] =	sst s9;
	s0 =	simm.s32 @!p0 $0x0  }
0x12: {  	s1 =	sld [smem:$0x3F99];
	s0 =	simm.s32 @p0 $0x1  }
0x13: {  	[smem:$0x3FB4] =	sst s0;
	s0 =	simm.s32 @!p1 $0x0  }
0x14: {  	s2 =	sld [smem:$0x3F98];
	s0 =	simm.s32 @p1 $0x1  }
0x15: {  	[smem:$0x3FB5] =	sst s0;
	s0 =	simm.s32 @!p2 $0x0  }
0x16: {  	s3 =	sld [smem:$0x3FDB];
	s0 =	simm.s32 @p2 $0x1  }
0x17: {  	s4 =	simm.s32 $0x1BF5;
	[smem:$0x3FB7] =	sst s0  }
0x18: {  	s0 =	sld [smem:$0x3F9A];
	_ =	swait.ge [sflag:s4], $0x0  }
0x19: {  	s7 =	sld [smem:$0x3F9B]  }
0x1a: {  	s8 =	sadd.s32 $0xFFFFE003, lr  }
0x1b: {  	s9 =	sadd.s32 $0xFFFFFEF7, lr;
	s5 =	simm.s32 $0xFFFFFFFF;
	p2 =	slt.u32 s8, $0xFFFFF086  }
0x1c: {  	p1 =	slt.u32 s9, $0xF7A;
	s5 =	simm.s32 @!p2 $0x0  }
0x1d: {  	s5 =	simm.s32 @p1 $0x1;
	p0 =	seq.s32 s7, s2  }
0x1e: {  	s7 =	smul.u32 @!p0 $0xF7A, s2;
	p2 =	seq.s32 @!p0 s5, $0x0  }
0x1f: {  	s9 =	smul.u32 $0xF7A, s1;
	s8 =	simm.s32 @!p0 $0x1BF5;
	p2 =	por !p2, p0  }
0x20: {  	[sflag:s8] =	ssyncset.s32 @!p0 $0xFFFFF086;
	s6 =	sadd.s32 @!p0 s3, s7;
	s7 =	simm.s32 @!p0 $0x108  }
0x21: {  	s3 =	sadd.s32 s3, s9;
	s6 =	sadd.s32 @!p0 $0x88, s6;
	s7 =	simm.s32 @p2 $0x1082  }
0x22: {  	[simem:s7], [sflag:s8] =	dma.local @!p0 [hbm:s6], $0xF7A  }
0x23: {  	s9 =	sor.u32 $0xD0000000, s2;
	s6 =	simm.s32 $0x108;
	_ =	swait.ge @!p0 [sflag:s8], $0x0  }
0x24: {  	s3 =	sadd.s32 $0x88, s3;
	s6 =	simm.s32 @!p1 $0x1082;
	[sflag:s4] =	ssyncset.s32 $0xFFFFF086  }
0x25: {  	[simem:s6], [sflag:s4] =	dma.local [hbm:s3], $0xF7A  }
0x26: {  	[smem:$0x3F9B] =	sst s1;
	(tag) =	ssettag s2;
	_ =	strace s9  }
0x27: {  	s1 =	sld [smem:$0x3FAB]  }
0x28: {  	s2 =	sld [smem:$0x3FAC]  }
0x29: {  	s4 =	sld [smem:$0x3FAE]  }
0x2a: {  	p0 =	seq.s32 s5, $0x0;
	s5 =	sld [smem:$0x3FAF]  }
0x2b: {  	s6 =	sld [smem:$0x3FB0]  }
0x2c: {  	s7 =	sld [smem:$0x3FB1]  }
0x2d: {  	s3 =	simm.s32 $0x108;
	s8 =	sld [smem:$0x3FB2]  }
0x2e: {  	s3 =	simm.s32 @!p0 $0x1082;
	s9 =	sld [smem:$0x3FB3]  }
0x2f: {  	lr =	sadd.s32 s0, s3;
	s0 =	sld [smem:$0x3FAA]  }
0x30: {  	s3 =	sld [smem:$0x3FAD]  }
0x31: {  	[smem:$0x3FB6] =	sst s10  }
0x32: {  	s10 =	sld [smem:$0x3FB4];
	_ =	sdelay $0x3  }
0x33: {  	p0 =	seq.s32 s10, $0x1;
	s10 =	sld [smem:$0x3FB6];
	_ =	sdelay $0x3  }
0x34: {  	[smem:$0x3FB6] =	sst s10  }
0x35: {  	s10 =	sld [smem:$0x3FB5];
	_ =	sdelay $0x3  }
0x36: {  	p1 =	seq.s32 s10, $0x1;
	s10 =	sld [smem:$0x3FB6];
	_ =	sdelay $0x3  }
0x37: {  	[smem:$0x3FB6] =	sst s10  }
0x38: {  	s10 =	sld [smem:$0x3FB7]  }
0x39: {  	_ = 	snop;
	(pc) =	sbr.ind lr, $3  }
0x3a: {  	_ = 	snop  }
0x3b: {  	_ = 	snop  }
0x3c: {  	p2 =	seq.s32 s10, $0x1;
	s10 =	sld [smem:$0x3FB6]  }
0x3d: {  	_ =	shalt  }
0x3e: {  	_ =	shalt  }
0x3f: {  	_ =	shalt  }
0x40: {  	_ =	shalt  }
0x41: {  	_ =	shalt  }
0x42: {  	_ =	shalt  }
0x43: {  	_ =	shalt  }
0x44: {  	_ =	shalt  }
0x45: {  	_ =	shalt  }
0x46: {  	_ =	shalt  }
0x47: {  	_ =	shalt  }
0x48: {  	_ =	shalt  }
0x49: {  	_ =	shalt  }
0x4a: {  	_ =	shalt  }
0x4b: {  	_ =	shalt  }
0x4c: {  	_ =	shalt  }
0x4d: {  	_ =	shalt  }
0x4e: {  	_ =	shalt  }
0x4f: {  	_ =	shalt  }
0x50: {  	_ =	shalt  }
0x51: {  	_ =	shalt  }
0x52: {  	_ =	shalt  }
0x53: {  	_ =	shalt  }
0x54: {  	_ =	shalt  }
0x55: {  	_ =	shalt  }
0x56: {  	_ =	shalt  }
0x57: {  	_ =	shalt  }
0x58: {  	_ =	shalt  }
0x59: {  	_ =	shalt  }
0x5a: {  	_ =	shalt  }
0x5b: {  	_ =	shalt  }
0x5c: {  	_ =	shalt  }
0x5d: {  	_ =	shalt  }
0x5e: {  	_ =	shalt  }
0x5f: {  	_ =	shalt  }
0x60: {  	_ =	shalt  }
0x61: {  	_ =	shalt  }
0x62: {  	_ =	shalt  }
0x63: {  	_ =	shalt  }
0x64: {  	_ =	shalt  }
0x65: {  	_ =	shalt  }
0x66: {  	_ =	shalt  }
0x67: {  	_ =	shalt  }
0x68: {  	_ =	shalt  }
0x69: {  	_ =	shalt  }
0x6a: {  	_ =	shalt  }
0x6b: {  	_ =	shalt  }
0x6c: {  	_ =	shalt  }
0x6d: {  	_ =	shalt  }
0x6e: {  	_ =	shalt  }
0x6f: {  	_ =	shalt  }
0x70: {  	_ =	shalt  }
0x71: {  	_ =	shalt  }
0x72: {  	_ =	shalt  }
0x73: {  	_ =	shalt  }
0x74: {  	_ =	shalt  }
0x75: {  	_ =	shalt  }
0x76: {  	_ =	shalt  }
0x77: {  	_ =	shalt  }
0x78: {  	_ =	shalt  }
0x79: {  	_ =	shalt  }
0x7a: {  	_ =	shalt  }
0x7b: {  	_ =	shalt  }
0x7c: {  	_ =	shalt  }
0x7d: {  	_ =	shalt  }
0x7e: {  	_ =	shalt  }
0x7f: {  	_ =	shalt  }
0x80: {  	_ =	shalt  }
0x81: {  	_ =	shalt  }
0x82: {  	_ =	shalt  }
0x83: {  	_ =	shalt  }
0x84: {  	_ =	shalt  }
0x85: {  	_ =	shalt  }
0x86: {  	_ =	shalt  }
0x87: {  	_ =	shalt  }
.Lfunc_end0:
.L_simem_size_0:
called_computation.2_lowered:
.L_overlay_start_0:
0x88: {  	s2 =	sld [smem:$0x3FD9]  }
0x89: {  	s3 =	sld [smem:$0x3FFE];
	_ =	sdelay $0x1  }
0x8a: {  	s1 =	srdreg.scid  }
0x8b: {  	s0 =	sand.u32 $0x1, s1  }
0x8c: {  	s16 =	sshll.u32 s0, $0xA;
	s2 =	sadd.s32 s3, s2  }
0x8d: {  	s2 =	sadd.s32 s2, s16  }
0x8e: {  	[smem:$0x3FC2] =	sst s2  }
0x8f: {  	_ = 	snop  }
0x90: {  	(tm) =	ssettm $0x1  }
0x91: {  	s17 =	sld [smem:$0x3FFB];
	_ =	sdelay $0x3  }
0x92: {  	_ =	strace s17  }
0x93: {  	s2 =	sld [smem:$0x3FFC];
	_ =	sdelay $0x3  }
0x94: {  	_ =	strace s2  }
0x95: {  	s2 =	sld [smem:$0x3FFD];
	_ =	sdelay $0x3  }
0x96: {  	_ =	strace s2  }
0x97: {  	_ =	strace $0x8FFFFFFF  }
0x98: {  	s18 =	sld [smem:$0x3FDB];
	_ =	sdelay $0x1  }
0x99: {  	s19 =	simm.s32 $_scs_section_size  }
0x9a: {  	s4 =	simm.s32 $_size__tile_overlayer_lowered;
	s5 =	simm.s32 $_tile_overlayer_lowered  }
0x9b: {  	s22 =	simm.s32 $0x1BFF;
	s21 =	sshll.u32 s5, $0x1;
	s2 =	sadd.s32 s19, s18  }
0x9c: {  	s6 =	simm.s32 $0x0;
	s20 =	sshll.u32 s4, $0x1;
	s4 =	sadd.s32 s21, s2  }
0x9d: {  	[timem:s6], [sflag:s22] =	dma.local [hbm:s4], s20  }
0x9e: {  	_ =	swait.ge [sflag:s22], s20  }
0x9f: {  	s3 =	ssub.s32 $0x0, s20;
	[sflag:s22] =	ssyncset.done $0x0  }
0xa0: {  	[sflag:s22] =	ssyncadd.s32 s3;
	_ =	sdelay $0x1  }
0xa1: {  	s23 =	simm.s32 $0x1B8B  }
0xa2: {  	_ =	swait.ge [sflag:s23], $0x1  }
0xa3: {  	[sflag:s23] =	ssyncset.done $0x0  }
0xa4: {  	s25 =	simm.s32 $0x1B8E;
	s24 =	sld [smem:$0x3FFE];
	[sflag:s23] =	ssyncadd.s32 $0xFFFFFFFF  }
0xa5: {  	s26 =	simm.s32 $execute0_lowered;
	[smem:$0x3FD2] =	sst s25  }
0xa6: {  	s4 =	sshll.u32 s26, $0x1;
	_ =	strace $0x8000004C;
	[dreg:$0x1] =	wrdreg $0xFFFFFFFF  }
0xa7: {  	s28 =	simm.s32 $_size_execute0_lowered;
	s2 =	sadd.s32 s2, s4;
	[dreg:$0x0] =	wrdreg $0x0  }
0xa8: {  	s4 =	sshll.u32 s28, $0x1;
	[dreg:$0x2] =	wrdreg s2  }
0xa9: {  	[dreg:$0x3] =	wrdreg s4  }
0xaa: {  	[dreg:$0x4] =	wrdreg $0xC0  }
0xab: {  	_ =	task [dreg:s6], $0x5FFFF  }
0xac: {  	[dreg:$0x1] =	wrdreg $0xFFFFFFFF  }
0xad: {  	[dreg:$0x0] =	wrdreg $0x60  }
0xae: {  	[dreg:$0x2] =	wrdreg s24  }
0xaf: {  	[dreg:$0x3] =	wrdreg $0x9C000  }
0xb0: {  	[dreg:$0x4] =	wrdreg $0x9  }
0xb1: {  	_ =	task.clear_ibuf [dreg:s6], $0x5FFFF;
	_ =	strace $0x9000004C  }
0xb2: {  	s29 =	simm.s32 $0x9;
	_ =	strace $0x8000004E  }
0xb3: {  	_ =	swait.ge [sflag:s29], $0x1  }
0xb4: {  	[sflag:s29] =	ssyncadd.s32 $0xFFFFFFFF  }
0xb5: {  	_ =	strace $0x9000004E  }
0xb6: {  	_ =	sfence  }
0xb7: {  	s30 =	sld [smem:$0x0];
	_ =	sdelay $0x2  }
0xb8: {  	s31 =	sshll.u32 s1, $0xD;
	s1 =	sshrl.u32 s1, $0x2  }
0xb9: {  	s3 =	sand.u32 $0x4000, s31;
	s1 =	sadd.s32 s1, s30  }
0xba: {  	s0 =	sor.u32 s3, s0;
	s1 =	sshll.u32 s1, $0x11  }
0xbb: {  	s0 =	sor.u32 s1, s0  }
0xbc: {  	s0 =	sadd.s32 $0x8F2B, s0  }
0xbd: {  	[sflag:s0] =	ssyncadd.remote.s32 $0x1  }
0xbe: {  	_ =	sfence.sel $0xFFFF  }
0xbf: {  	[dreg:$0x0] =	wrdreg $0xFFFFFFFF;
	(pc) =	sbr.abs _section_cstart, $3  }
0xc0: {  	[dreg:$0x1] =	wrdreg $0xFFFFFFFF  }
0xc1: {  	_ =	task.clear_ibuf [dreg:s6], $0x2FFFF;
	_ =	strace $0x9FFFFFFF  }
0xc2: {  	(tm) =	ssettm $0x7FFFFFFF  }
0xc3: {  	_ =	shalt  }
tec
execute0_lowered:
.L_overlay_start_1:
0x0: {  	(tag) =	ssettag $0x1  }
0x1: {  	s0 =	rddreg [dreg:$0x0]  }
0x2: {  	s2 =	rddreg [dreg:$0x1];
	s3 =	simm.s32 $0x0  }
0x3: {  	s13 =	stileid.u32;
	s4 =	srdreg.scid;
	s31 =	simm.s32 $0x800  }
0x4: {  	s21 =	simm.s32 $0x2;
	s28 =	simm.s32 $0x2C00;
	s1 =	smul.u32 $0x1400, s13  }
0x5: {  	s30 =	simm.s32 $0x4800;
	s17 =	simm.s32 $0x0;
	s10 =	smul.u32 $0x2800, s13  }
0x6: {  	[smem:$0x7FF] =	sst s3;
	s4 =	sand.u32 $0x1, s4;
	s5 =	smul.u32 $0x50000, s13  }
0x7: {  	s9 =	sadd.s32 $0x150E00, s0;
	s23 =	sshll.u32 s13, $0x6;
	s22 =	smul.u32 $0x27100, s4  }
0x8: {  	_ =	strace $0x8000004D;
	s7 =	ssub.s32 $0x2, s4;
	s24 =	smul.u32 $0x28000, s4  }
0x9: {  	s14 =	sor.u32 $0x2, s4;
	s1 =	sadd.s32 s1, s0;
	s6 =	sadd.s32 s10, s0  }
0xa: {  	s0 =	sadd.s32 $0x1ED200, s0;
	s8 =	sshrl.u32 s7, $0x1;
	s15 =	smul.u32 $0x27100, s14  }
0xb: {  	s5 =	sshrl.u32 s5, $0x2;
	s25 =	smul.u32 $0x28000, s14;
	s11 =	ssub.s32 s7, s8  }
0xc: {  	s12 =	sadd.s32 s5, s2;
	s4 =	sadd.s32 $0x12C00, s6;
	s5 =	sor.u32 $0x1C03, s23  }
0xd: {  	s6 =	sadd.s32 $0x9EC00, s1;
	s7 =	sadd.s32 $0x8AC00, s1;
	s8 =	sadd.s32 s9, s22  }
0xe: {  	s13 =	sadd.s32 s0, s24;
	s22 =	simm.s32 $0x32;
	s9 =	sadd.s32 s9, s15  }
0xf: {  	s0 =	sadd.s32 s0, s25;
	s26 =	smax.u32 s11, $0x1;
	s11 =	sshrl.u32 s12, $0x3  }
0x10: {  	s12 =	simm.s32 $0x3;
	s14 =	sadd.s32 $0x80, s6;
	s16 =	sadd.s32 $0x80, s7  }
0x11: {  	s18 =	sadd.s32 $0x100, s6;
	s29 =	sadd.s32 s10, s13;
	s25 =	simm.s32 $0x1000  }
0x12: {  	s13 =	simm.s32 $0x8000;
	s15 =	simm.s32 $0x1;
	[dreg:$0x3] =	wrdreg s26  }
0x13: {  	[dreg:$0x4] =	wrdreg s29;
	s24 =	sadd.s32 s10, s0;
	s0 =	simm.s32 $0x6400  }
.LBB2_1:
0x14: {  	[spmem:s11], [sflag:s5] =	dma.local [hbm:s4], $0x2800  }
0x15: {  	_ =	swait.ge [sflag:s12], $0x2800  }
0x16: {  	[sflag:s12] =	ssyncset.done $0x0  }
0x17: {  	[sflag:s12] =	ssyncadd.s32 $0xFFFFD800  }
0x18: {  	[tilespmem:s3], [sflag:$0x2] =	stream.linear.gather [hbm4b:s6+s3], $0x280, $0x38;
	[tilespmem:$0x1DC00] =	vst v63  }
0x19: {  	_ = 	snop  }
0x1a: {  	[tilespmem:s31], [sflag:$0x2] =	stream.linear.gather [hbm4b:s7+s3], $0x280, $0x38;
	[tilespmem:$0x1DC00] =	vst v63  }
0x1b: {  	s1 =	simm.s32 $0x280  }
0x1c: {  	[tilespmem:s1], [sflag:$0x2] =	stream.linear.gather [hbm4b:s14+s3], $0x280, $0x38;
	[tilespmem:$0x1DC00] =	vst v63  }
0x1d: {  	s26 =	simm.s32 $0xA80  }
0x1e: {  	[tilespmem:s26], [sflag:$0x2] =	stream.linear.gather [hbm4b:s16+s3], $0x280, $0x38;
	[tilespmem:$0x1DC00] =	vst v63  }
0x1f: {  	s31 =	simm.s32 $0x500  }
0x20: {  	[tilespmem:s31], [sflag:$0x2] =	stream.linear.gather [hbm4b:s18+s3], $0x280, $0x38;
	[tilespmem:$0x1DC00] =	vst v63  }
0x21: {  	s19 =	sadd.s32 $0x100, s7;
	s10 =	simm.s32 $0xD00  }
0x22: {  	[tilespmem:s10], [sflag:$0x2] =	stream.linear.gather [hbm4b:s19+s3], $0x280, $0x38;
	[tilespmem:$0x1DC00] =	vst v63  }
0x23: {  	[bflag:$0x0] =	sbarrier.arrive $0xFFFF  }
0x24: {  	_ =	swait.ge [sflag:s21], $0x280  }
0x25: {  	[sflag:s21] =	ssyncset.done $0x0  }
0x26: {  	[sflag:s21] =	ssyncadd.s32 $0xFFFFFD80  }
0x27: {  	_ =	swait.ge [sflag:s21], $0x280  }
0x28: {  	[sflag:s21] =	ssyncset.done $0x0  }
0x29: {  	[sflag:s21] =	ssyncadd.s32 $0xFFFFFD80  }
0x2a: {  	[tilespmem:s25], [sflag:$0x1] =	stream.indirect.gather [hbm4b:s8+s22], $0x80, s3, s22, $0xb8;
	[tilespmem:$0x1DC00] =	vst v63  }
0x2b: {  	s20 =	simm.s32 $0x80  }
0x2c: {  	[tilespmem:s28], [sflag:$0x1] =	stream.indirect.gather [hbm4b:s8+s22], $0x80, s20, s22, $0xb8;
	[tilespmem:$0x1DC00] =	vst v63  }
0x2d: {  	s23 =	simm.s32 $0x100  }
0x2e: {  	[tilespmem:s30], [sflag:$0x1] =	stream.indirect.gather [hbm4b:s8+s22], $0x80, s23, s22, $0xb8;
	[tilespmem:$0x1DC00] =	vst v63  }
0x2f: {  	s26 =	simm.s32 $0x180;
	s31 =	smul.u32 $0xAB, s15  }
0x30: {  	[tilespmem:s0], [sflag:$0x1] =	stream.indirect.gather [hbm4b:s8+s22], $0x80, s26, s22, $0xb8;
	[tilespmem:$0x1DC00] =	vst v63  }
0x31: {  	s10 =	simm.s32 $0x200;
	s20 =	sadd.s32 $0xFFFFFF55, s31  }
0x32: {  	[tilespmem:s13], [sflag:$0x1] =	stream.indirect.gather [hbm4b:s8+s22], $0x80, s10, s22, $0xb8;
	[tilespmem:$0x1DC00] =	vst v63  }
0x33: {  	s10 =	sshrl.u32 s20, $0x9  }
0x34: {  	_ =	swait.ge [sflag:s21], $0x280;
	s10 =	sand.u32 $0x7F, s10  }
0x35: {  	[sflag:s21] =	ssyncset.done $0x0;
	s10 =	smul.u32 $0x3, s10  }
0x36: {  	s1 =	sshrl.u32 s31, $0x9;
	[sflag:s21] =	ssyncadd.s32 $0xFFFFFD80  }
0x37: {  	s1 =	sand.u32 $0x7F, s1;
	_ =	swait.ge [sflag:s21], $0x280;
	s10 =	ssub.s32 $0x0, s10  }
0x38: {  	s20 =	smul.u32 $0x3, s1;
	[sflag:s21] =	ssyncset.done $0x0;
	s1 =	sand.u32 $0xFF, s10  }
0x39: {  	[sflag:s21] =	ssyncadd.s32 $0xFFFFFD80;
	s10 =	smul.u32 $0xA00, s1  }
0x3a: {  	_ =	swait.ge [sflag:s15], $0x1900  }
0x3b: {  	s20 =	ssub.s32 $0x1, s20;
	[sflag:s15] =	ssyncset.done $0x0;
	s10 =	sshrl.u32 s10, $0x2  }
0x3c: {  	s20 =	smul.u32 $0x5, s20;
	[sflag:s15] =	ssyncadd.s32 $0xFFFFE700;
	s26 =	sor.u32 $0x800, s10  }
0x3d: {  	[spmem:s2] =	stream.indirect.scatter.add.f32 [tilespmem:s25], [sflag:$0x3], $0x80, s26, s22, $0xb8;
	[tilespmem:$0x1DC00] =	vst v63  }
0x3e: {  	_ =	swait.ge [sflag:s12], $0x1900  }
0x3f: {  	s20 =	sand.u32 $0xFF, s20;
	[sflag:s12] =	ssyncset.done $0x0  }
0x40: {  	s20 =	sshll.u32 s20, $0x7;
	[sflag:s12] =	ssyncadd.s32 $0xFFFFE700  }
0x41: {  	[tilespmem:s25], [sflag:$0x1] =	stream.indirect.gather [hbm4b:s8+s22], $0x80, s20, s22, $0xb8;
	[tilespmem:$0x1DC00] =	vst v63  }
0x42: {  	_ =	swait.ge [sflag:s15], $0x1900  }
0x43: {  	[sflag:s15] =	ssyncset.done $0x0  }
0x44: {  	s23 =	sadd.s32 $0x880, s10;
	[sflag:s15] =	ssyncadd.s32 $0xFFFFE700  }
0x45: {  	[spmem:s2] =	stream.indirect.scatter.add.f32 [tilespmem:s28], [sflag:$0x3], $0x80, s23, s22, $0xb8;
	[tilespmem:$0x1DC00] =	vst v63  }
0x46: {  	_ =	swait.ge [sflag:s12], $0x1900  }
0x47: {  	[sflag:s12] =	ssyncset.done $0x0  }
0x48: {  	s31 =	sadd.s32 $0x80, s20;
	[sflag:s12] =	ssyncadd.s32 $0xFFFFE700  }
0x49: {  	[tilespmem:s28], [sflag:$0x1] =	stream.indirect.gather [hbm4b:s8+s22], $0x80, s31, s22, $0xb8;
	[tilespmem:$0x1DC00] =	vst v63  }
0x4a: {  	_ =	swait.ge [sflag:s15], $0x1900  }
0x4b: {  	[sflag:s15] =	ssyncset.done $0x0  }
0x4c: {  	s23 =	sadd.s32 $0x900, s10;
	[sflag:s15] =	ssyncadd.s32 $0xFFFFE700  }
0x4d: {  	[spmem:s2] =	stream.indirect.scatter.add.f32 [tilespmem:s30], [sflag:$0x3], $0x80, s23, s22, $0xb8;
	[tilespmem:$0x1DC00] =	vst v63  }
0x4e: {  	_ =	swait.ge [sflag:s12], $0x1900  }
0x4f: {  	[sflag:s12] =	ssyncset.done $0x0  }
0x50: {  	s31 =	sadd.s32 $0x100, s20;
	[sflag:s12] =	ssyncadd.s32 $0xFFFFE700  }
0x51: {  	[tilespmem:s30], [sflag:$0x1] =	stream.indirect.gather [hbm4b:s8+s22], $0x80, s31, s22, $0xb8;
	[tilespmem:$0x1DC00] =	vst v63  }
0x52: {  	_ =	swait.ge [sflag:s15], $0x1900  }
0x53: {  	[sflag:s15] =	ssyncset.done $0x0  }
0x54: {  	s23 =	sadd.s32 $0x980, s10;
	[sflag:s15] =	ssyncadd.s32 $0xFFFFE700  }
0x55: {  	[spmem:s2] =	stream.indirect.scatter.add.f32 [tilespmem:s0], [sflag:$0x3], $0x80, s23, s22, $0xb8;
	[tilespmem:$0x1DC00] =	vst v63  }
0x56: {  	_ =	swait.ge [sflag:s12], $0x1900  }
0x57: {  	[sflag:s12] =	ssyncset.done $0x0  }
0x58: {  	s31 =	sadd.s32 $0x180, s20;
	[sflag:s12] =	ssyncadd.s32 $0xFFFFE700  }
0x59: {  	[tilespmem:s0], [sflag:$0x1] =	stream.indirect.gather [hbm4b:s8+s22], $0x80, s31, s22, $0xb8;
	[tilespmem:$0x1DC00] =	vst v63  }
0x5a: {  	_ =	swait.ge [sflag:s15], $0x1900  }
0x5b: {  	[sflag:s15] =	ssyncset.done $0x0  }
0x5c: {  	s10 =	sadd.s32 $0xA00, s10;
	[sflag:s15] =	ssyncadd.s32 $0xFFFFE700  }
0x5d: {  	[spmem:s2] =	stream.indirect.scatter.add.f32 [tilespmem:s13], [sflag:$0x3], $0x80, s10, s22, $0xb8;
	[tilespmem:$0x1DC00] =	vst v63  }
0x5e: {  	p0 =	por $0x1, $0x1;
	s10 =	simm.s32 $0x0;
	_ =	swait.ge [sflag:s12], $0x1900  }
0x5f: {  	s10 =	simm.s32 @!p0 $0x24;
	[sflag:s12] =	ssyncset.done $0x0  }
0x60: {  	s20 =	sadd.s32 $0x200, s20;
	s10 =	sshll.u32 s10, $0x7;
	[sflag:s12] =	ssyncadd.s32 $0xFFFFE700  }
0x61: {  	[tilespmem:s13], [sflag:$0x1] =	stream.indirect.gather [hbm4b:s8+s22], $0x80, s20, s22, $0xb8;
	[tilespmem:$0x1DC00] =	vst v63  }
0x62: {  	s20 =	sadd.s32 $0x180, s10  }
0x63: {  	s29 =	simm.s32 $0x2;
	s1 =	smul.u32 $0x280, s1;
	s26 =	sadd.s32 s6, s20  }
.LBB2_2:
0x64: {  	s10 =	smul.u32 $0xAB, s29  }
0x65: {  	s31 =	sor.u32 $0x800, s1;
	s20 =	sadd.s32 s7, s20;
	s23 =	smov.u32 s29  }
0x66: {  	[tilespmem:s1], [sflag:$0x2] =	stream.linear.gather [hbm4b:s26+s3], $0x280, $0x38;
	[tilespmem:$0x1DC00] =	vst v63  }
0x67: {  	s1 =	sadd.s32 $0xFFFFFF55, s10;
	s26 =	sshrl.u32 s10, $0x9;
	s10 =	sadd.s32 $0x1, s29  }
0x68: {  	[tilespmem:s31], [sflag:$0x2] =	stream.linear.gather [hbm4b:s20+s3], $0x280, $0x38;
	[tilespmem:$0x1DC00] =	vst v63  }
0x69: {  	s1 =	sshrl.u32 s1, $0x9;
	s20 =	sand.u32 $0x7F, s26;
	_ =	swait.ge [sflag:s21], $0x280  }
0x6a: {  	s1 =	sand.u32 $0x7F, s1;
	s20 =	smul.u32 $0x3, s20;
	[sflag:s21] =	ssyncset.done $0x0  }
0x6b: {  	p0 =	sne.s32 s29, $0x28;
	s1 =	smul.u32 $0x3, s1;
	[sflag:s21] =	ssyncadd.s32 $0xFFFFFD80  }
0x6c: {  	s26 =	sadd.s32 $0xFFFFFFFF, s23;
	s20 =	ssub.s32 s23, s20;
	_ =	swait.ge [sflag:s21], $0x280  }
0x6d: {  	s1 =	ssub.s32 s26, s1;
	s23 =	smul.u32 $0x5, s20;
	[sflag:s21] =	ssyncset.done $0x0  }
0x6e: {  	p1 =	slt.s32 s26, $0x24;
	s29 =	sand.u32 $0xFF, s1;
	[sflag:s21] =	ssyncadd.s32 $0xFFFFFD80  }
0x6f: {  	s26 =	simm.s32 @!p1 $0x24;
	s1 =	smul.u32 $0xA00, s29;
	_ =	swait.ge [sflag:s15], $0x1900  }
0x70: {  	s20 =	sshll.u32 s26, $0x7  }
0x71: {  	s20 =	sadd.s32 $0x180, s20;
	s31 =	sshrl.u32 s1, $0x2;
	[sflag:s15] =	ssyncset.done $0x0  }
0x72: {  	s26 =	sadd.s32 s6, s20;
	s1 =	sor.u32 $0x800, s31;
	[sflag:s15] =	ssyncadd.s32 $0xFFFFE700  }
0x73: {  	[spmem:s2] =	stream.indirect.scatter.add.f32 [tilespmem:s25], [sflag:$0x3], $0x80, s1, s22, $0xb8;
	[tilespmem:$0x1DC00] =	vst v63  }
0x74: {  	_ =	swait.ge [sflag:s12], $0x1900  }
0x75: {  	s1 =	sand.u32 $0xFF, s23;
	[sflag:s12] =	ssyncset.done $0x0  }
0x76: {  	s1 =	sshll.u32 s1, $0x7;
	[sflag:s12] =	ssyncadd.s32 $0xFFFFE700  }
0x77: {  	[tilespmem:s25], [sflag:$0x1] =	stream.indirect.gather [hbm4b:s8+s22], $0x80, s1, s22, $0xb8;
	[tilespmem:$0x1DC00] =	vst v63  }
0x78: {  	_ =	swait.ge [sflag:s15], $0x1900  }
0x79: {  	[sflag:s15] =	ssyncset.done $0x0  }
0x7a: {  	s23 =	sadd.s32 $0x880, s31;
	[sflag:s15] =	ssyncadd.s32 $0xFFFFE700  }
0x7b: {  	[spmem:s2] =	stream.indirect.scatter.add.f32 [tilespmem:s28], [sflag:$0x3], $0x80, s23, s22, $0xb8;
	[tilespmem:$0x1DC00] =	vst v63  }
0x7c: {  	_ =	swait.ge [sflag:s12], $0x1900  }
0x7d: {  	[sflag:s12] =	ssyncset.done $0x0  }
0x7e: {  	s23 =	sadd.s32 $0x80, s1;
	[sflag:s12] =	ssyncadd.s32 $0xFFFFE700  }
0x7f: {  	[tilespmem:s28], [sflag:$0x1] =	stream.indirect.gather [hbm4b:s8+s22], $0x80, s23, s22, $0xb8;
	[tilespmem:$0x1DC00] =	vst v63  }
0x80: {  	_ =	swait.ge [sflag:s15], $0x1900  }
0x81: {  	[sflag:s15] =	ssyncset.done $0x0  }
0x82: {  	s23 =	sadd.s32 $0x900, s31;
	[sflag:s15] =	ssyncadd.s32 $0xFFFFE700  }
0x83: {  	[spmem:s2] =	stream.indirect.scatter.add.f32 [tilespmem:s30], [sflag:$0x3], $0x80, s23, s22, $0xb8;
	[tilespmem:$0x1DC00] =	vst v63  }
0x84: {  	_ =	swait.ge [sflag:s12], $0x1900  }
0x85: {  	[sflag:s12] =	ssyncset.done $0x0  }
0x86: {  	s23 =	sadd.s32 $0x100, s1;
	[sflag:s12] =	ssyncadd.s32 $0xFFFFE700  }
0x87: {  	[tilespmem:s30], [sflag:$0x1] =	stream.indirect.gather [hbm4b:s8+s22], $0x80, s23, s22, $0xb8;
	[tilespmem:$0x1DC00] =	vst v63  }
0x88: {  	_ =	swait.ge [sflag:s15], $0x1900  }
0x89: {  	[sflag:s15] =	ssyncset.done $0x0  }
0x8a: {  	s23 =	sadd.s32 $0x980, s31;
	[sflag:s15] =	ssyncadd.s32 $0xFFFFE700  }
0x8b: {  	[spmem:s2] =	stream.indirect.scatter.add.f32 [tilespmem:s0], [sflag:$0x3], $0x80, s23, s22, $0xb8;
	[tilespmem:$0x1DC00] =	vst v63  }
0x8c: {  	_ =	swait.ge [sflag:s12], $0x1900  }
0x8d: {  	[sflag:s12] =	ssyncset.done $0x0  }
0x8e: {  	s23 =	sadd.s32 $0x180, s1;
	[sflag:s12] =	ssyncadd.s32 $0xFFFFE700  }
0x8f: {  	[tilespmem:s0], [sflag:$0x1] =	stream.indirect.gather [hbm4b:s8+s22], $0x80, s23, s22, $0xb8;
	[tilespmem:$0x1DC00] =	vst v63  }
0x90: {  	_ =	swait.ge [sflag:s15], $0x1900  }
0x91: {  	[sflag:s15] =	ssyncset.done $0x0  }
0x92: {  	s23 =	sadd.s32 $0xA00, s31;
	[sflag:s15] =	ssyncadd.s32 $0xFFFFE700  }
0x93: {  	[spmem:s2] =	stream.indirect.scatter.add.f32 [tilespmem:s13], [sflag:$0x3], $0x80, s23, s22, $0xb8;
	[tilespmem:$0x1DC00] =	vst v63  }
.Ltmp0:
0x94: {  	_ = 	snop;
	(pc) =	sbr.rel @p0 .LBB2_2-.Ltmp0, $4  }
0x95: {  	_ =	swait.ge [sflag:s12], $0x1900  }
0x96: {  	s23 =	sadd.s32 $0x200, s1;
	[sflag:s12] =	ssyncset.done $0x0  }
0x97: {  	s1 =	smul.u32 $0x280, s29;
	s29 =	smov.u32 s10;
	[sflag:s12] =	ssyncadd.s32 $0xFFFFE700  }
0x98: {  	[tilespmem:s13], [sflag:$0x1] =	stream.indirect.gather [hbm4b:s8+s22], $0x80, s23, s22, $0xb8;
	[tilespmem:$0x1DC00] =	vst v63  }
0x99: {  	[tilespmem:s1], [sflag:$0x2] =	stream.linear.gather [hbm4b:s26+s3], $0x280, $0x38;
	[tilespmem:$0x1DC00] =	vst v63  }
0x9a: {  	s29 =	sor.u32 $0x800, s1;
	s10 =	sadd.s32 s7, s20  }
0x9b: {  	[tilespmem:s29], [sflag:$0x2] =	stream.linear.gather [hbm4b:s10+s3], $0x280, $0x38;
	[tilespmem:$0x1DC00] =	vst v63  }
0x9c: {  	_ =	swait.ge [sflag:s21], $0x280  }
0x9d: {  	[sflag:s21] =	ssyncset.done $0x0  }
0x9e: {  	[sflag:s21] =	ssyncadd.s32 $0xFFFFFD80  }
0x9f: {  	_ =	swait.ge [sflag:s21], $0x280  }
0xa0: {  	[sflag:s21] =	ssyncset.done $0x0  }
0xa1: {  	[sflag:s21] =	ssyncadd.s32 $0xFFFFFD80  }
0xa2: {  	_ =	swait.ge [sflag:s21], $0x280  }
0xa3: {  	[sflag:s21] =	ssyncset.done $0x0  }
0xa4: {  	[sflag:s21] =	ssyncadd.s32 $0xFFFFFD80  }
0xa5: {  	_ =	swait.ge [sflag:s21], $0x280  }
0xa6: {  	[sflag:s21] =	ssyncset.done $0x0  }
0xa7: {  	s1 =	simm.s32 $0x1;
	[sflag:s21] =	ssyncadd.s32 $0xFFFFFD80  }
0xa8: {  	_ =	swait.ge [sflag:s1], $0x1900  }
0xa9: {  	[sflag:s1] =	ssyncset.done $0x0  }
0xaa: {  	[sflag:s1] =	ssyncadd.s32 $0xFFFFE700  }
0xab: {  	_ =	swait.ge [sflag:s1], $0x1900  }
0xac: {  	[sflag:s1] =	ssyncset.done $0x0  }
0xad: {  	[sflag:s1] =	ssyncadd.s32 $0xFFFFE700  }
0xae: {  	_ =	swait.ge [sflag:s1], $0x1900  }
0xaf: {  	[sflag:s1] =	ssyncset.done $0x0  }
0xb0: {  	[sflag:s1] =	ssyncadd.s32 $0xFFFFE700  }
0xb1: {  	_ =	swait.ge [sflag:s1], $0x1900  }
0xb2: {  	[sflag:s1] =	ssyncset.done $0x0  }
0xb3: {  	[sflag:s1] =	ssyncadd.s32 $0xFFFFE700  }
0xb4: {  	_ =	swait.ge [sflag:s1], $0x1900  }
0xb5: {  	[sflag:s1] =	ssyncset.done $0x0  }
0xb6: {  	[sflag:s1] =	ssyncadd.s32 $0xFFFFE700  }
0xb7: {  	[bflag:$0x0] =	sbarrier.arrive $0xFFFF  }
0xb8: {  	s23 =	rddreg [dreg:$0x4]  }
0xb9: {  	[hbm:s23], [sflag:s5] =	dma.local [spmem:s11], $0x2800  }
0xba: {  	_ =	swait.ge [sflag:s12], $0x2800  }
0xbb: {  	[sflag:s12] =	ssyncset.done $0x0  }
0xbc: {  	[sflag:s12] =	ssyncadd.s32 $0xFFFFD800  }
0xbd: {  	[spmem:s11], [sflag:s5] =	dma.local [hbm:s4], $0x2800  }
0xbe: {  	_ =	swait.ge [sflag:s12], $0x2800  }
0xbf: {  	[sflag:s12] =	ssyncset.done $0x0  }
0xc0: {  	[sflag:s12] =	ssyncadd.s32 $0xFFFFD800  }
0xc1: {  	[tilespmem:s3], [sflag:$0x2] =	stream.linear.gather [hbm4b:s6+s3], $0x280, $0x38;
	[tilespmem:$0x1DC00] =	vst v63  }
0xc2: {  	s31 =	simm.s32 $0x800  }
0xc3: {  	[tilespmem:s31], [sflag:$0x2] =	stream.linear.gather [hbm4b:s7+s3], $0x280, $0x38;
	[tilespmem:$0x1DC00] =	vst v63  }
0xc4: {  	s26 =	simm.s32 $0x280  }
0xc5: {  	[tilespmem:s26], [sflag:$0x2] =	stream.linear.gather [hbm4b:s14+s3], $0x280, $0x38;
	[tilespmem:$0x1DC00] =	vst v63  }
0xc6: {  	s29 =	simm.s32 $0xA80  }
0xc7: {  	[tilespmem:s29], [sflag:$0x2] =	stream.linear.gather [hbm4b:s16+s3], $0x280, $0x38;
	[tilespmem:$0x1DC00] =	vst v63  }
0xc8: {  	s20 =	simm.s32 $0x500  }
0xc9: {  	[tilespmem:s20], [sflag:$0x2] =	stream.linear.gather [hbm4b:s18+s3], $0x280, $0x38;
	[tilespmem:$0x1DC00] =	vst v63  }
0xca: {  	s23 =	simm.s32 $0xD00  }
0xcb: {  	[tilespmem:s23], [sflag:$0x2] =	stream.linear.gather [hbm4b:s19+s3], $0x280, $0x38;
	[tilespmem:$0x1DC00] =	vst v63  }
0xcc: {  	[bflag:$0x0] =	sbarrier.arrive $0xFFFF  }
0xcd: {  	_ =	swait.ge [sflag:s21], $0x280  }
0xce: {  	[sflag:s21] =	ssyncset.done $0x0  }
0xcf: {  	[sflag:s21] =	ssyncadd.s32 $0xFFFFFD80  }
0xd0: {  	_ =	swait.ge [sflag:s21], $0x280  }
0xd1: {  	[sflag:s21] =	ssyncset.done $0x0  }
0xd2: {  	[sflag:s21] =	ssyncadd.s32 $0xFFFFFD80  }
0xd3: {  	[tilespmem:s25], [sflag:$0x1] =	stream.indirect.gather [hbm4b:s9+s22], $0x80, s3, s22, $0xb8;
	[tilespmem:$0x1DC00] =	vst v63  }
0xd4: {  	s26 =	simm.s32 $0x80  }
0xd5: {  	[tilespmem:s28], [sflag:$0x1] =	stream.indirect.gather [hbm4b:s9+s22], $0x80, s26, s22, $0xb8;
	[tilespmem:$0x1DC00] =	vst v63  }
0xd6: {  	s1 =	smul.u32 $0xAB, s1;
	s29 =	simm.s32 $0x100  }
0xd7: {  	[tilespmem:s30], [sflag:$0x1] =	stream.indirect.gather [hbm4b:s9+s22], $0x80, s29, s22, $0xb8;
	[tilespmem:$0x1DC00] =	vst v63  }
0xd8: {  	s19 =	simm.s32 $0x180;
	s23 =	sadd.s32 $0xFFFFFF55, s1  }
0xd9: {  	[tilespmem:s0], [sflag:$0x1] =	stream.indirect.gather [hbm4b:s9+s22], $0x80, s19, s22, $0xb8;
	[tilespmem:$0x1DC00] =	vst v63  }
0xda: {  	s20 =	simm.s32 $0x200;
	s10 =	sshrl.u32 s23, $0x9  }
0xdb: {  	[tilespmem:s13], [sflag:$0x1] =	stream.indirect.gather [hbm4b:s9+s22], $0x80, s20, s22, $0xb8;
	[tilespmem:$0x1DC00] =	vst v63  }
0xdc: {  	s10 =	sand.u32 $0x7F, s10;
	_ =	swait.ge [sflag:s21], $0x280  }
0xdd: {  	s10 =	smul.u32 $0x3, s10;
	[sflag:s21] =	ssyncset.done $0x0  }
0xde: {  	s1 =	sshrl.u32 s1, $0x9;
	[sflag:s21] =	ssyncadd.s32 $0xFFFFFD80  }
0xdf: {  	s1 =	sand.u32 $0x7F, s1;
	s10 =	ssub.s32 $0x0, s10;
	_ =	swait.ge [sflag:s21], $0x280  }
0xe0: {  	s26 =	smul.u32 $0x3, s1;
	s1 =	sand.u32 $0xFF, s10;
	[sflag:s21] =	ssyncset.done $0x0  }
0xe1: {  	s10 =	smul.u32 $0xA00, s1;
	[sflag:s21] =	ssyncadd.s32 $0xFFFFFD80  }
0xe2: {  	_ =	swait.ge [sflag:s15], $0x1900  }
0xe3: {  	s10 =	sshrl.u32 s10, $0x2;
	s19 =	ssub.s32 $0x1, s26;
	[sflag:s15] =	ssyncset.done $0x0  }
0xe4: {  	s29 =	sor.u32 $0x800, s10;
	s19 =	smul.u32 $0x5, s19;
	[sflag:s15] =	ssyncadd.s32 $0xFFFFE700  }
0xe5: {  	[spmem:s2] =	stream.indirect.scatter.add.f32 [tilespmem:s25], [sflag:$0x3], $0x80, s29, s22, $0xb8;
	[tilespmem:$0x1DC00] =	vst v63  }
0xe6: {  	_ =	swait.ge [sflag:s12], $0x1900  }
0xe7: {  	s19 =	sand.u32 $0xFF, s19;
	[sflag:s12] =	ssyncset.done $0x0  }
0xe8: {  	s19 =	sshll.u32 s19, $0x7;
	[sflag:s12] =	ssyncadd.s32 $0xFFFFE700  }
0xe9: {  	[tilespmem:s25], [sflag:$0x1] =	stream.indirect.gather [hbm4b:s9+s22], $0x80, s19, s22, $0xb8;
	[tilespmem:$0x1DC00] =	vst v63  }
0xea: {  	_ =	swait.ge [sflag:s15], $0x1900  }
0xeb: {  	[sflag:s15] =	ssyncset.done $0x0  }
0xec: {  	s23 =	sadd.s32 $0x880, s10;
	[sflag:s15] =	ssyncadd.s32 $0xFFFFE700  }
0xed: {  	[spmem:s2] =	stream.indirect.scatter.add.f32 [tilespmem:s28], [sflag:$0x3], $0x80, s23, s22, $0xb8;
	[tilespmem:$0x1DC00] =	vst v63  }
0xee: {  	_ =	swait.ge [sflag:s12], $0x1900  }
0xef: {  	[sflag:s12] =	ssyncset.done $0x0  }
0xf0: {  	s26 =	sadd.s32 $0x80, s19;
	[sflag:s12] =	ssyncadd.s32 $0xFFFFE700  }
0xf1: {  	[tilespmem:s28], [sflag:$0x1] =	stream.indirect.gather [hbm4b:s9+s22], $0x80, s26, s22, $0xb8;
	[tilespmem:$0x1DC00] =	vst v63  }
0xf2: {  	_ =	swait.ge [sflag:s15], $0x1900  }
0xf3: {  	[sflag:s15] =	ssyncset.done $0x0  }
0xf4: {  	s29 =	sadd.s32 $0x900, s10;
	[sflag:s15] =	ssyncadd.s32 $0xFFFFE700  }
0xf5: {  	[spmem:s2] =	stream.indirect.scatter.add.f32 [tilespmem:s30], [sflag:$0x3], $0x80, s29, s22, $0xb8;
	[tilespmem:$0x1DC00] =	vst v63  }
0xf6: {  	_ =	swait.ge [sflag:s12], $0x1900  }
0xf7: {  	[sflag:s12] =	ssyncset.done $0x0  }
0xf8: {  	s23 =	sadd.s32 $0x100, s19;
	[sflag:s12] =	ssyncadd.s32 $0xFFFFE700  }
0xf9: {  	[tilespmem:s30], [sflag:$0x1] =	stream.indirect.gather [hbm4b:s9+s22], $0x80, s23, s22, $0xb8;
	[tilespmem:$0x1DC00] =	vst v63  }
0xfa: {  	_ =	swait.ge [sflag:s15], $0x1900  }
0xfb: {  	[sflag:s15] =	ssyncset.done $0x0  }
0xfc: {  	s26 =	sadd.s32 $0x980, s10;
	[sflag:s15] =	ssyncadd.s32 $0xFFFFE700  }
0xfd: {  	[spmem:s2] =	stream.indirect.scatter.add.f32 [tilespmem:s0], [sflag:$0x3], $0x80, s26, s22, $0xb8;
	[tilespmem:$0x1DC00] =	vst v63  }
0xfe: {  	_ =	swait.ge [sflag:s12], $0x1900  }
0xff: {  	[sflag:s12] =	ssyncset.done $0x0  }
0x100: {  	s29 =	sadd.s32 $0x180, s19;
	[sflag:s12] =	ssyncadd.s32 $0xFFFFE700  }
0x101: {  	[tilespmem:s0], [sflag:$0x1] =	stream.indirect.gather [hbm4b:s9+s22], $0x80, s29, s22, $0xb8;
	[tilespmem:$0x1DC00] =	vst v63  }
0x102: {  	_ =	swait.ge [sflag:s15], $0x1900  }
0x103: {  	[sflag:s15] =	ssyncset.done $0x0  }
0x104: {  	s10 =	sadd.s32 $0xA00, s10;
	[sflag:s15] =	ssyncadd.s32 $0xFFFFE700  }
0x105: {  	[spmem:s2] =	stream.indirect.scatter.add.f32 [tilespmem:s13], [sflag:$0x3], $0x80, s10, s22, $0xb8;
	[tilespmem:$0x1DC00] =	vst v63  }
0x106: {  	p0 =	por $0x1, $0x1;
	s10 =	simm.s32 $0x0;
	_ =	swait.ge [sflag:s12], $0x1900  }
0x107: {  	s10 =	simm.s32 @!p0 $0x24;
	[sflag:s12] =	ssyncset.done $0x0  }
0x108: {  	s19 =	sadd.s32 $0x200, s19;
	s10 =	sshll.u32 s10, $0x7;
	[sflag:s12] =	ssyncadd.s32 $0xFFFFE700  }
0x109: {  	[tilespmem:s13], [sflag:$0x1] =	stream.indirect.gather [hbm4b:s9+s22], $0x80, s19, s22, $0xb8;
	[tilespmem:$0x1DC00] =	vst v63  }
0x10a: {  	s19 =	sadd.s32 $0x180, s10  }
0x10b: {  	s1 =	smul.u32 $0x280, s1;
	s26 =	simm.s32 $0x2;
	s20 =	sadd.s32 s6, s19  }
.LBB2_4:
0x10c: {  	s10 =	smul.u32 $0xAB, s26  }
0x10d: {  	s23 =	sor.u32 $0x800, s1;
	s19 =	sadd.s32 s7, s19;
	s29 =	smov.u32 s26  }
0x10e: {  	[tilespmem:s1], [sflag:$0x2] =	stream.linear.gather [hbm4b:s20+s3], $0x280, $0x38;
	[tilespmem:$0x1DC00] =	vst v63  }
0x10f: {  	s1 =	sadd.s32 $0xFFFFFF55, s10;
	s20 =	sshrl.u32 s10, $0x9;
	s10 =	sadd.s32 $0x1, s26  }
0x110: {  	[tilespmem:s23], [sflag:$0x2] =	stream.linear.gather [hbm4b:s19+s3], $0x280, $0x38;
	[tilespmem:$0x1DC00] =	vst v63  }
0x111: {  	s1 =	sshrl.u32 s1, $0x9;
	s19 =	sand.u32 $0x7F, s20;
	_ =	swait.ge [sflag:s21], $0x280  }
0x112: {  	s1 =	sand.u32 $0x7F, s1;
	s19 =	smul.u32 $0x3, s19;
	[sflag:s21] =	ssyncset.done $0x0  }
0x113: {  	p0 =	sne.s32 s26, $0x28;
	s1 =	smul.u32 $0x3, s1;
	[sflag:s21] =	ssyncadd.s32 $0xFFFFFD80  }
0x114: {  	s20 =	sadd.s32 $0xFFFFFFFF, s29;
	s19 =	ssub.s32 s29, s19;
	_ =	swait.ge [sflag:s21], $0x280  }
0x115: {  	s1 =	ssub.s32 s20, s1;
	s23 =	smul.u32 $0x5, s19;
	[sflag:s21] =	ssyncset.done $0x0  }
0x116: {  	p1 =	slt.s32 s20, $0x24;
	s26 =	sand.u32 $0xFF, s1;
	[sflag:s21] =	ssyncadd.s32 $0xFFFFFD80  }
0x117: {  	s20 =	simm.s32 @!p1 $0x24;
	s1 =	smul.u32 $0xA00, s26;
	_ =	swait.ge [sflag:s15], $0x1900  }
0x118: {  	s19 =	sshll.u32 s20, $0x7  }
0x119: {  	s19 =	sadd.s32 $0x180, s19;
	s29 =	sshrl.u32 s1, $0x2;
	[sflag:s15] =	ssyncset.done $0x0  }
0x11a: {  	s20 =	sadd.s32 s6, s19;
	s1 =	sor.u32 $0x800, s29;
	[sflag:s15] =	ssyncadd.s32 $0xFFFFE700  }
0x11b: {  	[spmem:s2] =	stream.indirect.scatter.add.f32 [tilespmem:s25], [sflag:$0x3], $0x80, s1, s22, $0xb8;
	[tilespmem:$0x1DC00] =	vst v63  }
0x11c: {  	_ =	swait.ge [sflag:s12], $0x1900  }
0x11d: {  	s1 =	sand.u32 $0xFF, s23;
	[sflag:s12] =	ssyncset.done $0x0  }
0x11e: {  	s1 =	sshll.u32 s1, $0x7;
	[sflag:s12] =	ssyncadd.s32 $0xFFFFE700  }
0x11f: {  	[tilespmem:s25], [sflag:$0x1] =	stream.indirect.gather [hbm4b:s9+s22], $0x80, s1, s22, $0xb8;
	[tilespmem:$0x1DC00] =	vst v63  }
0x120: {  	_ =	swait.ge [sflag:s15], $0x1900  }
0x121: {  	[sflag:s15] =	ssyncset.done $0x0  }
0x122: {  	s23 =	sadd.s32 $0x880, s29;
	[sflag:s15] =	ssyncadd.s32 $0xFFFFE700  }
0x123: {  	[spmem:s2] =	stream.indirect.scatter.add.f32 [tilespmem:s28], [sflag:$0x3], $0x80, s23, s22, $0xb8;
	[tilespmem:$0x1DC00] =	vst v63  }
0x124: {  	_ =	swait.ge [sflag:s12], $0x1900  }
0x125: {  	[sflag:s12] =	ssyncset.done $0x0  }
0x126: {  	s23 =	sadd.s32 $0x80, s1;
	[sflag:s12] =	ssyncadd.s32 $0xFFFFE700  }
0x127: {  	[tilespmem:s28], [sflag:$0x1] =	stream.indirect.gather [hbm4b:s9+s22], $0x80, s23, s22, $0xb8;
	[tilespmem:$0x1DC00] =	vst v63  }
0x128: {  	_ =	swait.ge [sflag:s15], $0x1900  }
0x129: {  	[sflag:s15] =	ssyncset.done $0x0  }
0x12a: {  	s23 =	sadd.s32 $0x900, s29;
	[sflag:s15] =	ssyncadd.s32 $0xFFFFE700  }
0x12b: {  	[spmem:s2] =	stream.indirect.scatter.add.f32 [tilespmem:s30], [sflag:$0x3], $0x80, s23, s22, $0xb8;
	[tilespmem:$0x1DC00] =	vst v63  }
0x12c: {  	_ =	swait.ge [sflag:s12], $0x1900  }
0x12d: {  	[sflag:s12] =	ssyncset.done $0x0  }
0x12e: {  	s23 =	sadd.s32 $0x100, s1;
	[sflag:s12] =	ssyncadd.s32 $0xFFFFE700  }
0x12f: {  	[tilespmem:s30], [sflag:$0x1] =	stream.indirect.gather [hbm4b:s9+s22], $0x80, s23, s22, $0xb8;
	[tilespmem:$0x1DC00] =	vst v63  }
0x130: {  	_ =	swait.ge [sflag:s15], $0x1900  }
0x131: {  	[sflag:s15] =	ssyncset.done $0x0  }
0x132: {  	s23 =	sadd.s32 $0x980, s29;
	[sflag:s15] =	ssyncadd.s32 $0xFFFFE700  }
0x133: {  	[spmem:s2] =	stream.indirect.scatter.add.f32 [tilespmem:s0], [sflag:$0x3], $0x80, s23, s22, $0xb8;
	[tilespmem:$0x1DC00] =	vst v63  }
0x134: {  	_ =	swait.ge [sflag:s12], $0x1900  }
0x135: {  	[sflag:s12] =	ssyncset.done $0x0  }
0x136: {  	s23 =	sadd.s32 $0x180, s1;
	[sflag:s12] =	ssyncadd.s32 $0xFFFFE700  }
0x137: {  	[tilespmem:s0], [sflag:$0x1] =	stream.indirect.gather [hbm4b:s9+s22], $0x80, s23, s22, $0xb8;
	[tilespmem:$0x1DC00] =	vst v63  }
0x138: {  	_ =	swait.ge [sflag:s15], $0x1900  }
0x139: {  	[sflag:s15] =	ssyncset.done $0x0  }
0x13a: {  	s23 =	sadd.s32 $0xA00, s29;
	[sflag:s15] =	ssyncadd.s32 $0xFFFFE700  }
0x13b: {  	[spmem:s2] =	stream.indirect.scatter.add.f32 [tilespmem:s13], [sflag:$0x3], $0x80, s23, s22, $0xb8;
	[tilespmem:$0x1DC00] =	vst v63  }
.Ltmp1:
0x13c: {  	_ = 	snop;
	(pc) =	sbr.rel @p0 .LBB2_4-.Ltmp1, $4  }
0x13d: {  	_ =	swait.ge [sflag:s12], $0x1900  }
0x13e: {  	s23 =	sadd.s32 $0x200, s1;
	[sflag:s12] =	ssyncset.done $0x0  }
0x13f: {  	s1 =	smul.u32 $0x280, s26;
	s26 =	smov.u32 s10;
	[sflag:s12] =	ssyncadd.s32 $0xFFFFE700  }
0x140: {  	[tilespmem:s13], [sflag:$0x1] =	stream.indirect.gather [hbm4b:s9+s22], $0x80, s23, s22, $0xb8;
	[tilespmem:$0x1DC00] =	vst v63  }
0x141: {  	[tilespmem:s1], [sflag:$0x2] =	stream.linear.gather [hbm4b:s20+s3], $0x280, $0x38;
	[tilespmem:$0x1DC00] =	vst v63  }
0x142: {  	s26 =	sor.u32 $0x800, s1;
	s10 =	sadd.s32 s7, s19  }
0x143: {  	[tilespmem:s26], [sflag:$0x2] =	stream.linear.gather [hbm4b:s10+s3], $0x280, $0x38;
	[tilespmem:$0x1DC00] =	vst v63  }
0x144: {  	_ =	swait.ge [sflag:s21], $0x280  }
0x145: {  	[sflag:s21] =	ssyncset.done $0x0  }
0x146: {  	[sflag:s21] =	ssyncadd.s32 $0xFFFFFD80  }
0x147: {  	_ =	swait.ge [sflag:s21], $0x280  }
0x148: {  	[sflag:s21] =	ssyncset.done $0x0  }
0x149: {  	[sflag:s21] =	ssyncadd.s32 $0xFFFFFD80  }
0x14a: {  	_ =	swait.ge [sflag:s21], $0x280  }
0x14b: {  	[sflag:s21] =	ssyncset.done $0x0  }
0x14c: {  	[sflag:s21] =	ssyncadd.s32 $0xFFFFFD80  }
0x14d: {  	_ =	swait.ge [sflag:s21], $0x280  }
0x14e: {  	[sflag:s21] =	ssyncset.done $0x0  }
0x14f: {  	[sflag:s21] =	ssyncadd.s32 $0xFFFFFD80  }
0x150: {  	_ =	swait.ge [sflag:s15], $0x1900  }
0x151: {  	[sflag:s15] =	ssyncset.done $0x0  }
0x152: {  	[sflag:s15] =	ssyncadd.s32 $0xFFFFE700  }
0x153: {  	_ =	swait.ge [sflag:s15], $0x1900  }
0x154: {  	[sflag:s15] =	ssyncset.done $0x0  }
0x155: {  	[sflag:s15] =	ssyncadd.s32 $0xFFFFE700  }
0x156: {  	_ =	swait.ge [sflag:s15], $0x1900  }
0x157: {  	[sflag:s15] =	ssyncset.done $0x0  }
0x158: {  	[sflag:s15] =	ssyncadd.s32 $0xFFFFE700  }
0x159: {  	_ =	swait.ge [sflag:s15], $0x1900  }
0x15a: {  	[sflag:s15] =	ssyncset.done $0x0  }
0x15b: {  	[sflag:s15] =	ssyncadd.s32 $0xFFFFE700  }
0x15c: {  	_ =	swait.ge [sflag:s15], $0x1900  }
0x15d: {  	[sflag:s15] =	ssyncset.done $0x0  }
0x15e: {  	[sflag:s15] =	ssyncadd.s32 $0xFFFFE700  }
0x15f: {  	[bflag:$0x0] =	sbarrier.arrive $0xFFFF  }
0x160: {  	[hbm:s24], [sflag:s5] =	dma.local [spmem:s11], $0x2800  }
0x161: {  	_ =	swait.ge [sflag:s12], $0x2800  }
0x162: {  	s17 =	sadd.s32 $0x1, s17;
	s29 =	rddreg [dreg:$0x3]  }
0x163: {  	p0 =	sne.s32 s17, s29  }
.Ltmp2:
0x164: {  	_ = 	snop;
	(pc) =	sbr.rel @p0 .LBB2_1-.Ltmp2, $3  }
0x165: {  	_ =	sdelay $0x1  }
0x166: {  	[sflag:s12] =	ssyncset.done $0x0  }
0x167: {  	[sflag:s12] =	ssyncadd.s32 $0xFFFFD800  }
0x168: {  	_ =	sfence.sel $0x180000  }
0x169: {  	[bflag:$0x0] =	sbarrier.arrive $0xFFFF  }
0x16a: {  	_ =	strace $0x9000004D  }
0x16b: {  	s0 =	stileid.u32;
	[bflag:$0x2] =	sbarrier.arrive $0xFFFF  }
0x16c: {  	p0 =	sne.s32 s0, $0x0;
	s0 =	rddreg [dreg:$0x2]  }
0x16d: {  	s0 =	sadd.s32 @!p0 $0x100000, s0  }
0x16e: {  	[sflag:s0] =	ssyncadd.tile.s32 @!p0 $0x1;
	_ =	shalt  }
.Lfunc_end2:
_tile_overlayer_lowered:
.L_overlay_start_2:
0x16f: {  	(tag) =	ssettag $0x2  }
0x170: {  	s0 =	rddreg [dreg:$0x0];
	s2 =	stileid.u32  }
0x171: {  	s1 =	rddreg [dreg:$0x1];
	p0 =	sne.s32 s2, $0x0  }
0x172: {  	s3 =	rddreg [dreg:$0x2];
	[bflag:$0x3] =	sbarrier.arrive $0xFFFF;
	s2 =	simm.s32 @!p0 $0x1C03  }
0x173: {  	[timem:s3], [sflag:s2] =	dma.local @!p0 [hbm:s0], s1  }
0x174: {  	s0 =	simm.s32 @!p0 $0x3  }
0x175: {  	_ =	swait.ge @!p0 [sflag:s0], s1  }
0x176: {  	s1 =	ssub.s32 @!p0 $0x0, s1;
	[sflag:s0] =	ssyncset.done @!p0 $0x0  }
0x177: {  	[sflag:s0] =	ssyncadd.s32 @!p0 s1  }
0x178: {  	[bflag:$0x3] =	sbarrier.arrive $0xFFFF  }
0x179: {  	_ =	shalt  }

// kernel: kernel.8.cloned.1.call-start
scs
__scs_entry_jumppad:
0x0: {  	(pc) =	sbr.rel $0x88, $3  }
0x1: {  	(tag) =	ssettag $0x0;
	lr =	simm.s32 $0x1  }
0x2: {  	[smem:$0x3F9B] =	sst lr;
	_ =	strace $0xD0000000  }
0x3: {  	_ = 	snop  }
0x4: {  	_ = 	snop  }
0x5: {  	_ = 	snop  }
0x6: {  	_ = 	snop  }
0x7: {  	_ = 	snop  }
__scs_overlays_trampoline_lowered:
0x8: {  	[smem:$0x3FAA] =	sst s0  }
0x9: {  	[smem:$0x3FAB] =	sst s1  }
0xa: {  	[smem:$0x3FAC] =	sst s2  }
0xb: {  	[smem:$0x3FAD] =	sst s3  }
0xc: {  	[smem:$0x3FAE] =	sst s4  }
0xd: {  	[smem:$0x3FAF] =	sst s5  }
0xe: {  	[smem:$0x3FB0] =	sst s6  }
0xf: {  	[smem:$0x3FB1] =	sst s7  }
0x10: {  	[smem:$0x3FB2] =	sst s8  }
0x11: {  	[smem:$0x3FB3] =	sst s9;
	s0 =	simm.s32 @!p0 $0x0  }
0x12: {  	s1 =	sld [smem:$0x3F99];
	s0 =	simm.s32 @p0 $0x1  }
0x13: {  	[smem:$0x3FB4] =	sst s0;
	s0 =	simm.s32 @!p1 $0x0  }
0x14: {  	s2 =	sld [smem:$0x3F98];
	s0 =	simm.s32 @p1 $0x1  }
0x15: {  	[smem:$0x3FB5] =	sst s0;
	s0 =	simm.s32 @!p2 $0x0  }
0x16: {  	s3 =	sld [smem:$0x3FDB];
	s0 =	simm.s32 @p2 $0x1  }
0x17: {  	s4 =	simm.s32 $0x1BF5;
	[smem:$0x3FB7] =	sst s0  }
0x18: {  	s0 =	sld [smem:$0x3F9A];
	_ =	swait.ge [sflag:s4], $0x0  }
0x19: {  	s7 =	sld [smem:$0x3F9B]  }
0x1a: {  	s8 =	sadd.s32 $0xFFFFE003, lr  }
0x1b: {  	s9 =	sadd.s32 $0xFFFFFEF7, lr;
	s5 =	simm.s32 $0xFFFFFFFF;
	p2 =	slt.u32 s8, $0xFFFFF086  }
0x1c: {  	p1 =	slt.u32 s9, $0xF7A;
	s5 =	simm.s32 @!p2 $0x0  }
0x1d: {  	s5 =	simm.s32 @p1 $0x1;
	p0 =	seq.s32 s7, s2  }
0x1e: {  	s7 =	smul.u32 @!p0 $0xF7A, s2;
	p2 =	seq.s32 @!p0 s5, $0x0  }
0x1f: {  	s9 =	smul.u32 $0xF7A, s1;
	s8 =	simm.s32 @!p0 $0x1BF5;
	p2 =	por !p2, p0  }
0x20: {  	[sflag:s8] =	ssyncset.s32 @!p0 $0xFFFFF086;
	s6 =	sadd.s32 @!p0 s3, s7;
	s7 =	simm.s32 @!p0 $0x108  }
0x21: {  	s3 =	sadd.s32 s3, s9;
	s6 =	sadd.s32 @!p0 $0x88, s6;
	s7 =	simm.s32 @p2 $0x1082  }
0x22: {  	[simem:s7], [sflag:s8] =	dma.local @!p0 [hbm:s6], $0xF7A  }
0x23: {  	s9 =	sor.u32 $0xD0000000, s2;
	s6 =	simm.s32 $0x108;
	_ =	swait.ge @!p0 [sflag:s8], $0x0  }
0x24: {  	s3 =	sadd.s32 $0x88, s3;
	s6 =	simm.s32 @!p1 $0x1082;
	[sflag:s4] =	ssyncset.s32 $0xFFFFF086  }
0x25: {  	[simem:s6], [sflag:s4] =	dma.local [hbm:s3], $0xF7A  }
0x26: {  	[smem:$0x3F9B] =	sst s1;
	(tag) =	ssettag s2;
	_ =	strace s9  }
0x27: {  	s1 =	sld [smem:$0x3FAB]  }
0x28: {  	s2 =	sld [smem:$0x3FAC]  }
0x29: {  	s4 =	sld [smem:$0x3FAE]  }
0x2a: {  	p0 =	seq.s32 s5, $0x0;
	s5 =	sld [smem:$0x3FAF]  }
0x2b: {  	s6 =	sld [smem:$0x3FB0]  }
0x2c: {  	s7 =	sld [smem:$0x3FB1]  }
0x2d: {  	s3 =	simm.s32 $0x108;
	s8 =	sld [smem:$0x3FB2]  }
0x2e: {  	s3 =	simm.s32 @!p0 $0x1082;
	s9 =	sld [smem:$0x3FB3]  }
0x2f: {  	lr =	sadd.s32 s0, s3;
	s0 =	sld [smem:$0x3FAA]  }
0x30: {  	s3 =	sld [smem:$0x3FAD]  }
0x31: {  	[smem:$0x3FB6] =	sst s10  }
0x32: {  	s10 =	sld [smem:$0x3FB4];
	_ =	sdelay $0x3  }
0x33: {  	p0 =	seq.s32 s10, $0x1;
	s10 =	sld [smem:$0x3FB6];
	_ =	sdelay $0x3  }
0x34: {  	[smem:$0x3FB6] =	sst s10  }
0x35: {  	s10 =	sld [smem:$0x3FB5];
	_ =	sdelay $0x3  }
0x36: {  	p1 =	seq.s32 s10, $0x1;
	s10 =	sld [smem:$0x3FB6];
	_ =	sdelay $0x3  }
0x37: {  	[smem:$0x3FB6] =	sst s10  }
0x38: {  	s10 =	sld [smem:$0x3FB7]  }
0x39: {  	_ = 	snop;
	(pc) =	sbr.ind lr, $3  }
0x3a: {  	_ = 	snop  }
0x3b: {  	_ = 	snop  }
0x3c: {  	p2 =	seq.s32 s10, $0x1;
	s10 =	sld [smem:$0x3FB6]  }
0x3d: {  	_ =	shalt  }
0x3e: {  	_ =	shalt  }
0x3f: {  	_ =	shalt  }
0x40: {  	_ =	shalt  }
0x41: {  	_ =	shalt  }
0x42: {  	_ =	shalt  }
0x43: {  	_ =	shalt  }
0x44: {  	_ =	shalt  }
0x45: {  	_ =	shalt  }
0x46: {  	_ =	shalt  }
0x47: {  	_ =	shalt  }
0x48: {  	_ =	shalt  }
0x49: {  	_ =	shalt  }
0x4a: {  	_ =	shalt  }
0x4b: {  	_ =	shalt  }
0x4c: {  	_ =	shalt  }
0x4d: {  	_ =	shalt  }
0x4e: {  	_ =	shalt  }
0x4f: {  	_ =	shalt  }
0x50: {  	_ =	shalt  }
0x51: {  	_ =	shalt  }
0x52: {  	_ =	shalt  }
0x53: {  	_ =	shalt  }
0x54: {  	_ =	shalt  }
0x55: {  	_ =	shalt  }
0x56: {  	_ =	shalt  }
0x57: {  	_ =	shalt  }
0x58: {  	_ =	shalt  }
0x59: {  	_ =	shalt  }
0x5a: {  	_ =	shalt  }
0x5b: {  	_ =	shalt  }
0x5c: {  	_ =	shalt  }
0x5d: {  	_ =	shalt  }
0x5e: {  	_ =	shalt  }
0x5f: {  	_ =	shalt  }
0x60: {  	_ =	shalt  }
0x61: {  	_ =	shalt  }
0x62: {  	_ =	shalt  }
0x63: {  	_ =	shalt  }
0x64: {  	_ =	shalt  }
0x65: {  	_ =	shalt  }
0x66: {  	_ =	shalt  }
0x67: {  	_ =	shalt  }
0x68: {  	_ =	shalt  }
0x69: {  	_ =	shalt  }
0x6a: {  	_ =	shalt  }
0x6b: {  	_ =	shalt  }
0x6c: {  	_ =	shalt  }
0x6d: {  	_ =	shalt  }
0x6e: {  	_ =	shalt  }
0x6f: {  	_ =	shalt  }
0x70: {  	_ =	shalt  }
0x71: {  	_ =	shalt  }
0x72: {  	_ =	shalt  }
0x73: {  	_ =	shalt  }
0x74: {  	_ =	shalt  }
0x75: {  	_ =	shalt  }
0x76: {  	_ =	shalt  }
0x77: {  	_ =	shalt  }
0x78: {  	_ =	shalt  }
0x79: {  	_ =	shalt  }
0x7a: {  	_ =	shalt  }
0x7b: {  	_ =	shalt  }
0x7c: {  	_ =	shalt  }
0x7d: {  	_ =	shalt  }
0x7e: {  	_ =	shalt  }
0x7f: {  	_ =	shalt  }
0x80: {  	_ =	shalt  }
0x81: {  	_ =	shalt  }
0x82: {  	_ =	shalt  }
0x83: {  	_ =	shalt  }
0x84: {  	_ =	shalt  }
0x85: {  	_ =	shalt  }
0x86: {  	_ =	shalt  }
0x87: {  	_ =	shalt  }
.Lfunc_end0:
.L_simem_size_0:
called_computation_lowered:
.L_overlay_start_0:
0x88: {  	s2 =	sld [smem:$0x3FD9]  }
0x89: {  	s3 =	sld [smem:$0x3FFE];
	_ =	sdelay $0x1  }
0x8a: {  	s1 =	srdreg.scid  }
0x8b: {  	s0 =	sand.u32 $0x1, s1  }
0x8c: {  	s16 =	sshll.u32 s0, $0xA;
	s2 =	sadd.s32 s3, s2  }
0x8d: {  	s2 =	sadd.s32 s2, s16  }
0x8e: {  	[smem:$0x3FC2] =	sst s2  }
0x8f: {  	_ = 	snop  }
0x90: {  	(tm) =	ssettm $0x1  }
0x91: {  	s17 =	sld [smem:$0x3FFB];
	_ =	sdelay $0x3  }
0x92: {  	_ =	strace s17  }
0x93: {  	s2 =	sld [smem:$0x3FFC];
	_ =	sdelay $0x3  }
0x94: {  	_ =	strace s2  }
0x95: {  	s2 =	sld [smem:$0x3FFD];
	_ =	sdelay $0x3  }
0x96: {  	_ =	strace s2  }
0x97: {  	_ =	strace $0x8FFFFFFF  }
0x98: {  	s18 =	sld [smem:$0x3FDB];
	_ =	sdelay $0x1  }
0x99: {  	s19 =	simm.s32 $_scs_section_size  }
0x9a: {  	s4 =	simm.s32 $_size__tile_overlayer_lowered;
	s5 =	simm.s32 $_tile_overlayer_lowered  }
0x9b: {  	s22 =	simm.s32 $0x1BFF;
	s21 =	sshll.u32 s5, $0x1;
	s2 =	sadd.s32 s19, s18  }
0x9c: {  	s6 =	simm.s32 $0x0;
	s20 =	sshll.u32 s4, $0x1;
	s4 =	sadd.s32 s21, s2  }
0x9d: {  	[timem:s6], [sflag:s22] =	dma.local [hbm:s4], s20  }
0x9e: {  	_ =	swait.ge [sflag:s22], s20  }
0x9f: {  	s3 =	ssub.s32 $0x0, s20;
	[sflag:s22] =	ssyncset.done $0x0  }
0xa0: {  	[sflag:s22] =	ssyncadd.s32 s3;
	_ =	sdelay $0x1  }
0xa1: {  	s23 =	simm.s32 $0x1B8B  }
0xa2: {  	_ =	swait.ge [sflag:s23], $0x1  }
0xa3: {  	[sflag:s23] =	ssyncset.done $0x0  }
0xa4: {  	s25 =	simm.s32 $0x1B8E;
	s24 =	sld [smem:$0x3FFE];
	[sflag:s23] =	ssyncadd.s32 $0xFFFFFFFF  }
0xa5: {  	s26 =	simm.s32 $execute0_lowered;
	[smem:$0x3FD2] =	sst s25  }
0xa6: {  	s4 =	sshll.u32 s26, $0x1;
	_ =	strace $0x80000046;
	[dreg:$0x1] =	wrdreg $0xFFFFFFFF  }
0xa7: {  	s28 =	simm.s32 $_size_execute0_lowered;
	s2 =	sadd.s32 s2, s4;
	[dreg:$0x0] =	wrdreg $0x0  }
0xa8: {  	s4 =	sshll.u32 s28, $0x1;
	[dreg:$0x2] =	wrdreg s2  }
0xa9: {  	[dreg:$0x3] =	wrdreg s4  }
0xaa: {  	[dreg:$0x4] =	wrdreg $0xC0  }
0xab: {  	_ =	task [dreg:s6], $0x5FFFF  }
0xac: {  	[dreg:$0x1] =	wrdreg $0xFFFFFFFF  }
0xad: {  	[dreg:$0x0] =	wrdreg $0x60  }
0xae: {  	[dreg:$0x2] =	wrdreg s24  }
0xaf: {  	[dreg:$0x3] =	wrdreg $0x54000  }
0xb0: {  	[dreg:$0x4] =	wrdreg $0x9  }
0xb1: {  	_ =	task.clear_ibuf [dreg:s6], $0x5FFFF;
	_ =	strace $0x90000046  }
0xb2: {  	s29 =	simm.s32 $0x9;
	_ =	strace $0x80000048  }
0xb3: {  	_ =	swait.ge [sflag:s29], $0x1  }
0xb4: {  	[sflag:s29] =	ssyncadd.s32 $0xFFFFFFFF  }
0xb5: {  	_ =	strace $0x90000048  }
0xb6: {  	_ =	sfence  }
0xb7: {  	s30 =	sld [smem:$0x0];
	_ =	sdelay $0x2  }
0xb8: {  	s31 =	sshll.u32 s1, $0xD;
	s1 =	sshrl.u32 s1, $0x2  }
0xb9: {  	s3 =	sand.u32 $0x4000, s31;
	s1 =	sadd.s32 s1, s30  }
0xba: {  	s0 =	sor.u32 s3, s0;
	s1 =	sshll.u32 s1, $0x11  }
0xbb: {  	s0 =	sor.u32 s1, s0  }
0xbc: {  	s0 =	sadd.s32 $0x8F2B, s0  }
0xbd: {  	[sflag:s0] =	ssyncadd.remote.s32 $0x1  }
0xbe: {  	_ =	sfence.sel $0xFFFF  }
0xbf: {  	[dreg:$0x0] =	wrdreg $0xFFFFFFFF;
	(pc) =	sbr.abs _section_cstart, $3  }
0xc0: {  	[dreg:$0x1] =	wrdreg $0xFFFFFFFF  }
0xc1: {  	_ =	task.clear_ibuf [dreg:s6], $0x2FFFF;
	_ =	strace $0x9FFFFFFF  }
0xc2: {  	(tm) =	ssettm $0x7FFFFFFF  }
0xc3: {  	_ =	shalt  }
tec
execute0_lowered:
.L_overlay_start_1:
0x0: {  	(tag) =	ssettag $0x1  }
0x1: {  	s5 =	rddreg [dreg:$0x0]  }
0x2: {  	s1 =	rddreg [dreg:$0x1]  }
0x3: {  	s0 =	rddreg [dreg:$0x2]  }
0x4: {  	s2 =	srdreg.scid;
	s3 =	simm.s32 $0x0;
	s12 =	simm.s32 $0x28  }
0x5: {  	s6 =	sand.u32 $0x1, s2;
	s2 =	stileid.u32;
	[smem:$0x7FF] =	sst s3  }
0x6: {  	s4 =	sshll.u32 s6, $0xF;
	s13 =	smul.u32 $0x2800, s2;
	_ =	strace $0x80000047  }
0x7: {  	s9 =	smul.u32 $0x28000, s6;
	s6 =	ssub.s32 $0x2, s6;
	s10 =	sshll.u32 s2, $0xB  }
0x8: {  	s11 =	smul.u32 $0x50000, s2;
	s31 =	sshll.u32 s2, $0x6;
	s7 =	sadd.s32 s4, s5  }
0x9: {  	s4 =	sadd.s32 $0x12800, s5;
	s28 =	sshrl.u32 s6, $0x1;
	s8 =	sadd.s32 s13, s5  }
0xa: {  	s9 =	sadd.s32 s9, s5;
	s7 =	sadd.s32 s10, s7;
	s29 =	ssub.s32 s6, s28  }
0xb: {  	s30 =	sshrl.u32 s11, $0x2;
	s10 =	sor.u32 $0x1C01, s31;
	s5 =	sadd.s32 $0x2800, s7  }
0xc: {  	s11 =	sadd.s32 s30, s1;
	s6 =	sadd.s32 $0x12C00, s8;
	s14 =	sadd.s32 $0x3AC00, s9  }
0xd: {  	s7 =	smax.u32 s29, $0x1;
	s8 =	simm.s32 $0x1;
	s9 =	simm.s32 $0x4000  }
0xe: {  	s11 =	sshrl.u32 s11, $0x3;
	s13 =	sadd.s32 s13, s14;
	s14 =	simm.s32 $0x0  }
.LBB2_1:
0xf: {  	[tilespmem:s3], [sflag:$0x1] =	stream.linear.gather [hbm4b:s5+s3], $0x3E80, $0x38;
	[tilespmem:$0x19400] =	vst v63  }
0x10: {  	_ =	swait.ge [sflag:s8], $0x3E80  }
0x11: {  	[sflag:s8] =	ssyncset.done $0x0  }
0x12: {  	[sflag:s8] =	ssyncadd.s32 $0xFFFFC180  }
0x13: {  	[tilespmem:s9], [sflag:$0x1] =	stream.linear.gather [hbm4b:s4+s3], $0x1400, $0x38;
	[tilespmem:$0x19400] =	vst v63  }
0x14: {  	_ =	swait.ge [sflag:s8], $0x1400  }
0x15: {  	[sflag:s8] =	ssyncset.done $0x0  }
0x16: {  	[sflag:s8] =	ssyncadd.s32 $0xFFFFEC00  }
0x17: {  	[spmem:s11], [sflag:s10] =	dma.local [hbm:s6], $0x2800  }
0x18: {  	_ =	swait.ge [sflag:s8], $0x2800  }
0x19: {  	[sflag:s8] =	ssyncset.done $0x0  }
0x1a: {  	[sflag:s8] =	ssyncadd.s32 $0xFFFFD800  }
0x1b: {  	s15 =	simm.s32 $0x0;
	[bflag:$0x0] =	sbarrier.arrive $0xFFFF  }
0x1c: {  	[spmem:s1] =	stream.indirect.scatter.add.f32 [tilespmem:s9], [sflag:$0x1], $0x80, s15, s12, $0xb8;
	[tilespmem:$0x19400] =	vst v63  }
0x1d: {  	_ =	swait.ge [sflag:s8], $0x1400  }
0x1e: {  	[sflag:s8] =	ssyncset.done $0x0  }
0x1f: {  	s28 =	simm.s32 $0x80;
	[sflag:s8] =	ssyncadd.s32 $0xFFFFEC00  }
0x20: {  	[spmem:s1] =	stream.indirect.scatter.add.f32 [tilespmem:s9], [sflag:$0x1], $0x80, s28, s12, $0xb8;
	[tilespmem:$0x19400] =	vst v63  }
0x21: {  	_ =	swait.ge [sflag:s8], $0x1400  }
0x22: {  	[sflag:s8] =	ssyncset.done $0x0  }
0x23: {  	s29 =	simm.s32 $0x100;
	[sflag:s8] =	ssyncadd.s32 $0xFFFFEC00  }
0x24: {  	[spmem:s1] =	stream.indirect.scatter.add.f32 [tilespmem:s9], [sflag:$0x1], $0x80, s29, s12, $0xb8;
	[tilespmem:$0x19400] =	vst v63  }
0x25: {  	_ =	swait.ge [sflag:s8], $0x1400  }
0x26: {  	[sflag:s8] =	ssyncset.done $0x0  }
0x27: {  	s30 =	simm.s32 $0x180;
	[sflag:s8] =	ssyncadd.s32 $0xFFFFEC00  }
0x28: {  	[spmem:s1] =	stream.indirect.scatter.add.f32 [tilespmem:s9], [sflag:$0x1], $0x80, s30, s12, $0xb8;
	[tilespmem:$0x19400] =	vst v63  }
0x29: {  	_ =	swait.ge [sflag:s8], $0x1400  }
0x2a: {  	[sflag:s8] =	ssyncset.done $0x0  }
0x2b: {  	s31 =	simm.s32 $0x200;
	[sflag:s8] =	ssyncadd.s32 $0xFFFFEC00  }
0x2c: {  	[spmem:s1] =	stream.indirect.scatter.add.f32 [tilespmem:s9], [sflag:$0x1], $0x80, s31, s12, $0xb8;
	[tilespmem:$0x19400] =	vst v63  }
0x2d: {  	_ =	swait.ge [sflag:s8], $0x1400  }
0x2e: {  	s16 =	simm.s32 $0x1400;
	s15 =	simm.s32 $0xA00;
	[sflag:s8] =	ssyncset.done $0x0  }
.LBB2_2:
0x2f: {  	s17 =	sshra.s32 s15, $0x2  }
0x30: {  	[sflag:s8] =	ssyncadd.s32 $0xFFFFEC00;
	s15 =	smov.u32 s16;
	s18 =	sadd.s32 $0xA00, s16  }
0x31: {  	[spmem:s1] =	stream.indirect.scatter.add.f32 [tilespmem:s9], [sflag:$0x1], $0x80, s17, s12, $0xb8;
	[tilespmem:$0x19400] =	vst v63  }
0x32: {  	p0 =	sne.s32 s16, $0xF000;
	_ =	swait.ge [sflag:s8], $0x1400  }
0x33: {  	[sflag:s8] =	ssyncset.done $0x0  }
0x34: {  	s16 =	sadd.s32 $0x80, s17;
	[sflag:s8] =	ssyncadd.s32 $0xFFFFEC00  }
0x35: {  	[spmem:s1] =	stream.indirect.scatter.add.f32 [tilespmem:s9], [sflag:$0x1], $0x80, s16, s12, $0xb8;
	[tilespmem:$0x19400] =	vst v63  }
0x36: {  	_ =	swait.ge [sflag:s8], $0x1400  }
0x37: {  	[sflag:s8] =	ssyncset.done $0x0  }
0x38: {  	s16 =	sadd.s32 $0x100, s17;
	[sflag:s8] =	ssyncadd.s32 $0xFFFFEC00  }
0x39: {  	[spmem:s1] =	stream.indirect.scatter.add.f32 [tilespmem:s9], [sflag:$0x1], $0x80, s16, s12, $0xb8;
	[tilespmem:$0x19400] =	vst v63  }
0x3a: {  	_ =	swait.ge [sflag:s8], $0x1400  }
0x3b: {  	[sflag:s8] =	ssyncset.done $0x0  }
0x3c: {  	s16 =	sadd.s32 $0x180, s17;
	[sflag:s8] =	ssyncadd.s32 $0xFFFFEC00  }
0x3d: {  	[spmem:s1] =	stream.indirect.scatter.add.f32 [tilespmem:s9], [sflag:$0x1], $0x80, s16, s12, $0xb8;
	[tilespmem:$0x19400] =	vst v63  }
0x3e: {  	_ =	swait.ge [sflag:s8], $0x1400  }
.Ltmp0:
0x3f: {  	[sflag:s8] =	ssyncset.done $0x0;
	(pc) =	sbr.rel @p0 .LBB2_2-.Ltmp0, $4  }
0x40: {  	s16 =	sadd.s32 $0x200, s17;
	[sflag:s8] =	ssyncadd.s32 $0xFFFFEC00  }
0x41: {  	[spmem:s1] =	stream.indirect.scatter.add.f32 [tilespmem:s9], [sflag:$0x1], $0x80, s16, s12, $0xb8;
	[tilespmem:$0x19400] =	vst v63  }
0x42: {  	_ =	swait.ge [sflag:s8], $0x1400  }
0x43: {  	s16 =	smov.u32 s18;
	[sflag:s8] =	ssyncset.done $0x0  }
0x44: {  	s15 =	sshra.s32 s15, $0x2;
	[sflag:s8] =	ssyncadd.s32 $0xFFFFEC00  }
0x45: {  	[spmem:s1] =	stream.indirect.scatter.add.f32 [tilespmem:s9], [sflag:$0x1], $0x80, s15, s12, $0xb8;
	[tilespmem:$0x19400] =	vst v63  }
0x46: {  	_ =	swait.ge [sflag:s8], $0x1400  }
0x47: {  	[sflag:s8] =	ssyncset.done $0x0  }
0x48: {  	s16 =	sadd.s32 $0x80, s15;
	[sflag:s8] =	ssyncadd.s32 $0xFFFFEC00  }
0x49: {  	[spmem:s1] =	stream.indirect.scatter.add.f32 [tilespmem:s9], [sflag:$0x1], $0x80, s16, s12, $0xb8;
	[tilespmem:$0x19400] =	vst v63  }
0x4a: {  	_ =	swait.ge [sflag:s8], $0x1400  }
0x4b: {  	[sflag:s8] =	ssyncset.done $0x0  }
0x4c: {  	s30 =	sadd.s32 $0x100, s15;
	[sflag:s8] =	ssyncadd.s32 $0xFFFFEC00  }
0x4d: {  	[spmem:s1] =	stream.indirect.scatter.add.f32 [tilespmem:s9], [sflag:$0x1], $0x80, s30, s12, $0xb8;
	[tilespmem:$0x19400] =	vst v63  }
0x4e: {  	_ =	swait.ge [sflag:s8], $0x1400  }
0x4f: {  	[sflag:s8] =	ssyncset.done $0x0  }
0x50: {  	s31 =	sadd.s32 $0x180, s15;
	[sflag:s8] =	ssyncadd.s32 $0xFFFFEC00  }
0x51: {  	[spmem:s1] =	stream.indirect.scatter.add.f32 [tilespmem:s9], [sflag:$0x1], $0x80, s31, s12, $0xb8;
	[tilespmem:$0x19400] =	vst v63  }
0x52: {  	_ =	swait.ge [sflag:s8], $0x1400  }
0x53: {  	[sflag:s8] =	ssyncset.done $0x0  }
0x54: {  	s15 =	sadd.s32 $0x200, s15;
	[sflag:s8] =	ssyncadd.s32 $0xFFFFEC00  }
0x55: {  	[spmem:s1] =	stream.indirect.scatter.add.f32 [tilespmem:s9], [sflag:$0x1], $0x80, s15, s12, $0xb8;
	[tilespmem:$0x19400] =	vst v63  }
0x56: {  	_ =	swait.ge [sflag:s8], $0x1400  }
0x57: {  	s14 =	sadd.s32 $0x1, s14;
	[sflag:s8] =	ssyncset.done $0x0  }
0x58: {  	p0 =	sne.s32 s14, s7;
	[sflag:s8] =	ssyncadd.s32 $0xFFFFEC00  }
.Ltmp1:
0x59: {  	[bflag:$0x0] =	sbarrier.arrive $0xFFFF;
	(pc) =	sbr.rel @p0 .LBB2_1-.Ltmp1, $4  }
0x5a: {  	[hbm:s13], [sflag:s10] =	dma.local [spmem:s11], $0x2800  }
0x5b: {  	_ =	swait.ge [sflag:s8], $0x2800  }
0x5c: {  	[sflag:s8] =	ssyncset.done $0x0  }
0x5d: {  	[sflag:s8] =	ssyncadd.s32 $0xFFFFD800  }
0x5e: {  	_ =	sfence.sel $0x180000  }
0x5f: {  	[bflag:$0x0] =	sbarrier.arrive $0xFFFF  }
0x60: {  	p0 =	sne.s32 s2, $0x0;
	_ =	strace $0x90000047  }
0x61: {  	s0 =	sadd.s32 @!p0 $0x100000, s0;
	[bflag:$0x2] =	sbarrier.arrive $0xFFFF  }
0x62: {  	[sflag:s0] =	ssyncadd.tile.s32 @!p0 $0x1;
	_ =	shalt  }
.Lfunc_end2:
_tile_overlayer_lowered:
.L_overlay_start_2:
0x63: {  	(tag) =	ssettag $0x2  }
0x64: {  	s0 =	rddreg [dreg:$0x0];
	s2 =	stileid.u32  }
0x65: {  	s1 =	rddreg [dreg:$0x1];
	p0 =	sne.s32 s2, $0x0  }
0x66: {  	s3 =	rddreg [dreg:$0x2];
	[bflag:$0x3] =	sbarrier.arrive $0xFFFF;
	s2 =	simm.s32 @!p0 $0x1C01  }
0x67: {  	[timem:s3], [sflag:s2] =	dma.local @!p0 [hbm:s0], s1  }
0x68: {  	s0 =	simm.s32 @!p0 $0x1  }
0x69: {  	_ =	swait.ge @!p0 [sflag:s0], s1  }
0x6a: {  	s1 =	ssub.s32 @!p0 $0x0, s1;
	[sflag:s0] =	ssyncset.done @!p0 $0x0  }
0x6b: {  	[sflag:s0] =	ssyncadd.s32 @!p0 s1  }
0x6c: {  	[bflag:$0x3] =	sbarrier.arrive $0xFFFF  }
0x6d: {  	_ =	shalt  }

</sc_bundles>
